<compile_context>
chip_gen: v7x
topology: tpu7x:2x2x1
jax: 0.10.2.dev20260603
libtpu: 0.0.44.dev20260713+nightly
codegen_flags: <defaults>
</compile_context>

<pallas_src>
import functools

import jax
import jax.numpy as jnp
from jax import lax
from jax.experimental import pallas as pl
from jax.experimental.pallas import tpu as pltpu
from jax.experimental.pallas import tpu_sc as plsc

N, C, D, GH, GW = 4, 12, 8, 16, 16
H = W = 512
NWORK = 32
ROWS_PER_W = (N * H) // NWORK
CHUNK = 4
WPC = 7
NW = C // 2
ZS = WPC
YS = D * WPC
RT = GH * YS
TBL = GW * RT
NGRP = W // 16
_ILV = plsc.PackFormat.INTERLEAVED


def _sc_body(t2_hbm, guide_hbm, y0o_hbm, y1o_hbm, wy_hbm, omy_hbm, out_hbm,
             t2_v, rt_v, gd_v, out_v, y0o_v, y1o_v, wy_v, omy_v,
             osem0, osem1, gsem0, gsem1):
    wid = lax.axis_index("c") * 16 + lax.axis_index("s")
    n = wid // 8
    iblk = (wid % 8) * ROWS_PER_W

    pltpu.sync_copy(t2_hbm.at[n], t2_v)
    pltpu.sync_copy(y0o_hbm, y0o_v)
    pltpu.sync_copy(y1o_hbm, y1o_v)
    pltpu.sync_copy(wy_hbm, wy_v)
    pltpu.sync_copy(omy_hbm, omy_v)

    pltpu.make_async_copy(
        guide_hbm.at[n, pl.ds(iblk, CHUNK), :], gd_v.at[0], gsem0).start()
    pltpu.make_async_copy(
        guide_hbm.at[n, pl.ds(iblk + CHUNK, CHUNK), :], gd_v.at[1],
        gsem1).start()

    def chunk_pair_body(cp, carry):
      for b, osem, gsem in ((0, osem0, gsem0), (1, osem1, gsem1)):
        ch = cp * 2 + b
        i0 = iblk + ch * CHUNK
        pltpu.make_async_copy(
            guide_hbm.at[n, pl.ds(i0, CHUNK), :], gd_v.at[b], gsem).wait()

        @pl.when(ch >= 2)
        def _():
            pltpu.make_async_copy(
                out_v.at[b], out_hbm.at[n, :, pl.ds(i0, CHUNK), :], osem
            ).wait()

        def rt_row(r, carry):
            i = i0 + r
            i15 = i * (GW - 1)
            x0i = i15 // (H - 1)
            wx = i15.astype(jnp.float32) * (1.0 / (H - 1)) - x0i.astype(jnp.float32)
            x1i = jnp.minimum(x0i + 1, GW - 1)
            x0 = x0i * RT
            x1 = x1i * RT
            rbase = r * RT

            wxp = plsc.pack(jnp.full((16,), wx, jnp.float32),
                            jnp.full((16,), wx, jnp.float32), format=_ILV)

            def rt_body(k, carry):
                offs = [k * 128 + q * 16 for q in range(8)]
                v0s = [plsc.bitcast(t2_v[pl.ds(x0 + o, 16)], jnp.bfloat16)
                       for o in offs]
                v1s = [plsc.bitcast(t2_v[pl.ds(x1 + o, 16)], jnp.bfloat16)
                       for o in offs]
                for o, a, bb in zip(offs, v0s, v1s):
                    rt_v[pl.ds(rbase + o, 16)] = plsc.bitcast(
                        a + wxp * (bb - a), jnp.int32)
                return carry

            lax.fori_loop(0, RT // 128, rt_body, 0)
            return carry

        lax.fori_loop(0, CHUNK, rt_row, 0)

        def grp_body(gj, carry):
            j0 = gj * 16
            y0o = y0o_v[pl.ds(j0, 16)]
            y1o = y1o_v[pl.ds(j0, 16)]
            wy = wy_v[pl.ds(j0, 16)]
            omy = omy_v[pl.ds(j0, 16)]
            for r in range(CHUNK):
                g = gd_v[b, r, pl.ds(j0, 16)]
                iz = jnp.clip((g + 1.0) * (0.5 * (D - 1)), 0.0, float(D - 1))
                z0 = iz.astype(jnp.int32)
                wz = iz - z0.astype(jnp.float32)
                z1 = jnp.minimum(z0 + 1, D - 1)
                z0o = z0 * ZS
                z1o = z1 * ZS
                b00 = z0o + y0o
                b01 = z0o + y1o
                b10 = z1o + y0o
                b11 = z1o + y1o
                omz = 1.0 - wz
                pw00 = plsc.pack(omz * omy, omz * omy, format=_ILV)
                pw01 = plsc.pack(omz * wy, omz * wy, format=_ILV)
                pw10 = plsc.pack(wz * omy, wz * omy, format=_ILV)
                pw11 = plsc.pack(wz * wy, wz * wy, format=_ILV)
                gs = [[plsc.bitcast(
                           plsc.load_gather(rt_v, [bb + (r * RT + w)]),
                           jnp.bfloat16)
                       for bb in (b00, b01, b10, b11)]
                      for w in range(NW)]
                for w in range(NW):
                    g0, g1, g2, g3 = gs[w]
                    v = (g0 * pw00 + g1 * pw01) + (g2 * pw10 + g3 * pw11)
                    va, vb = plsc.unpack(v, format=_ILV)
                    out_v[b, 2 * w, r, pl.ds(j0, 16)] = va
                    out_v[b, 2 * w + 1, r, pl.ds(j0, 16)] = vb
            return carry

        lax.fori_loop(0, NGRP, grp_body, 0)
        pltpu.make_async_copy(
            out_v.at[b], out_hbm.at[n, :, pl.ds(i0, CHUNK), :], osem
        ).start()

        @pl.when(ch + 2 < ROWS_PER_W // CHUNK)
        def _():
            pltpu.make_async_copy(
                guide_hbm.at[n, pl.ds(i0 + 2 * CHUNK, CHUNK), :],
                gd_v.at[b], gsem).start()
      return carry

    lax.fori_loop(0, ROWS_PER_W // (2 * CHUNK), chunk_pair_body, 0)
    for b, osem in ((0, osem0), (1, osem1)):
        pltpu.make_async_copy(
            out_v.at[b], out_hbm.at[n, :, pl.ds(iblk, CHUNK), :], osem
        ).wait()


@jax.jit
def kernel(bilateral_grid, guidemap):
    t2 = jnp.transpose(bilateral_grid, (0, 4, 3, 2, 1))
    t2 = jnp.pad(t2, ((0, 0), (0, 0), (0, 0), (0, 0), (0, 2 * WPC - C)))
    t2 = t2.astype(jnp.bfloat16).reshape(N, GW, GH, D, WPC, 2)
    t2 = jax.lax.bitcast_convert_type(t2, jnp.int32).reshape(N, TBL)

    t = (jnp.arange(512, dtype=jnp.float32) / (H - 1)) * 2.0 - 1.0
    pos = jnp.clip((t + 1.0) * 0.5 * (GW - 1), 0.0, float(GW - 1))
    f0 = jnp.floor(pos)
    idx0 = f0.astype(jnp.int32)
    idx1 = jnp.minimum(idx0 + 1, GW - 1)
    frac = pos - f0

    mesh = plsc.VectorSubcoreMesh(core_axis_name="c", subcore_axis_name="s")
    run = functools.partial(
        pl.kernel,
        mesh=mesh,
        compiler_params=pltpu.CompilerParams(needs_layout_passes=False),
        out_type=jax.ShapeDtypeStruct((N, C, H, W), jnp.float32),
        scratch_types=[
            pltpu.VMEM((TBL,), jnp.int32),
            pltpu.VMEM((CHUNK * RT,), jnp.int32),
            pltpu.VMEM((2, CHUNK, W), jnp.float32),
            pltpu.VMEM((2, C, CHUNK, W), jnp.float32),
            pltpu.VMEM((512,), jnp.int32),
            pltpu.VMEM((512,), jnp.int32),
            pltpu.VMEM((512,), jnp.float32),
            pltpu.VMEM((512,), jnp.float32),
            pltpu.SemaphoreType.DMA,
            pltpu.SemaphoreType.DMA,
            pltpu.SemaphoreType.DMA,
            pltpu.SemaphoreType.DMA,
        ],
    )(_sc_body)
    return run(t2, guidemap, idx0 * YS, idx1 * YS, frac, 1.0 - frac)

# --- scband reference (transcript-rebuilt; emitter-appended) ---
"""Pipeline reference for scband-slice-75282186764417 (READ-ONLY COPY).

The authoritative reference and input builder live on the scoring server;
editing this copy changes nothing except your own understanding.
"""

import jax, jax.numpy as jnp
import numpy as np


def setup_inputs(seed: int = 0) -> dict:
    key = jax.random.key(seed)
    k1, k2 = jax.random.split(key)
    bilateral_grid = jax.random.normal(k1, (4, 12, 8, 16, 16), dtype=jnp.float32)
    guidemap = jax.random.normal(k2, (4, 512, 512), dtype=jnp.float32)
    return {"bilateral_grid": bilateral_grid, "guidemap": guidemap}


def _grid_sample_3d(inp, gx, gy, gz):
    # inp: [N, C, D, H, W]; gx,gy,gz: [N, Do, Ho, Wo] normalized coords in [-1,1]
    # bilinear (trilinear) interpolation, padding_mode='border', align_corners=True
    N, C, D, H, W = inp.shape
    inp_t = jnp.transpose(inp, (0, 2, 3, 4, 1))  # [N, D, H, W, C]
    ix = jnp.clip((gx + 1.0) * 0.5 * (W - 1), 0.0, float(W - 1))
    iy = jnp.clip((gy + 1.0) * 0.5 * (H - 1), 0.0, float(H - 1))
    iz = jnp.clip((gz + 1.0) * 0.5 * (D - 1), 0.0, float(D - 1))
    x0 = jnp.floor(ix); y0 = jnp.floor(iy); z0 = jnp.floor(iz)
    wx = ix - x0; wy = iy - y0; wz = iz - z0
    x0i = x0.astype(jnp.int32); x1i = jnp.minimum(x0i + 1, W - 1)
    y0i = y0.astype(jnp.int32); y1i = jnp.minimum(y0i + 1, H - 1)
    z0i = z0.astype(jnp.int32); z1i = jnp.minimum(z0i + 1, D - 1)
    b = jnp.arange(N).reshape(N, 1, 1, 1)

    def g(zi, yi, xi):
        return inp_t[b, zi, yi, xi]  # gather -> [N, Do, Ho, Wo, C]

    wx_ = wx[..., None]; wy_ = wy[..., None]; wz_ = wz[..., None]
    out = (g(z0i, y0i, x0i) * (1 - wz_) * (1 - wy_) * (1 - wx_)
           + g(z0i, y0i, x1i) * (1 - wz_) * (1 - wy_) * wx_
           + g(z0i, y1i, x0i) * (1 - wz_) * wy_ * (1 - wx_)
           + g(z0i, y1i, x1i) * (1 - wz_) * wy_ * wx_
           + g(z1i, y0i, x0i) * wz_ * (1 - wy_) * (1 - wx_)
           + g(z1i, y0i, x1i) * wz_ * (1 - wy_) * wx_
           + g(z1i, y1i, x0i) * wz_ * wy_ * (1 - wx_)
           + g(z1i, y1i, x1i) * wz_ * wy_ * wx_)
    return jnp.transpose(out, (0, 4, 1, 2, 3))  # [N, C, Do, Ho, Wo]


def reference(bilateral_grid, guidemap):
    N, H, W = guidemap.shape
    hg, wg = jnp.meshgrid(jnp.arange(H, dtype=jnp.float32), jnp.arange(W, dtype=jnp.float32), indexing='ij')
    hg = hg / (H - 1) * 2.0 - 1.0  # [H, W]
    wg = wg / (W - 1) * 2.0 - 1.0
    # torch cat order: [hg, wg, guidemap] -> grid_sample channels (x, y, z)
    gx = jnp.broadcast_to(hg[None, None, :, :], (N, 1, H, W))
    gy = jnp.broadcast_to(wg[None, None, :, :], (N, 1, H, W))
    gz = guidemap[:, None, :, :]
    coeff = _grid_sample_3d(bilateral_grid, gx, gy, gz)  # [N, C, 1, H, W]
    return coeff[:, :, 0, :, :]  # squeeze(2) -> [N, C, H, W]

if __name__ == "__main__":
    import jax
    _d = setup_inputs()
    print(jax.jit(kernel)(*tuple(_d.values())))

</pallas_src>

<mosaic_0001>
#map = affine_map<(d0, d1) -> (0, 0)>
#map1 = affine_map<(d0, d1) -> (0, 0, 0)>
#map2 = affine_map<(d0, d1) -> (0)>
#map3 = affine_map<(d0, d1) -> (0, 0, 0, 0)>
module attributes {stable_mosaic.version = 14 : i64} {
  func.func @_sc_body(%arg0: i32, %arg1: i32, %arg2: memref<4x14336xi32, #tpu.memory_space<hbm>>, %arg3: memref<4x512x512xf32, #tpu.memory_space<hbm>>, %arg4: memref<512xi32, #tpu.memory_space<hbm>>, %arg5: memref<512xi32, #tpu.memory_space<hbm>>, %arg6: memref<512xf32, #tpu.memory_space<hbm>>, %arg7: memref<512xf32, #tpu.memory_space<hbm>>, %arg8: memref<4x12x512x512xf32, #tpu.memory_space<hbm>>, %arg9: memref<14336xi32, #tpu.memory_space<vmem>>, %arg10: memref<3584xi32, #tpu.memory_space<vmem>>, %arg11: memref<2x4x512xf32, #tpu.memory_space<vmem>>, %arg12: memref<2x12x4x512xf32, #tpu.memory_space<vmem>>, %arg13: memref<512xi32, #tpu.memory_space<vmem>>, %arg14: memref<512xi32, #tpu.memory_space<vmem>>, %arg15: memref<512xf32, #tpu.memory_space<vmem>>, %arg16: memref<512xf32, #tpu.memory_space<vmem>>, %arg17: memref<!tpu.dma_semaphore, #tpu.memory_space<semaphore_mem>>, %arg18: memref<!tpu.dma_semaphore, #tpu.memory_space<semaphore_mem>>, %arg19: memref<!tpu.dma_semaphore, #tpu.memory_space<semaphore_mem>>, %arg20: memref<!tpu.dma_semaphore, #tpu.memory_space<semaphore_mem>>) attributes {dimension_semantics = [#tpu.dimension_semantics<core_parallel>, #tpu.dimension_semantics<subcore_parallel>], iteration_bounds = array<i64: 2, 16>, scalar_prefetch = 0 : i64, scratch_operands = 12 : i64, tpu.core_type = #tpu.core_type<sc_vector_subcore>, window_params = [{transform_indices = #map}, {transform_indices = #map1}, {transform_indices = #map2}, {transform_indices = #map2}, {transform_indices = #map2}, {transform_indices = #map2}, {transform_indices = #map3}]} {
    %mul3A = arith.constant 16 : i32
    %mul3A_0 = arith.muli %arg0, %mul3A : i32
    %add3A = arith.addi %mul3A_0, %arg1 : i32
    %jit3A = arith.constant 8 : i32
    %div3A = arith.divsi %add3A, %jit3A : i32
    %sign3A = arith.constant 0 : i32
    %sign3A_1 = arith.cmpi sgt, %add3A, %sign3A : i32
    %sign3A_2 = arith.extui %sign3A_1 : i1 to i32
    %sign3A_3 = arith.constant 0 : i32
    %sign3A_4 = arith.cmpi slt, %add3A, %sign3A_3 : i32
    %sign3A_5 = arith.extui %sign3A_4 : i1 to i32
    %sign3A_6 = arith.subi %sign3A_2, %sign3A_5 : i32
    %sign3A_7 = arith.constant 0 : i32
    %sign3A_8 = arith.cmpi sgt, %jit3A, %sign3A_7 : i32
    %sign3A_9 = arith.extui %sign3A_8 : i1 to i32
    %sign3A_10 = arith.constant 0 : i32
    %sign3A_11 = arith.cmpi slt, %jit3A, %sign3A_10 : i32
    %sign3A_12 = arith.extui %sign3A_11 : i1 to i32
    %sign3A_13 = arith.subi %sign3A_9, %sign3A_12 : i32
    %ne3A = arith.cmpi ne, %sign3A_6, %sign3A_13 : i32
    %rem3A = arith.remsi %add3A, %jit3A : i32
    %ne3A_14 = arith.constant 0 : i32
    %ne3A_15 = arith.cmpi ne, %rem3A, %ne3A_14 : i32
    %and3A = arith.andi %ne3A, %ne3A_15 : i1
    %sub3A = arith.constant 1 : i32
    %sub3A_16 = arith.subi %div3A, %sub3A : i32
    %select_n3A = arith.select %and3A, %sub3A_16, %div3A : i32
    %jit3A_17 = arith.constant 8 : i32
    %eq3A = arith.constant 0 : i32
    %eq3A_18 = arith.cmpi eq, %jit3A_17, %eq3A : i32
    %jit3A_19 = arith.constant 1 : i32
    %select_n3A_20 = arith.select %eq3A_18, %jit3A_19, %jit3A_17 : i32
    %rem3A_21 = arith.remsi %add3A, %select_n3A_20 : i32
    %ne3A_22 = arith.constant 0 : i32
    %ne3A_23 = arith.cmpi ne, %rem3A_21, %ne3A_22 : i32
    %lt3A = arith.constant 0 : i32
    %lt3A_24 = arith.cmpi slt, %rem3A_21, %lt3A : i32
    %lt3A_25 = arith.constant 0 : i32
    %lt3A_26 = arith.cmpi slt, %select_n3A_20, %lt3A_25 : i32
    %ne3A_27 = arith.xori %lt3A_24, %lt3A_26 : i1
    %and3A_28 = arith.andi %ne3A_27, %ne3A_23 : i1
    %add3A_29 = arith.addi %rem3A_21, %select_n3A_20 : i32
    %select_n3A_30 = arith.select %and3A_28, %add3A_29, %rem3A_21 : i32
    %mul3A_31 = arith.constant 64 : i32
    %mul3A_32 = arith.muli %select_n3A_30, %mul3A_31 : i32
    "tpu.region"() ({
      %run_scoped3A = tpu.sem_alloc : memref<!tpu.dma_semaphore, #tpu.memory_space<semaphore_mem>>
      %dma_start3A_106 = arith.constant 0 : i32
      %dma_start3A_107 = tpu.memref_slice %arg2[%select_n3A, %dma_start3A_106] : memref<4x14336xi32, #tpu.memory_space<hbm>> -> memref<1x14336xi32, #tpu.memory_space<hbm>>
      %dma_start3A_108 = tpu.memref_squeeze %dma_start3A_107 : memref<1x14336xi32, #tpu.memory_space<hbm>> -> memref<14336xi32, #tpu.memory_space<hbm>>
      %dma_start3A_109 = arith.constant 0 : i32
      %dma_start3A_110 = tpu.memref_slice %arg2[%select_n3A, %dma_start3A_109] : memref<4x14336xi32, #tpu.memory_space<hbm>> -> memref<1x14336xi32, #tpu.memory_space<hbm>>
      %dma_start3A_111 = tpu.memref_squeeze %dma_start3A_110 : memref<1x14336xi32, #tpu.memory_space<hbm>> -> memref<14336xi32, #tpu.memory_space<hbm>>
      tpu.enqueue_dma source(%dma_start3A_111 : memref<14336xi32, #tpu.memory_space<hbm>>) target(%arg9 : memref<14336xi32, #tpu.memory_space<vmem>>) target_semaphore(%run_scoped3A : memref<!tpu.dma_semaphore, #tpu.memory_space<semaphore_mem>>)
      %dma_wait3A_112 = arith.constant 0 : i32
      %dma_wait3A_113 = tpu.memref_slice %arg2[%select_n3A, %dma_wait3A_112] : memref<4x14336xi32, #tpu.memory_space<hbm>> -> memref<1x14336xi32, #tpu.memory_space<hbm>>
      %dma_wait3A_114 = tpu.memref_squeeze %dma_wait3A_113 : memref<1x14336xi32, #tpu.memory_space<hbm>> -> memref<14336xi32, #tpu.memory_space<hbm>>
      %dma_wait3A_115 = arith.constant 0 : i32
      %dma_wait3A_116 = tpu.memref_slice %arg2[%select_n3A, %dma_wait3A_115] : memref<4x14336xi32, #tpu.memory_space<hbm>> -> memref<1x14336xi32, #tpu.memory_space<hbm>>
      %dma_wait3A_117 = tpu.memref_squeeze %dma_wait3A_116 : memref<1x14336xi32, #tpu.memory_space<hbm>> -> memref<14336xi32, #tpu.memory_space<hbm>>
      tpu.wait_dma2 semaphore(%run_scoped3A : memref<!tpu.dma_semaphore, #tpu.memory_space<semaphore_mem>>) src(%dma_wait3A_117 : memref<14336xi32, #tpu.memory_space<hbm>>) dst(%arg9 : memref<14336xi32, #tpu.memory_space<vmem>>)
      tpu.yield
    }) : () -> ()
    "tpu.region"() ({
      %run_scoped3A = tpu.sem_alloc : memref<!tpu.dma_semaphore, #tpu.memory_space<semaphore_mem>>
      tpu.enqueue_dma source(%arg4 : memref<512xi32, #tpu.memory_space<hbm>>) target(%arg13 : memref<512xi32, #tpu.memory_space<vmem>>) target_semaphore(%run_scoped3A : memref<!tpu.dma_semaphore, #tpu.memory_space<semaphore_mem>>)
      tpu.wait_dma2 semaphore(%run_scoped3A : memref<!tpu.dma_semaphore, #tpu.memory_space<semaphore_mem>>) src(%arg4 : memref<512xi32, #tpu.memory_space<hbm>>) dst(%arg13 : memref<512xi32, #tpu.memory_space<vmem>>)
      tpu.yield
    }) : () -> ()
    "tpu.region"() ({
      %run_scoped3A = tpu.sem_alloc : memref<!tpu.dma_semaphore, #tpu.memory_space<semaphore_mem>>
      tpu.enqueue_dma source(%arg5 : memref<512xi32, #tpu.memory_space<hbm>>) target(%arg14 : memref<512xi32, #tpu.memory_space<vmem>>) target_semaphore(%run_scoped3A : memref<!tpu.dma_semaphore, #tpu.memory_space<semaphore_mem>>)
      tpu.wait_dma2 semaphore(%run_scoped3A : memref<!tpu.dma_semaphore, #tpu.memory_space<semaphore_mem>>) src(%arg5 : memref<512xi32, #tpu.memory_space<hbm>>) dst(%arg14 : memref<512xi32, #tpu.memory_space<vmem>>)
      tpu.yield
    }) : () -> ()
    "tpu.region"() ({
      %run_scoped3A = tpu.sem_alloc : memref<!tpu.dma_semaphore, #tpu.memory_space<semaphore_mem>>
      tpu.enqueue_dma source(%arg6 : memref<512xf32, #tpu.memory_space<hbm>>) target(%arg15 : memref<512xf32, #tpu.memory_space<vmem>>) target_semaphore(%run_scoped3A : memref<!tpu.dma_semaphore, #tpu.memory_space<semaphore_mem>>)
      tpu.wait_dma2 semaphore(%run_scoped3A : memref<!tpu.dma_semaphore, #tpu.memory_space<semaphore_mem>>) src(%arg6 : memref<512xf32, #tpu.memory_space<hbm>>) dst(%arg15 : memref<512xf32, #tpu.memory_space<vmem>>)
      tpu.yield
    }) : () -> ()
    "tpu.region"() ({
      %run_scoped3A = tpu.sem_alloc : memref<!tpu.dma_semaphore, #tpu.memory_space<semaphore_mem>>
      tpu.enqueue_dma source(%arg7 : memref<512xf32, #tpu.memory_space<hbm>>) target(%arg16 : memref<512xf32, #tpu.memory_space<vmem>>) target_semaphore(%run_scoped3A : memref<!tpu.dma_semaphore, #tpu.memory_space<semaphore_mem>>)
      tpu.wait_dma2 semaphore(%run_scoped3A : memref<!tpu.dma_semaphore, #tpu.memory_space<semaphore_mem>>) src(%arg7 : memref<512xf32, #tpu.memory_space<hbm>>) dst(%arg16 : memref<512xf32, #tpu.memory_space<vmem>>)
      tpu.yield
    }) : () -> ()
    %dma_start3A = arith.constant 0 : i32
    %dma_start3A_33 = arith.constant 0 : i32
    %dma_start3A_34 = arith.constant 0 : i32
    %dma_start3A_35 = tpu.memref_slice %arg11[%dma_start3A, %dma_start3A_33, %dma_start3A_34] : memref<2x4x512xf32, #tpu.memory_space<vmem>> -> memref<1x4x512xf32, #tpu.memory_space<vmem>>
    %dma_start3A_36 = tpu.memref_squeeze %dma_start3A_35 : memref<1x4x512xf32, #tpu.memory_space<vmem>> -> memref<4x512xf32, #tpu.memory_space<vmem>>
    %dma_start3A_37 = arith.constant 0 : i32
    %dma_start3A_38 = tpu.memref_slice %arg3[%select_n3A, %mul3A_32, %dma_start3A_37] : memref<4x512x512xf32, #tpu.memory_space<hbm>> -> memref<1x4x512xf32, #tpu.memory_space<hbm>>
    %dma_start3A_39 = tpu.memref_squeeze %dma_start3A_38 : memref<1x4x512xf32, #tpu.memory_space<hbm>> -> memref<4x512xf32, #tpu.memory_space<hbm>>
    %dma_start3A_40 = arith.constant 0 : i32
    %dma_start3A_41 = arith.constant 0 : i32
    %dma_start3A_42 = tpu.memref_slice %arg11[%dma_start3A, %dma_start3A_40, %dma_start3A_41] : memref<2x4x512xf32, #tpu.memory_space<vmem>> -> memref<1x4x512xf32, #tpu.memory_space<vmem>>
    %dma_start3A_43 = tpu.memref_squeeze %dma_start3A_42 : memref<1x4x512xf32, #tpu.memory_space<vmem>> -> memref<4x512xf32, #tpu.memory_space<vmem>>
    %dma_start3A_44 = arith.constant 0 : i32
    %dma_start3A_45 = tpu.memref_slice %arg3[%select_n3A, %mul3A_32, %dma_start3A_44] : memref<4x512x512xf32, #tpu.memory_space<hbm>> -> memref<1x4x512xf32, #tpu.memory_space<hbm>>
    %dma_start3A_46 = tpu.memref_squeeze %dma_start3A_45 : memref<1x4x512xf32, #tpu.memory_space<hbm>> -> memref<4x512xf32, #tpu.memory_space<hbm>>
    tpu.enqueue_dma source(%dma_start3A_46 : memref<4x512xf32, #tpu.memory_space<hbm>>) target(%dma_start3A_43 : memref<4x512xf32, #tpu.memory_space<vmem>>) target_semaphore(%arg19 : memref<!tpu.dma_semaphore, #tpu.memory_space<semaphore_mem>>)
    %add3A_47 = arith.constant 4 : i32
    %add3A_48 = arith.addi %mul3A_32, %add3A_47 : i32
    %dma_start3A_49 = arith.constant 1 : i32
    %dma_start3A_50 = arith.constant 0 : i32
    %dma_start3A_51 = arith.constant 0 : i32
    %dma_start3A_52 = tpu.memref_slice %arg11[%dma_start3A_49, %dma_start3A_50, %dma_start3A_51] : memref<2x4x512xf32, #tpu.memory_space<vmem>> -> memref<1x4x512xf32, #tpu.memory_space<vmem>>
    %dma_start3A_53 = tpu.memref_squeeze %dma_start3A_52 : memref<1x4x512xf32, #tpu.memory_space<vmem>> -> memref<4x512xf32, #tpu.memory_space<vmem>>
    %dma_start3A_54 = arith.constant 0 : i32
    %dma_start3A_55 = tpu.memref_slice %arg3[%select_n3A, %add3A_48, %dma_start3A_54] : memref<4x512x512xf32, #tpu.memory_space<hbm>> -> memref<1x4x512xf32, #tpu.memory_space<hbm>>
    %dma_start3A_56 = tpu.memref_squeeze %dma_start3A_55 : memref<1x4x512xf32, #tpu.memory_space<hbm>> -> memref<4x512xf32, #tpu.memory_space<hbm>>
    %dma_start3A_57 = arith.constant 0 : i32
    %dma_start3A_58 = arith.constant 0 : i32
    %dma_start3A_59 = tpu.memref_slice %arg11[%dma_start3A_49, %dma_start3A_57, %dma_start3A_58] : memref<2x4x512xf32, #tpu.memory_space<vmem>> -> memref<1x4x512xf32, #tpu.memory_space<vmem>>
    %dma_start3A_60 = tpu.memref_squeeze %dma_start3A_59 : memref<1x4x512xf32, #tpu.memory_space<vmem>> -> memref<4x512xf32, #tpu.memory_space<vmem>>
    %dma_start3A_61 = arith.constant 0 : i32
    %dma_start3A_62 = tpu.memref_slice %arg3[%select_n3A, %add3A_48, %dma_start3A_61] : memref<4x512x512xf32, #tpu.memory_space<hbm>> -> memref<1x4x512xf32, #tpu.memory_space<hbm>>
    %dma_start3A_63 = tpu.memref_squeeze %dma_start3A_62 : memref<1x4x512xf32, #tpu.memory_space<hbm>> -> memref<4x512xf32, #tpu.memory_space<hbm>>
    tpu.enqueue_dma source(%dma_start3A_63 : memref<4x512xf32, #tpu.memory_space<hbm>>) target(%dma_start3A_60 : memref<4x512xf32, #tpu.memory_space<vmem>>) target_semaphore(%arg20 : memref<!tpu.dma_semaphore, #tpu.memory_space<semaphore_mem>>)
    %scan3A = arith.constant 0 : i32
    %scan3A_64 = arith.constant 0 : i32
    %scan3A_65 = arith.constant 8 : i32
    %scan3A_66 = arith.addi %scan3A_64, %scan3A_65 : i32
    %scan3A_67 = arith.constant 1 : i32
    scf.for %scan3A_106 = %scan3A_64 to %scan3A_66 step %scan3A_67  : i32 {
      %mul3A_107 = arith.constant 2 : i32
      %mul3A_108 = arith.muli %scan3A_106, %mul3A_107 : i32
      %add3A_109 = arith.constant 0 : i32
      %add3A_110 = arith.addi %mul3A_108, %add3A_109 : i32
      %mul3A_111 = arith.constant 4 : i32
      %mul3A_112 = arith.muli %add3A_110, %mul3A_111 : i32
      %add3A_113 = arith.addi %mul3A_32, %mul3A_112 : i32
      %dma_wait3A_114 = arith.constant 0 : i32
      %dma_wait3A_115 = arith.constant 0 : i32
      %dma_wait3A_116 = arith.constant 0 : i32
      %dma_wait3A_117 = tpu.memref_slice %arg11[%dma_wait3A_114, %dma_wait3A_115, %dma_wait3A_116] : memref<2x4x512xf32, #tpu.memory_space<vmem>> -> memref<1x4x512xf32, #tpu.memory_space<vmem>>
      %dma_wait3A_118 = tpu.memref_squeeze %dma_wait3A_117 : memref<1x4x512xf32, #tpu.memory_space<vmem>> -> memref<4x512xf32, #tpu.memory_space<vmem>>
      %dma_wait3A_119 = arith.constant 0 : i32
      %dma_wait3A_120 = tpu.memref_slice %arg3[%select_n3A, %add3A_113, %dma_wait3A_119] : memref<4x512x512xf32, #tpu.memory_space<hbm>> -> memref<1x4x512xf32, #tpu.memory_space<hbm>>
      %dma_wait3A_121 = tpu.memref_squeeze %dma_wait3A_120 : memref<1x4x512xf32, #tpu.memory_space<hbm>> -> memref<4x512xf32, #tpu.memory_space<hbm>>
      %dma_wait3A_122 = arith.constant 0 : i32
      %dma_wait3A_123 = arith.constant 0 : i32
      %dma_wait3A_124 = tpu.memref_slice %arg11[%dma_wait3A_114, %dma_wait3A_122, %dma_wait3A_123] : memref<2x4x512xf32, #tpu.memory_space<vmem>> -> memref<1x4x512xf32, #tpu.memory_space<vmem>>
      %dma_wait3A_125 = tpu.memref_squeeze %dma_wait3A_124 : memref<1x4x512xf32, #tpu.memory_space<vmem>> -> memref<4x512xf32, #tpu.memory_space<vmem>>
      %dma_wait3A_126 = arith.constant 0 : i32
      %dma_wait3A_127 = tpu.memref_slice %arg3[%select_n3A, %add3A_113, %dma_wait3A_126] : memref<4x512x512xf32, #tpu.memory_space<hbm>> -> memref<1x4x512xf32, #tpu.memory_space<hbm>>
      %dma_wait3A_128 = tpu.memref_squeeze %dma_wait3A_127 : memref<1x4x512xf32, #tpu.memory_space<hbm>> -> memref<4x512xf32, #tpu.memory_space<hbm>>
      tpu.wait_dma2 semaphore(%arg19 : memref<!tpu.dma_semaphore, #tpu.memory_space<semaphore_mem>>) src(%dma_wait3A_128 : memref<4x512xf32, #tpu.memory_space<hbm>>) dst(%dma_wait3A_125 : memref<4x512xf32, #tpu.memory_space<vmem>>)
      %ge3A = arith.constant 2 : i32
      %ge3A_129 = arith.cmpi sge, %add3A_110, %ge3A : i32
      %convert_element_type3A = arith.extui %ge3A_129 : i1 to i32
      %cond3A = arith.constant 0 : i32
      %cond3A_130 = arith.cmpi ne, %convert_element_type3A, %cond3A : i32
      scf.if %cond3A_130 {
        %dma_wait3A_234 = arith.constant 0 : i32
        %dma_wait3A_235 = arith.constant 0 : i32
        %dma_wait3A_236 = arith.constant 0 : i32
        %dma_wait3A_237 = arith.constant 0 : i32
        %dma_wait3A_238 = tpu.memref_slice %arg12[%dma_wait3A_234, %dma_wait3A_235, %dma_wait3A_236, %dma_wait3A_237] : memref<2x12x4x512xf32, #tpu.memory_space<vmem>> -> memref<1x12x4x512xf32, #tpu.memory_space<vmem>>
        %dma_wait3A_239 = tpu.memref_squeeze %dma_wait3A_238 : memref<1x12x4x512xf32, #tpu.memory_space<vmem>> -> memref<12x4x512xf32, #tpu.memory_space<vmem>>
        %dma_wait3A_240 = arith.constant 0 : i32
        %dma_wait3A_241 = arith.constant 0 : i32
        %dma_wait3A_242 = tpu.memref_slice %arg8[%select_n3A, %dma_wait3A_240, %add3A_113, %dma_wait3A_241] : memref<4x12x512x512xf32, #tpu.memory_space<hbm>> -> memref<1x12x4x512xf32, #tpu.memory_space<hbm>>
        %dma_wait3A_243 = tpu.memref_squeeze %dma_wait3A_242 : memref<1x12x4x512xf32, #tpu.memory_space<hbm>> -> memref<12x4x512xf32, #tpu.memory_space<hbm>>
        %dma_wait3A_244 = arith.constant 0 : i32
        %dma_wait3A_245 = arith.constant 0 : i32
        %dma_wait3A_246 = tpu.memref_slice %arg8[%select_n3A, %dma_wait3A_244, %add3A_113, %dma_wait3A_245] : memref<4x12x512x512xf32, #tpu.memory_space<hbm>> -> memref<1x12x4x512xf32, #tpu.memory_space<hbm>>
        %dma_wait3A_247 = tpu.memref_squeeze %dma_wait3A_246 : memref<1x12x4x512xf32, #tpu.memory_space<hbm>> -> memref<12x4x512xf32, #tpu.memory_space<hbm>>
        %dma_wait3A_248 = arith.constant 0 : i32
        %dma_wait3A_249 = arith.constant 0 : i32
        %dma_wait3A_250 = arith.constant 0 : i32
        %dma_wait3A_251 = tpu.memref_slice %arg12[%dma_wait3A_234, %dma_wait3A_248, %dma_wait3A_249, %dma_wait3A_250] : memref<2x12x4x512xf32, #tpu.memory_space<vmem>> -> memref<1x12x4x512xf32, #tpu.memory_space<vmem>>
        %dma_wait3A_252 = tpu.memref_squeeze %dma_wait3A_251 : memref<1x12x4x512xf32, #tpu.memory_space<vmem>> -> memref<12x4x512xf32, #tpu.memory_space<vmem>>
        tpu.wait_dma2 semaphore(%arg17 : memref<!tpu.dma_semaphore, #tpu.memory_space<semaphore_mem>>) src(%dma_wait3A_252 : memref<12x4x512xf32, #tpu.memory_space<vmem>>) dst(%dma_wait3A_247 : memref<12x4x512xf32, #tpu.memory_space<hbm>>)
      } else {
      }
      %scan3A_131 = arith.constant 0 : i32
      %scan3A_132 = arith.constant 0 : i32
      %scan3A_133 = arith.constant 4 : i32
      %scan3A_134 = arith.addi %scan3A_132, %scan3A_133 : i32
      %scan3A_135 = arith.constant 1 : i32
      scf.for %scan3A_234 = %scan3A_132 to %scan3A_134 step %scan3A_135  : i32 {
        %add3A_235 = arith.addi %add3A_113, %scan3A_234 : i32
        %mul3A_236 = arith.constant 15 : i32
        %mul3A_237 = arith.muli %add3A_235, %mul3A_236 : i32
        %jit3A_238 = arith.constant 511 : i32
        %div3A_239 = arith.divsi %mul3A_237, %jit3A_238 : i32
        %sign3A_240 = arith.constant 0 : i32
        %sign3A_241 = arith.cmpi sgt, %mul3A_237, %sign3A_240 : i32
        %sign3A_242 = arith.extui %sign3A_241 : i1 to i32
        %sign3A_243 = arith.constant 0 : i32
        %sign3A_244 = arith.cmpi slt, %mul3A_237, %sign3A_243 : i32
        %sign3A_245 = arith.extui %sign3A_244 : i1 to i32
        %sign3A_246 = arith.subi %sign3A_242, %sign3A_245 : i32
        %sign3A_247 = arith.constant 0 : i32
        %sign3A_248 = arith.cmpi sgt, %jit3A_238, %sign3A_247 : i32
        %sign3A_249 = arith.extui %sign3A_248 : i1 to i32
        %sign3A_250 = arith.constant 0 : i32
        %sign3A_251 = arith.cmpi slt, %jit3A_238, %sign3A_250 : i32
        %sign3A_252 = arith.extui %sign3A_251 : i1 to i32
        %sign3A_253 = arith.subi %sign3A_249, %sign3A_252 : i32
        %ne3A_254 = arith.cmpi ne, %sign3A_246, %sign3A_253 : i32
        %rem3A_255 = arith.remsi %mul3A_237, %jit3A_238 : i32
        %ne3A_256 = arith.constant 0 : i32
        %ne3A_257 = arith.cmpi ne, %rem3A_255, %ne3A_256 : i32
        %and3A_258 = arith.andi %ne3A_254, %ne3A_257 : i1
        %sub3A_259 = arith.constant 1 : i32
        %sub3A_260 = arith.subi %div3A_239, %sub3A_259 : i32
        %select_n3A_261 = arith.select %and3A_258, %sub3A_260, %div3A_239 : i32
        %convert_element_type3A_262 = arith.sitofp %mul3A_237 : i32 to f32
        %mul3A_263 = arith.constant 0.00195694715 : f32
        %mul3A_264 = arith.mulf %convert_element_type3A_262, %mul3A_263 : f32
        %convert_element_type3A_265 = arith.sitofp %select_n3A_261 : i32 to f32
        %sub3A_266 = arith.subf %mul3A_264, %convert_element_type3A_265 : f32
        %add3A_267 = arith.constant 1 : i32
        %add3A_268 = arith.addi %select_n3A_261, %add3A_267 : i32
        %min3A = arith.constant 15 : i32
        %min3A_269 = arith.minsi %add3A_268, %min3A : i32
        %mul3A_270 = arith.constant 896 : i32
        %mul3A_271 = arith.muli %select_n3A_261, %mul3A_270 : i32
        %mul3A_272 = arith.constant 896 : i32
        %mul3A_273 = arith.muli %min3A_269, %mul3A_272 : i32
        %mul3A_274 = arith.constant 896 : i32
        %mul3A_275 = arith.muli %scan3A_234, %mul3A_274 : i32
        %broadcast_in_dim3A = vector.broadcast %sub3A_266 : f32 to vector<16xf32>
        %broadcast_in_dim3A_276 = vector.broadcast %sub3A_266 : f32 to vector<16xf32>
        %pack3A = tpu.pack_subelements %broadcast_in_dim3A, %broadcast_in_dim3A_276 {pack_format = #tpu.pack_format<interleaved>, positions = array<i32: 0, 1>} : vector<16xf32>, vector<16xf32> -> vector<32xbf16>
        %scan3A_277 = arith.constant 0 : i32
        %scan3A_278 = arith.constant 0 : i32
        %scan3A_279 = arith.constant 7 : i32
        %scan3A_280 = arith.addi %scan3A_278, %scan3A_279 : i32
        %scan3A_281 = arith.constant 1 : i32
        scf.for %scan3A_283 = %scan3A_278 to %scan3A_280 step %scan3A_281  : i32 {
          %mul3A_284 = arith.constant 128 : i32
          %mul3A_285 = arith.muli %scan3A_283, %mul3A_284 : i32
          %add3A_286 = arith.constant 0 : i32
          %add3A_287 = arith.addi %mul3A_285, %add3A_286 : i32
          %mul3A_288 = arith.constant 128 : i32
          %mul3A_289 = arith.muli %scan3A_283, %mul3A_288 : i32
          %add3A_290 = arith.constant 16 : i32
          %add3A_291 = arith.addi %mul3A_289, %add3A_290 : i32
          %mul3A_292 = arith.constant 128 : i32
          %mul3A_293 = arith.muli %scan3A_283, %mul3A_292 : i32
          %add3A_294 = arith.constant 32 : i32
          %add3A_295 = arith.addi %mul3A_293, %add3A_294 : i32
          %mul3A_296 = arith.constant 128 : i32
          %mul3A_297 = arith.muli %scan3A_283, %mul3A_296 : i32
          %add3A_298 = arith.constant 48 : i32
          %add3A_299 = arith.addi %mul3A_297, %add3A_298 : i32
          %mul3A_300 = arith.constant 128 : i32
          %mul3A_301 = arith.muli %scan3A_283, %mul3A_300 : i32
          %add3A_302 = arith.constant 64 : i32
          %add3A_303 = arith.addi %mul3A_301, %add3A_302 : i32
          %mul3A_304 = arith.constant 128 : i32
          %mul3A_305 = arith.muli %scan3A_283, %mul3A_304 : i32
          %add3A_306 = arith.constant 80 : i32
          %add3A_307 = arith.addi %mul3A_305, %add3A_306 : i32
          %mul3A_308 = arith.constant 128 : i32
          %mul3A_309 = arith.muli %scan3A_283, %mul3A_308 : i32
          %add3A_310 = arith.constant 96 : i32
          %add3A_311 = arith.addi %mul3A_309, %add3A_310 : i32
          %mul3A_312 = arith.constant 128 : i32
          %mul3A_313 = arith.muli %scan3A_283, %mul3A_312 : i32
          %add3A_314 = arith.constant 112 : i32
          %add3A_315 = arith.addi %mul3A_313, %add3A_314 : i32
          %add3A_316 = arith.addi %mul3A_271, %add3A_287 : i32
          %get3A = arith.index_cast %add3A_316 : i32 to index
          %get3A_317 = tpu.vector_load %arg9[%get3A] {strides = array<i32>} : memref<14336xi32, #tpu.memory_space<vmem>>, vector<16xi32>,
          %bitcast3A = vector.bitcast %get3A_317 : vector<16xi32> to vector<32xbf16>
          %add3A_318 = arith.addi %mul3A_271, %add3A_291 : i32
          %get3A_319 = arith.index_cast %add3A_318 : i32 to index
          %get3A_320 = tpu.vector_load %arg9[%get3A_319] {strides = array<i32>} : memref<14336xi32, #tpu.memory_space<vmem>>, vector<16xi32>,
          %bitcast3A_321 = vector.bitcast %get3A_320 : vector<16xi32> to vector<32xbf16>
          %add3A_322 = arith.addi %mul3A_271, %add3A_295 : i32
          %get3A_323 = arith.index_cast %add3A_322 : i32 to index
          %get3A_324 = tpu.vector_load %arg9[%get3A_323] {strides = array<i32>} : memref<14336xi32, #tpu.memory_space<vmem>>, vector<16xi32>,
          %bitcast3A_325 = vector.bitcast %get3A_324 : vector<16xi32> to vector<32xbf16>
          %add3A_326 = arith.addi %mul3A_271, %add3A_299 : i32
          %get3A_327 = arith.index_cast %add3A_326 : i32 to index
          %get3A_328 = tpu.vector_load %arg9[%get3A_327] {strides = array<i32>} : memref<14336xi32, #tpu.memory_space<vmem>>, vector<16xi32>,
          %bitcast3A_329 = vector.bitcast %get3A_328 : vector<16xi32> to vector<32xbf16>
          %add3A_330 = arith.addi %mul3A_271, %add3A_303 : i32
          %get3A_331 = arith.index_cast %add3A_330 : i32 to index
          %get3A_332 = tpu.vector_load %arg9[%get3A_331] {strides = array<i32>} : memref<14336xi32, #tpu.memory_space<vmem>>, vector<16xi32>,
          %bitcast3A_333 = vector.bitcast %get3A_332 : vector<16xi32> to vector<32xbf16>
          %add3A_334 = arith.addi %mul3A_271, %add3A_307 : i32
          %get3A_335 = arith.index_cast %add3A_334 : i32 to index
          %get3A_336 = tpu.vector_load %arg9[%get3A_335] {strides = array<i32>} : memref<14336xi32, #tpu.memory_space<vmem>>, vector<16xi32>,
          %bitcast3A_337 = vector.bitcast %get3A_336 : vector<16xi32> to vector<32xbf16>
          %add3A_338 = arith.addi %mul3A_271, %add3A_311 : i32
          %get3A_339 = arith.index_cast %add3A_338 : i32 to index
          %get3A_340 = tpu.vector_load %arg9[%get3A_339] {strides = array<i32>} : memref<14336xi32, #tpu.memory_space<vmem>>, vector<16xi32>,
          %bitcast3A_341 = vector.bitcast %get3A_340 : vector<16xi32> to vector<32xbf16>
          %add3A_342 = arith.addi %mul3A_271, %add3A_315 : i32
          %get3A_343 = arith.index_cast %add3A_342 : i32 to index
          %get3A_344 = tpu.vector_load %arg9[%get3A_343] {strides = array<i32>} : memref<14336xi32, #tpu.memory_space<vmem>>, vector<16xi32>,
          %bitcast3A_345 = vector.bitcast %get3A_344 : vector<16xi32> to vector<32xbf16>
          %add3A_346 = arith.addi %mul3A_273, %add3A_287 : i32
          %get3A_347 = arith.index_cast %add3A_346 : i32 to index
          %get3A_348 = tpu.vector_load %arg9[%get3A_347] {strides = array<i32>} : memref<14336xi32, #tpu.memory_space<vmem>>, vector<16xi32>,
          %bitcast3A_349 = vector.bitcast %get3A_348 : vector<16xi32> to vector<32xbf16>
          %add3A_350 = arith.addi %mul3A_273, %add3A_291 : i32
          %get3A_351 = arith.index_cast %add3A_350 : i32 to index
          %get3A_352 = tpu.vector_load %arg9[%get3A_351] {strides = array<i32>} : memref<14336xi32, #tpu.memory_space<vmem>>, vector<16xi32>,
          %bitcast3A_353 = vector.bitcast %get3A_352 : vector<16xi32> to vector<32xbf16>
          %add3A_354 = arith.addi %mul3A_273, %add3A_295 : i32
          %get3A_355 = arith.index_cast %add3A_354 : i32 to index
          %get3A_356 = tpu.vector_load %arg9[%get3A_355] {strides = array<i32>} : memref<14336xi32, #tpu.memory_space<vmem>>, vector<16xi32>,
          %bitcast3A_357 = vector.bitcast %get3A_356 : vector<16xi32> to vector<32xbf16>
          %add3A_358 = arith.addi %mul3A_273, %add3A_299 : i32
          %get3A_359 = arith.index_cast %add3A_358 : i32 to index
          %get3A_360 = tpu.vector_load %arg9[%get3A_359] {strides = array<i32>} : memref<14336xi32, #tpu.memory_space<vmem>>, vector<16xi32>,
          %bitcast3A_361 = vector.bitcast %get3A_360 : vector<16xi32> to vector<32xbf16>
          %add3A_362 = arith.addi %mul3A_273, %add3A_303 : i32
          %get3A_363 = arith.index_cast %add3A_362 : i32 to index
          %get3A_364 = tpu.vector_load %arg9[%get3A_363] {strides = array<i32>} : memref<14336xi32, #tpu.memory_space<vmem>>, vector<16xi32>,
          %bitcast3A_365 = vector.bitcast %get3A_364 : vector<16xi32> to vector<32xbf16>
          %add3A_366 = arith.addi %mul3A_273, %add3A_307 : i32
          %get3A_367 = arith.index_cast %add3A_366 : i32 to index
          %get3A_368 = tpu.vector_load %arg9[%get3A_367] {strides = array<i32>} : memref<14336xi32, #tpu.memory_space<vmem>>, vector<16xi32>,
          %bitcast3A_369 = vector.bitcast %get3A_368 : vector<16xi32> to vector<32xbf16>
          %add3A_370 = arith.addi %mul3A_273, %add3A_311 : i32
          %get3A_371 = arith.index_cast %add3A_370 : i32 to index
          %get3A_372 = tpu.vector_load %arg9[%get3A_371] {strides = array<i32>} : memref<14336xi32, #tpu.memory_space<vmem>>, vector<16xi32>,
          %bitcast3A_373 = vector.bitcast %get3A_372 : vector<16xi32> to vector<32xbf16>
          %add3A_374 = arith.addi %mul3A_273, %add3A_315 : i32
          %get3A_375 = arith.index_cast %add3A_374 : i32 to index
          %get3A_376 = tpu.vector_load %arg9[%get3A_375] {strides = array<i32>} : memref<14336xi32, #tpu.memory_space<vmem>>, vector<16xi32>,
          %bitcast3A_377 = vector.bitcast %get3A_376 : vector<16xi32> to vector<32xbf16>
          %sub3A_378 = arith.subf %bitcast3A_349, %bitcast3A : vector<32xbf16>
          %mul3A_379 = arith.mulf %pack3A, %sub3A_378 : vector<32xbf16>
          %add3A_380 = arith.addf %bitcast3A, %mul3A_379 : vector<32xbf16>
          %bitcast3A_381 = vector.bitcast %add3A_380 : vector<32xbf16> to vector<16xi32>
          %add3A_382 = arith.addi %mul3A_275, %add3A_287 : i32
          %swap3A = arith.index_cast %add3A_382 : i32 to index
          %swap3A_383 = tpu.vector_load %arg10[%swap3A] {strides = array<i32>} : memref<3584xi32, #tpu.memory_space<vmem>>, vector<16xi32>,
          tpu.vector_store %arg10[%swap3A], %bitcast3A_381 {strides = array<i32>} : memref<3584xi32, #tpu.memory_space<vmem>>, vector<16xi32>,
          %sub3A_384 = arith.subf %bitcast3A_353, %bitcast3A_321 : vector<32xbf16>
          %mul3A_385 = arith.mulf %pack3A, %sub3A_384 : vector<32xbf16>
          %add3A_386 = arith.addf %bitcast3A_321, %mul3A_385 : vector<32xbf16>
          %bitcast3A_387 = vector.bitcast %add3A_386 : vector<32xbf16> to vector<16xi32>
          %add3A_388 = arith.addi %mul3A_275, %add3A_291 : i32
          %swap3A_389 = arith.index_cast %add3A_388 : i32 to index
          %swap3A_390 = tpu.vector_load %arg10[%swap3A_389] {strides = array<i32>} : memref<3584xi32, #tpu.memory_space<vmem>>, vector<16xi32>,
          tpu.vector_store %arg10[%swap3A_389], %bitcast3A_387 {strides = array<i32>} : memref<3584xi32, #tpu.memory_space<vmem>>, vector<16xi32>,
          %sub3A_391 = arith.subf %bitcast3A_357, %bitcast3A_325 : vector<32xbf16>
          %mul3A_392 = arith.mulf %pack3A, %sub3A_391 : vector<32xbf16>
          %add3A_393 = arith.addf %bitcast3A_325, %mul3A_392 : vector<32xbf16>
          %bitcast3A_394 = vector.bitcast %add3A_393 : vector<32xbf16> to vector<16xi32>
          %add3A_395 = arith.addi %mul3A_275, %add3A_295 : i32
          %swap3A_396 = arith.index_cast %add3A_395 : i32 to index
          %swap3A_397 = tpu.vector_load %arg10[%swap3A_396] {strides = array<i32>} : memref<3584xi32, #tpu.memory_space<vmem>>, vector<16xi32>,
          tpu.vector_store %arg10[%swap3A_396], %bitcast3A_394 {strides = array<i32>} : memref<3584xi32, #tpu.memory_space<vmem>>, vector<16xi32>,
          %sub3A_398 = arith.subf %bitcast3A_361, %bitcast3A_329 : vector<32xbf16>
          %mul3A_399 = arith.mulf %pack3A, %sub3A_398 : vector<32xbf16>
          %add3A_400 = arith.addf %bitcast3A_329, %mul3A_399 : vector<32xbf16>
          %bitcast3A_401 = vector.bitcast %add3A_400 : vector<32xbf16> to vector<16xi32>
          %add3A_402 = arith.addi %mul3A_275, %add3A_299 : i32
          %swap3A_403 = arith.index_cast %add3A_402 : i32 to index
          %swap3A_404 = tpu.vector_load %arg10[%swap3A_403] {strides = array<i32>} : memref<3584xi32, #tpu.memory_space<vmem>>, vector<16xi32>,
          tpu.vector_store %arg10[%swap3A_403], %bitcast3A_401 {strides = array<i32>} : memref<3584xi32, #tpu.memory_space<vmem>>, vector<16xi32>,
          %sub3A_405 = arith.subf %bitcast3A_365, %bitcast3A_333 : vector<32xbf16>
          %mul3A_406 = arith.mulf %pack3A, %sub3A_405 : vector<32xbf16>
          %add3A_407 = arith.addf %bitcast3A_333, %mul3A_406 : vector<32xbf16>
          %bitcast3A_408 = vector.bitcast %add3A_407 : vector<32xbf16> to vector<16xi32>
          %add3A_409 = arith.addi %mul3A_275, %add3A_303 : i32
          %swap3A_410 = arith.index_cast %add3A_409 : i32 to index
          %swap3A_411 = tpu.vector_load %arg10[%swap3A_410] {strides = array<i32>} : memref<3584xi32, #tpu.memory_space<vmem>>, vector<16xi32>,
          tpu.vector_store %arg10[%swap3A_410], %bitcast3A_408 {strides = array<i32>} : memref<3584xi32, #tpu.memory_space<vmem>>, vector<16xi32>,
          %sub3A_412 = arith.subf %bitcast3A_369, %bitcast3A_337 : vector<32xbf16>
          %mul3A_413 = arith.mulf %pack3A, %sub3A_412 : vector<32xbf16>
          %add3A_414 = arith.addf %bitcast3A_337, %mul3A_413 : vector<32xbf16>
          %bitcast3A_415 = vector.bitcast %add3A_414 : vector<32xbf16> to vector<16xi32>
          %add3A_416 = arith.addi %mul3A_275, %add3A_307 : i32
          %swap3A_417 = arith.index_cast %add3A_416 : i32 to index
          %swap3A_418 = tpu.vector_load %arg10[%swap3A_417] {strides = array<i32>} : memref<3584xi32, #tpu.memory_space<vmem>>, vector<16xi32>,
          tpu.vector_store %arg10[%swap3A_417], %bitcast3A_415 {strides = array<i32>} : memref<3584xi32, #tpu.memory_space<vmem>>, vector<16xi32>,
          %sub3A_419 = arith.subf %bitcast3A_373, %bitcast3A_341 : vector<32xbf16>
          %mul3A_420 = arith.mulf %pack3A, %sub3A_419 : vector<32xbf16>
          %add3A_421 = arith.addf %bitcast3A_341, %mul3A_420 : vector<32xbf16>
          %bitcast3A_422 = vector.bitcast %add3A_421 : vector<32xbf16> to vector<16xi32>
          %add3A_423 = arith.addi %mul3A_275, %add3A_311 : i32
          %swap3A_424 = arith.index_cast %add3A_423 : i32 to index
          %swap3A_425 = tpu.vector_load %arg10[%swap3A_424] {strides = array<i32>} : memref<3584xi32, #tpu.memory_space<vmem>>, vector<16xi32>,
          tpu.vector_store %arg10[%swap3A_424], %bitcast3A_422 {strides = array<i32>} : memref<3584xi32, #tpu.memory_space<vmem>>, vector<16xi32>,
          %sub3A_426 = arith.subf %bitcast3A_377, %bitcast3A_345 : vector<32xbf16>
          %mul3A_427 = arith.mulf %pack3A, %sub3A_426 : vector<32xbf16>
          %add3A_428 = arith.addf %bitcast3A_345, %mul3A_427 : vector<32xbf16>
          %bitcast3A_429 = vector.bitcast %add3A_428 : vector<32xbf16> to vector<16xi32>
          %add3A_430 = arith.addi %mul3A_275, %add3A_315 : i32
          %swap3A_431 = arith.index_cast %add3A_430 : i32 to index
          %swap3A_432 = tpu.vector_load %arg10[%swap3A_431] {strides = array<i32>} : memref<3584xi32, #tpu.memory_space<vmem>>, vector<16xi32>,
          tpu.vector_store %arg10[%swap3A_431], %bitcast3A_429 {strides = array<i32>} : memref<3584xi32, #tpu.memory_space<vmem>>, vector<16xi32>,
        }
        %scan3A_282 = arith.constant 7 : i32
      }
      %scan3A_136 = arith.constant 4 : i32
      %scan3A_137 = arith.constant 0 : i32
      %scan3A_138 = arith.constant 0 : i32
      %scan3A_139 = arith.constant 32 : i32
      %scan3A_140 = arith.addi %scan3A_138, %scan3A_139 : i32
      %scan3A_141 = arith.constant 1 : i32
      scf.for %scan3A_234 = %scan3A_138 to %scan3A_140 step %scan3A_141  : i32 {
        %mul3A_235 = arith.constant 16 : i32
        %mul3A_236 = arith.muli %scan3A_234, %mul3A_235 : i32
        %get3A = arith.index_cast %mul3A_236 : i32 to index
        %get3A_237 = tpu.vector_load %arg13[%get3A] {strides = array<i32>} : memref<512xi32, #tpu.memory_space<vmem>>, vector<16xi32>,
        %get3A_238 = arith.index_cast %mul3A_236 : i32 to index
        %get3A_239 = tpu.vector_load %arg14[%get3A_238] {strides = array<i32>} : memref<512xi32, #tpu.memory_space<vmem>>, vector<16xi32>,
        %get3A_240 = arith.index_cast %mul3A_236 : i32 to index
        %get3A_241 = tpu.vector_load %arg15[%get3A_240] {strides = array<i32>} : memref<512xf32, #tpu.memory_space<vmem>>, vector<16xf32>,
        %get3A_242 = arith.index_cast %mul3A_236 : i32 to index
        %get3A_243 = tpu.vector_load %arg16[%get3A_242] {strides = array<i32>} : memref<512xf32, #tpu.memory_space<vmem>>, vector<16xf32>,
        %get3A_244 = arith.constant 0 : i32
        %get3A_245 = arith.constant 0 : i32
        %get3A_246 = arith.index_cast %get3A_244 : i32 to index
        %get3A_247 = arith.index_cast %get3A_245 : i32 to index
        %get3A_248 = arith.index_cast %mul3A_236 : i32 to index
        %get3A_249 = tpu.vector_load %arg11[%get3A_246, %get3A_247, %get3A_248] {strides = array<i32>} : memref<2x4x512xf32, #tpu.memory_space<vmem>>, vector<16xf32>,
        %add3A_250 = arith.constant 1.000000e+00 : f32
        %add3A_251 = vector.broadcast %add3A_250 : f32 to vector<16xf32>
        %add3A_252 = arith.addf %get3A_249, %add3A_251 : vector<16xf32>
        %mul3A_253 = arith.constant 3.500000e+00 : f32
        %mul3A_254 = vector.broadcast %mul3A_253 : f32 to vector<16xf32>
        %mul3A_255 = arith.mulf %add3A_252, %mul3A_254 : vector<16xf32>
        %jit3A_256 = arith.constant 0.000000e+00 : f32
        %jit3A_257 = arith.constant 7.000000e+00 : f32
        %max3A = vector.broadcast %jit3A_256 : f32 to vector<16xf32>
        %max3A_258 = arith.maximumf %max3A, %mul3A_255 : vector<16xf32>
        %min3A = vector.broadcast %jit3A_257 : f32 to vector<16xf32>
        %min3A_259 = arith.minimumf %min3A, %max3A_258 : vector<16xf32>
        %convert_element_type3A_260 = arith.fptosi %min3A_259 : vector<16xf32> to vector<16xi32>
        %convert_element_type3A_261 = arith.sitofp %convert_element_type3A_260 : vector<16xi32> to vector<16xf32>
        %sub3A_262 = arith.subf %min3A_259, %convert_element_type3A_261 : vector<16xf32>
        %add3A_263 = arith.constant 1 : i32
        %add3A_264 = vector.broadcast %add3A_263 : i32 to vector<16xi32>
        %add3A_265 = arith.addi %convert_element_type3A_260, %add3A_264 : vector<16xi32>
        %min3A_266 = arith.constant 7 : i32
        %min3A_267 = vector.broadcast %min3A_266 : i32 to vector<16xi32>
        %min3A_268 = arith.minsi %add3A_265, %min3A_267 : vector<16xi32>
        %mul3A_269 = arith.constant 7 : i32
        %mul3A_270 = vector.broadcast %mul3A_269 : i32 to vector<16xi32>
        %mul3A_271 = arith.muli %convert_element_type3A_260, %mul3A_270 : vector<16xi32>
        %mul3A_272 = arith.constant 7 : i32
        %mul3A_273 = vector.broadcast %mul3A_272 : i32 to vector<16xi32>
        %mul3A_274 = arith.muli %min3A_268, %mul3A_273 : vector<16xi32>
        %add3A_275 = arith.addi %mul3A_271, %get3A_237 : vector<16xi32>
        %add3A_276 = arith.addi %mul3A_271, %get3A_239 : vector<16xi32>
        %add3A_277 = arith.addi %mul3A_274, %get3A_237 : vector<16xi32>
        %add3A_278 = arith.addi %mul3A_274, %get3A_239 : vector<16xi32>
        %sub3A_279 = arith.constant 1.000000e+00 : f32
        %sub3A_280 = vector.broadcast %sub3A_279 : f32 to vector<16xf32>
        %sub3A_281 = arith.subf %sub3A_280, %sub3A_262 : vector<16xf32>
        %mul3A_282 = arith.mulf %sub3A_281, %get3A_243 : vector<16xf32>
        %mul3A_283 = arith.mulf %sub3A_281, %get3A_243 : vector<16xf32>
        %pack3A = tpu.pack_subelements %mul3A_282, %mul3A_283 {pack_format = #tpu.pack_format<interleaved>, positions = array<i32: 0, 1>} : vector<16xf32>, vector<16xf32> -> vector<32xbf16>
        %mul3A_284 = arith.mulf %sub3A_281, %get3A_241 : vector<16xf32>
        %mul3A_285 = arith.mulf %sub3A_281, %get3A_241 : vector<16xf32>
        %pack3A_286 = tpu.pack_subelements %mul3A_284, %mul3A_285 {pack_format = #tpu.pack_format<interleaved>, positions = array<i32: 0, 1>} : vector<16xf32>, vector<16xf32> -> vector<32xbf16>
        %mul3A_287 = arith.mulf %sub3A_262, %get3A_243 : vector<16xf32>
        %mul3A_288 = arith.mulf %sub3A_262, %get3A_243 : vector<16xf32>
        %pack3A_289 = tpu.pack_subelements %mul3A_287, %mul3A_288 {pack_format = #tpu.pack_format<interleaved>, positions = array<i32: 0, 1>} : vector<16xf32>, vector<16xf32> -> vector<32xbf16>
        %mul3A_290 = arith.mulf %sub3A_262, %get3A_241 : vector<16xf32>
        %mul3A_291 = arith.mulf %sub3A_262, %get3A_241 : vector<16xf32>
        %pack3A_292 = tpu.pack_subelements %mul3A_290, %mul3A_291 {pack_format = #tpu.pack_format<interleaved>, positions = array<i32: 0, 1>} : vector<16xf32>, vector<16xf32> -> vector<32xbf16>
        %add3A_293 = arith.constant 0 : i32
        %add3A_294 = vector.broadcast %add3A_293 : i32 to vector<16xi32>
        %add3A_295 = arith.addi %add3A_275, %add3A_294 : vector<16xi32>
        %gather3A = tpu.vector_load_idx %arg10[%add3A_295] : memref<3584xi32, #tpu.memory_space<vmem>>[vector<16xi32>], vector<16xi32>,
        %bitcast3A = vector.bitcast %gather3A : vector<16xi32> to vector<32xbf16>
        %add3A_296 = arith.constant 0 : i32
        %add3A_297 = vector.broadcast %add3A_296 : i32 to vector<16xi32>
        %add3A_298 = arith.addi %add3A_276, %add3A_297 : vector<16xi32>
        %gather3A_299 = tpu.vector_load_idx %arg10[%add3A_298] : memref<3584xi32, #tpu.memory_space<vmem>>[vector<16xi32>], vector<16xi32>,
        %bitcast3A_300 = vector.bitcast %gather3A_299 : vector<16xi32> to vector<32xbf16>
        %add3A_301 = arith.constant 0 : i32
        %add3A_302 = vector.broadcast %add3A_301 : i32 to vector<16xi32>
        %add3A_303 = arith.addi %add3A_277, %add3A_302 : vector<16xi32>
        %gather3A_304 = tpu.vector_load_idx %arg10[%add3A_303] : memref<3584xi32, #tpu.memory_space<vmem>>[vector<16xi32>], vector<16xi32>,
        %bitcast3A_305 = vector.bitcast %gather3A_304 : vector<16xi32> to vector<32xbf16>
        %add3A_306 = arith.constant 0 : i32
        %add3A_307 = vector.broadcast %add3A_306 : i32 to vector<16xi32>
        %add3A_308 = arith.addi %add3A_278, %add3A_307 : vector<16xi32>
        %gather3A_309 = tpu.vector_load_idx %arg10[%add3A_308] : memref<3584xi32, #tpu.memory_space<vmem>>[vector<16xi32>], vector<16xi32>,
        %bitcast3A_310 = vector.bitcast %gather3A_309 : vector<16xi32> to vector<32xbf16>
        %add3A_311 = arith.constant 1 : i32
        %add3A_312 = vector.broadcast %add3A_311 : i32 to vector<16xi32>
        %add3A_313 = arith.addi %add3A_275, %add3A_312 : vector<16xi32>
        %gather3A_314 = tpu.vector_load_idx %arg10[%add3A_313] : memref<3584xi32, #tpu.memory_space<vmem>>[vector<16xi32>], vector<16xi32>,
        %bitcast3A_315 = vector.bitcast %gather3A_314 : vector<16xi32> to vector<32xbf16>
        %add3A_316 = arith.constant 1 : i32
        %add3A_317 = vector.broadcast %add3A_316 : i32 to vector<16xi32>
        %add3A_318 = arith.addi %add3A_276, %add3A_317 : vector<16xi32>
        %gather3A_319 = tpu.vector_load_idx %arg10[%add3A_318] : memref<3584xi32, #tpu.memory_space<vmem>>[vector<16xi32>], vector<16xi32>,
        %bitcast3A_320 = vector.bitcast %gather3A_319 : vector<16xi32> to vector<32xbf16>
        %add3A_321 = arith.constant 1 : i32
        %add3A_322 = vector.broadcast %add3A_321 : i32 to vector<16xi32>
        %add3A_323 = arith.addi %add3A_277, %add3A_322 : vector<16xi32>
        %gather3A_324 = tpu.vector_load_idx %arg10[%add3A_323] : memref<3584xi32, #tpu.memory_space<vmem>>[vector<16xi32>], vector<16xi32>,
        %bitcast3A_325 = vector.bitcast %gather3A_324 : vector<16xi32> to vector<32xbf16>
        %add3A_326 = arith.constant 1 : i32
        %add3A_327 = vector.broadcast %add3A_326 : i32 to vector<16xi32>
        %add3A_328 = arith.addi %add3A_278, %add3A_327 : vector<16xi32>
        %gather3A_329 = tpu.vector_load_idx %arg10[%add3A_328] : memref<3584xi32, #tpu.memory_space<vmem>>[vector<16xi32>], vector<16xi32>,
        %bitcast3A_330 = vector.bitcast %gather3A_329 : vector<16xi32> to vector<32xbf16>
        %add3A_331 = arith.constant 2 : i32
        %add3A_332 = vector.broadcast %add3A_331 : i32 to vector<16xi32>
        %add3A_333 = arith.addi %add3A_275, %add3A_332 : vector<16xi32>
        %gather3A_334 = tpu.vector_load_idx %arg10[%add3A_333] : memref<3584xi32, #tpu.memory_space<vmem>>[vector<16xi32>], vector<16xi32>,
        %bitcast3A_335 = vector.bitcast %gather3A_334 : vector<16xi32> to vector<32xbf16>
        %add3A_336 = arith.constant 2 : i32
        %add3A_337 = vector.broadcast %add3A_336 : i32 to vector<16xi32>
        %add3A_338 = arith.addi %add3A_276, %add3A_337 : vector<16xi32>
        %gather3A_339 = tpu.vector_load_idx %arg10[%add3A_338] : memref<3584xi32, #tpu.memory_space<vmem>>[vector<16xi32>], vector<16xi32>,
        %bitcast3A_340 = vector.bitcast %gather3A_339 : vector<16xi32> to vector<32xbf16>
        %add3A_341 = arith.constant 2 : i32
        %add3A_342 = vector.broadcast %add3A_341 : i32 to vector<16xi32>
        %add3A_343 = arith.addi %add3A_277, %add3A_342 : vector<16xi32>
        %gather3A_344 = tpu.vector_load_idx %arg10[%add3A_343] : memref<3584xi32, #tpu.memory_space<vmem>>[vector<16xi32>], vector<16xi32>,
        %bitcast3A_345 = vector.bitcast %gather3A_344 : vector<16xi32> to vector<32xbf16>
        %add3A_346 = arith.constant 2 : i32
        %add3A_347 = vector.broadcast %add3A_346 : i32 to vector<16xi32>
        %add3A_348 = arith.addi %add3A_278, %add3A_347 : vector<16xi32>
        %gather3A_349 = tpu.vector_load_idx %arg10[%add3A_348] : memref<3584xi32, #tpu.memory_space<vmem>>[vector<16xi32>], vector<16xi32>,
        %bitcast3A_350 = vector.bitcast %gather3A_349 : vector<16xi32> to vector<32xbf16>
        %add3A_351 = arith.constant 3 : i32
        %add3A_352 = vector.broadcast %add3A_351 : i32 to vector<16xi32>
        %add3A_353 = arith.addi %add3A_275, %add3A_352 : vector<16xi32>
        %gather3A_354 = tpu.vector_load_idx %arg10[%add3A_353] : memref<3584xi32, #tpu.memory_space<vmem>>[vector<16xi32>], vector<16xi32>,
        %bitcast3A_355 = vector.bitcast %gather3A_354 : vector<16xi32> to vector<32xbf16>
        %add3A_356 = arith.constant 3 : i32
        %add3A_357 = vector.broadcast %add3A_356 : i32 to vector<16xi32>
        %add3A_358 = arith.addi %add3A_276, %add3A_357 : vector<16xi32>
        %gather3A_359 = tpu.vector_load_idx %arg10[%add3A_358] : memref<3584xi32, #tpu.memory_space<vmem>>[vector<16xi32>], vector<16xi32>,
        %bitcast3A_360 = vector.bitcast %gather3A_359 : vector<16xi32> to vector<32xbf16>
        %add3A_361 = arith.constant 3 : i32
        %add3A_362 = vector.broadcast %add3A_361 : i32 to vector<16xi32>
        %add3A_363 = arith.addi %add3A_277, %add3A_362 : vector<16xi32>
        %gather3A_364 = tpu.vector_load_idx %arg10[%add3A_363] : memref<3584xi32, #tpu.memory_space<vmem>>[vector<16xi32>], vector<16xi32>,
        %bitcast3A_365 = vector.bitcast %gather3A_364 : vector<16xi32> to vector<32xbf16>
        %add3A_366 = arith.constant 3 : i32
        %add3A_367 = vector.broadcast %add3A_366 : i32 to vector<16xi32>
        %add3A_368 = arith.addi %add3A_278, %add3A_367 : vector<16xi32>
        %gather3A_369 = tpu.vector_load_idx %arg10[%add3A_368] : memref<3584xi32, #tpu.memory_space<vmem>>[vector<16xi32>], vector<16xi32>,
        %bitcast3A_370 = vector.bitcast %gather3A_369 : vector<16xi32> to vector<32xbf16>
        %add3A_371 = arith.constant 4 : i32
        %add3A_372 = vector.broadcast %add3A_371 : i32 to vector<16xi32>
        %add3A_373 = arith.addi %add3A_275, %add3A_372 : vector<16xi32>
        %gather3A_374 = tpu.vector_load_idx %arg10[%add3A_373] : memref<3584xi32, #tpu.memory_space<vmem>>[vector<16xi32>], vector<16xi32>,
        %bitcast3A_375 = vector.bitcast %gather3A_374 : vector<16xi32> to vector<32xbf16>
        %add3A_376 = arith.constant 4 : i32
        %add3A_377 = vector.broadcast %add3A_376 : i32 to vector<16xi32>
        %add3A_378 = arith.addi %add3A_276, %add3A_377 : vector<16xi32>
        %gather3A_379 = tpu.vector_load_idx %arg10[%add3A_378] : memref<3584xi32, #tpu.memory_space<vmem>>[vector<16xi32>], vector<16xi32>,
        %bitcast3A_380 = vector.bitcast %gather3A_379 : vector<16xi32> to vector<32xbf16>
        %add3A_381 = arith.constant 4 : i32
        %add3A_382 = vector.broadcast %add3A_381 : i32 to vector<16xi32>
        %add3A_383 = arith.addi %add3A_277, %add3A_382 : vector<16xi32>
        %gather3A_384 = tpu.vector_load_idx %arg10[%add3A_383] : memref<3584xi32, #tpu.memory_space<vmem>>[vector<16xi32>], vector<16xi32>,
        %bitcast3A_385 = vector.bitcast %gather3A_384 : vector<16xi32> to vector<32xbf16>
        %add3A_386 = arith.constant 4 : i32
        %add3A_387 = vector.broadcast %add3A_386 : i32 to vector<16xi32>
        %add3A_388 = arith.addi %add3A_278, %add3A_387 : vector<16xi32>
        %gather3A_389 = tpu.vector_load_idx %arg10[%add3A_388] : memref<3584xi32, #tpu.memory_space<vmem>>[vector<16xi32>], vector<16xi32>,
        %bitcast3A_390 = vector.bitcast %gather3A_389 : vector<16xi32> to vector<32xbf16>
        %add3A_391 = arith.constant 5 : i32
        %add3A_392 = vector.broadcast %add3A_391 : i32 to vector<16xi32>
        %add3A_393 = arith.addi %add3A_275, %add3A_392 : vector<16xi32>
        %gather3A_394 = tpu.vector_load_idx %arg10[%add3A_393] : memref<3584xi32, #tpu.memory_space<vmem>>[vector<16xi32>], vector<16xi32>,
        %bitcast3A_395 = vector.bitcast %gather3A_394 : vector<16xi32> to vector<32xbf16>
        %add3A_396 = arith.constant 5 : i32
        %add3A_397 = vector.broadcast %add3A_396 : i32 to vector<16xi32>
        %add3A_398 = arith.addi %add3A_276, %add3A_397 : vector<16xi32>
        %gather3A_399 = tpu.vector_load_idx %arg10[%add3A_398] : memref<3584xi32, #tpu.memory_space<vmem>>[vector<16xi32>], vector<16xi32>,
        %bitcast3A_400 = vector.bitcast %gather3A_399 : vector<16xi32> to vector<32xbf16>
        %add3A_401 = arith.constant 5 : i32
        %add3A_402 = vector.broadcast %add3A_401 : i32 to vector<16xi32>
        %add3A_403 = arith.addi %add3A_277, %add3A_402 : vector<16xi32>
        %gather3A_404 = tpu.vector_load_idx %arg10[%add3A_403] : memref<3584xi32, #tpu.memory_space<vmem>>[vector<16xi32>], vector<16xi32>,
        %bitcast3A_405 = vector.bitcast %gather3A_404 : vector<16xi32> to vector<32xbf16>
        %add3A_406 = arith.constant 5 : i32
        %add3A_407 = vector.broadcast %add3A_406 : i32 to vector<16xi32>
        %add3A_408 = arith.addi %add3A_278, %add3A_407 : vector<16xi32>
        %gather3A_409 = tpu.vector_load_idx %arg10[%add3A_408] : memref<3584xi32, #tpu.memory_space<vmem>>[vector<16xi32>], vector<16xi32>,
        %bitcast3A_410 = vector.bitcast %gather3A_409 : vector<16xi32> to vector<32xbf16>
        %mul3A_411 = arith.mulf %bitcast3A, %pack3A : vector<32xbf16>
        %mul3A_412 = arith.mulf %bitcast3A_300, %pack3A_286 : vector<32xbf16>
        %add3A_413 = arith.addf %mul3A_411, %mul3A_412 : vector<32xbf16>
        %mul3A_414 = arith.mulf %bitcast3A_305, %pack3A_289 : vector<32xbf16>
        %mul3A_415 = arith.mulf %bitcast3A_310, %pack3A_292 : vector<32xbf16>
        %add3A_416 = arith.addf %mul3A_414, %mul3A_415 : vector<32xbf16>
        %add3A_417 = arith.addf %add3A_413, %add3A_416 : vector<32xbf16>
        %unpack3A = tpu.unpack_subelements %add3A_417, 0 {pack_format = #tpu.pack_format<interleaved>} : vector<32xbf16> -> vector<16xf32>
        %unpack3A_418 = tpu.unpack_subelements %add3A_417, 1 {pack_format = #tpu.pack_format<interleaved>} : vector<32xbf16> -> vector<16xf32>
        %swap3A = arith.constant 0 : i32
        %swap3A_419 = arith.constant 0 : i32
        %swap3A_420 = arith.constant 0 : i32
        %swap3A_421 = arith.index_cast %swap3A : i32 to index
        %swap3A_422 = arith.index_cast %swap3A_419 : i32 to index
        %swap3A_423 = arith.index_cast %swap3A_420 : i32 to index
        %swap3A_424 = arith.index_cast %mul3A_236 : i32 to index
        %swap3A_425 = tpu.vector_load %arg12[%swap3A_421, %swap3A_422, %swap3A_423, %swap3A_424] {strides = array<i32>} : memref<2x12x4x512xf32, #tpu.memory_space<vmem>>, vector<16xf32>,
        tpu.vector_store %arg12[%swap3A_421, %swap3A_422, %swap3A_423, %swap3A_424], %unpack3A {strides = array<i32>} : memref<2x12x4x512xf32, #tpu.memory_space<vmem>>, vector<16xf32>,
        %swap3A_426 = arith.constant 0 : i32
        %swap3A_427 = arith.constant 1 : i32
        %swap3A_428 = arith.constant 0 : i32
        %swap3A_429 = arith.index_cast %swap3A_426 : i32 to index
        %swap3A_430 = arith.index_cast %swap3A_427 : i32 to index
        %swap3A_431 = arith.index_cast %swap3A_428 : i32 to index
        %swap3A_432 = arith.index_cast %mul3A_236 : i32 to index
        %swap3A_433 = tpu.vector_load %arg12[%swap3A_429, %swap3A_430, %swap3A_431, %swap3A_432] {strides = array<i32>} : memref<2x12x4x512xf32, #tpu.memory_space<vmem>>, vector<16xf32>,
        tpu.vector_store %arg12[%swap3A_429, %swap3A_430, %swap3A_431, %swap3A_432], %unpack3A_418 {strides = array<i32>} : memref<2x12x4x512xf32, #tpu.memory_space<vmem>>, vector<16xf32>,
        %mul3A_434 = arith.mulf %bitcast3A_315, %pack3A : vector<32xbf16>
        %mul3A_435 = arith.mulf %bitcast3A_320, %pack3A_286 : vector<32xbf16>
        %add3A_436 = arith.addf %mul3A_434, %mul3A_435 : vector<32xbf16>
        %mul3A_437 = arith.mulf %bitcast3A_325, %pack3A_289 : vector<32xbf16>
        %mul3A_438 = arith.mulf %bitcast3A_330, %pack3A_292 : vector<32xbf16>
        %add3A_439 = arith.addf %mul3A_437, %mul3A_438 : vector<32xbf16>
        %add3A_440 = arith.addf %add3A_436, %add3A_439 : vector<32xbf16>
        %unpack3A_441 = tpu.unpack_subelements %add3A_440, 0 {pack_format = #tpu.pack_format<interleaved>} : vector<32xbf16> -> vector<16xf32>
        %unpack3A_442 = tpu.unpack_subelements %add3A_440, 1 {pack_format = #tpu.pack_format<interleaved>} : vector<32xbf16> -> vector<16xf32>
        %swap3A_443 = arith.constant 0 : i32
        %swap3A_444 = arith.constant 2 : i32
        %swap3A_445 = arith.constant 0 : i32
        %swap3A_446 = arith.index_cast %swap3A_443 : i32 to index
        %swap3A_447 = arith.index_cast %swap3A_444 : i32 to index
        %swap3A_448 = arith.index_cast %swap3A_445 : i32 to index
        %swap3A_449 = arith.index_cast %mul3A_236 : i32 to index
        %swap3A_450 = tpu.vector_load %arg12[%swap3A_446, %swap3A_447, %swap3A_448, %swap3A_449] {strides = array<i32>} : memref<2x12x4x512xf32, #tpu.memory_space<vmem>>, vector<16xf32>,
        tpu.vector_store %arg12[%swap3A_446, %swap3A_447, %swap3A_448, %swap3A_449], %unpack3A_441 {strides = array<i32>} : memref<2x12x4x512xf32, #tpu.memory_space<vmem>>, vector<16xf32>,
        %swap3A_451 = arith.constant 0 : i32
        %swap3A_452 = arith.constant 3 : i32
        %swap3A_453 = arith.constant 0 : i32
        %swap3A_454 = arith.index_cast %swap3A_451 : i32 to index
        %swap3A_455 = arith.index_cast %swap3A_452 : i32 to index
        %swap3A_456 = arith.index_cast %swap3A_453 : i32 to index
        %swap3A_457 = arith.index_cast %mul3A_236 : i32 to index
        %swap3A_458 = tpu.vector_load %arg12[%swap3A_454, %swap3A_455, %swap3A_456, %swap3A_457] {strides = array<i32>} : memref<2x12x4x512xf32, #tpu.memory_space<vmem>>, vector<16xf32>,
        tpu.vector_store %arg12[%swap3A_454, %swap3A_455, %swap3A_456, %swap3A_457], %unpack3A_442 {strides = array<i32>} : memref<2x12x4x512xf32, #tpu.memory_space<vmem>>, vector<16xf32>,
        %mul3A_459 = arith.mulf %bitcast3A_335, %pack3A : vector<32xbf16>
        %mul3A_460 = arith.mulf %bitcast3A_340, %pack3A_286 : vector<32xbf16>
        %add3A_461 = arith.addf %mul3A_459, %mul3A_460 : vector<32xbf16>
        %mul3A_462 = arith.mulf %bitcast3A_345, %pack3A_289 : vector<32xbf16>
        %mul3A_463 = arith.mulf %bitcast3A_350, %pack3A_292 : vector<32xbf16>
        %add3A_464 = arith.addf %mul3A_462, %mul3A_463 : vector<32xbf16>
        %add3A_465 = arith.addf %add3A_461, %add3A_464 : vector<32xbf16>
        %unpack3A_466 = tpu.unpack_subelements %add3A_465, 0 {pack_format = #tpu.pack_format<interleaved>} : vector<32xbf16> -> vector<16xf32>
        %unpack3A_467 = tpu.unpack_subelements %add3A_465, 1 {pack_format = #tpu.pack_format<interleaved>} : vector<32xbf16> -> vector<16xf32>
        %swap3A_468 = arith.constant 0 : i32
        %swap3A_469 = arith.constant 4 : i32
        %swap3A_470 = arith.constant 0 : i32
        %swap3A_471 = arith.index_cast %swap3A_468 : i32 to index
        %swap3A_472 = arith.index_cast %swap3A_469 : i32 to index
        %swap3A_473 = arith.index_cast %swap3A_470 : i32 to index
        %swap3A_474 = arith.index_cast %mul3A_236 : i32 to index
        %swap3A_475 = tpu.vector_load %arg12[%swap3A_471, %swap3A_472, %swap3A_473, %swap3A_474] {strides = array<i32>} : memref<2x12x4x512xf32, #tpu.memory_space<vmem>>, vector<16xf32>,
        tpu.vector_store %arg12[%swap3A_471, %swap3A_472, %swap3A_473, %swap3A_474], %unpack3A_466 {strides = array<i32>} : memref<2x12x4x512xf32, #tpu.memory_space<vmem>>, vector<16xf32>,
        %swap3A_476 = arith.constant 0 : i32
        %swap3A_477 = arith.constant 5 : i32
        %swap3A_478 = arith.constant 0 : i32
        %swap3A_479 = arith.index_cast %swap3A_476 : i32 to index
        %swap3A_480 = arith.index_cast %swap3A_477 : i32 to index
        %swap3A_481 = arith.index_cast %swap3A_478 : i32 to index
        %swap3A_482 = arith.index_cast %mul3A_236 : i32 to index
        %swap3A_483 = tpu.vector_load %arg12[%swap3A_479, %swap3A_480, %swap3A_481, %swap3A_482] {strides = array<i32>} : memref<2x12x4x512xf32, #tpu.memory_space<vmem>>, vector<16xf32>,
        tpu.vector_store %arg12[%swap3A_479, %swap3A_480, %swap3A_481, %swap3A_482], %unpack3A_467 {strides = array<i32>} : memref<2x12x4x512xf32, #tpu.memory_space<vmem>>, vector<16xf32>,
        %mul3A_484 = arith.mulf %bitcast3A_355, %pack3A : vector<32xbf16>
        %mul3A_485 = arith.mulf %bitcast3A_360, %pack3A_286 : vector<32xbf16>
        %add3A_486 = arith.addf %mul3A_484, %mul3A_485 : vector<32xbf16>
        %mul3A_487 = arith.mulf %bitcast3A_365, %pack3A_289 : vector<32xbf16>
        %mul3A_488 = arith.mulf %bitcast3A_370, %pack3A_292 : vector<32xbf16>
        %add3A_489 = arith.addf %mul3A_487, %mul3A_488 : vector<32xbf16>
        %add3A_490 = arith.addf %add3A_486, %add3A_489 : vector<32xbf16>
        %unpack3A_491 = tpu.unpack_subelements %add3A_490, 0 {pack_format = #tpu.pack_format<interleaved>} : vector<32xbf16> -> vector<16xf32>
        %unpack3A_492 = tpu.unpack_subelements %add3A_490, 1 {pack_format = #tpu.pack_format<interleaved>} : vector<32xbf16> -> vector<16xf32>
        %swap3A_493 = arith.constant 0 : i32
        %swap3A_494 = arith.constant 6 : i32
        %swap3A_495 = arith.constant 0 : i32
        %swap3A_496 = arith.index_cast %swap3A_493 : i32 to index
        %swap3A_497 = arith.index_cast %swap3A_494 : i32 to index
        %swap3A_498 = arith.index_cast %swap3A_495 : i32 to index
        %swap3A_499 = arith.index_cast %mul3A_236 : i32 to index
        %swap3A_500 = tpu.vector_load %arg12[%swap3A_496, %swap3A_497, %swap3A_498, %swap3A_499] {strides = array<i32>} : memref<2x12x4x512xf32, #tpu.memory_space<vmem>>, vector<16xf32>,
        tpu.vector_store %arg12[%swap3A_496, %swap3A_497, %swap3A_498, %swap3A_499], %unpack3A_491 {strides = array<i32>} : memref<2x12x4x512xf32, #tpu.memory_space<vmem>>, vector<16xf32>,
        %swap3A_501 = arith.constant 0 : i32
        %swap3A_502 = arith.constant 7 : i32
        %swap3A_503 = arith.constant 0 : i32
        %swap3A_504 = arith.index_cast %swap3A_501 : i32 to index
        %swap3A_505 = arith.index_cast %swap3A_502 : i32 to index
        %swap3A_506 = arith.index_cast %swap3A_503 : i32 to index
        %swap3A_507 = arith.index_cast %mul3A_236 : i32 to index
        %swap3A_508 = tpu.vector_load %arg12[%swap3A_504, %swap3A_505, %swap3A_506, %swap3A_507] {strides = array<i32>} : memref<2x12x4x512xf32, #tpu.memory_space<vmem>>, vector<16xf32>,
        tpu.vector_store %arg12[%swap3A_504, %swap3A_505, %swap3A_506, %swap3A_507], %unpack3A_492 {strides = array<i32>} : memref<2x12x4x512xf32, #tpu.memory_space<vmem>>, vector<16xf32>,
        %mul3A_509 = arith.mulf %bitcast3A_375, %pack3A : vector<32xbf16>
        %mul3A_510 = arith.mulf %bitcast3A_380, %pack3A_286 : vector<32xbf16>
        %add3A_511 = arith.addf %mul3A_509, %mul3A_510 : vector<32xbf16>
        %mul3A_512 = arith.mulf %bitcast3A_385, %pack3A_289 : vector<32xbf16>
        %mul3A_513 = arith.mulf %bitcast3A_390, %pack3A_292 : vector<32xbf16>
        %add3A_514 = arith.addf %mul3A_512, %mul3A_513 : vector<32xbf16>
        %add3A_515 = arith.addf %add3A_511, %add3A_514 : vector<32xbf16>
        %unpack3A_516 = tpu.unpack_subelements %add3A_515, 0 {pack_format = #tpu.pack_format<interleaved>} : vector<32xbf16> -> vector<16xf32>
        %unpack3A_517 = tpu.unpack_subelements %add3A_515, 1 {pack_format = #tpu.pack_format<interleaved>} : vector<32xbf16> -> vector<16xf32>
        %swap3A_518 = arith.constant 0 : i32
        %swap3A_519 = arith.constant 8 : i32
        %swap3A_520 = arith.constant 0 : i32
        %swap3A_521 = arith.index_cast %swap3A_518 : i32 to index
        %swap3A_522 = arith.index_cast %swap3A_519 : i32 to index
        %swap3A_523 = arith.index_cast %swap3A_520 : i32 to index
        %swap3A_524 = arith.index_cast %mul3A_236 : i32 to index
        %swap3A_525 = tpu.vector_load %arg12[%swap3A_521, %swap3A_522, %swap3A_523, %swap3A_524] {strides = array<i32>} : memref<2x12x4x512xf32, #tpu.memory_space<vmem>>, vector<16xf32>,
        tpu.vector_store %arg12[%swap3A_521, %swap3A_522, %swap3A_523, %swap3A_524], %unpack3A_516 {strides = array<i32>} : memref<2x12x4x512xf32, #tpu.memory_space<vmem>>, vector<16xf32>,
        %swap3A_526 = arith.constant 0 : i32
        %swap3A_527 = arith.constant 9 : i32
        %swap3A_528 = arith.constant 0 : i32
        %swap3A_529 = arith.index_cast %swap3A_526 : i32 to index
        %swap3A_530 = arith.index_cast %swap3A_527 : i32 to index
        %swap3A_531 = arith.index_cast %swap3A_528 : i32 to index
        %swap3A_532 = arith.index_cast %mul3A_236 : i32 to index
        %swap3A_533 = tpu.vector_load %arg12[%swap3A_529, %swap3A_530, %swap3A_531, %swap3A_532] {strides = array<i32>} : memref<2x12x4x512xf32, #tpu.memory_space<vmem>>, vector<16xf32>,
        tpu.vector_store %arg12[%swap3A_529, %swap3A_530, %swap3A_531, %swap3A_532], %unpack3A_517 {strides = array<i32>} : memref<2x12x4x512xf32, #tpu.memory_space<vmem>>, vector<16xf32>,
        %mul3A_534 = arith.mulf %bitcast3A_395, %pack3A : vector<32xbf16>
        %mul3A_535 = arith.mulf %bitcast3A_400, %pack3A_286 : vector<32xbf16>
        %add3A_536 = arith.addf %mul3A_534, %mul3A_535 : vector<32xbf16>
        %mul3A_537 = arith.mulf %bitcast3A_405, %pack3A_289 : vector<32xbf16>
        %mul3A_538 = arith.mulf %bitcast3A_410, %pack3A_292 : vector<32xbf16>
        %add3A_539 = arith.addf %mul3A_537, %mul3A_538 : vector<32xbf16>
        %add3A_540 = arith.addf %add3A_536, %add3A_539 : vector<32xbf16>
        %unpack3A_541 = tpu.unpack_subelements %add3A_540, 0 {pack_format = #tpu.pack_format<interleaved>} : vector<32xbf16> -> vector<16xf32>
        %unpack3A_542 = tpu.unpack_subelements %add3A_540, 1 {pack_format = #tpu.pack_format<interleaved>} : vector<32xbf16> -> vector<16xf32>
        %swap3A_543 = arith.constant 0 : i32
        %swap3A_544 = arith.constant 10 : i32
        %swap3A_545 = arith.constant 0 : i32
        %swap3A_546 = arith.index_cast %swap3A_543 : i32 to index
        %swap3A_547 = arith.index_cast %swap3A_544 : i32 to index
        %swap3A_548 = arith.index_cast %swap3A_545 : i32 to index
        %swap3A_549 = arith.index_cast %mul3A_236 : i32 to index
        %swap3A_550 = tpu.vector_load %arg12[%swap3A_546, %swap3A_547, %swap3A_548, %swap3A_549] {strides = array<i32>} : memref<2x12x4x512xf32, #tpu.memory_space<vmem>>, vector<16xf32>,
        tpu.vector_store %arg12[%swap3A_546, %swap3A_547, %swap3A_548, %swap3A_549], %unpack3A_541 {strides = array<i32>} : memref<2x12x4x512xf32, #tpu.memory_space<vmem>>, vector<16xf32>,
        %swap3A_551 = arith.constant 0 : i32
        %swap3A_552 = arith.constant 11 : i32
        %swap3A_553 = arith.constant 0 : i32
        %swap3A_554 = arith.index_cast %swap3A_551 : i32 to index
        %swap3A_555 = arith.index_cast %swap3A_552 : i32 to index
        %swap3A_556 = arith.index_cast %swap3A_553 : i32 to index
        %swap3A_557 = arith.index_cast %mul3A_236 : i32 to index
        %swap3A_558 = tpu.vector_load %arg12[%swap3A_554, %swap3A_555, %swap3A_556, %swap3A_557] {strides = array<i32>} : memref<2x12x4x512xf32, #tpu.memory_space<vmem>>, vector<16xf32>,
        tpu.vector_store %arg12[%swap3A_554, %swap3A_555, %swap3A_556, %swap3A_557], %unpack3A_542 {strides = array<i32>} : memref<2x12x4x512xf32, #tpu.memory_space<vmem>>, vector<16xf32>,
        %get3A_559 = arith.constant 0 : i32
        %get3A_560 = arith.constant 1 : i32
        %get3A_561 = arith.index_cast %get3A_559 : i32 to index
        %get3A_562 = arith.index_cast %get3A_560 : i32 to index
        %get3A_563 = arith.index_cast %mul3A_236 : i32 to index
        %get3A_564 = tpu.vector_load %arg11[%get3A_561, %get3A_562, %get3A_563] {strides = array<i32>} : memref<2x4x512xf32, #tpu.memory_space<vmem>>, vector<16xf32>,
        %add3A_565 = arith.constant 1.000000e+00 : f32
        %add3A_566 = vector.broadcast %add3A_565 : f32 to vector<16xf32>
        %add3A_567 = arith.addf %get3A_564, %add3A_566 : vector<16xf32>
        %mul3A_568 = arith.constant 3.500000e+00 : f32
        %mul3A_569 = vector.broadcast %mul3A_568 : f32 to vector<16xf32>
        %mul3A_570 = arith.mulf %add3A_567, %mul3A_569 : vector<16xf32>
        %jit3A_571 = arith.constant 0.000000e+00 : f32
        %jit3A_572 = arith.constant 7.000000e+00 : f32
        %max3A_573 = vector.broadcast %jit3A_571 : f32 to vector<16xf32>
        %max3A_574 = arith.maximumf %max3A_573, %mul3A_570 : vector<16xf32>
        %min3A_575 = vector.broadcast %jit3A_572 : f32 to vector<16xf32>
        %min3A_576 = arith.minimumf %min3A_575, %max3A_574 : vector<16xf32>
        %convert_element_type3A_577 = arith.fptosi %min3A_576 : vector<16xf32> to vector<16xi32>
        %convert_element_type3A_578 = arith.sitofp %convert_element_type3A_577 : vector<16xi32> to vector<16xf32>
        %sub3A_579 = arith.subf %min3A_576, %convert_element_type3A_578 : vector<16xf32>
        %add3A_580 = arith.constant 1 : i32
        %add3A_581 = vector.broadcast %add3A_580 : i32 to vector<16xi32>
        %add3A_582 = arith.addi %convert_element_type3A_577, %add3A_581 : vector<16xi32>
        %min3A_583 = arith.constant 7 : i32
        %min3A_584 = vector.broadcast %min3A_583 : i32 to vector<16xi32>
        %min3A_585 = arith.minsi %add3A_582, %min3A_584 : vector<16xi32>
        %mul3A_586 = arith.constant 7 : i32
        %mul3A_587 = vector.broadcast %mul3A_586 : i32 to vector<16xi32>
        %mul3A_588 = arith.muli %convert_element_type3A_577, %mul3A_587 : vector<16xi32>
        %mul3A_589 = arith.constant 7 : i32
        %mul3A_590 = vector.broadcast %mul3A_589 : i32 to vector<16xi32>
        %mul3A_591 = arith.muli %min3A_585, %mul3A_590 : vector<16xi32>
        %add3A_592 = arith.addi %mul3A_588, %get3A_237 : vector<16xi32>
        %add3A_593 = arith.addi %mul3A_588, %get3A_239 : vector<16xi32>
        %add3A_594 = arith.addi %mul3A_591, %get3A_237 : vector<16xi32>
        %add3A_595 = arith.addi %mul3A_591, %get3A_239 : vector<16xi32>
        %sub3A_596 = arith.constant 1.000000e+00 : f32
        %sub3A_597 = vector.broadcast %sub3A_596 : f32 to vector<16xf32>
        %sub3A_598 = arith.subf %sub3A_597, %sub3A_579 : vector<16xf32>
        %mul3A_599 = arith.mulf %sub3A_598, %get3A_243 : vector<16xf32>
        %mul3A_600 = arith.mulf %sub3A_598, %get3A_243 : vector<16xf32>
        %pack3A_601 = tpu.pack_subelements %mul3A_599, %mul3A_600 {pack_format = #tpu.pack_format<interleaved>, positions = array<i32: 0, 1>} : vector<16xf32>, vector<16xf32> -> vector<32xbf16>
        %mul3A_602 = arith.mulf %sub3A_598, %get3A_241 : vector<16xf32>
        %mul3A_603 = arith.mulf %sub3A_598, %get3A_241 : vector<16xf32>
        %pack3A_604 = tpu.pack_subelements %mul3A_602, %mul3A_603 {pack_format = #tpu.pack_format<interleaved>, positions = array<i32: 0, 1>} : vector<16xf32>, vector<16xf32> -> vector<32xbf16>
        %mul3A_605 = arith.mulf %sub3A_579, %get3A_243 : vector<16xf32>
        %mul3A_606 = arith.mulf %sub3A_579, %get3A_243 : vector<16xf32>
        %pack3A_607 = tpu.pack_subelements %mul3A_605, %mul3A_606 {pack_format = #tpu.pack_format<interleaved>, positions = array<i32: 0, 1>} : vector<16xf32>, vector<16xf32> -> vector<32xbf16>
        %mul3A_608 = arith.mulf %sub3A_579, %get3A_241 : vector<16xf32>
        %mul3A_609 = arith.mulf %sub3A_579, %get3A_241 : vector<16xf32>
        %pack3A_610 = tpu.pack_subelements %mul3A_608, %mul3A_609 {pack_format = #tpu.pack_format<interleaved>, positions = array<i32: 0, 1>} : vector<16xf32>, vector<16xf32> -> vector<32xbf16>
        %add3A_611 = arith.constant 896 : i32
        %add3A_612 = vector.broadcast %add3A_611 : i32 to vector<16xi32>
        %add3A_613 = arith.addi %add3A_592, %add3A_612 : vector<16xi32>
        %gather3A_614 = tpu.vector_load_idx %arg10[%add3A_613] : memref<3584xi32, #tpu.memory_space<vmem>>[vector<16xi32>], vector<16xi32>,
        %bitcast3A_615 = vector.bitcast %gather3A_614 : vector<16xi32> to vector<32xbf16>
        %add3A_616 = arith.constant 896 : i32
        %add3A_617 = vector.broadcast %add3A_616 : i32 to vector<16xi32>
        %add3A_618 = arith.addi %add3A_593, %add3A_617 : vector<16xi32>
        %gather3A_619 = tpu.vector_load_idx %arg10[%add3A_618] : memref<3584xi32, #tpu.memory_space<vmem>>[vector<16xi32>], vector<16xi32>,
        %bitcast3A_620 = vector.bitcast %gather3A_619 : vector<16xi32> to vector<32xbf16>
        %add3A_621 = arith.constant 896 : i32
        %add3A_622 = vector.broadcast %add3A_621 : i32 to vector<16xi32>
        %add3A_623 = arith.addi %add3A_594, %add3A_622 : vector<16xi32>
        %gather3A_624 = tpu.vector_load_idx %arg10[%add3A_623] : memref<3584xi32, #tpu.memory_space<vmem>>[vector<16xi32>], vector<16xi32>,
        %bitcast3A_625 = vector.bitcast %gather3A_624 : vector<16xi32> to vector<32xbf16>
        %add3A_626 = arith.constant 896 : i32
        %add3A_627 = vector.broadcast %add3A_626 : i32 to vector<16xi32>
        %add3A_628 = arith.addi %add3A_595, %add3A_627 : vector<16xi32>
        %gather3A_629 = tpu.vector_load_idx %arg10[%add3A_628] : memref<3584xi32, #tpu.memory_space<vmem>>[vector<16xi32>], vector<16xi32>,
        %bitcast3A_630 = vector.bitcast %gather3A_629 : vector<16xi32> to vector<32xbf16>
        %add3A_631 = arith.constant 897 : i32
        %add3A_632 = vector.broadcast %add3A_631 : i32 to vector<16xi32>
        %add3A_633 = arith.addi %add3A_592, %add3A_632 : vector<16xi32>
        %gather3A_634 = tpu.vector_load_idx %arg10[%add3A_633] : memref<3584xi32, #tpu.memory_space<vmem>>[vector<16xi32>], vector<16xi32>,
        %bitcast3A_635 = vector.bitcast %gather3A_634 : vector<16xi32> to vector<32xbf16>
        %add3A_636 = arith.constant 897 : i32
        %add3A_637 = vector.broadcast %add3A_636 : i32 to vector<16xi32>
        %add3A_638 = arith.addi %add3A_593, %add3A_637 : vector<16xi32>
        %gather3A_639 = tpu.vector_load_idx %arg10[%add3A_638] : memref<3584xi32, #tpu.memory_space<vmem>>[vector<16xi32>], vector<16xi32>,
        %bitcast3A_640 = vector.bitcast %gather3A_639 : vector<16xi32> to vector<32xbf16>
        %add3A_641 = arith.constant 897 : i32
        %add3A_642 = vector.broadcast %add3A_641 : i32 to vector<16xi32>
        %add3A_643 = arith.addi %add3A_594, %add3A_642 : vector<16xi32>
        %gather3A_644 = tpu.vector_load_idx %arg10[%add3A_643] : memref<3584xi32, #tpu.memory_space<vmem>>[vector<16xi32>], vector<16xi32>,
        %bitcast3A_645 = vector.bitcast %gather3A_644 : vector<16xi32> to vector<32xbf16>
        %add3A_646 = arith.constant 897 : i32
        %add3A_647 = vector.broadcast %add3A_646 : i32 to vector<16xi32>
        %add3A_648 = arith.addi %add3A_595, %add3A_647 : vector<16xi32>
        %gather3A_649 = tpu.vector_load_idx %arg10[%add3A_648] : memref<3584xi32, #tpu.memory_space<vmem>>[vector<16xi32>], vector<16xi32>,
        %bitcast3A_650 = vector.bitcast %gather3A_649 : vector<16xi32> to vector<32xbf16>
        %add3A_651 = arith.constant 898 : i32
        %add3A_652 = vector.broadcast %add3A_651 : i32 to vector<16xi32>
        %add3A_653 = arith.addi %add3A_592, %add3A_652 : vector<16xi32>
        %gather3A_654 = tpu.vector_load_idx %arg10[%add3A_653] : memref<3584xi32, #tpu.memory_space<vmem>>[vector<16xi32>], vector<16xi32>,
        %bitcast3A_655 = vector.bitcast %gather3A_654 : vector<16xi32> to vector<32xbf16>
        %add3A_656 = arith.constant 898 : i32
        %add3A_657 = vector.broadcast %add3A_656 : i32 to vector<16xi32>
        %add3A_658 = arith.addi %add3A_593, %add3A_657 : vector<16xi32>
        %gather3A_659 = tpu.vector_load_idx %arg10[%add3A_658] : memref<3584xi32, #tpu.memory_space<vmem>>[vector<16xi32>], vector<16xi32>,
        %bitcast3A_660 = vector.bitcast %gather3A_659 : vector<16xi32> to vector<32xbf16>
        %add3A_661 = arith.constant 898 : i32
        %add3A_662 = vector.broadcast %add3A_661 : i32 to vector<16xi32>
        %add3A_663 = arith.addi %add3A_594, %add3A_662 : vector<16xi32>
        %gather3A_664 = tpu.vector_load_idx %arg10[%add3A_663] : memref<3584xi32, #tpu.memory_space<vmem>>[vector<16xi32>], vector<16xi32>,
        %bitcast3A_665 = vector.bitcast %gather3A_664 : vector<16xi32> to vector<32xbf16>
        %add3A_666 = arith.constant 898 : i32
        %add3A_667 = vector.broadcast %add3A_666 : i32 to vector<16xi32>
        %add3A_668 = arith.addi %add3A_595, %add3A_667 : vector<16xi32>
        %gather3A_669 = tpu.vector_load_idx %arg10[%add3A_668] : memref<3584xi32, #tpu.memory_space<vmem>>[vector<16xi32>], vector<16xi32>,
        %bitcast3A_670 = vector.bitcast %gather3A_669 : vector<16xi32> to vector<32xbf16>
        %add3A_671 = arith.constant 899 : i32
        %add3A_672 = vector.broadcast %add3A_671 : i32 to vector<16xi32>
        %add3A_673 = arith.addi %add3A_592, %add3A_672 : vector<16xi32>
        %gather3A_674 = tpu.vector_load_idx %arg10[%add3A_673] : memref<3584xi32, #tpu.memory_space<vmem>>[vector<16xi32>], vector<16xi32>,
        %bitcast3A_675 = vector.bitcast %gather3A_674 : vector<16xi32> to vector<32xbf16>
        %add3A_676 = arith.constant 899 : i32
        %add3A_677 = vector.broadcast %add3A_676 : i32 to vector<16xi32>
        %add3A_678 = arith.addi %add3A_593, %add3A_677 : vector<16xi32>
        %gather3A_679 = tpu.vector_load_idx %arg10[%add3A_678] : memref<3584xi32, #tpu.memory_space<vmem>>[vector<16xi32>], vector<16xi32>,
        %bitcast3A_680 = vector.bitcast %gather3A_679 : vector<16xi32> to vector<32xbf16>
        %add3A_681 = arith.constant 899 : i32
        %add3A_682 = vector.broadcast %add3A_681 : i32 to vector<16xi32>
        %add3A_683 = arith.addi %add3A_594, %add3A_682 : vector<16xi32>
        %gather3A_684 = tpu.vector_load_idx %arg10[%add3A_683] : memref<3584xi32, #tpu.memory_space<vmem>>[vector<16xi32>], vector<16xi32>,
        %bitcast3A_685 = vector.bitcast %gather3A_684 : vector<16xi32> to vector<32xbf16>
        %add3A_686 = arith.constant 899 : i32
        %add3A_687 = vector.broadcast %add3A_686 : i32 to vector<16xi32>
        %add3A_688 = arith.addi %add3A_595, %add3A_687 : vector<16xi32>
        %gather3A_689 = tpu.vector_load_idx %arg10[%add3A_688] : memref<3584xi32, #tpu.memory_space<vmem>>[vector<16xi32>], vector<16xi32>,
        %bitcast3A_690 = vector.bitcast %gather3A_689 : vector<16xi32> to vector<32xbf16>
        %add3A_691 = arith.constant 900 : i32
        %add3A_692 = vector.broadcast %add3A_691 : i32 to vector<16xi32>
        %add3A_693 = arith.addi %add3A_592, %add3A_692 : vector<16xi32>
        %gather3A_694 = tpu.vector_load_idx %arg10[%add3A_693] : memref<3584xi32, #tpu.memory_space<vmem>>[vector<16xi32>], vector<16xi32>,
        %bitcast3A_695 = vector.bitcast %gather3A_694 : vector<16xi32> to vector<32xbf16>
        %add3A_696 = arith.constant 900 : i32
        %add3A_697 = vector.broadcast %add3A_696 : i32 to vector<16xi32>
        %add3A_698 = arith.addi %add3A_593, %add3A_697 : vector<16xi32>
        %gather3A_699 = tpu.vector_load_idx %arg10[%add3A_698] : memref<3584xi32, #tpu.memory_space<vmem>>[vector<16xi32>], vector<16xi32>,
        %bitcast3A_700 = vector.bitcast %gather3A_699 : vector<16xi32> to vector<32xbf16>
        %add3A_701 = arith.constant 900 : i32
        %add3A_702 = vector.broadcast %add3A_701 : i32 to vector<16xi32>
        %add3A_703 = arith.addi %add3A_594, %add3A_702 : vector<16xi32>
        %gather3A_704 = tpu.vector_load_idx %arg10[%add3A_703] : memref<3584xi32, #tpu.memory_space<vmem>>[vector<16xi32>], vector<16xi32>,
        %bitcast3A_705 = vector.bitcast %gather3A_704 : vector<16xi32> to vector<32xbf16>
        %add3A_706 = arith.constant 900 : i32
        %add3A_707 = vector.broadcast %add3A_706 : i32 to vector<16xi32>
        %add3A_708 = arith.addi %add3A_595, %add3A_707 : vector<16xi32>
        %gather3A_709 = tpu.vector_load_idx %arg10[%add3A_708] : memref<3584xi32, #tpu.memory_space<vmem>>[vector<16xi32>], vector<16xi32>,
        %bitcast3A_710 = vector.bitcast %gather3A_709 : vector<16xi32> to vector<32xbf16>
        %add3A_711 = arith.constant 901 : i32
        %add3A_712 = vector.broadcast %add3A_711 : i32 to vector<16xi32>
        %add3A_713 = arith.addi %add3A_592, %add3A_712 : vector<16xi32>
        %gather3A_714 = tpu.vector_load_idx %arg10[%add3A_713] : memref<3584xi32, #tpu.memory_space<vmem>>[vector<16xi32>], vector<16xi32>,
        %bitcast3A_715 = vector.bitcast %gather3A_714 : vector<16xi32> to vector<32xbf16>
        %add3A_716 = arith.constant 901 : i32
        %add3A_717 = vector.broadcast %add3A_716 : i32 to vector<16xi32>
        %add3A_718 = arith.addi %add3A_593, %add3A_717 : vector<16xi32>
        %gather3A_719 = tpu.vector_load_idx %arg10[%add3A_718] : memref<3584xi32, #tpu.memory_space<vmem>>[vector<16xi32>], vector<16xi32>,
        %bitcast3A_720 = vector.bitcast %gather3A_719 : vector<16xi32> to vector<32xbf16>
        %add3A_721 = arith.constant 901 : i32
        %add3A_722 = vector.broadcast %add3A_721 : i32 to vector<16xi32>
        %add3A_723 = arith.addi %add3A_594, %add3A_722 : vector<16xi32>
        %gather3A_724 = tpu.vector_load_idx %arg10[%add3A_723] : memref<3584xi32, #tpu.memory_space<vmem>>[vector<16xi32>], vector<16xi32>,
        %bitcast3A_725 = vector.bitcast %gather3A_724 : vector<16xi32> to vector<32xbf16>
        %add3A_726 = arith.constant 901 : i32
        %add3A_727 = vector.broadcast %add3A_726 : i32 to vector<16xi32>
        %add3A_728 = arith.addi %add3A_595, %add3A_727 : vector<16xi32>
        %gather3A_729 = tpu.vector_load_idx %arg10[%add3A_728] : memref<3584xi32, #tpu.memory_space<vmem>>[vector<16xi32>], vector<16xi32>,
        %bitcast3A_730 = vector.bitcast %gather3A_729 : vector<16xi32> to vector<32xbf16>
        %mul3A_731 = arith.mulf %bitcast3A_615, %pack3A_601 : vector<32xbf16>
        %mul3A_732 = arith.mulf %bitcast3A_620, %pack3A_604 : vector<32xbf16>
        %add3A_733 = arith.addf %mul3A_731, %mul3A_732 : vector<32xbf16>
        %mul3A_734 = arith.mulf %bitcast3A_625, %pack3A_607 : vector<32xbf16>
        %mul3A_735 = arith.mulf %bitcast3A_630, %pack3A_610 : vector<32xbf16>
        %add3A_736 = arith.addf %mul3A_734, %mul3A_735 : vector<32xbf16>
        %add3A_737 = arith.addf %add3A_733, %add3A_736 : vector<32xbf16>
        %unpack3A_738 = tpu.unpack_subelements %add3A_737, 0 {pack_format = #tpu.pack_format<interleaved>} : vector<32xbf16> -> vector<16xf32>
        %unpack3A_739 = tpu.unpack_subelements %add3A_737, 1 {pack_format = #tpu.pack_format<interleaved>} : vector<32xbf16> -> vector<16xf32>
        %swap3A_740 = arith.constant 0 : i32
        %swap3A_741 = arith.constant 0 : i32
        %swap3A_742 = arith.constant 1 : i32
        %swap3A_743 = arith.index_cast %swap3A_740 : i32 to index
        %swap3A_744 = arith.index_cast %swap3A_741 : i32 to index
        %swap3A_745 = arith.index_cast %swap3A_742 : i32 to index
        %swap3A_746 = arith.index_cast %mul3A_236 : i32 to index
        %swap3A_747 = tpu.vector_load %arg12[%swap3A_743, %swap3A_744, %swap3A_745, %swap3A_746] {strides = array<i32>} : memref<2x12x4x512xf32, #tpu.memory_space<vmem>>, vector<16xf32>,
        tpu.vector_store %arg12[%swap3A_743, %swap3A_744, %swap3A_745, %swap3A_746], %unpack3A_738 {strides = array<i32>} : memref<2x12x4x512xf32, #tpu.memory_space<vmem>>, vector<16xf32>,
        %swap3A_748 = arith.constant 0 : i32
        %swap3A_749 = arith.constant 1 : i32
        %swap3A_750 = arith.constant 1 : i32
        %swap3A_751 = arith.index_cast %swap3A_748 : i32 to index
        %swap3A_752 = arith.index_cast %swap3A_749 : i32 to index
        %swap3A_753 = arith.index_cast %swap3A_750 : i32 to index
        %swap3A_754 = arith.index_cast %mul3A_236 : i32 to index
        %swap3A_755 = tpu.vector_load %arg12[%swap3A_751, %swap3A_752, %swap3A_753, %swap3A_754] {strides = array<i32>} : memref<2x12x4x512xf32, #tpu.memory_space<vmem>>, vector<16xf32>,
        tpu.vector_store %arg12[%swap3A_751, %swap3A_752, %swap3A_753, %swap3A_754], %unpack3A_739 {strides = array<i32>} : memref<2x12x4x512xf32, #tpu.memory_space<vmem>>, vector<16xf32>,
        %mul3A_756 = arith.mulf %bitcast3A_635, %pack3A_601 : vector<32xbf16>
        %mul3A_757 = arith.mulf %bitcast3A_640, %pack3A_604 : vector<32xbf16>
        %add3A_758 = arith.addf %mul3A_756, %mul3A_757 : vector<32xbf16>
        %mul3A_759 = arith.mulf %bitcast3A_645, %pack3A_607 : vector<32xbf16>
        %mul3A_760 = arith.mulf %bitcast3A_650, %pack3A_610 : vector<32xbf16>
        %add3A_761 = arith.addf %mul3A_759, %mul3A_760 : vector<32xbf16>
        %add3A_762 = arith.addf %add3A_758, %add3A_761 : vector<32xbf16>
        %unpack3A_763 = tpu.unpack_subelements %add3A_762, 0 {pack_format = #tpu.pack_format<interleaved>} : vector<32xbf16> -> vector<16xf32>
        %unpack3A_764 = tpu.unpack_subelements %add3A_762, 1 {pack_format = #tpu.pack_format<interleaved>} : vector<32xbf16> -> vector<16xf32>
        %swap3A_765 = arith.constant 0 : i32
        %swap3A_766 = arith.constant 2 : i32
        %swap3A_767 = arith.constant 1 : i32
        %swap3A_768 = arith.index_cast %swap3A_765 : i32 to index
        %swap3A_769 = arith.index_cast %swap3A_766 : i32 to index
        %swap3A_770 = arith.index_cast %swap3A_767 : i32 to index
        %swap3A_771 = arith.index_cast %mul3A_236 : i32 to index
        %swap3A_772 = tpu.vector_load %arg12[%swap3A_768, %swap3A_769, %swap3A_770, %swap3A_771] {strides = array<i32>} : memref<2x12x4x512xf32, #tpu.memory_space<vmem>>, vector<16xf32>,
        tpu.vector_store %arg12[%swap3A_768, %swap3A_769, %swap3A_770, %swap3A_771], %unpack3A_763 {strides = array<i32>} : memref<2x12x4x512xf32, #tpu.memory_space<vmem>>, vector<16xf32>,
        %swap3A_773 = arith.constant 0 : i32
        %swap3A_774 = arith.constant 3 : i32
        %swap3A_775 = arith.constant 1 : i32
        %swap3A_776 = arith.index_cast %swap3A_773 : i32 to index
        %swap3A_777 = arith.index_cast %swap3A_774 : i32 to index
        %swap3A_778 = arith.index_cast %swap3A_775 : i32 to index
        %swap3A_779 = arith.index_cast %mul3A_236 : i32 to index
        %swap3A_780 = tpu.vector_load %arg12[%swap3A_776, %swap3A_777, %swap3A_778, %swap3A_779] {strides = array<i32>} : memref<2x12x4x512xf32, #tpu.memory_space<vmem>>, vector<16xf32>,
        tpu.vector_store %arg12[%swap3A_776, %swap3A_777, %swap3A_778, %swap3A_779], %unpack3A_764 {strides = array<i32>} : memref<2x12x4x512xf32, #tpu.memory_space<vmem>>, vector<16xf32>,
        %mul3A_781 = arith.mulf %bitcast3A_655, %pack3A_601 : vector<32xbf16>
        %mul3A_782 = arith.mulf %bitcast3A_660, %pack3A_604 : vector<32xbf16>
        %add3A_783 = arith.addf %mul3A_781, %mul3A_782 : vector<32xbf16>
        %mul3A_784 = arith.mulf %bitcast3A_665, %pack3A_607 : vector<32xbf16>
        %mul3A_785 = arith.mulf %bitcast3A_670, %pack3A_610 : vector<32xbf16>
        %add3A_786 = arith.addf %mul3A_784, %mul3A_785 : vector<32xbf16>
        %add3A_787 = arith.addf %add3A_783, %add3A_786 : vector<32xbf16>
        %unpack3A_788 = tpu.unpack_subelements %add3A_787, 0 {pack_format = #tpu.pack_format<interleaved>} : vector<32xbf16> -> vector<16xf32>
        %unpack3A_789 = tpu.unpack_subelements %add3A_787, 1 {pack_format = #tpu.pack_format<interleaved>} : vector<32xbf16> -> vector<16xf32>
        %swap3A_790 = arith.constant 0 : i32
        %swap3A_791 = arith.constant 4 : i32
        %swap3A_792 = arith.constant 1 : i32
        %swap3A_793 = arith.index_cast %swap3A_790 : i32 to index
        %swap3A_794 = arith.index_cast %swap3A_791 : i32 to index
        %swap3A_795 = arith.index_cast %swap3A_792 : i32 to index
        %swap3A_796 = arith.index_cast %mul3A_236 : i32 to index
        %swap3A_797 = tpu.vector_load %arg12[%swap3A_793, %swap3A_794, %swap3A_795, %swap3A_796] {strides = array<i32>} : memref<2x12x4x512xf32, #tpu.memory_space<vmem>>, vector<16xf32>,
        tpu.vector_store %arg12[%swap3A_793, %swap3A_794, %swap3A_795, %swap3A_796], %unpack3A_788 {strides = array<i32>} : memref<2x12x4x512xf32, #tpu.memory_space<vmem>>, vector<16xf32>,
        %swap3A_798 = arith.constant 0 : i32
        %swap3A_799 = arith.constant 5 : i32
        %swap3A_800 = arith.constant 1 : i32
        %swap3A_801 = arith.index_cast %swap3A_798 : i32 to index
        %swap3A_802 = arith.index_cast %swap3A_799 : i32 to index
        %swap3A_803 = arith.index_cast %swap3A_800 : i32 to index
        %swap3A_804 = arith.index_cast %mul3A_236 : i32 to index
        %swap3A_805 = tpu.vector_load %arg12[%swap3A_801, %swap3A_802, %swap3A_803, %swap3A_804] {strides = array<i32>} : memref<2x12x4x512xf32, #tpu.memory_space<vmem>>, vector<16xf32>,
        tpu.vector_store %arg12[%swap3A_801, %swap3A_802, %swap3A_803, %swap3A_804], %unpack3A_789 {strides = array<i32>} : memref<2x12x4x512xf32, #tpu.memory_space<vmem>>, vector<16xf32>,
        %mul3A_806 = arith.mulf %bitcast3A_675, %pack3A_601 : vector<32xbf16>
        %mul3A_807 = arith.mulf %bitcast3A_680, %pack3A_604 : vector<32xbf16>
        %add3A_808 = arith.addf %mul3A_806, %mul3A_807 : vector<32xbf16>
        %mul3A_809 = arith.mulf %bitcast3A_685, %pack3A_607 : vector<32xbf16>
        %mul3A_810 = arith.mulf %bitcast3A_690, %pack3A_610 : vector<32xbf16>
        %add3A_811 = arith.addf %mul3A_809, %mul3A_810 : vector<32xbf16>
        %add3A_812 = arith.addf %add3A_808, %add3A_811 : vector<32xbf16>
        %unpack3A_813 = tpu.unpack_subelements %add3A_812, 0 {pack_format = #tpu.pack_format<interleaved>} : vector<32xbf16> -> vector<16xf32>
        %unpack3A_814 = tpu.unpack_subelements %add3A_812, 1 {pack_format = #tpu.pack_format<interleaved>} : vector<32xbf16> -> vector<16xf32>
        %swap3A_815 = arith.constant 0 : i32
        %swap3A_816 = arith.constant 6 : i32
        %swap3A_817 = arith.constant 1 : i32
        %swap3A_818 = arith.index_cast %swap3A_815 : i32 to index
        %swap3A_819 = arith.index_cast %swap3A_816 : i32 to index
        %swap3A_820 = arith.index_cast %swap3A_817 : i32 to index
        %swap3A_821 = arith.index_cast %mul3A_236 : i32 to index
        %swap3A_822 = tpu.vector_load %arg12[%swap3A_818, %swap3A_819, %swap3A_820, %swap3A_821] {strides = array<i32>} : memref<2x12x4x512xf32, #tpu.memory_space<vmem>>, vector<16xf32>,
        tpu.vector_store %arg12[%swap3A_818, %swap3A_819, %swap3A_820, %swap3A_821], %unpack3A_813 {strides = array<i32>} : memref<2x12x4x512xf32, #tpu.memory_space<vmem>>, vector<16xf32>,
        %swap3A_823 = arith.constant 0 : i32
        %swap3A_824 = arith.constant 7 : i32
        %swap3A_825 = arith.constant 1 : i32
        %swap3A_826 = arith.index_cast %swap3A_823 : i32 to index
        %swap3A_827 = arith.index_cast %swap3A_824 : i32 to index
        %swap3A_828 = arith.index_cast %swap3A_825 : i32 to index
        %swap3A_829 = arith.index_cast %mul3A_236 : i32 to index
        %swap3A_830 = tpu.vector_load %arg12[%swap3A_826, %swap3A_827, %swap3A_828, %swap3A_829] {strides = array<i32>} : memref<2x12x4x512xf32, #tpu.memory_space<vmem>>, vector<16xf32>,
        tpu.vector_store %arg12[%swap3A_826, %swap3A_827, %swap3A_828, %swap3A_829], %unpack3A_814 {strides = array<i32>} : memref<2x12x4x512xf32, #tpu.memory_space<vmem>>, vector<16xf32>,
        %mul3A_831 = arith.mulf %bitcast3A_695, %pack3A_601 : vector<32xbf16>
        %mul3A_832 = arith.mulf %bitcast3A_700, %pack3A_604 : vector<32xbf16>
        %add3A_833 = arith.addf %mul3A_831, %mul3A_832 : vector<32xbf16>
        %mul3A_834 = arith.mulf %bitcast3A_705, %pack3A_607 : vector<32xbf16>
        %mul3A_835 = arith.mulf %bitcast3A_710, %pack3A_610 : vector<32xbf16>
        %add3A_836 = arith.addf %mul3A_834, %mul3A_835 : vector<32xbf16>
        %add3A_837 = arith.addf %add3A_833, %add3A_836 : vector<32xbf16>
        %unpack3A_838 = tpu.unpack_subelements %add3A_837, 0 {pack_format = #tpu.pack_format<interleaved>} : vector<32xbf16> -> vector<16xf32>
        %unpack3A_839 = tpu.unpack_subelements %add3A_837, 1 {pack_format = #tpu.pack_format<interleaved>} : vector<32xbf16> -> vector<16xf32>
        %swap3A_840 = arith.constant 0 : i32
        %swap3A_841 = arith.constant 8 : i32
        %swap3A_842 = arith.constant 1 : i32
        %swap3A_843 = arith.index_cast %swap3A_840 : i32 to index
        %swap3A_844 = arith.index_cast %swap3A_841 : i32 to index
        %swap3A_845 = arith.index_cast %swap3A_842 : i32 to index
        %swap3A_846 = arith.index_cast %mul3A_236 : i32 to index
        %swap3A_847 = tpu.vector_load %arg12[%swap3A_843, %swap3A_844, %swap3A_845, %swap3A_846] {strides = array<i32>} : memref<2x12x4x512xf32, #tpu.memory_space<vmem>>, vector<16xf32>,
        tpu.vector_store %arg12[%swap3A_843, %swap3A_844, %swap3A_845, %swap3A_846], %unpack3A_838 {strides = array<i32>} : memref<2x12x4x512xf32, #tpu.memory_space<vmem>>, vector<16xf32>,
        %swap3A_848 = arith.constant 0 : i32
        %swap3A_849 = arith.constant 9 : i32
        %swap3A_850 = arith.constant 1 : i32
        %swap3A_851 = arith.index_cast %swap3A_848 : i32 to index
        %swap3A_852 = arith.index_cast %swap3A_849 : i32 to index
        %swap3A_853 = arith.index_cast %swap3A_850 : i32 to index
        %swap3A_854 = arith.index_cast %mul3A_236 : i32 to index
        %swap3A_855 = tpu.vector_load %arg12[%swap3A_851, %swap3A_852, %swap3A_853, %swap3A_854] {strides = array<i32>} : memref<2x12x4x512xf32, #tpu.memory_space<vmem>>, vector<16xf32>,
        tpu.vector_store %arg12[%swap3A_851, %swap3A_852, %swap3A_853, %swap3A_854], %unpack3A_839 {strides = array<i32>} : memref<2x12x4x512xf32, #tpu.memory_space<vmem>>, vector<16xf32>,
        %mul3A_856 = arith.mulf %bitcast3A_715, %pack3A_601 : vector<32xbf16>
        %mul3A_857 = arith.mulf %bitcast3A_720, %pack3A_604 : vector<32xbf16>
        %add3A_858 = arith.addf %mul3A_856, %mul3A_857 : vector<32xbf16>
        %mul3A_859 = arith.mulf %bitcast3A_725, %pack3A_607 : vector<32xbf16>
        %mul3A_860 = arith.mulf %bitcast3A_730, %pack3A_610 : vector<32xbf16>
        %add3A_861 = arith.addf %mul3A_859, %mul3A_860 : vector<32xbf16>
        %add3A_862 = arith.addf %add3A_858, %add3A_861 : vector<32xbf16>
        %unpack3A_863 = tpu.unpack_subelements %add3A_862, 0 {pack_format = #tpu.pack_format<interleaved>} : vector<32xbf16> -> vector<16xf32>
        %unpack3A_864 = tpu.unpack_subelements %add3A_862, 1 {pack_format = #tpu.pack_format<interleaved>} : vector<32xbf16> -> vector<16xf32>
        %swap3A_865 = arith.constant 0 : i32
        %swap3A_866 = arith.constant 10 : i32
        %swap3A_867 = arith.constant 1 : i32
        %swap3A_868 = arith.index_cast %swap3A_865 : i32 to index
        %swap3A_869 = arith.index_cast %swap3A_866 : i32 to index
        %swap3A_870 = arith.index_cast %swap3A_867 : i32 to index
        %swap3A_871 = arith.index_cast %mul3A_236 : i32 to index
        %swap3A_872 = tpu.vector_load %arg12[%swap3A_868, %swap3A_869, %swap3A_870, %swap3A_871] {strides = array<i32>} : memref<2x12x4x512xf32, #tpu.memory_space<vmem>>, vector<16xf32>,
        tpu.vector_store %arg12[%swap3A_868, %swap3A_869, %swap3A_870, %swap3A_871], %unpack3A_863 {strides = array<i32>} : memref<2x12x4x512xf32, #tpu.memory_space<vmem>>, vector<16xf32>,
        %swap3A_873 = arith.constant 0 : i32
        %swap3A_874 = arith.constant 11 : i32
        %swap3A_875 = arith.constant 1 : i32
        %swap3A_876 = arith.index_cast %swap3A_873 : i32 to index
        %swap3A_877 = arith.index_cast %swap3A_874 : i32 to index
        %swap3A_878 = arith.index_cast %swap3A_875 : i32 to index
        %swap3A_879 = arith.index_cast %mul3A_236 : i32 to index
        %swap3A_880 = tpu.vector_load %arg12[%swap3A_876, %swap3A_877, %swap3A_878, %swap3A_879] {strides = array<i32>} : memref<2x12x4x512xf32, #tpu.memory_space<vmem>>, vector<16xf32>,
        tpu.vector_store %arg12[%swap3A_876, %swap3A_877, %swap3A_878, %swap3A_879], %unpack3A_864 {strides = array<i32>} : memref<2x12x4x512xf32, #tpu.memory_space<vmem>>, vector<16xf32>,
        %get3A_881 = arith.constant 0 : i32
        %get3A_882 = arith.constant 2 : i32
        %get3A_883 = arith.index_cast %get3A_881 : i32 to index
        %get3A_884 = arith.index_cast %get3A_882 : i32 to index
        %get3A_885 = arith.index_cast %mul3A_236 : i32 to index
        %get3A_886 = tpu.vector_load %arg11[%get3A_883, %get3A_884, %get3A_885] {strides = array<i32>} : memref<2x4x512xf32, #tpu.memory_space<vmem>>, vector<16xf32>,
        %add3A_887 = arith.constant 1.000000e+00 : f32
        %add3A_888 = vector.broadcast %add3A_887 : f32 to vector<16xf32>
        %add3A_889 = arith.addf %get3A_886, %add3A_888 : vector<16xf32>
        %mul3A_890 = arith.constant 3.500000e+00 : f32
        %mul3A_891 = vector.broadcast %mul3A_890 : f32 to vector<16xf32>
        %mul3A_892 = arith.mulf %add3A_889, %mul3A_891 : vector<16xf32>
        %jit3A_893 = arith.constant 0.000000e+00 : f32
        %jit3A_894 = arith.constant 7.000000e+00 : f32
        %max3A_895 = vector.broadcast %jit3A_893 : f32 to vector<16xf32>
        %max3A_896 = arith.maximumf %max3A_895, %mul3A_892 : vector<16xf32>
        %min3A_897 = vector.broadcast %jit3A_894 : f32 to vector<16xf32>
        %min3A_898 = arith.minimumf %min3A_897, %max3A_896 : vector<16xf32>
        %convert_element_type3A_899 = arith.fptosi %min3A_898 : vector<16xf32> to vector<16xi32>
        %convert_element_type3A_900 = arith.sitofp %convert_element_type3A_899 : vector<16xi32> to vector<16xf32>
        %sub3A_901 = arith.subf %min3A_898, %convert_element_type3A_900 : vector<16xf32>
        %add3A_902 = arith.constant 1 : i32
        %add3A_903 = vector.broadcast %add3A_902 : i32 to vector<16xi32>
        %add3A_904 = arith.addi %convert_element_type3A_899, %add3A_903 : vector<16xi32>
        %min3A_905 = arith.constant 7 : i32
        %min3A_906 = vector.broadcast %min3A_905 : i32 to vector<16xi32>
        %min3A_907 = arith.minsi %add3A_904, %min3A_906 : vector<16xi32>
        %mul3A_908 = arith.constant 7 : i32
        %mul3A_909 = vector.broadcast %mul3A_908 : i32 to vector<16xi32>
        %mul3A_910 = arith.muli %convert_element_type3A_899, %mul3A_909 : vector<16xi32>
        %mul3A_911 = arith.constant 7 : i32
        %mul3A_912 = vector.broadcast %mul3A_911 : i32 to vector<16xi32>
        %mul3A_913 = arith.muli %min3A_907, %mul3A_912 : vector<16xi32>
        %add3A_914 = arith.addi %mul3A_910, %get3A_237 : vector<16xi32>
        %add3A_915 = arith.addi %mul3A_910, %get3A_239 : vector<16xi32>
        %add3A_916 = arith.addi %mul3A_913, %get3A_237 : vector<16xi32>
        %add3A_917 = arith.addi %mul3A_913, %get3A_239 : vector<16xi32>
        %sub3A_918 = arith.constant 1.000000e+00 : f32
        %sub3A_919 = vector.broadcast %sub3A_918 : f32 to vector<16xf32>
        %sub3A_920 = arith.subf %sub3A_919, %sub3A_901 : vector<16xf32>
        %mul3A_921 = arith.mulf %sub3A_920, %get3A_243 : vector<16xf32>
        %mul3A_922 = arith.mulf %sub3A_920, %get3A_243 : vector<16xf32>
        %pack3A_923 = tpu.pack_subelements %mul3A_921, %mul3A_922 {pack_format = #tpu.pack_format<interleaved>, positions = array<i32: 0, 1>} : vector<16xf32>, vector<16xf32> -> vector<32xbf16>
        %mul3A_924 = arith.mulf %sub3A_920, %get3A_241 : vector<16xf32>
        %mul3A_925 = arith.mulf %sub3A_920, %get3A_241 : vector<16xf32>
        %pack3A_926 = tpu.pack_subelements %mul3A_924, %mul3A_925 {pack_format = #tpu.pack_format<interleaved>, positions = array<i32: 0, 1>} : vector<16xf32>, vector<16xf32> -> vector<32xbf16>
        %mul3A_927 = arith.mulf %sub3A_901, %get3A_243 : vector<16xf32>
        %mul3A_928 = arith.mulf %sub3A_901, %get3A_243 : vector<16xf32>
        %pack3A_929 = tpu.pack_subelements %mul3A_927, %mul3A_928 {pack_format = #tpu.pack_format<interleaved>, positions = array<i32: 0, 1>} : vector<16xf32>, vector<16xf32> -> vector<32xbf16>
        %mul3A_930 = arith.mulf %sub3A_901, %get3A_241 : vector<16xf32>
        %mul3A_931 = arith.mulf %sub3A_901, %get3A_241 : vector<16xf32>
        %pack3A_932 = tpu.pack_subelements %mul3A_930, %mul3A_931 {pack_format = #tpu.pack_format<interleaved>, positions = array<i32: 0, 1>} : vector<16xf32>, vector<16xf32> -> vector<32xbf16>
        %add3A_933 = arith.constant 1792 : i32
        %add3A_934 = vector.broadcast %add3A_933 : i32 to vector<16xi32>
        %add3A_935 = arith.addi %add3A_914, %add3A_934 : vector<16xi32>
        %gather3A_936 = tpu.vector_load_idx %arg10[%add3A_935] : memref<3584xi32, #tpu.memory_space<vmem>>[vector<16xi32>], vector<16xi32>,
        %bitcast3A_937 = vector.bitcast %gather3A_936 : vector<16xi32> to vector<32xbf16>
        %add3A_938 = arith.constant 1792 : i32
        %add3A_939 = vector.broadcast %add3A_938 : i32 to vector<16xi32>
        %add3A_940 = arith.addi %add3A_915, %add3A_939 : vector<16xi32>
        %gather3A_941 = tpu.vector_load_idx %arg10[%add3A_940] : memref<3584xi32, #tpu.memory_space<vmem>>[vector<16xi32>], vector<16xi32>,
        %bitcast3A_942 = vector.bitcast %gather3A_941 : vector<16xi32> to vector<32xbf16>
        %add3A_943 = arith.constant 1792 : i32
        %add3A_944 = vector.broadcast %add3A_943 : i32 to vector<16xi32>
        %add3A_945 = arith.addi %add3A_916, %add3A_944 : vector<16xi32>
        %gather3A_946 = tpu.vector_load_idx %arg10[%add3A_945] : memref<3584xi32, #tpu.memory_space<vmem>>[vector<16xi32>], vector<16xi32>,
        %bitcast3A_947 = vector.bitcast %gather3A_946 : vector<16xi32> to vector<32xbf16>
        %add3A_948 = arith.constant 1792 : i32
        %add3A_949 = vector.broadcast %add3A_948 : i32 to vector<16xi32>
        %add3A_950 = arith.addi %add3A_917, %add3A_949 : vector<16xi32>
        %gather3A_951 = tpu.vector_load_idx %arg10[%add3A_950] : memref<3584xi32, #tpu.memory_space<vmem>>[vector<16xi32>], vector<16xi32>,
        %bitcast3A_952 = vector.bitcast %gather3A_951 : vector<16xi32> to vector<32xbf16>
        %add3A_953 = arith.constant 1793 : i32
        %add3A_954 = vector.broadcast %add3A_953 : i32 to vector<16xi32>
        %add3A_955 = arith.addi %add3A_914, %add3A_954 : vector<16xi32>
        %gather3A_956 = tpu.vector_load_idx %arg10[%add3A_955] : memref<3584xi32, #tpu.memory_space<vmem>>[vector<16xi32>], vector<16xi32>,
        %bitcast3A_957 = vector.bitcast %gather3A_956 : vector<16xi32> to vector<32xbf16>
        %add3A_958 = arith.constant 1793 : i32
        %add3A_959 = vector.broadcast %add3A_958 : i32 to vector<16xi32>
        %add3A_960 = arith.addi %add3A_915, %add3A_959 : vector<16xi32>
        %gather3A_961 = tpu.vector_load_idx %arg10[%add3A_960] : memref<3584xi32, #tpu.memory_space<vmem>>[vector<16xi32>], vector<16xi32>,
        %bitcast3A_962 = vector.bitcast %gather3A_961 : vector<16xi32> to vector<32xbf16>
        %add3A_963 = arith.constant 1793 : i32
        %add3A_964 = vector.broadcast %add3A_963 : i32 to vector<16xi32>
        %add3A_965 = arith.addi %add3A_916, %add3A_964 : vector<16xi32>
        %gather3A_966 = tpu.vector_load_idx %arg10[%add3A_965] : memref<3584xi32, #tpu.memory_space<vmem>>[vector<16xi32>], vector<16xi32>,
        %bitcast3A_967 = vector.bitcast %gather3A_966 : vector<16xi32> to vector<32xbf16>
        %add3A_968 = arith.constant 1793 : i32
        %add3A_969 = vector.broadcast %add3A_968 : i32 to vector<16xi32>
        %add3A_970 = arith.addi %add3A_917, %add3A_969 : vector<16xi32>
        %gather3A_971 = tpu.vector_load_idx %arg10[%add3A_970] : memref<3584xi32, #tpu.memory_space<vmem>>[vector<16xi32>], vector<16xi32>,
        %bitcast3A_972 = vector.bitcast %gather3A_971 : vector<16xi32> to vector<32xbf16>
        %add3A_973 = arith.constant 1794 : i32
        %add3A_974 = vector.broadcast %add3A_973 : i32 to vector<16xi32>
        %add3A_975 = arith.addi %add3A_914, %add3A_974 : vector<16xi32>
        %gather3A_976 = tpu.vector_load_idx %arg10[%add3A_975] : memref<3584xi32, #tpu.memory_space<vmem>>[vector<16xi32>], vector<16xi32>,
        %bitcast3A_977 = vector.bitcast %gather3A_976 : vector<16xi32> to vector<32xbf16>
        %add3A_978 = arith.constant 1794 : i32
        %add3A_979 = vector.broadcast %add3A_978 : i32 to vector<16xi32>
        %add3A_980 = arith.addi %add3A_915, %add3A_979 : vector<16xi32>
        %gather3A_981 = tpu.vector_load_idx %arg10[%add3A_980] : memref<3584xi32, #tpu.memory_space<vmem>>[vector<16xi32>], vector<16xi32>,
        %bitcast3A_982 = vector.bitcast %gather3A_981 : vector<16xi32> to vector<32xbf16>
        %add3A_983 = arith.constant 1794 : i32
        %add3A_984 = vector.broadcast %add3A_983 : i32 to vector<16xi32>
        %add3A_985 = arith.addi %add3A_916, %add3A_984 : vector<16xi32>
        %gather3A_986 = tpu.vector_load_idx %arg10[%add3A_985] : memref<3584xi32, #tpu.memory_space<vmem>>[vector<16xi32>], vector<16xi32>,
        %bitcast3A_987 = vector.bitcast %gather3A_986 : vector<16xi32> to vector<32xbf16>
        %add3A_988 = arith.constant 1794 : i32
        %add3A_989 = vector.broadcast %add3A_988 : i32 to vector<16xi32>
        %add3A_990 = arith.addi %add3A_917, %add3A_989 : vector<16xi32>
        %gather3A_991 = tpu.vector_load_idx %arg10[%add3A_990] : memref<3584xi32, #tpu.memory_space<vmem>>[vector<16xi32>], vector<16xi32>,
        %bitcast3A_992 = vector.bitcast %gather3A_991 : vector<16xi32> to vector<32xbf16>
        %add3A_993 = arith.constant 1795 : i32
        %add3A_994 = vector.broadcast %add3A_993 : i32 to vector<16xi32>
        %add3A_995 = arith.addi %add3A_914, %add3A_994 : vector<16xi32>
        %gather3A_996 = tpu.vector_load_idx %arg10[%add3A_995] : memref<3584xi32, #tpu.memory_space<vmem>>[vector<16xi32>], vector<16xi32>,
        %bitcast3A_997 = vector.bitcast %gather3A_996 : vector<16xi32> to vector<32xbf16>
        %add3A_998 = arith.constant 1795 : i32
        %add3A_999 = vector.broadcast %add3A_998 : i32 to vector<16xi32>
        %add3A_1000 = arith.addi %add3A_915, %add3A_999 : vector<16xi32>
        %gather3A_1001 = tpu.vector_load_idx %arg10[%add3A_1000] : memref<3584xi32, #tpu.memory_space<vmem>>[vector<16xi32>], vector<16xi32>,
        %bitcast3A_1002 = vector.bitcast %gather3A_1001 : vector<16xi32> to vector<32xbf16>
        %add3A_1003 = arith.constant 1795 : i32
        %add3A_1004 = vector.broadcast %add3A_1003 : i32 to vector<16xi32>
        %add3A_1005 = arith.addi %add3A_916, %add3A_1004 : vector<16xi32>
        %gather3A_1006 = tpu.vector_load_idx %arg10[%add3A_1005] : memref<3584xi32, #tpu.memory_space<vmem>>[vector<16xi32>], vector<16xi32>,
        %bitcast3A_1007 = vector.bitcast %gather3A_1006 : vector<16xi32> to vector<32xbf16>
        %add3A_1008 = arith.constant 1795 : i32
        %add3A_1009 = vector.broadcast %add3A_1008 : i32 to vector<16xi32>
        %add3A_1010 = arith.addi %add3A_917, %add3A_1009 : vector<16xi32>
        %gather3A_1011 = tpu.vector_load_idx %arg10[%add3A_1010] : memref<3584xi32, #tpu.memory_space<vmem>>[vector<16xi32>], vector<16xi32>,
        %bitcast3A_1012 = vector.bitcast %gather3A_1011 : vector<16xi32> to vector<32xbf16>
        %add3A_1013 = arith.constant 1796 : i32
        %add3A_1014 = vector.broadcast %add3A_1013 : i32 to vector<16xi32>
        %add3A_1015 = arith.addi %add3A_914, %add3A_1014 : vector<16xi32>
        %gather3A_1016 = tpu.vector_load_idx %arg10[%add3A_1015] : memref<3584xi32, #tpu.memory_space<vmem>>[vector<16xi32>], vector<16xi32>,
        %bitcast3A_1017 = vector.bitcast %gather3A_1016 : vector<16xi32> to vector<32xbf16>
        %add3A_1018 = arith.constant 1796 : i32
        %add3A_1019 = vector.broadcast %add3A_1018 : i32 to vector<16xi32>
        %add3A_1020 = arith.addi %add3A_915, %add3A_1019 : vector<16xi32>
        %gather3A_1021 = tpu.vector_load_idx %arg10[%add3A_1020] : memref<3584xi32, #tpu.memory_space<vmem>>[vector<16xi32>], vector<16xi32>,
        %bitcast3A_1022 = vector.bitcast %gather3A_1021 : vector<16xi32> to vector<32xbf16>
        %add3A_1023 = arith.constant 1796 : i32
        %add3A_1024 = vector.broadcast %add3A_1023 : i32 to vector<16xi32>
        %add3A_1025 = arith.addi %add3A_916, %add3A_1024 : vector<16xi32>
        %gather3A_1026 = tpu.vector_load_idx %arg10[%add3A_1025] : memref<3584xi32, #tpu.memory_space<vmem>>[vector<16xi32>], vector<16xi32>,
        %bitcast3A_1027 = vector.bitcast %gather3A_1026 : vector<16xi32> to vector<32xbf16>
        %add3A_1028 = arith.constant 1796 : i32
        %add3A_1029 = vector.broadcast %add3A_1028 : i32 to vector<16xi32>
        %add3A_1030 = arith.addi %add3A_917, %add3A_1029 : vector<16xi32>
        %gather3A_1031 = tpu.vector_load_idx %arg10[%add3A_1030] : memref<3584xi32, #tpu.memory_space<vmem>>[vector<16xi32>], vector<16xi32>,
        %bitcast3A_1032 = vector.bitcast %gather3A_1031 : vector<16xi32> to vector<32xbf16>
        %add3A_1033 = arith.constant 1797 : i32
        %add3A_1034 = vector.broadcast %add3A_1033 : i32 to vector<16xi32>
        %add3A_1035 = arith.addi %add3A_914, %add3A_1034 : vector<16xi32>
        %gather3A_1036 = tpu.vector_load_idx %arg10[%add3A_1035] : memref<3584xi32, #tpu.memory_space<vmem>>[vector<16xi32>], vector<16xi32>,
        %bitcast3A_1037 = vector.bitcast %gather3A_1036 : vector<16xi32> to vector<32xbf16>
        %add3A_1038 = arith.constant 1797 : i32
        %add3A_1039 = vector.broadcast %add3A_1038 : i32 to vector<16xi32>
        %add3A_1040 = arith.addi %add3A_915, %add3A_1039 : vector<16xi32>
        %gather3A_1041 = tpu.vector_load_idx %arg10[%add3A_1040] : memref<3584xi32, #tpu.memory_space<vmem>>[vector<16xi32>], vector<16xi32>,
        %bitcast3A_1042 = vector.bitcast %gather3A_1041 : vector<16xi32> to vector<32xbf16>
        %add3A_1043 = arith.constant 1797 : i32
        %add3A_1044 = vector.broadcast %add3A_1043 : i32 to vector<16xi32>
        %add3A_1045 = arith.addi %add3A_916, %add3A_1044 : vector<16xi32>
        %gather3A_1046 = tpu.vector_load_idx %arg10[%add3A_1045] : memref<3584xi32, #tpu.memory_space<vmem>>[vector<16xi32>], vector<16xi32>,
        %bitcast3A_1047 = vector.bitcast %gather3A_1046 : vector<16xi32> to vector<32xbf16>
        %add3A_1048 = arith.constant 1797 : i32
        %add3A_1049 = vector.broadcast %add3A_1048 : i32 to vector<16xi32>
        %add3A_1050 = arith.addi %add3A_917, %add3A_1049 : vector<16xi32>
        %gather3A_1051 = tpu.vector_load_idx %arg10[%add3A_1050] : memref<3584xi32, #tpu.memory_space<vmem>>[vector<16xi32>], vector<16xi32>,
        %bitcast3A_1052 = vector.bitcast %gather3A_1051 : vector<16xi32> to vector<32xbf16>
        %mul3A_1053 = arith.mulf %bitcast3A_937, %pack3A_923 : vector<32xbf16>
        %mul3A_1054 = arith.mulf %bitcast3A_942, %pack3A_926 : vector<32xbf16>
        %add3A_1055 = arith.addf %mul3A_1053, %mul3A_1054 : vector<32xbf16>
        %mul3A_1056 = arith.mulf %bitcast3A_947, %pack3A_929 : vector<32xbf16>
        %mul3A_1057 = arith.mulf %bitcast3A_952, %pack3A_932 : vector<32xbf16>
        %add3A_1058 = arith.addf %mul3A_1056, %mul3A_1057 : vector<32xbf16>
        %add3A_1059 = arith.addf %add3A_1055, %add3A_1058 : vector<32xbf16>
        %unpack3A_1060 = tpu.unpack_subelements %add3A_1059, 0 {pack_format = #tpu.pack_format<interleaved>} : vector<32xbf16> -> vector<16xf32>
        %unpack3A_1061 = tpu.unpack_subelements %add3A_1059, 1 {pack_format = #tpu.pack_format<interleaved>} : vector<32xbf16> -> vector<16xf32>
        %swap3A_1062 = arith.constant 0 : i32
        %swap3A_1063 = arith.constant 0 : i32
        %swap3A_1064 = arith.constant 2 : i32
        %swap3A_1065 = arith.index_cast %swap3A_1062 : i32 to index
        %swap3A_1066 = arith.index_cast %swap3A_1063 : i32 to index
        %swap3A_1067 = arith.index_cast %swap3A_1064 : i32 to index
        %swap3A_1068 = arith.index_cast %mul3A_236 : i32 to index
        %swap3A_1069 = tpu.vector_load %arg12[%swap3A_1065, %swap3A_1066, %swap3A_1067, %swap3A_1068] {strides = array<i32>} : memref<2x12x4x512xf32, #tpu.memory_space<vmem>>, vector<16xf32>,
        tpu.vector_store %arg12[%swap3A_1065, %swap3A_1066, %swap3A_1067, %swap3A_1068], %unpack3A_1060 {strides = array<i32>} : memref<2x12x4x512xf32, #tpu.memory_space<vmem>>, vector<16xf32>,
        %swap3A_1070 = arith.constant 0 : i32
        %swap3A_1071 = arith.constant 1 : i32
        %swap3A_1072 = arith.constant 2 : i32
        %swap3A_1073 = arith.index_cast %swap3A_1070 : i32 to index
        %swap3A_1074 = arith.index_cast %swap3A_1071 : i32 to index
        %swap3A_1075 = arith.index_cast %swap3A_1072 : i32 to index
        %swap3A_1076 = arith.index_cast %mul3A_236 : i32 to index
        %swap3A_1077 = tpu.vector_load %arg12[%swap3A_1073, %swap3A_1074, %swap3A_1075, %swap3A_1076] {strides = array<i32>} : memref<2x12x4x512xf32, #tpu.memory_space<vmem>>, vector<16xf32>,
        tpu.vector_store %arg12[%swap3A_1073, %swap3A_1074, %swap3A_1075, %swap3A_1076], %unpack3A_1061 {strides = array<i32>} : memref<2x12x4x512xf32, #tpu.memory_space<vmem>>, vector<16xf32>,
        %mul3A_1078 = arith.mulf %bitcast3A_957, %pack3A_923 : vector<32xbf16>
        %mul3A_1079 = arith.mulf %bitcast3A_962, %pack3A_926 : vector<32xbf16>
        %add3A_1080 = arith.addf %mul3A_1078, %mul3A_1079 : vector<32xbf16>
        %mul3A_1081 = arith.mulf %bitcast3A_967, %pack3A_929 : vector<32xbf16>
        %mul3A_1082 = arith.mulf %bitcast3A_972, %pack3A_932 : vector<32xbf16>
        %add3A_1083 = arith.addf %mul3A_1081, %mul3A_1082 : vector<32xbf16>
        %add3A_1084 = arith.addf %add3A_1080, %add3A_1083 : vector<32xbf16>
        %unpack3A_1085 = tpu.unpack_subelements %add3A_1084, 0 {pack_format = #tpu.pack_format<interleaved>} : vector<32xbf16> -> vector<16xf32>
        %unpack3A_1086 = tpu.unpack_subelements %add3A_1084, 1 {pack_format = #tpu.pack_format<interleaved>} : vector<32xbf16> -> vector<16xf32>
        %swap3A_1087 = arith.constant 0 : i32
        %swap3A_1088 = arith.constant 2 : i32
        %swap3A_1089 = arith.constant 2 : i32
        %swap3A_1090 = arith.index_cast %swap3A_1087 : i32 to index
        %swap3A_1091 = arith.index_cast %swap3A_1088 : i32 to index
        %swap3A_1092 = arith.index_cast %swap3A_1089 : i32 to index
        %swap3A_1093 = arith.index_cast %mul3A_236 : i32 to index
        %swap3A_1094 = tpu.vector_load %arg12[%swap3A_1090, %swap3A_1091, %swap3A_1092, %swap3A_1093] {strides = array<i32>} : memref<2x12x4x512xf32, #tpu.memory_space<vmem>>, vector<16xf32>,
        tpu.vector_store %arg12[%swap3A_1090, %swap3A_1091, %swap3A_1092, %swap3A_1093], %unpack3A_1085 {strides = array<i32>} : memref<2x12x4x512xf32, #tpu.memory_space<vmem>>, vector<16xf32>,
        %swap3A_1095 = arith.constant 0 : i32
        %swap3A_1096 = arith.constant 3 : i32
        %swap3A_1097 = arith.constant 2 : i32
        %swap3A_1098 = arith.index_cast %swap3A_1095 : i32 to index
        %swap3A_1099 = arith.index_cast %swap3A_1096 : i32 to index
        %swap3A_1100 = arith.index_cast %swap3A_1097 : i32 to index
        %swap3A_1101 = arith.index_cast %mul3A_236 : i32 to index
        %swap3A_1102 = tpu.vector_load %arg12[%swap3A_1098, %swap3A_1099, %swap3A_1100, %swap3A_1101] {strides = array<i32>} : memref<2x12x4x512xf32, #tpu.memory_space<vmem>>, vector<16xf32>,
        tpu.vector_store %arg12[%swap3A_1098, %swap3A_1099, %swap3A_1100, %swap3A_1101], %unpack3A_1086 {strides = array<i32>} : memref<2x12x4x512xf32, #tpu.memory_space<vmem>>, vector<16xf32>,
        %mul3A_1103 = arith.mulf %bitcast3A_977, %pack3A_923 : vector<32xbf16>
        %mul3A_1104 = arith.mulf %bitcast3A_982, %pack3A_926 : vector<32xbf16>
        %add3A_1105 = arith.addf %mul3A_1103, %mul3A_1104 : vector<32xbf16>
        %mul3A_1106 = arith.mulf %bitcast3A_987, %pack3A_929 : vector<32xbf16>
        %mul3A_1107 = arith.mulf %bitcast3A_992, %pack3A_932 : vector<32xbf16>
        %add3A_1108 = arith.addf %mul3A_1106, %mul3A_1107 : vector<32xbf16>
        %add3A_1109 = arith.addf %add3A_1105, %add3A_1108 : vector<32xbf16>
        %unpack3A_1110 = tpu.unpack_subelements %add3A_1109, 0 {pack_format = #tpu.pack_format<interleaved>} : vector<32xbf16> -> vector<16xf32>
        %unpack3A_1111 = tpu.unpack_subelements %add3A_1109, 1 {pack_format = #tpu.pack_format<interleaved>} : vector<32xbf16> -> vector<16xf32>
        %swap3A_1112 = arith.constant 0 : i32
        %swap3A_1113 = arith.constant 4 : i32
        %swap3A_1114 = arith.constant 2 : i32
        %swap3A_1115 = arith.index_cast %swap3A_1112 : i32 to index
        %swap3A_1116 = arith.index_cast %swap3A_1113 : i32 to index
        %swap3A_1117 = arith.index_cast %swap3A_1114 : i32 to index
        %swap3A_1118 = arith.index_cast %mul3A_236 : i32 to index
        %swap3A_1119 = tpu.vector_load %arg12[%swap3A_1115, %swap3A_1116, %swap3A_1117, %swap3A_1118] {strides = array<i32>} : memref<2x12x4x512xf32, #tpu.memory_space<vmem>>, vector<16xf32>,
        tpu.vector_store %arg12[%swap3A_1115, %swap3A_1116, %swap3A_1117, %swap3A_1118], %unpack3A_1110 {strides = array<i32>} : memref<2x12x4x512xf32, #tpu.memory_space<vmem>>, vector<16xf32>,
        %swap3A_1120 = arith.constant 0 : i32
        %swap3A_1121 = arith.constant 5 : i32
        %swap3A_1122 = arith.constant 2 : i32
        %swap3A_1123 = arith.index_cast %swap3A_1120 : i32 to index
        %swap3A_1124 = arith.index_cast %swap3A_1121 : i32 to index
        %swap3A_1125 = arith.index_cast %swap3A_1122 : i32 to index
        %swap3A_1126 = arith.index_cast %mul3A_236 : i32 to index
        %swap3A_1127 = tpu.vector_load %arg12[%swap3A_1123, %swap3A_1124, %swap3A_1125, %swap3A_1126] {strides = array<i32>} : memref<2x12x4x512xf32, #tpu.memory_space<vmem>>, vector<16xf32>,
        tpu.vector_store %arg12[%swap3A_1123, %swap3A_1124, %swap3A_1125, %swap3A_1126], %unpack3A_1111 {strides = array<i32>} : memref<2x12x4x512xf32, #tpu.memory_space<vmem>>, vector<16xf32>,
        %mul3A_1128 = arith.mulf %bitcast3A_997, %pack3A_923 : vector<32xbf16>
        %mul3A_1129 = arith.mulf %bitcast3A_1002, %pack3A_926 : vector<32xbf16>
        %add3A_1130 = arith.addf %mul3A_1128, %mul3A_1129 : vector<32xbf16>
        %mul3A_1131 = arith.mulf %bitcast3A_1007, %pack3A_929 : vector<32xbf16>
        %mul3A_1132 = arith.mulf %bitcast3A_1012, %pack3A_932 : vector<32xbf16>
        %add3A_1133 = arith.addf %mul3A_1131, %mul3A_1132 : vector<32xbf16>
        %add3A_1134 = arith.addf %add3A_1130, %add3A_1133 : vector<32xbf16>
        %unpack3A_1135 = tpu.unpack_subelements %add3A_1134, 0 {pack_format = #tpu.pack_format<interleaved>} : vector<32xbf16> -> vector<16xf32>
        %unpack3A_1136 = tpu.unpack_subelements %add3A_1134, 1 {pack_format = #tpu.pack_format<interleaved>} : vector<32xbf16> -> vector<16xf32>
        %swap3A_1137 = arith.constant 0 : i32
        %swap3A_1138 = arith.constant 6 : i32
        %swap3A_1139 = arith.constant 2 : i32
        %swap3A_1140 = arith.index_cast %swap3A_1137 : i32 to index
        %swap3A_1141 = arith.index_cast %swap3A_1138 : i32 to index
        %swap3A_1142 = arith.index_cast %swap3A_1139 : i32 to index
        %swap3A_1143 = arith.index_cast %mul3A_236 : i32 to index
        %swap3A_1144 = tpu.vector_load %arg12[%swap3A_1140, %swap3A_1141, %swap3A_1142, %swap3A_1143] {strides = array<i32>} : memref<2x12x4x512xf32, #tpu.memory_space<vmem>>, vector<16xf32>,
        tpu.vector_store %arg12[%swap3A_1140, %swap3A_1141, %swap3A_1142, %swap3A_1143], %unpack3A_1135 {strides = array<i32>} : memref<2x12x4x512xf32, #tpu.memory_space<vmem>>, vector<16xf32>,
        %swap3A_1145 = arith.constant 0 : i32
        %swap3A_1146 = arith.constant 7 : i32
        %swap3A_1147 = arith.constant 2 : i32
        %swap3A_1148 = arith.index_cast %swap3A_1145 : i32 to index
        %swap3A_1149 = arith.index_cast %swap3A_1146 : i32 to index
        %swap3A_1150 = arith.index_cast %swap3A_1147 : i32 to index
        %swap3A_1151 = arith.index_cast %mul3A_236 : i32 to index
        %swap3A_1152 = tpu.vector_load %arg12[%swap3A_1148, %swap3A_1149, %swap3A_1150, %swap3A_1151] {strides = array<i32>} : memref<2x12x4x512xf32, #tpu.memory_space<vmem>>, vector<16xf32>,
        tpu.vector_store %arg12[%swap3A_1148, %swap3A_1149, %swap3A_1150, %swap3A_1151], %unpack3A_1136 {strides = array<i32>} : memref<2x12x4x512xf32, #tpu.memory_space<vmem>>, vector<16xf32>,
        %mul3A_1153 = arith.mulf %bitcast3A_1017, %pack3A_923 : vector<32xbf16>
        %mul3A_1154 = arith.mulf %bitcast3A_1022, %pack3A_926 : vector<32xbf16>
        %add3A_1155 = arith.addf %mul3A_1153, %mul3A_1154 : vector<32xbf16>
        %mul3A_1156 = arith.mulf %bitcast3A_1027, %pack3A_929 : vector<32xbf16>
        %mul3A_1157 = arith.mulf %bitcast3A_1032, %pack3A_932 : vector<32xbf16>
        %add3A_1158 = arith.addf %mul3A_1156, %mul3A_1157 : vector<32xbf16>
        %add3A_1159 = arith.addf %add3A_1155, %add3A_1158 : vector<32xbf16>
        %unpack3A_1160 = tpu.unpack_subelements %add3A_1159, 0 {pack_format = #tpu.pack_format<interleaved>} : vector<32xbf16> -> vector<16xf32>
        %unpack3A_1161 = tpu.unpack_subelements %add3A_1159, 1 {pack_format = #tpu.pack_format<interleaved>} : vector<32xbf16> -> vector<16xf32>
        %swap3A_1162 = arith.constant 0 : i32
        %swap3A_1163 = arith.constant 8 : i32
        %swap3A_1164 = arith.constant 2 : i32
        %swap3A_1165 = arith.index_cast %swap3A_1162 : i32 to index
        %swap3A_1166 = arith.index_cast %swap3A_1163 : i32 to index
        %swap3A_1167 = arith.index_cast %swap3A_1164 : i32 to index
        %swap3A_1168 = arith.index_cast %mul3A_236 : i32 to index
        %swap3A_1169 = tpu.vector_load %arg12[%swap3A_1165, %swap3A_1166, %swap3A_1167, %swap3A_1168] {strides = array<i32>} : memref<2x12x4x512xf32, #tpu.memory_space<vmem>>, vector<16xf32>,
        tpu.vector_store %arg12[%swap3A_1165, %swap3A_1166, %swap3A_1167, %swap3A_1168], %unpack3A_1160 {strides = array<i32>} : memref<2x12x4x512xf32, #tpu.memory_space<vmem>>, vector<16xf32>,
        %swap3A_1170 = arith.constant 0 : i32
        %swap3A_1171 = arith.constant 9 : i32
        %swap3A_1172 = arith.constant 2 : i32
        %swap3A_1173 = arith.index_cast %swap3A_1170 : i32 to index
        %swap3A_1174 = arith.index_cast %swap3A_1171 : i32 to index
        %swap3A_1175 = arith.index_cast %swap3A_1172 : i32 to index
        %swap3A_1176 = arith.index_cast %mul3A_236 : i32 to index
        %swap3A_1177 = tpu.vector_load %arg12[%swap3A_1173, %swap3A_1174, %swap3A_1175, %swap3A_1176] {strides = array<i32>} : memref<2x12x4x512xf32, #tpu.memory_space<vmem>>, vector<16xf32>,
        tpu.vector_store %arg12[%swap3A_1173, %swap3A_1174, %swap3A_1175, %swap3A_1176], %unpack3A_1161 {strides = array<i32>} : memref<2x12x4x512xf32, #tpu.memory_space<vmem>>, vector<16xf32>,
        %mul3A_1178 = arith.mulf %bitcast3A_1037, %pack3A_923 : vector<32xbf16>
        %mul3A_1179 = arith.mulf %bitcast3A_1042, %pack3A_926 : vector<32xbf16>
        %add3A_1180 = arith.addf %mul3A_1178, %mul3A_1179 : vector<32xbf16>
        %mul3A_1181 = arith.mulf %bitcast3A_1047, %pack3A_929 : vector<32xbf16>
        %mul3A_1182 = arith.mulf %bitcast3A_1052, %pack3A_932 : vector<32xbf16>
        %add3A_1183 = arith.addf %mul3A_1181, %mul3A_1182 : vector<32xbf16>
        %add3A_1184 = arith.addf %add3A_1180, %add3A_1183 : vector<32xbf16>
        %unpack3A_1185 = tpu.unpack_subelements %add3A_1184, 0 {pack_format = #tpu.pack_format<interleaved>} : vector<32xbf16> -> vector<16xf32>
        %unpack3A_1186 = tpu.unpack_subelements %add3A_1184, 1 {pack_format = #tpu.pack_format<interleaved>} : vector<32xbf16> -> vector<16xf32>
        %swap3A_1187 = arith.constant 0 : i32
        %swap3A_1188 = arith.constant 10 : i32
        %swap3A_1189 = arith.constant 2 : i32
        %swap3A_1190 = arith.index_cast %swap3A_1187 : i32 to index
        %swap3A_1191 = arith.index_cast %swap3A_1188 : i32 to index
        %swap3A_1192 = arith.index_cast %swap3A_1189 : i32 to index
        %swap3A_1193 = arith.index_cast %mul3A_236 : i32 to index
        %swap3A_1194 = tpu.vector_load %arg12[%swap3A_1190, %swap3A_1191, %swap3A_1192, %swap3A_1193] {strides = array<i32>} : memref<2x12x4x512xf32, #tpu.memory_space<vmem>>, vector<16xf32>,
        tpu.vector_store %arg12[%swap3A_1190, %swap3A_1191, %swap3A_1192, %swap3A_1193], %unpack3A_1185 {strides = array<i32>} : memref<2x12x4x512xf32, #tpu.memory_space<vmem>>, vector<16xf32>,
        %swap3A_1195 = arith.constant 0 : i32
        %swap3A_1196 = arith.constant 11 : i32
        %swap3A_1197 = arith.constant 2 : i32
        %swap3A_1198 = arith.index_cast %swap3A_1195 : i32 to index
        %swap3A_1199 = arith.index_cast %swap3A_1196 : i32 to index
        %swap3A_1200 = arith.index_cast %swap3A_1197 : i32 to index
        %swap3A_1201 = arith.index_cast %mul3A_236 : i32 to index
        %swap3A_1202 = tpu.vector_load %arg12[%swap3A_1198, %swap3A_1199, %swap3A_1200, %swap3A_1201] {strides = array<i32>} : memref<2x12x4x512xf32, #tpu.memory_space<vmem>>, vector<16xf32>,
        tpu.vector_store %arg12[%swap3A_1198, %swap3A_1199, %swap3A_1200, %swap3A_1201], %unpack3A_1186 {strides = array<i32>} : memref<2x12x4x512xf32, #tpu.memory_space<vmem>>, vector<16xf32>,
        %get3A_1203 = arith.constant 0 : i32
        %get3A_1204 = arith.constant 3 : i32
        %get3A_1205 = arith.index_cast %get3A_1203 : i32 to index
        %get3A_1206 = arith.index_cast %get3A_1204 : i32 to index
        %get3A_1207 = arith.index_cast %mul3A_236 : i32 to index
        %get3A_1208 = tpu.vector_load %arg11[%get3A_1205, %get3A_1206, %get3A_1207] {strides = array<i32>} : memref<2x4x512xf32, #tpu.memory_space<vmem>>, vector<16xf32>,
        %add3A_1209 = arith.constant 1.000000e+00 : f32
        %add3A_1210 = vector.broadcast %add3A_1209 : f32 to vector<16xf32>
        %add3A_1211 = arith.addf %get3A_1208, %add3A_1210 : vector<16xf32>
        %mul3A_1212 = arith.constant 3.500000e+00 : f32
        %mul3A_1213 = vector.broadcast %mul3A_1212 : f32 to vector<16xf32>
        %mul3A_1214 = arith.mulf %add3A_1211, %mul3A_1213 : vector<16xf32>
        %jit3A_1215 = arith.constant 0.000000e+00 : f32
        %jit3A_1216 = arith.constant 7.000000e+00 : f32
        %max3A_1217 = vector.broadcast %jit3A_1215 : f32 to vector<16xf32>
        %max3A_1218 = arith.maximumf %max3A_1217, %mul3A_1214 : vector<16xf32>
        %min3A_1219 = vector.broadcast %jit3A_1216 : f32 to vector<16xf32>
        %min3A_1220 = arith.minimumf %min3A_1219, %max3A_1218 : vector<16xf32>
        %convert_element_type3A_1221 = arith.fptosi %min3A_1220 : vector<16xf32> to vector<16xi32>
        %convert_element_type3A_1222 = arith.sitofp %convert_element_type3A_1221 : vector<16xi32> to vector<16xf32>
        %sub3A_1223 = arith.subf %min3A_1220, %convert_element_type3A_1222 : vector<16xf32>
        %add3A_1224 = arith.constant 1 : i32
        %add3A_1225 = vector.broadcast %add3A_1224 : i32 to vector<16xi32>
        %add3A_1226 = arith.addi %convert_element_type3A_1221, %add3A_1225 : vector<16xi32>
        %min3A_1227 = arith.constant 7 : i32
        %min3A_1228 = vector.broadcast %min3A_1227 : i32 to vector<16xi32>
        %min3A_1229 = arith.minsi %add3A_1226, %min3A_1228 : vector<16xi32>
        %mul3A_1230 = arith.constant 7 : i32
        %mul3A_1231 = vector.broadcast %mul3A_1230 : i32 to vector<16xi32>
        %mul3A_1232 = arith.muli %convert_element_type3A_1221, %mul3A_1231 : vector<16xi32>
        %mul3A_1233 = arith.constant 7 : i32
        %mul3A_1234 = vector.broadcast %mul3A_1233 : i32 to vector<16xi32>
        %mul3A_1235 = arith.muli %min3A_1229, %mul3A_1234 : vector<16xi32>
        %add3A_1236 = arith.addi %mul3A_1232, %get3A_237 : vector<16xi32>
        %add3A_1237 = arith.addi %mul3A_1232, %get3A_239 : vector<16xi32>
        %add3A_1238 = arith.addi %mul3A_1235, %get3A_237 : vector<16xi32>
        %add3A_1239 = arith.addi %mul3A_1235, %get3A_239 : vector<16xi32>
        %sub3A_1240 = arith.constant 1.000000e+00 : f32
        %sub3A_1241 = vector.broadcast %sub3A_1240 : f32 to vector<16xf32>
        %sub3A_1242 = arith.subf %sub3A_1241, %sub3A_1223 : vector<16xf32>
        %mul3A_1243 = arith.mulf %sub3A_1242, %get3A_243 : vector<16xf32>
        %mul3A_1244 = arith.mulf %sub3A_1242, %get3A_243 : vector<16xf32>
        %pack3A_1245 = tpu.pack_subelements %mul3A_1243, %mul3A_1244 {pack_format = #tpu.pack_format<interleaved>, positions = array<i32: 0, 1>} : vector<16xf32>, vector<16xf32> -> vector<32xbf16>
        %mul3A_1246 = arith.mulf %sub3A_1242, %get3A_241 : vector<16xf32>
        %mul3A_1247 = arith.mulf %sub3A_1242, %get3A_241 : vector<16xf32>
        %pack3A_1248 = tpu.pack_subelements %mul3A_1246, %mul3A_1247 {pack_format = #tpu.pack_format<interleaved>, positions = array<i32: 0, 1>} : vector<16xf32>, vector<16xf32> -> vector<32xbf16>
        %mul3A_1249 = arith.mulf %sub3A_1223, %get3A_243 : vector<16xf32>
        %mul3A_1250 = arith.mulf %sub3A_1223, %get3A_243 : vector<16xf32>
        %pack3A_1251 = tpu.pack_subelements %mul3A_1249, %mul3A_1250 {pack_format = #tpu.pack_format<interleaved>, positions = array<i32: 0, 1>} : vector<16xf32>, vector<16xf32> -> vector<32xbf16>
        %mul3A_1252 = arith.mulf %sub3A_1223, %get3A_241 : vector<16xf32>
        %mul3A_1253 = arith.mulf %sub3A_1223, %get3A_241 : vector<16xf32>
        %pack3A_1254 = tpu.pack_subelements %mul3A_1252, %mul3A_1253 {pack_format = #tpu.pack_format<interleaved>, positions = array<i32: 0, 1>} : vector<16xf32>, vector<16xf32> -> vector<32xbf16>
        %add3A_1255 = arith.constant 2688 : i32
        %add3A_1256 = vector.broadcast %add3A_1255 : i32 to vector<16xi32>
        %add3A_1257 = arith.addi %add3A_1236, %add3A_1256 : vector<16xi32>
        %gather3A_1258 = tpu.vector_load_idx %arg10[%add3A_1257] : memref<3584xi32, #tpu.memory_space<vmem>>[vector<16xi32>], vector<16xi32>,
        %bitcast3A_1259 = vector.bitcast %gather3A_1258 : vector<16xi32> to vector<32xbf16>
        %add3A_1260 = arith.constant 2688 : i32
        %add3A_1261 = vector.broadcast %add3A_1260 : i32 to vector<16xi32>
        %add3A_1262 = arith.addi %add3A_1237, %add3A_1261 : vector<16xi32>
        %gather3A_1263 = tpu.vector_load_idx %arg10[%add3A_1262] : memref<3584xi32, #tpu.memory_space<vmem>>[vector<16xi32>], vector<16xi32>,
        %bitcast3A_1264 = vector.bitcast %gather3A_1263 : vector<16xi32> to vector<32xbf16>
        %add3A_1265 = arith.constant 2688 : i32
        %add3A_1266 = vector.broadcast %add3A_1265 : i32 to vector<16xi32>
        %add3A_1267 = arith.addi %add3A_1238, %add3A_1266 : vector<16xi32>
        %gather3A_1268 = tpu.vector_load_idx %arg10[%add3A_1267] : memref<3584xi32, #tpu.memory_space<vmem>>[vector<16xi32>], vector<16xi32>,
        %bitcast3A_1269 = vector.bitcast %gather3A_1268 : vector<16xi32> to vector<32xbf16>
        %add3A_1270 = arith.constant 2688 : i32
        %add3A_1271 = vector.broadcast %add3A_1270 : i32 to vector<16xi32>
        %add3A_1272 = arith.addi %add3A_1239, %add3A_1271 : vector<16xi32>
        %gather3A_1273 = tpu.vector_load_idx %arg10[%add3A_1272] : memref<3584xi32, #tpu.memory_space<vmem>>[vector<16xi32>], vector<16xi32>,
        %bitcast3A_1274 = vector.bitcast %gather3A_1273 : vector<16xi32> to vector<32xbf16>
        %add3A_1275 = arith.constant 2689 : i32
        %add3A_1276 = vector.broadcast %add3A_1275 : i32 to vector<16xi32>
        %add3A_1277 = arith.addi %add3A_1236, %add3A_1276 : vector<16xi32>
        %gather3A_1278 = tpu.vector_load_idx %arg10[%add3A_1277] : memref<3584xi32, #tpu.memory_space<vmem>>[vector<16xi32>], vector<16xi32>,
        %bitcast3A_1279 = vector.bitcast %gather3A_1278 : vector<16xi32> to vector<32xbf16>
        %add3A_1280 = arith.constant 2689 : i32
        %add3A_1281 = vector.broadcast %add3A_1280 : i32 to vector<16xi32>
        %add3A_1282 = arith.addi %add3A_1237, %add3A_1281 : vector<16xi32>
        %gather3A_1283 = tpu.vector_load_idx %arg10[%add3A_1282] : memref<3584xi32, #tpu.memory_space<vmem>>[vector<16xi32>], vector<16xi32>,
        %bitcast3A_1284 = vector.bitcast %gather3A_1283 : vector<16xi32> to vector<32xbf16>
        %add3A_1285 = arith.constant 2689 : i32
        %add3A_1286 = vector.broadcast %add3A_1285 : i32 to vector<16xi32>
        %add3A_1287 = arith.addi %add3A_1238, %add3A_1286 : vector<16xi32>
        %gather3A_1288 = tpu.vector_load_idx %arg10[%add3A_1287] : memref<3584xi32, #tpu.memory_space<vmem>>[vector<16xi32>], vector<16xi32>,
        %bitcast3A_1289 = vector.bitcast %gather3A_1288 : vector<16xi32> to vector<32xbf16>
        %add3A_1290 = arith.constant 2689 : i32
        %add3A_1291 = vector.broadcast %add3A_1290 : i32 to vector<16xi32>
        %add3A_1292 = arith.addi %add3A_1239, %add3A_1291 : vector<16xi32>
        %gather3A_1293 = tpu.vector_load_idx %arg10[%add3A_1292] : memref<3584xi32, #tpu.memory_space<vmem>>[vector<16xi32>], vector<16xi32>,
        %bitcast3A_1294 = vector.bitcast %gather3A_1293 : vector<16xi32> to vector<32xbf16>
        %add3A_1295 = arith.constant 2690 : i32
        %add3A_1296 = vector.broadcast %add3A_1295 : i32 to vector<16xi32>
        %add3A_1297 = arith.addi %add3A_1236, %add3A_1296 : vector<16xi32>
        %gather3A_1298 = tpu.vector_load_idx %arg10[%add3A_1297] : memref<3584xi32, #tpu.memory_space<vmem>>[vector<16xi32>], vector<16xi32>,
        %bitcast3A_1299 = vector.bitcast %gather3A_1298 : vector<16xi32> to vector<32xbf16>
        %add3A_1300 = arith.constant 2690 : i32
        %add3A_1301 = vector.broadcast %add3A_1300 : i32 to vector<16xi32>
        %add3A_1302 = arith.addi %add3A_1237, %add3A_1301 : vector<16xi32>
        %gather3A_1303 = tpu.vector_load_idx %arg10[%add3A_1302] : memref<3584xi32, #tpu.memory_space<vmem>>[vector<16xi32>], vector<16xi32>,
        %bitcast3A_1304 = vector.bitcast %gather3A_1303 : vector<16xi32> to vector<32xbf16>
        %add3A_1305 = arith.constant 2690 : i32
        %add3A_1306 = vector.broadcast %add3A_1305 : i32 to vector<16xi32>
        %add3A_1307 = arith.addi %add3A_1238, %add3A_1306 : vector<16xi32>
        %gather3A_1308 = tpu.vector_load_idx %arg10[%add3A_1307] : memref<3584xi32, #tpu.memory_space<vmem>>[vector<16xi32>], vector<16xi32>,
        %bitcast3A_1309 = vector.bitcast %gather3A_1308 : vector<16xi32> to vector<32xbf16>
        %add3A_1310 = arith.constant 2690 : i32
        %add3A_1311 = vector.broadcast %add3A_1310 : i32 to vector<16xi32>
        %add3A_1312 = arith.addi %add3A_1239, %add3A_1311 : vector<16xi32>
        %gather3A_1313 = tpu.vector_load_idx %arg10[%add3A_1312] : memref<3584xi32, #tpu.memory_space<vmem>>[vector<16xi32>], vector<16xi32>,
        %bitcast3A_1314 = vector.bitcast %gather3A_1313 : vector<16xi32> to vector<32xbf16>
        %add3A_1315 = arith.constant 2691 : i32
        %add3A_1316 = vector.broadcast %add3A_1315 : i32 to vector<16xi32>
        %add3A_1317 = arith.addi %add3A_1236, %add3A_1316 : vector<16xi32>
        %gather3A_1318 = tpu.vector_load_idx %arg10[%add3A_1317] : memref<3584xi32, #tpu.memory_space<vmem>>[vector<16xi32>], vector<16xi32>,
        %bitcast3A_1319 = vector.bitcast %gather3A_1318 : vector<16xi32> to vector<32xbf16>
        %add3A_1320 = arith.constant 2691 : i32
        %add3A_1321 = vector.broadcast %add3A_1320 : i32 to vector<16xi32>
        %add3A_1322 = arith.addi %add3A_1237, %add3A_1321 : vector<16xi32>
        %gather3A_1323 = tpu.vector_load_idx %arg10[%add3A_1322] : memref<3584xi32, #tpu.memory_space<vmem>>[vector<16xi32>], vector<16xi32>,
        %bitcast3A_1324 = vector.bitcast %gather3A_1323 : vector<16xi32> to vector<32xbf16>
        %add3A_1325 = arith.constant 2691 : i32
        %add3A_1326 = vector.broadcast %add3A_1325 : i32 to vector<16xi32>
        %add3A_1327 = arith.addi %add3A_1238, %add3A_1326 : vector<16xi32>
        %gather3A_1328 = tpu.vector_load_idx %arg10[%add3A_1327] : memref<3584xi32, #tpu.memory_space<vmem>>[vector<16xi32>], vector<16xi32>,
        %bitcast3A_1329 = vector.bitcast %gather3A_1328 : vector<16xi32> to vector<32xbf16>
        %add3A_1330 = arith.constant 2691 : i32
        %add3A_1331 = vector.broadcast %add3A_1330 : i32 to vector<16xi32>
        %add3A_1332 = arith.addi %add3A_1239, %add3A_1331 : vector<16xi32>
        %gather3A_1333 = tpu.vector_load_idx %arg10[%add3A_1332] : memref<3584xi32, #tpu.memory_space<vmem>>[vector<16xi32>], vector<16xi32>,
        %bitcast3A_1334 = vector.bitcast %gather3A_1333 : vector<16xi32> to vector<32xbf16>
        %add3A_1335 = arith.constant 2692 : i32
        %add3A_1336 = vector.broadcast %add3A_1335 : i32 to vector<16xi32>
        %add3A_1337 = arith.addi %add3A_1236, %add3A_1336 : vector<16xi32>
        %gather3A_1338 = tpu.vector_load_idx %arg10[%add3A_1337] : memref<3584xi32, #tpu.memory_space<vmem>>[vector<16xi32>], vector<16xi32>,
        %bitcast3A_1339 = vector.bitcast %gather3A_1338 : vector<16xi32> to vector<32xbf16>
        %add3A_1340 = arith.constant 2692 : i32
        %add3A_1341 = vector.broadcast %add3A_1340 : i32 to vector<16xi32>
        %add3A_1342 = arith.addi %add3A_1237, %add3A_1341 : vector<16xi32>
        %gather3A_1343 = tpu.vector_load_idx %arg10[%add3A_1342] : memref<3584xi32, #tpu.memory_space<vmem>>[vector<16xi32>], vector<16xi32>,
        %bitcast3A_1344 = vector.bitcast %gather3A_1343 : vector<16xi32> to vector<32xbf16>
        %add3A_1345 = arith.constant 2692 : i32
        %add3A_1346 = vector.broadcast %add3A_1345 : i32 to vector<16xi32>
        %add3A_1347 = arith.addi %add3A_1238, %add3A_1346 : vector<16xi32>
        %gather3A_1348 = tpu.vector_load_idx %arg10[%add3A_1347] : memref<3584xi32, #tpu.memory_space<vmem>>[vector<16xi32>], vector<16xi32>,
        %bitcast3A_1349 = vector.bitcast %gather3A_1348 : vector<16xi32> to vector<32xbf16>
        %add3A_1350 = arith.constant 2692 : i32
        %add3A_1351 = vector.broadcast %add3A_1350 : i32 to vector<16xi32>
        %add3A_1352 = arith.addi %add3A_1239, %add3A_1351 : vector<16xi32>
        %gather3A_1353 = tpu.vector_load_idx %arg10[%add3A_1352] : memref<3584xi32, #tpu.memory_space<vmem>>[vector<16xi32>], vector<16xi32>,
        %bitcast3A_1354 = vector.bitcast %gather3A_1353 : vector<16xi32> to vector<32xbf16>
        %add3A_1355 = arith.constant 2693 : i32
        %add3A_1356 = vector.broadcast %add3A_1355 : i32 to vector<16xi32>
        %add3A_1357 = arith.addi %add3A_1236, %add3A_1356 : vector<16xi32>
        %gather3A_1358 = tpu.vector_load_idx %arg10[%add3A_1357] : memref<3584xi32, #tpu.memory_space<vmem>>[vector<16xi32>], vector<16xi32>,
        %bitcast3A_1359 = vector.bitcast %gather3A_1358 : vector<16xi32> to vector<32xbf16>
        %add3A_1360 = arith.constant 2693 : i32
        %add3A_1361 = vector.broadcast %add3A_1360 : i32 to vector<16xi32>
        %add3A_1362 = arith.addi %add3A_1237, %add3A_1361 : vector<16xi32>
        %gather3A_1363 = tpu.vector_load_idx %arg10[%add3A_1362] : memref<3584xi32, #tpu.memory_space<vmem>>[vector<16xi32>], vector<16xi32>,
        %bitcast3A_1364 = vector.bitcast %gather3A_1363 : vector<16xi32> to vector<32xbf16>
        %add3A_1365 = arith.constant 2693 : i32
        %add3A_1366 = vector.broadcast %add3A_1365 : i32 to vector<16xi32>
        %add3A_1367 = arith.addi %add3A_1238, %add3A_1366 : vector<16xi32>
        %gather3A_1368 = tpu.vector_load_idx %arg10[%add3A_1367] : memref<3584xi32, #tpu.memory_space<vmem>>[vector<16xi32>], vector<16xi32>,
        %bitcast3A_1369 = vector.bitcast %gather3A_1368 : vector<16xi32> to vector<32xbf16>
        %add3A_1370 = arith.constant 2693 : i32
        %add3A_1371 = vector.broadcast %add3A_1370 : i32 to vector<16xi32>
        %add3A_1372 = arith.addi %add3A_1239, %add3A_1371 : vector<16xi32>
        %gather3A_1373 = tpu.vector_load_idx %arg10[%add3A_1372] : memref<3584xi32, #tpu.memory_space<vmem>>[vector<16xi32>], vector<16xi32>,
        %bitcast3A_1374 = vector.bitcast %gather3A_1373 : vector<16xi32> to vector<32xbf16>
        %mul3A_1375 = arith.mulf %bitcast3A_1259, %pack3A_1245 : vector<32xbf16>
        %mul3A_1376 = arith.mulf %bitcast3A_1264, %pack3A_1248 : vector<32xbf16>
        %add3A_1377 = arith.addf %mul3A_1375, %mul3A_1376 : vector<32xbf16>
        %mul3A_1378 = arith.mulf %bitcast3A_1269, %pack3A_1251 : vector<32xbf16>
        %mul3A_1379 = arith.mulf %bitcast3A_1274, %pack3A_1254 : vector<32xbf16>
        %add3A_1380 = arith.addf %mul3A_1378, %mul3A_1379 : vector<32xbf16>
        %add3A_1381 = arith.addf %add3A_1377, %add3A_1380 : vector<32xbf16>
        %unpack3A_1382 = tpu.unpack_subelements %add3A_1381, 0 {pack_format = #tpu.pack_format<interleaved>} : vector<32xbf16> -> vector<16xf32>
        %unpack3A_1383 = tpu.unpack_subelements %add3A_1381, 1 {pack_format = #tpu.pack_format<interleaved>} : vector<32xbf16> -> vector<16xf32>
        %swap3A_1384 = arith.constant 0 : i32
        %swap3A_1385 = arith.constant 0 : i32
        %swap3A_1386 = arith.constant 3 : i32
        %swap3A_1387 = arith.index_cast %swap3A_1384 : i32 to index
        %swap3A_1388 = arith.index_cast %swap3A_1385 : i32 to index
        %swap3A_1389 = arith.index_cast %swap3A_1386 : i32 to index
        %swap3A_1390 = arith.index_cast %mul3A_236 : i32 to index
        %swap3A_1391 = tpu.vector_load %arg12[%swap3A_1387, %swap3A_1388, %swap3A_1389, %swap3A_1390] {strides = array<i32>} : memref<2x12x4x512xf32, #tpu.memory_space<vmem>>, vector<16xf32>,
        tpu.vector_store %arg12[%swap3A_1387, %swap3A_1388, %swap3A_1389, %swap3A_1390], %unpack3A_1382 {strides = array<i32>} : memref<2x12x4x512xf32, #tpu.memory_space<vmem>>, vector<16xf32>,
        %swap3A_1392 = arith.constant 0 : i32
        %swap3A_1393 = arith.constant 1 : i32
        %swap3A_1394 = arith.constant 3 : i32
        %swap3A_1395 = arith.index_cast %swap3A_1392 : i32 to index
        %swap3A_1396 = arith.index_cast %swap3A_1393 : i32 to index
        %swap3A_1397 = arith.index_cast %swap3A_1394 : i32 to index
        %swap3A_1398 = arith.index_cast %mul3A_236 : i32 to index
        %swap3A_1399 = tpu.vector_load %arg12[%swap3A_1395, %swap3A_1396, %swap3A_1397, %swap3A_1398] {strides = array<i32>} : memref<2x12x4x512xf32, #tpu.memory_space<vmem>>, vector<16xf32>,
        tpu.vector_store %arg12[%swap3A_1395, %swap3A_1396, %swap3A_1397, %swap3A_1398], %unpack3A_1383 {strides = array<i32>} : memref<2x12x4x512xf32, #tpu.memory_space<vmem>>, vector<16xf32>,
        %mul3A_1400 = arith.mulf %bitcast3A_1279, %pack3A_1245 : vector<32xbf16>
        %mul3A_1401 = arith.mulf %bitcast3A_1284, %pack3A_1248 : vector<32xbf16>
        %add3A_1402 = arith.addf %mul3A_1400, %mul3A_1401 : vector<32xbf16>
        %mul3A_1403 = arith.mulf %bitcast3A_1289, %pack3A_1251 : vector<32xbf16>
        %mul3A_1404 = arith.mulf %bitcast3A_1294, %pack3A_1254 : vector<32xbf16>
        %add3A_1405 = arith.addf %mul3A_1403, %mul3A_1404 : vector<32xbf16>
        %add3A_1406 = arith.addf %add3A_1402, %add3A_1405 : vector<32xbf16>
        %unpack3A_1407 = tpu.unpack_subelements %add3A_1406, 0 {pack_format = #tpu.pack_format<interleaved>} : vector<32xbf16> -> vector<16xf32>
        %unpack3A_1408 = tpu.unpack_subelements %add3A_1406, 1 {pack_format = #tpu.pack_format<interleaved>} : vector<32xbf16> -> vector<16xf32>
        %swap3A_1409 = arith.constant 0 : i32
        %swap3A_1410 = arith.constant 2 : i32
        %swap3A_1411 = arith.constant 3 : i32
        %swap3A_1412 = arith.index_cast %swap3A_1409 : i32 to index
        %swap3A_1413 = arith.index_cast %swap3A_1410 : i32 to index
        %swap3A_1414 = arith.index_cast %swap3A_1411 : i32 to index
        %swap3A_1415 = arith.index_cast %mul3A_236 : i32 to index
        %swap3A_1416 = tpu.vector_load %arg12[%swap3A_1412, %swap3A_1413, %swap3A_1414, %swap3A_1415] {strides = array<i32>} : memref<2x12x4x512xf32, #tpu.memory_space<vmem>>, vector<16xf32>,
        tpu.vector_store %arg12[%swap3A_1412, %swap3A_1413, %swap3A_1414, %swap3A_1415], %unpack3A_1407 {strides = array<i32>} : memref<2x12x4x512xf32, #tpu.memory_space<vmem>>, vector<16xf32>,
        %swap3A_1417 = arith.constant 0 : i32
        %swap3A_1418 = arith.constant 3 : i32
        %swap3A_1419 = arith.constant 3 : i32
        %swap3A_1420 = arith.index_cast %swap3A_1417 : i32 to index
        %swap3A_1421 = arith.index_cast %swap3A_1418 : i32 to index
        %swap3A_1422 = arith.index_cast %swap3A_1419 : i32 to index
        %swap3A_1423 = arith.index_cast %mul3A_236 : i32 to index
        %swap3A_1424 = tpu.vector_load %arg12[%swap3A_1420, %swap3A_1421, %swap3A_1422, %swap3A_1423] {strides = array<i32>} : memref<2x12x4x512xf32, #tpu.memory_space<vmem>>, vector<16xf32>,
        tpu.vector_store %arg12[%swap3A_1420, %swap3A_1421, %swap3A_1422, %swap3A_1423], %unpack3A_1408 {strides = array<i32>} : memref<2x12x4x512xf32, #tpu.memory_space<vmem>>, vector<16xf32>,
        %mul3A_1425 = arith.mulf %bitcast3A_1299, %pack3A_1245 : vector<32xbf16>
        %mul3A_1426 = arith.mulf %bitcast3A_1304, %pack3A_1248 : vector<32xbf16>
        %add3A_1427 = arith.addf %mul3A_1425, %mul3A_1426 : vector<32xbf16>
        %mul3A_1428 = arith.mulf %bitcast3A_1309, %pack3A_1251 : vector<32xbf16>
        %mul3A_1429 = arith.mulf %bitcast3A_1314, %pack3A_1254 : vector<32xbf16>
        %add3A_1430 = arith.addf %mul3A_1428, %mul3A_1429 : vector<32xbf16>
        %add3A_1431 = arith.addf %add3A_1427, %add3A_1430 : vector<32xbf16>
        %unpack3A_1432 = tpu.unpack_subelements %add3A_1431, 0 {pack_format = #tpu.pack_format<interleaved>} : vector<32xbf16> -> vector<16xf32>
        %unpack3A_1433 = tpu.unpack_subelements %add3A_1431, 1 {pack_format = #tpu.pack_format<interleaved>} : vector<32xbf16> -> vector<16xf32>
        %swap3A_1434 = arith.constant 0 : i32
        %swap3A_1435 = arith.constant 4 : i32
        %swap3A_1436 = arith.constant 3 : i32
        %swap3A_1437 = arith.index_cast %swap3A_1434 : i32 to index
        %swap3A_1438 = arith.index_cast %swap3A_1435 : i32 to index
        %swap3A_1439 = arith.index_cast %swap3A_1436 : i32 to index
        %swap3A_1440 = arith.index_cast %mul3A_236 : i32 to index
        %swap3A_1441 = tpu.vector_load %arg12[%swap3A_1437, %swap3A_1438, %swap3A_1439, %swap3A_1440] {strides = array<i32>} : memref<2x12x4x512xf32, #tpu.memory_space<vmem>>, vector<16xf32>,
        tpu.vector_store %arg12[%swap3A_1437, %swap3A_1438, %swap3A_1439, %swap3A_1440], %unpack3A_1432 {strides = array<i32>} : memref<2x12x4x512xf32, #tpu.memory_space<vmem>>, vector<16xf32>,
        %swap3A_1442 = arith.constant 0 : i32
        %swap3A_1443 = arith.constant 5 : i32
        %swap3A_1444 = arith.constant 3 : i32
        %swap3A_1445 = arith.index_cast %swap3A_1442 : i32 to index
        %swap3A_1446 = arith.index_cast %swap3A_1443 : i32 to index
        %swap3A_1447 = arith.index_cast %swap3A_1444 : i32 to index
        %swap3A_1448 = arith.index_cast %mul3A_236 : i32 to index
        %swap3A_1449 = tpu.vector_load %arg12[%swap3A_1445, %swap3A_1446, %swap3A_1447, %swap3A_1448] {strides = array<i32>} : memref<2x12x4x512xf32, #tpu.memory_space<vmem>>, vector<16xf32>,
        tpu.vector_store %arg12[%swap3A_1445, %swap3A_1446, %swap3A_1447, %swap3A_1448], %unpack3A_1433 {strides = array<i32>} : memref<2x12x4x512xf32, #tpu.memory_space<vmem>>, vector<16xf32>,
        %mul3A_1450 = arith.mulf %bitcast3A_1319, %pack3A_1245 : vector<32xbf16>
        %mul3A_1451 = arith.mulf %bitcast3A_1324, %pack3A_1248 : vector<32xbf16>
        %add3A_1452 = arith.addf %mul3A_1450, %mul3A_1451 : vector<32xbf16>
        %mul3A_1453 = arith.mulf %bitcast3A_1329, %pack3A_1251 : vector<32xbf16>
        %mul3A_1454 = arith.mulf %bitcast3A_1334, %pack3A_1254 : vector<32xbf16>
        %add3A_1455 = arith.addf %mul3A_1453, %mul3A_1454 : vector<32xbf16>
        %add3A_1456 = arith.addf %add3A_1452, %add3A_1455 : vector<32xbf16>
        %unpack3A_1457 = tpu.unpack_subelements %add3A_1456, 0 {pack_format = #tpu.pack_format<interleaved>} : vector<32xbf16> -> vector<16xf32>
        %unpack3A_1458 = tpu.unpack_subelements %add3A_1456, 1 {pack_format = #tpu.pack_format<interleaved>} : vector<32xbf16> -> vector<16xf32>
        %swap3A_1459 = arith.constant 0 : i32
        %swap3A_1460 = arith.constant 6 : i32
        %swap3A_1461 = arith.constant 3 : i32
        %swap3A_1462 = arith.index_cast %swap3A_1459 : i32 to index
        %swap3A_1463 = arith.index_cast %swap3A_1460 : i32 to index
        %swap3A_1464 = arith.index_cast %swap3A_1461 : i32 to index
        %swap3A_1465 = arith.index_cast %mul3A_236 : i32 to index
        %swap3A_1466 = tpu.vector_load %arg12[%swap3A_1462, %swap3A_1463, %swap3A_1464, %swap3A_1465] {strides = array<i32>} : memref<2x12x4x512xf32, #tpu.memory_space<vmem>>, vector<16xf32>,
        tpu.vector_store %arg12[%swap3A_1462, %swap3A_1463, %swap3A_1464, %swap3A_1465], %unpack3A_1457 {strides = array<i32>} : memref<2x12x4x512xf32, #tpu.memory_space<vmem>>, vector<16xf32>,
        %swap3A_1467 = arith.constant 0 : i32
        %swap3A_1468 = arith.constant 7 : i32
        %swap3A_1469 = arith.constant 3 : i32
        %swap3A_1470 = arith.index_cast %swap3A_1467 : i32 to index
        %swap3A_1471 = arith.index_cast %swap3A_1468 : i32 to index
        %swap3A_1472 = arith.index_cast %swap3A_1469 : i32 to index
        %swap3A_1473 = arith.index_cast %mul3A_236 : i32 to index
        %swap3A_1474 = tpu.vector_load %arg12[%swap3A_1470, %swap3A_1471, %swap3A_1472, %swap3A_1473] {strides = array<i32>} : memref<2x12x4x512xf32, #tpu.memory_space<vmem>>, vector<16xf32>,
        tpu.vector_store %arg12[%swap3A_1470, %swap3A_1471, %swap3A_1472, %swap3A_1473], %unpack3A_1458 {strides = array<i32>} : memref<2x12x4x512xf32, #tpu.memory_space<vmem>>, vector<16xf32>,
        %mul3A_1475 = arith.mulf %bitcast3A_1339, %pack3A_1245 : vector<32xbf16>
        %mul3A_1476 = arith.mulf %bitcast3A_1344, %pack3A_1248 : vector<32xbf16>
        %add3A_1477 = arith.addf %mul3A_1475, %mul3A_1476 : vector<32xbf16>
        %mul3A_1478 = arith.mulf %bitcast3A_1349, %pack3A_1251 : vector<32xbf16>
        %mul3A_1479 = arith.mulf %bitcast3A_1354, %pack3A_1254 : vector<32xbf16>
        %add3A_1480 = arith.addf %mul3A_1478, %mul3A_1479 : vector<32xbf16>
        %add3A_1481 = arith.addf %add3A_1477, %add3A_1480 : vector<32xbf16>
        %unpack3A_1482 = tpu.unpack_subelements %add3A_1481, 0 {pack_format = #tpu.pack_format<interleaved>} : vector<32xbf16> -> vector<16xf32>
        %unpack3A_1483 = tpu.unpack_subelements %add3A_1481, 1 {pack_format = #tpu.pack_format<interleaved>} : vector<32xbf16> -> vector<16xf32>
        %swap3A_1484 = arith.constant 0 : i32
        %swap3A_1485 = arith.constant 8 : i32
        %swap3A_1486 = arith.constant 3 : i32
        %swap3A_1487 = arith.index_cast %swap3A_1484 : i32 to index
        %swap3A_1488 = arith.index_cast %swap3A_1485 : i32 to index
        %swap3A_1489 = arith.index_cast %swap3A_1486 : i32 to index
        %swap3A_1490 = arith.index_cast %mul3A_236 : i32 to index
        %swap3A_1491 = tpu.vector_load %arg12[%swap3A_1487, %swap3A_1488, %swap3A_1489, %swap3A_1490] {strides = array<i32>} : memref<2x12x4x512xf32, #tpu.memory_space<vmem>>, vector<16xf32>,
        tpu.vector_store %arg12[%swap3A_1487, %swap3A_1488, %swap3A_1489, %swap3A_1490], %unpack3A_1482 {strides = array<i32>} : memref<2x12x4x512xf32, #tpu.memory_space<vmem>>, vector<16xf32>,
        %swap3A_1492 = arith.constant 0 : i32
        %swap3A_1493 = arith.constant 9 : i32
        %swap3A_1494 = arith.constant 3 : i32
        %swap3A_1495 = arith.index_cast %swap3A_1492 : i32 to index
        %swap3A_1496 = arith.index_cast %swap3A_1493 : i32 to index
        %swap3A_1497 = arith.index_cast %swap3A_1494 : i32 to index
        %swap3A_1498 = arith.index_cast %mul3A_236 : i32 to index
        %swap3A_1499 = tpu.vector_load %arg12[%swap3A_1495, %swap3A_1496, %swap3A_1497, %swap3A_1498] {strides = array<i32>} : memref<2x12x4x512xf32, #tpu.memory_space<vmem>>, vector<16xf32>,
        tpu.vector_store %arg12[%swap3A_1495, %swap3A_1496, %swap3A_1497, %swap3A_1498], %unpack3A_1483 {strides = array<i32>} : memref<2x12x4x512xf32, #tpu.memory_space<vmem>>, vector<16xf32>,
        %mul3A_1500 = arith.mulf %bitcast3A_1359, %pack3A_1245 : vector<32xbf16>
        %mul3A_1501 = arith.mulf %bitcast3A_1364, %pack3A_1248 : vector<32xbf16>
        %add3A_1502 = arith.addf %mul3A_1500, %mul3A_1501 : vector<32xbf16>
        %mul3A_1503 = arith.mulf %bitcast3A_1369, %pack3A_1251 : vector<32xbf16>
        %mul3A_1504 = arith.mulf %bitcast3A_1374, %pack3A_1254 : vector<32xbf16>
        %add3A_1505 = arith.addf %mul3A_1503, %mul3A_1504 : vector<32xbf16>
        %add3A_1506 = arith.addf %add3A_1502, %add3A_1505 : vector<32xbf16>
        %unpack3A_1507 = tpu.unpack_subelements %add3A_1506, 0 {pack_format = #tpu.pack_format<interleaved>} : vector<32xbf16> -> vector<16xf32>
        %unpack3A_1508 = tpu.unpack_subelements %add3A_1506, 1 {pack_format = #tpu.pack_format<interleaved>} : vector<32xbf16> -> vector<16xf32>
        %swap3A_1509 = arith.constant 0 : i32
        %swap3A_1510 = arith.constant 10 : i32
        %swap3A_1511 = arith.constant 3 : i32
        %swap3A_1512 = arith.index_cast %swap3A_1509 : i32 to index
        %swap3A_1513 = arith.index_cast %swap3A_1510 : i32 to index
        %swap3A_1514 = arith.index_cast %swap3A_1511 : i32 to index
        %swap3A_1515 = arith.index_cast %mul3A_236 : i32 to index
        %swap3A_1516 = tpu.vector_load %arg12[%swap3A_1512, %swap3A_1513, %swap3A_1514, %swap3A_1515] {strides = array<i32>} : memref<2x12x4x512xf32, #tpu.memory_space<vmem>>, vector<16xf32>,
        tpu.vector_store %arg12[%swap3A_1512, %swap3A_1513, %swap3A_1514, %swap3A_1515], %unpack3A_1507 {strides = array<i32>} : memref<2x12x4x512xf32, #tpu.memory_space<vmem>>, vector<16xf32>,
        %swap3A_1517 = arith.constant 0 : i32
        %swap3A_1518 = arith.constant 11 : i32
        %swap3A_1519 = arith.constant 3 : i32
        %swap3A_1520 = arith.index_cast %swap3A_1517 : i32 to index
        %swap3A_1521 = arith.index_cast %swap3A_1518 : i32 to index
        %swap3A_1522 = arith.index_cast %swap3A_1519 : i32 to index
        %swap3A_1523 = arith.index_cast %mul3A_236 : i32 to index
        %swap3A_1524 = tpu.vector_load %arg12[%swap3A_1520, %swap3A_1521, %swap3A_1522, %swap3A_1523] {strides = array<i32>} : memref<2x12x4x512xf32, #tpu.memory_space<vmem>>, vector<16xf32>,
        tpu.vector_store %arg12[%swap3A_1520, %swap3A_1521, %swap3A_1522, %swap3A_1523], %unpack3A_1508 {strides = array<i32>} : memref<2x12x4x512xf32, #tpu.memory_space<vmem>>, vector<16xf32>,
      }
      %scan3A_142 = arith.constant 32 : i32
      %dma_start3A_143 = arith.constant 0 : i32
      %dma_start3A_144 = arith.constant 0 : i32
      %dma_start3A_145 = arith.constant 0 : i32
      %dma_start3A_146 = arith.constant 0 : i32
      %dma_start3A_147 = tpu.memref_slice %arg12[%dma_start3A_143, %dma_start3A_144, %dma_start3A_145, %dma_start3A_146] : memref<2x12x4x512xf32, #tpu.memory_space<vmem>> -> memref<1x12x4x512xf32, #tpu.memory_space<vmem>>
      %dma_start3A_148 = tpu.memref_squeeze %dma_start3A_147 : memref<1x12x4x512xf32, #tpu.memory_space<vmem>> -> memref<12x4x512xf32, #tpu.memory_space<vmem>>
      %dma_start3A_149 = arith.constant 0 : i32
      %dma_start3A_150 = arith.constant 0 : i32
      %dma_start3A_151 = tpu.memref_slice %arg8[%select_n3A, %dma_start3A_149, %add3A_113, %dma_start3A_150] : memref<4x12x512x512xf32, #tpu.memory_space<hbm>> -> memref<1x12x4x512xf32, #tpu.memory_space<hbm>>
      %dma_start3A_152 = tpu.memref_squeeze %dma_start3A_151 : memref<1x12x4x512xf32, #tpu.memory_space<hbm>> -> memref<12x4x512xf32, #tpu.memory_space<hbm>>
      %dma_start3A_153 = arith.constant 0 : i32
      %dma_start3A_154 = arith.constant 0 : i32
      %dma_start3A_155 = tpu.memref_slice %arg8[%select_n3A, %dma_start3A_153, %add3A_113, %dma_start3A_154] : memref<4x12x512x512xf32, #tpu.memory_space<hbm>> -> memref<1x12x4x512xf32, #tpu.memory_space<hbm>>
      %dma_start3A_156 = tpu.memref_squeeze %dma_start3A_155 : memref<1x12x4x512xf32, #tpu.memory_space<hbm>> -> memref<12x4x512xf32, #tpu.memory_space<hbm>>
      %dma_start3A_157 = arith.constant 0 : i32
      %dma_start3A_158 = arith.constant 0 : i32
      %dma_start3A_159 = arith.constant 0 : i32
      %dma_start3A_160 = tpu.memref_slice %arg12[%dma_start3A_143, %dma_start3A_157, %dma_start3A_158, %dma_start3A_159] : memref<2x12x4x512xf32, #tpu.memory_space<vmem>> -> memref<1x12x4x512xf32, #tpu.memory_space<vmem>>
      %dma_start3A_161 = tpu.memref_squeeze %dma_start3A_160 : memref<1x12x4x512xf32, #tpu.memory_space<vmem>> -> memref<12x4x512xf32, #tpu.memory_space<vmem>>
      tpu.enqueue_dma source(%dma_start3A_161 : memref<12x4x512xf32, #tpu.memory_space<vmem>>) target(%dma_start3A_156 : memref<12x4x512xf32, #tpu.memory_space<hbm>>) target_semaphore(%arg17 : memref<!tpu.dma_semaphore, #tpu.memory_space<semaphore_mem>>)
      %add3A_162 = arith.constant 2 : i32
      %add3A_163 = arith.addi %add3A_110, %add3A_162 : i32
      %lt3A_164 = arith.constant 16 : i32
      %lt3A_165 = arith.cmpi slt, %add3A_163, %lt3A_164 : i32
      %convert_element_type3A_166 = arith.extui %lt3A_165 : i1 to i32
      %cond3A_167 = arith.constant 0 : i32
      %cond3A_168 = arith.cmpi ne, %convert_element_type3A_166, %cond3A_167 : i32
      scf.if %cond3A_168 {
        %add3A_234 = arith.constant 8 : i32
        %add3A_235 = arith.addi %add3A_113, %add3A_234 : i32
        %dma_start3A_236 = arith.constant 0 : i32
        %dma_start3A_237 = arith.constant 0 : i32
        %dma_start3A_238 = arith.constant 0 : i32
        %dma_start3A_239 = tpu.memref_slice %arg11[%dma_start3A_236, %dma_start3A_237, %dma_start3A_238] : memref<2x4x512xf32, #tpu.memory_space<vmem>> -> memref<1x4x512xf32, #tpu.memory_space<vmem>>
        %dma_start3A_240 = tpu.memref_squeeze %dma_start3A_239 : memref<1x4x512xf32, #tpu.memory_space<vmem>> -> memref<4x512xf32, #tpu.memory_space<vmem>>
        %dma_start3A_241 = arith.constant 0 : i32
        %dma_start3A_242 = tpu.memref_slice %arg3[%select_n3A, %add3A_235, %dma_start3A_241] : memref<4x512x512xf32, #tpu.memory_space<hbm>> -> memref<1x4x512xf32, #tpu.memory_space<hbm>>
        %dma_start3A_243 = tpu.memref_squeeze %dma_start3A_242 : memref<1x4x512xf32, #tpu.memory_space<hbm>> -> memref<4x512xf32, #tpu.memory_space<hbm>>
        %dma_start3A_244 = arith.constant 0 : i32
        %dma_start3A_245 = arith.constant 0 : i32
        %dma_start3A_246 = tpu.memref_slice %arg11[%dma_start3A_236, %dma_start3A_244, %dma_start3A_245] : memref<2x4x512xf32, #tpu.memory_space<vmem>> -> memref<1x4x512xf32, #tpu.memory_space<vmem>>
        %dma_start3A_247 = tpu.memref_squeeze %dma_start3A_246 : memref<1x4x512xf32, #tpu.memory_space<vmem>> -> memref<4x512xf32, #tpu.memory_space<vmem>>
        %dma_start3A_248 = arith.constant 0 : i32
        %dma_start3A_249 = tpu.memref_slice %arg3[%select_n3A, %add3A_235, %dma_start3A_248] : memref<4x512x512xf32, #tpu.memory_space<hbm>> -> memref<1x4x512xf32, #tpu.memory_space<hbm>>
        %dma_start3A_250 = tpu.memref_squeeze %dma_start3A_249 : memref<1x4x512xf32, #tpu.memory_space<hbm>> -> memref<4x512xf32, #tpu.memory_space<hbm>>
        tpu.enqueue_dma source(%dma_start3A_250 : memref<4x512xf32, #tpu.memory_space<hbm>>) target(%dma_start3A_247 : memref<4x512xf32, #tpu.memory_space<vmem>>) target_semaphore(%arg19 : memref<!tpu.dma_semaphore, #tpu.memory_space<semaphore_mem>>)
      } else {
      }
      %mul3A_169 = arith.constant 2 : i32
      %mul3A_170 = arith.muli %scan3A_106, %mul3A_169 : i32
      %add3A_171 = arith.constant 1 : i32
      %add3A_172 = arith.addi %mul3A_170, %add3A_171 : i32
      %mul3A_173 = arith.constant 4 : i32
      %mul3A_174 = arith.muli %add3A_172, %mul3A_173 : i32
      %add3A_175 = arith.addi %mul3A_32, %mul3A_174 : i32
      %dma_wait3A_176 = arith.constant 1 : i32
      %dma_wait3A_177 = arith.constant 0 : i32
      %dma_wait3A_178 = arith.constant 0 : i32
      %dma_wait3A_179 = tpu.memref_slice %arg11[%dma_wait3A_176, %dma_wait3A_177, %dma_wait3A_178] : memref<2x4x512xf32, #tpu.memory_space<vmem>> -> memref<1x4x512xf32, #tpu.memory_space<vmem>>
      %dma_wait3A_180 = tpu.memref_squeeze %dma_wait3A_179 : memref<1x4x512xf32, #tpu.memory_space<vmem>> -> memref<4x512xf32, #tpu.memory_space<vmem>>
      %dma_wait3A_181 = arith.constant 0 : i32
      %dma_wait3A_182 = tpu.memref_slice %arg3[%select_n3A, %add3A_175, %dma_wait3A_181] : memref<4x512x512xf32, #tpu.memory_space<hbm>> -> memref<1x4x512xf32, #tpu.memory_space<hbm>>
      %dma_wait3A_183 = tpu.memref_squeeze %dma_wait3A_182 : memref<1x4x512xf32, #tpu.memory_space<hbm>> -> memref<4x512xf32, #tpu.memory_space<hbm>>
      %dma_wait3A_184 = arith.constant 0 : i32
      %dma_wait3A_185 = arith.constant 0 : i32
      %dma_wait3A_186 = tpu.memref_slice %arg11[%dma_wait3A_176, %dma_wait3A_184, %dma_wait3A_185] : memref<2x4x512xf32, #tpu.memory_space<vmem>> -> memref<1x4x512xf32, #tpu.memory_space<vmem>>
      %dma_wait3A_187 = tpu.memref_squeeze %dma_wait3A_186 : memref<1x4x512xf32, #tpu.memory_space<vmem>> -> memref<4x512xf32, #tpu.memory_space<vmem>>
      %dma_wait3A_188 = arith.constant 0 : i32
      %dma_wait3A_189 = tpu.memref_slice %arg3[%select_n3A, %add3A_175, %dma_wait3A_188] : memref<4x512x512xf32, #tpu.memory_space<hbm>> -> memref<1x4x512xf32, #tpu.memory_space<hbm>>
      %dma_wait3A_190 = tpu.memref_squeeze %dma_wait3A_189 : memref<1x4x512xf32, #tpu.memory_space<hbm>> -> memref<4x512xf32, #tpu.memory_space<hbm>>
      tpu.wait_dma2 semaphore(%arg20 : memref<!tpu.dma_semaphore, #tpu.memory_space<semaphore_mem>>) src(%dma_wait3A_190 : memref<4x512xf32, #tpu.memory_space<hbm>>) dst(%dma_wait3A_187 : memref<4x512xf32, #tpu.memory_space<vmem>>)
      %ge3A_191 = arith.constant 2 : i32
      %ge3A_192 = arith.cmpi sge, %add3A_172, %ge3A_191 : i32
      %convert_element_type3A_193 = arith.extui %ge3A_192 : i1 to i32
      %cond3A_194 = arith.constant 0 : i32
      %cond3A_195 = arith.cmpi ne, %convert_element_type3A_193, %cond3A_194 : i32
      scf.if %cond3A_195 {
        %dma_wait3A_234 = arith.constant 1 : i32
        %dma_wait3A_235 = arith.constant 0 : i32
        %dma_wait3A_236 = arith.constant 0 : i32
        %dma_wait3A_237 = arith.constant 0 : i32
        %dma_wait3A_238 = tpu.memref_slice %arg12[%dma_wait3A_234, %dma_wait3A_235, %dma_wait3A_236, %dma_wait3A_237] : memref<2x12x4x512xf32, #tpu.memory_space<vmem>> -> memref<1x12x4x512xf32, #tpu.memory_space<vmem>>
        %dma_wait3A_239 = tpu.memref_squeeze %dma_wait3A_238 : memref<1x12x4x512xf32, #tpu.memory_space<vmem>> -> memref<12x4x512xf32, #tpu.memory_space<vmem>>
        %dma_wait3A_240 = arith.constant 0 : i32
        %dma_wait3A_241 = arith.constant 0 : i32
        %dma_wait3A_242 = tpu.memref_slice %arg8[%select_n3A, %dma_wait3A_240, %add3A_175, %dma_wait3A_241] : memref<4x12x512x512xf32, #tpu.memory_space<hbm>> -> memref<1x12x4x512xf32, #tpu.memory_space<hbm>>
        %dma_wait3A_243 = tpu.memref_squeeze %dma_wait3A_242 : memref<1x12x4x512xf32, #tpu.memory_space<hbm>> -> memref<12x4x512xf32, #tpu.memory_space<hbm>>
        %dma_wait3A_244 = arith.constant 0 : i32
        %dma_wait3A_245 = arith.constant 0 : i32
        %dma_wait3A_246 = tpu.memref_slice %arg8[%select_n3A, %dma_wait3A_244, %add3A_175, %dma_wait3A_245] : memref<4x12x512x512xf32, #tpu.memory_space<hbm>> -> memref<1x12x4x512xf32, #tpu.memory_space<hbm>>
        %dma_wait3A_247 = tpu.memref_squeeze %dma_wait3A_246 : memref<1x12x4x512xf32, #tpu.memory_space<hbm>> -> memref<12x4x512xf32, #tpu.memory_space<hbm>>
        %dma_wait3A_248 = arith.constant 0 : i32
        %dma_wait3A_249 = arith.constant 0 : i32
        %dma_wait3A_250 = arith.constant 0 : i32
        %dma_wait3A_251 = tpu.memref_slice %arg12[%dma_wait3A_234, %dma_wait3A_248, %dma_wait3A_249, %dma_wait3A_250] : memref<2x12x4x512xf32, #tpu.memory_space<vmem>> -> memref<1x12x4x512xf32, #tpu.memory_space<vmem>>
        %dma_wait3A_252 = tpu.memref_squeeze %dma_wait3A_251 : memref<1x12x4x512xf32, #tpu.memory_space<vmem>> -> memref<12x4x512xf32, #tpu.memory_space<vmem>>
        tpu.wait_dma2 semaphore(%arg18 : memref<!tpu.dma_semaphore, #tpu.memory_space<semaphore_mem>>) src(%dma_wait3A_252 : memref<12x4x512xf32, #tpu.memory_space<vmem>>) dst(%dma_wait3A_247 : memref<12x4x512xf32, #tpu.memory_space<hbm>>)
      } else {
      }
      %scan3A_196 = arith.constant 0 : i32
      %scan3A_197 = arith.constant 0 : i32
      %scan3A_198 = arith.constant 4 : i32
      %scan3A_199 = arith.addi %scan3A_197, %scan3A_198 : i32
      %scan3A_200 = arith.constant 1 : i32
      scf.for %scan3A_234 = %scan3A_197 to %scan3A_199 step %scan3A_200  : i32 {
        %add3A_235 = arith.addi %add3A_175, %scan3A_234 : i32
        %mul3A_236 = arith.constant 15 : i32
        %mul3A_237 = arith.muli %add3A_235, %mul3A_236 : i32
        %jit3A_238 = arith.constant 511 : i32
        %div3A_239 = arith.divsi %mul3A_237, %jit3A_238 : i32
        %sign3A_240 = arith.constant 0 : i32
        %sign3A_241 = arith.cmpi sgt, %mul3A_237, %sign3A_240 : i32
        %sign3A_242 = arith.extui %sign3A_241 : i1 to i32
        %sign3A_243 = arith.constant 0 : i32
        %sign3A_244 = arith.cmpi slt, %mul3A_237, %sign3A_243 : i32
        %sign3A_245 = arith.extui %sign3A_244 : i1 to i32
        %sign3A_246 = arith.subi %sign3A_242, %sign3A_245 : i32
        %sign3A_247 = arith.constant 0 : i32
        %sign3A_248 = arith.cmpi sgt, %jit3A_238, %sign3A_247 : i32
        %sign3A_249 = arith.extui %sign3A_248 : i1 to i32
        %sign3A_250 = arith.constant 0 : i32
        %sign3A_251 = arith.cmpi slt, %jit3A_238, %sign3A_250 : i32
        %sign3A_252 = arith.extui %sign3A_251 : i1 to i32
        %sign3A_253 = arith.subi %sign3A_249, %sign3A_252 : i32
        %ne3A_254 = arith.cmpi ne, %sign3A_246, %sign3A_253 : i32
        %rem3A_255 = arith.remsi %mul3A_237, %jit3A_238 : i32
        %ne3A_256 = arith.constant 0 : i32
        %ne3A_257 = arith.cmpi ne, %rem3A_255, %ne3A_256 : i32
        %and3A_258 = arith.andi %ne3A_254, %ne3A_257 : i1
        %sub3A_259 = arith.constant 1 : i32
        %sub3A_260 = arith.subi %div3A_239, %sub3A_259 : i32
        %select_n3A_261 = arith.select %and3A_258, %sub3A_260, %div3A_239 : i32
        %convert_element_type3A_262 = arith.sitofp %mul3A_237 : i32 to f32
        %mul3A_263 = arith.constant 0.00195694715 : f32
        %mul3A_264 = arith.mulf %convert_element_type3A_262, %mul3A_263 : f32
        %convert_element_type3A_265 = arith.sitofp %select_n3A_261 : i32 to f32
        %sub3A_266 = arith.subf %mul3A_264, %convert_element_type3A_265 : f32
        %add3A_267 = arith.constant 1 : i32
        %add3A_268 = arith.addi %select_n3A_261, %add3A_267 : i32
        %min3A = arith.constant 15 : i32
        %min3A_269 = arith.minsi %add3A_268, %min3A : i32
        %mul3A_270 = arith.constant 896 : i32
        %mul3A_271 = arith.muli %select_n3A_261, %mul3A_270 : i32
        %mul3A_272 = arith.constant 896 : i32
        %mul3A_273 = arith.muli %min3A_269, %mul3A_272 : i32
        %mul3A_274 = arith.constant 896 : i32
        %mul3A_275 = arith.muli %scan3A_234, %mul3A_274 : i32
        %broadcast_in_dim3A = vector.broadcast %sub3A_266 : f32 to vector<16xf32>
        %broadcast_in_dim3A_276 = vector.broadcast %sub3A_266 : f32 to vector<16xf32>
        %pack3A = tpu.pack_subelements %broadcast_in_dim3A, %broadcast_in_dim3A_276 {pack_format = #tpu.pack_format<interleaved>, positions = array<i32: 0, 1>} : vector<16xf32>, vector<16xf32> -> vector<32xbf16>
        %scan3A_277 = arith.constant 0 : i32
        %scan3A_278 = arith.constant 0 : i32
        %scan3A_279 = arith.constant 7 : i32
        %scan3A_280 = arith.addi %scan3A_278, %scan3A_279 : i32
        %scan3A_281 = arith.constant 1 : i32
        scf.for %scan3A_283 = %scan3A_278 to %scan3A_280 step %scan3A_281  : i32 {
          %mul3A_284 = arith.constant 128 : i32
          %mul3A_285 = arith.muli %scan3A_283, %mul3A_284 : i32
          %add3A_286 = arith.constant 0 : i32
          %add3A_287 = arith.addi %mul3A_285, %add3A_286 : i32
          %mul3A_288 = arith.constant 128 : i32
          %mul3A_289 = arith.muli %scan3A_283, %mul3A_288 : i32
          %add3A_290 = arith.constant 16 : i32
          %add3A_291 = arith.addi %mul3A_289, %add3A_290 : i32
          %mul3A_292 = arith.constant 128 : i32
          %mul3A_293 = arith.muli %scan3A_283, %mul3A_292 : i32
          %add3A_294 = arith.constant 32 : i32
          %add3A_295 = arith.addi %mul3A_293, %add3A_294 : i32
          %mul3A_296 = arith.constant 128 : i32
          %mul3A_297 = arith.muli %scan3A_283, %mul3A_296 : i32
          %add3A_298 = arith.constant 48 : i32
          %add3A_299 = arith.addi %mul3A_297, %add3A_298 : i32
          %mul3A_300 = arith.constant 128 : i32
          %mul3A_301 = arith.muli %scan3A_283, %mul3A_300 : i32
          %add3A_302 = arith.constant 64 : i32
          %add3A_303 = arith.addi %mul3A_301, %add3A_302 : i32
          %mul3A_304 = arith.constant 128 : i32
          %mul3A_305 = arith.muli %scan3A_283, %mul3A_304 : i32
          %add3A_306 = arith.constant 80 : i32
          %add3A_307 = arith.addi %mul3A_305, %add3A_306 : i32
          %mul3A_308 = arith.constant 128 : i32
          %mul3A_309 = arith.muli %scan3A_283, %mul3A_308 : i32
          %add3A_310 = arith.constant 96 : i32
          %add3A_311 = arith.addi %mul3A_309, %add3A_310 : i32
          %mul3A_312 = arith.constant 128 : i32
          %mul3A_313 = arith.muli %scan3A_283, %mul3A_312 : i32
          %add3A_314 = arith.constant 112 : i32
          %add3A_315 = arith.addi %mul3A_313, %add3A_314 : i32
          %add3A_316 = arith.addi %mul3A_271, %add3A_287 : i32
          %get3A = arith.index_cast %add3A_316 : i32 to index
          %get3A_317 = tpu.vector_load %arg9[%get3A] {strides = array<i32>} : memref<14336xi32, #tpu.memory_space<vmem>>, vector<16xi32>,
          %bitcast3A = vector.bitcast %get3A_317 : vector<16xi32> to vector<32xbf16>
          %add3A_318 = arith.addi %mul3A_271, %add3A_291 : i32
          %get3A_319 = arith.index_cast %add3A_318 : i32 to index
          %get3A_320 = tpu.vector_load %arg9[%get3A_319] {strides = array<i32>} : memref<14336xi32, #tpu.memory_space<vmem>>, vector<16xi32>,
          %bitcast3A_321 = vector.bitcast %get3A_320 : vector<16xi32> to vector<32xbf16>
          %add3A_322 = arith.addi %mul3A_271, %add3A_295 : i32
          %get3A_323 = arith.index_cast %add3A_322 : i32 to index
          %get3A_324 = tpu.vector_load %arg9[%get3A_323] {strides = array<i32>} : memref<14336xi32, #tpu.memory_space<vmem>>, vector<16xi32>,
          %bitcast3A_325 = vector.bitcast %get3A_324 : vector<16xi32> to vector<32xbf16>
          %add3A_326 = arith.addi %mul3A_271, %add3A_299 : i32
          %get3A_327 = arith.index_cast %add3A_326 : i32 to index
          %get3A_328 = tpu.vector_load %arg9[%get3A_327] {strides = array<i32>} : memref<14336xi32, #tpu.memory_space<vmem>>, vector<16xi32>,
          %bitcast3A_329 = vector.bitcast %get3A_328 : vector<16xi32> to vector<32xbf16>
          %add3A_330 = arith.addi %mul3A_271, %add3A_303 : i32
          %get3A_331 = arith.index_cast %add3A_330 : i32 to index
          %get3A_332 = tpu.vector_load %arg9[%get3A_331] {strides = array<i32>} : memref<14336xi32, #tpu.memory_space<vmem>>, vector<16xi32>,
          %bitcast3A_333 = vector.bitcast %get3A_332 : vector<16xi32> to vector<32xbf16>
          %add3A_334 = arith.addi %mul3A_271, %add3A_307 : i32
          %get3A_335 = arith.index_cast %add3A_334 : i32 to index
          %get3A_336 = tpu.vector_load %arg9[%get3A_335] {strides = array<i32>} : memref<14336xi32, #tpu.memory_space<vmem>>, vector<16xi32>,
          %bitcast3A_337 = vector.bitcast %get3A_336 : vector<16xi32> to vector<32xbf16>
          %add3A_338 = arith.addi %mul3A_271, %add3A_311 : i32
          %get3A_339 = arith.index_cast %add3A_338 : i32 to index
          %get3A_340 = tpu.vector_load %arg9[%get3A_339] {strides = array<i32>} : memref<14336xi32, #tpu.memory_space<vmem>>, vector<16xi32>,
          %bitcast3A_341 = vector.bitcast %get3A_340 : vector<16xi32> to vector<32xbf16>
          %add3A_342 = arith.addi %mul3A_271, %add3A_315 : i32
          %get3A_343 = arith.index_cast %add3A_342 : i32 to index
          %get3A_344 = tpu.vector_load %arg9[%get3A_343] {strides = array<i32>} : memref<14336xi32, #tpu.memory_space<vmem>>, vector<16xi32>,
          %bitcast3A_345 = vector.bitcast %get3A_344 : vector<16xi32> to vector<32xbf16>
          %add3A_346 = arith.addi %mul3A_273, %add3A_287 : i32
          %get3A_347 = arith.index_cast %add3A_346 : i32 to index
          %get3A_348 = tpu.vector_load %arg9[%get3A_347] {strides = array<i32>} : memref<14336xi32, #tpu.memory_space<vmem>>, vector<16xi32>,
          %bitcast3A_349 = vector.bitcast %get3A_348 : vector<16xi32> to vector<32xbf16>
          %add3A_350 = arith.addi %mul3A_273, %add3A_291 : i32
          %get3A_351 = arith.index_cast %add3A_350 : i32 to index
          %get3A_352 = tpu.vector_load %arg9[%get3A_351] {strides = array<i32>} : memref<14336xi32, #tpu.memory_space<vmem>>, vector<16xi32>,
          %bitcast3A_353 = vector.bitcast %get3A_352 : vector<16xi32> to vector<32xbf16>
          %add3A_354 = arith.addi %mul3A_273, %add3A_295 : i32
          %get3A_355 = arith.index_cast %add3A_354 : i32 to index
          %get3A_356 = tpu.vector_load %arg9[%get3A_355] {strides = array<i32>} : memref<14336xi32, #tpu.memory_space<vmem>>, vector<16xi32>,
          %bitcast3A_357 = vector.bitcast %get3A_356 : vector<16xi32> to vector<32xbf16>
          %add3A_358 = arith.addi %mul3A_273, %add3A_299 : i32
          %get3A_359 = arith.index_cast %add3A_358 : i32 to index
          %get3A_360 = tpu.vector_load %arg9[%get3A_359] {strides = array<i32>} : memref<14336xi32, #tpu.memory_space<vmem>>, vector<16xi32>,
          %bitcast3A_361 = vector.bitcast %get3A_360 : vector<16xi32> to vector<32xbf16>
          %add3A_362 = arith.addi %mul3A_273, %add3A_303 : i32
          %get3A_363 = arith.index_cast %add3A_362 : i32 to index
          %get3A_364 = tpu.vector_load %arg9[%get3A_363] {strides = array<i32>} : memref<14336xi32, #tpu.memory_space<vmem>>, vector<16xi32>,
          %bitcast3A_365 = vector.bitcast %get3A_364 : vector<16xi32> to vector<32xbf16>
          %add3A_366 = arith.addi %mul3A_273, %add3A_307 : i32
          %get3A_367 = arith.index_cast %add3A_366 : i32 to index
          %get3A_368 = tpu.vector_load %arg9[%get3A_367] {strides = array<i32>} : memref<14336xi32, #tpu.memory_space<vmem>>, vector<16xi32>,
          %bitcast3A_369 = vector.bitcast %get3A_368 : vector<16xi32> to vector<32xbf16>
          %add3A_370 = arith.addi %mul3A_273, %add3A_311 : i32
          %get3A_371 = arith.index_cast %add3A_370 : i32 to index
          %get3A_372 = tpu.vector_load %arg9[%get3A_371] {strides = array<i32>} : memref<14336xi32, #tpu.memory_space<vmem>>, vector<16xi32>,
          %bitcast3A_373 = vector.bitcast %get3A_372 : vector<16xi32> to vector<32xbf16>
          %add3A_374 = arith.addi %mul3A_273, %add3A_315 : i32
          %get3A_375 = arith.index_cast %add3A_374 : i32 to index
          %get3A_376 = tpu.vector_load %arg9[%get3A_375] {strides = array<i32>} : memref<14336xi32, #tpu.memory_space<vmem>>, vector<16xi32>,
          %bitcast3A_377 = vector.bitcast %get3A_376 : vector<16xi32> to vector<32xbf16>
          %sub3A_378 = arith.subf %bitcast3A_349, %bitcast3A : vector<32xbf16>
          %mul3A_379 = arith.mulf %pack3A, %sub3A_378 : vector<32xbf16>
          %add3A_380 = arith.addf %bitcast3A, %mul3A_379 : vector<32xbf16>
          %bitcast3A_381 = vector.bitcast %add3A_380 : vector<32xbf16> to vector<16xi32>
          %add3A_382 = arith.addi %mul3A_275, %add3A_287 : i32
          %swap3A = arith.index_cast %add3A_382 : i32 to index
          %swap3A_383 = tpu.vector_load %arg10[%swap3A] {strides = array<i32>} : memref<3584xi32, #tpu.memory_space<vmem>>, vector<16xi32>,
          tpu.vector_store %arg10[%swap3A], %bitcast3A_381 {strides = array<i32>} : memref<3584xi32, #tpu.memory_space<vmem>>, vector<16xi32>,
          %sub3A_384 = arith.subf %bitcast3A_353, %bitcast3A_321 : vector<32xbf16>
          %mul3A_385 = arith.mulf %pack3A, %sub3A_384 : vector<32xbf16>
          %add3A_386 = arith.addf %bitcast3A_321, %mul3A_385 : vector<32xbf16>
          %bitcast3A_387 = vector.bitcast %add3A_386 : vector<32xbf16> to vector<16xi32>
          %add3A_388 = arith.addi %mul3A_275, %add3A_291 : i32
          %swap3A_389 = arith.index_cast %add3A_388 : i32 to index
          %swap3A_390 = tpu.vector_load %arg10[%swap3A_389] {strides = array<i32>} : memref<3584xi32, #tpu.memory_space<vmem>>, vector<16xi32>,
          tpu.vector_store %arg10[%swap3A_389], %bitcast3A_387 {strides = array<i32>} : memref<3584xi32, #tpu.memory_space<vmem>>, vector<16xi32>,
          %sub3A_391 = arith.subf %bitcast3A_357, %bitcast3A_325 : vector<32xbf16>
          %mul3A_392 = arith.mulf %pack3A, %sub3A_391 : vector<32xbf16>
          %add3A_393 = arith.addf %bitcast3A_325, %mul3A_392 : vector<32xbf16>
          %bitcast3A_394 = vector.bitcast %add3A_393 : vector<32xbf16> to vector<16xi32>
          %add3A_395 = arith.addi %mul3A_275, %add3A_295 : i32
          %swap3A_396 = arith.index_cast %add3A_395 : i32 to index
          %swap3A_397 = tpu.vector_load %arg10[%swap3A_396] {strides = array<i32>} : memref<3584xi32, #tpu.memory_space<vmem>>, vector<16xi32>,
          tpu.vector_store %arg10[%swap3A_396], %bitcast3A_394 {strides = array<i32>} : memref<3584xi32, #tpu.memory_space<vmem>>, vector<16xi32>,
          %sub3A_398 = arith.subf %bitcast3A_361, %bitcast3A_329 : vector<32xbf16>
          %mul3A_399 = arith.mulf %pack3A, %sub3A_398 : vector<32xbf16>
          %add3A_400 = arith.addf %bitcast3A_329, %mul3A_399 : vector<32xbf16>
          %bitcast3A_401 = vector.bitcast %add3A_400 : vector<32xbf16> to vector<16xi32>
          %add3A_402 = arith.addi %mul3A_275, %add3A_299 : i32
          %swap3A_403 = arith.index_cast %add3A_402 : i32 to index
          %swap3A_404 = tpu.vector_load %arg10[%swap3A_403] {strides = array<i32>} : memref<3584xi32, #tpu.memory_space<vmem>>, vector<16xi32>,
          tpu.vector_store %arg10[%swap3A_403], %bitcast3A_401 {strides = array<i32>} : memref<3584xi32, #tpu.memory_space<vmem>>, vector<16xi32>,
          %sub3A_405 = arith.subf %bitcast3A_365, %bitcast3A_333 : vector<32xbf16>
          %mul3A_406 = arith.mulf %pack3A, %sub3A_405 : vector<32xbf16>
          %add3A_407 = arith.addf %bitcast3A_333, %mul3A_406 : vector<32xbf16>
          %bitcast3A_408 = vector.bitcast %add3A_407 : vector<32xbf16> to vector<16xi32>
          %add3A_409 = arith.addi %mul3A_275, %add3A_303 : i32
          %swap3A_410 = arith.index_cast %add3A_409 : i32 to index
          %swap3A_411 = tpu.vector_load %arg10[%swap3A_410] {strides = array<i32>} : memref<3584xi32, #tpu.memory_space<vmem>>, vector<16xi32>,
          tpu.vector_store %arg10[%swap3A_410], %bitcast3A_408 {strides = array<i32>} : memref<3584xi32, #tpu.memory_space<vmem>>, vector<16xi32>,
          %sub3A_412 = arith.subf %bitcast3A_369, %bitcast3A_337 : vector<32xbf16>
          %mul3A_413 = arith.mulf %pack3A, %sub3A_412 : vector<32xbf16>
          %add3A_414 = arith.addf %bitcast3A_337, %mul3A_413 : vector<32xbf16>
          %bitcast3A_415 = vector.bitcast %add3A_414 : vector<32xbf16> to vector<16xi32>
          %add3A_416 = arith.addi %mul3A_275, %add3A_307 : i32
          %swap3A_417 = arith.index_cast %add3A_416 : i32 to index
          %swap3A_418 = tpu.vector_load %arg10[%swap3A_417] {strides = array<i32>} : memref<3584xi32, #tpu.memory_space<vmem>>, vector<16xi32>,
          tpu.vector_store %arg10[%swap3A_417], %bitcast3A_415 {strides = array<i32>} : memref<3584xi32, #tpu.memory_space<vmem>>, vector<16xi32>,
          %sub3A_419 = arith.subf %bitcast3A_373, %bitcast3A_341 : vector<32xbf16>
          %mul3A_420 = arith.mulf %pack3A, %sub3A_419 : vector<32xbf16>
          %add3A_421 = arith.addf %bitcast3A_341, %mul3A_420 : vector<32xbf16>
          %bitcast3A_422 = vector.bitcast %add3A_421 : vector<32xbf16> to vector<16xi32>
          %add3A_423 = arith.addi %mul3A_275, %add3A_311 : i32
          %swap3A_424 = arith.index_cast %add3A_423 : i32 to index
          %swap3A_425 = tpu.vector_load %arg10[%swap3A_424] {strides = array<i32>} : memref<3584xi32, #tpu.memory_space<vmem>>, vector<16xi32>,
          tpu.vector_store %arg10[%swap3A_424], %bitcast3A_422 {strides = array<i32>} : memref<3584xi32, #tpu.memory_space<vmem>>, vector<16xi32>,
          %sub3A_426 = arith.subf %bitcast3A_377, %bitcast3A_345 : vector<32xbf16>
          %mul3A_427 = arith.mulf %pack3A, %sub3A_426 : vector<32xbf16>
          %add3A_428 = arith.addf %bitcast3A_345, %mul3A_427 : vector<32xbf16>
          %bitcast3A_429 = vector.bitcast %add3A_428 : vector<32xbf16> to vector<16xi32>
          %add3A_430 = arith.addi %mul3A_275, %add3A_315 : i32
          %swap3A_431 = arith.index_cast %add3A_430 : i32 to index
          %swap3A_432 = tpu.vector_load %arg10[%swap3A_431] {strides = array<i32>} : memref<3584xi32, #tpu.memory_space<vmem>>, vector<16xi32>,
          tpu.vector_store %arg10[%swap3A_431], %bitcast3A_429 {strides = array<i32>} : memref<3584xi32, #tpu.memory_space<vmem>>, vector<16xi32>,
        }
        %scan3A_282 = arith.constant 7 : i32
      }
      %scan3A_201 = arith.constant 4 : i32
      %scan3A_202 = arith.constant 0 : i32
      %scan3A_203 = arith.constant 0 : i32
      %scan3A_204 = arith.constant 32 : i32
      %scan3A_205 = arith.addi %scan3A_203, %scan3A_204 : i32
      %scan3A_206 = arith.constant 1 : i32
      scf.for %scan3A_234 = %scan3A_203 to %scan3A_205 step %scan3A_206  : i32 {
        %mul3A_235 = arith.constant 16 : i32
        %mul3A_236 = arith.muli %scan3A_234, %mul3A_235 : i32
        %get3A = arith.index_cast %mul3A_236 : i32 to index
        %get3A_237 = tpu.vector_load %arg13[%get3A] {strides = array<i32>} : memref<512xi32, #tpu.memory_space<vmem>>, vector<16xi32>,
        %get3A_238 = arith.index_cast %mul3A_236 : i32 to index
        %get3A_239 = tpu.vector_load %arg14[%get3A_238] {strides = array<i32>} : memref<512xi32, #tpu.memory_space<vmem>>, vector<16xi32>,
        %get3A_240 = arith.index_cast %mul3A_236 : i32 to index
        %get3A_241 = tpu.vector_load %arg15[%get3A_240] {strides = array<i32>} : memref<512xf32, #tpu.memory_space<vmem>>, vector<16xf32>,
        %get3A_242 = arith.index_cast %mul3A_236 : i32 to index
        %get3A_243 = tpu.vector_load %arg16[%get3A_242] {strides = array<i32>} : memref<512xf32, #tpu.memory_space<vmem>>, vector<16xf32>,
        %get3A_244 = arith.constant 1 : i32
        %get3A_245 = arith.constant 0 : i32
        %get3A_246 = arith.index_cast %get3A_244 : i32 to index
        %get3A_247 = arith.index_cast %get3A_245 : i32 to index
        %get3A_248 = arith.index_cast %mul3A_236 : i32 to index
        %get3A_249 = tpu.vector_load %arg11[%get3A_246, %get3A_247, %get3A_248] {strides = array<i32>} : memref<2x4x512xf32, #tpu.memory_space<vmem>>, vector<16xf32>,
        %add3A_250 = arith.constant 1.000000e+00 : f32
        %add3A_251 = vector.broadcast %add3A_250 : f32 to vector<16xf32>
        %add3A_252 = arith.addf %get3A_249, %add3A_251 : vector<16xf32>
        %mul3A_253 = arith.constant 3.500000e+00 : f32
        %mul3A_254 = vector.broadcast %mul3A_253 : f32 to vector<16xf32>
        %mul3A_255 = arith.mulf %add3A_252, %mul3A_254 : vector<16xf32>
        %jit3A_256 = arith.constant 0.000000e+00 : f32
        %jit3A_257 = arith.constant 7.000000e+00 : f32
        %max3A = vector.broadcast %jit3A_256 : f32 to vector<16xf32>
        %max3A_258 = arith.maximumf %max3A, %mul3A_255 : vector<16xf32>
        %min3A = vector.broadcast %jit3A_257 : f32 to vector<16xf32>
        %min3A_259 = arith.minimumf %min3A, %max3A_258 : vector<16xf32>
        %convert_element_type3A_260 = arith.fptosi %min3A_259 : vector<16xf32> to vector<16xi32>
        %convert_element_type3A_261 = arith.sitofp %convert_element_type3A_260 : vector<16xi32> to vector<16xf32>
        %sub3A_262 = arith.subf %min3A_259, %convert_element_type3A_261 : vector<16xf32>
        %add3A_263 = arith.constant 1 : i32
        %add3A_264 = vector.broadcast %add3A_263 : i32 to vector<16xi32>
        %add3A_265 = arith.addi %convert_element_type3A_260, %add3A_264 : vector<16xi32>
        %min3A_266 = arith.constant 7 : i32
        %min3A_267 = vector.broadcast %min3A_266 : i32 to vector<16xi32>
        %min3A_268 = arith.minsi %add3A_265, %min3A_267 : vector<16xi32>
        %mul3A_269 = arith.constant 7 : i32
        %mul3A_270 = vector.broadcast %mul3A_269 : i32 to vector<16xi32>
        %mul3A_271 = arith.muli %convert_element_type3A_260, %mul3A_270 : vector<16xi32>
        %mul3A_272 = arith.constant 7 : i32
        %mul3A_273 = vector.broadcast %mul3A_272 : i32 to vector<16xi32>
        %mul3A_274 = arith.muli %min3A_268, %mul3A_273 : vector<16xi32>
        %add3A_275 = arith.addi %mul3A_271, %get3A_237 : vector<16xi32>
        %add3A_276 = arith.addi %mul3A_271, %get3A_239 : vector<16xi32>
        %add3A_277 = arith.addi %mul3A_274, %get3A_237 : vector<16xi32>
        %add3A_278 = arith.addi %mul3A_274, %get3A_239 : vector<16xi32>
        %sub3A_279 = arith.constant 1.000000e+00 : f32
        %sub3A_280 = vector.broadcast %sub3A_279 : f32 to vector<16xf32>
        %sub3A_281 = arith.subf %sub3A_280, %sub3A_262 : vector<16xf32>
        %mul3A_282 = arith.mulf %sub3A_281, %get3A_243 : vector<16xf32>
        %mul3A_283 = arith.mulf %sub3A_281, %get3A_243 : vector<16xf32>
        %pack3A = tpu.pack_subelements %mul3A_282, %mul3A_283 {pack_format = #tpu.pack_format<interleaved>, positions = array<i32: 0, 1>} : vector<16xf32>, vector<16xf32> -> vector<32xbf16>
        %mul3A_284 = arith.mulf %sub3A_281, %get3A_241 : vector<16xf32>
        %mul3A_285 = arith.mulf %sub3A_281, %get3A_241 : vector<16xf32>
        %pack3A_286 = tpu.pack_subelements %mul3A_284, %mul3A_285 {pack_format = #tpu.pack_format<interleaved>, positions = array<i32: 0, 1>} : vector<16xf32>, vector<16xf32> -> vector<32xbf16>
        %mul3A_287 = arith.mulf %sub3A_262, %get3A_243 : vector<16xf32>
        %mul3A_288 = arith.mulf %sub3A_262, %get3A_243 : vector<16xf32>
        %pack3A_289 = tpu.pack_subelements %mul3A_287, %mul3A_288 {pack_format = #tpu.pack_format<interleaved>, positions = array<i32: 0, 1>} : vector<16xf32>, vector<16xf32> -> vector<32xbf16>
        %mul3A_290 = arith.mulf %sub3A_262, %get3A_241 : vector<16xf32>
        %mul3A_291 = arith.mulf %sub3A_262, %get3A_241 : vector<16xf32>
        %pack3A_292 = tpu.pack_subelements %mul3A_290, %mul3A_291 {pack_format = #tpu.pack_format<interleaved>, positions = array<i32: 0, 1>} : vector<16xf32>, vector<16xf32> -> vector<32xbf16>
        %add3A_293 = arith.constant 0 : i32
        %add3A_294 = vector.broadcast %add3A_293 : i32 to vector<16xi32>
        %add3A_295 = arith.addi %add3A_275, %add3A_294 : vector<16xi32>
        %gather3A = tpu.vector_load_idx %arg10[%add3A_295] : memref<3584xi32, #tpu.memory_space<vmem>>[vector<16xi32>], vector<16xi32>,
        %bitcast3A = vector.bitcast %gather3A : vector<16xi32> to vector<32xbf16>
        %add3A_296 = arith.constant 0 : i32
        %add3A_297 = vector.broadcast %add3A_296 : i32 to vector<16xi32>
        %add3A_298 = arith.addi %add3A_276, %add3A_297 : vector<16xi32>
        %gather3A_299 = tpu.vector_load_idx %arg10[%add3A_298] : memref<3584xi32, #tpu.memory_space<vmem>>[vector<16xi32>], vector<16xi32>,
        %bitcast3A_300 = vector.bitcast %gather3A_299 : vector<16xi32> to vector<32xbf16>
        %add3A_301 = arith.constant 0 : i32
        %add3A_302 = vector.broadcast %add3A_301 : i32 to vector<16xi32>
        %add3A_303 = arith.addi %add3A_277, %add3A_302 : vector<16xi32>
        %gather3A_304 = tpu.vector_load_idx %arg10[%add3A_303] : memref<3584xi32, #tpu.memory_space<vmem>>[vector<16xi32>], vector<16xi32>,
        %bitcast3A_305 = vector.bitcast %gather3A_304 : vector<16xi32> to vector<32xbf16>
        %add3A_306 = arith.constant 0 : i32
        %add3A_307 = vector.broadcast %add3A_306 : i32 to vector<16xi32>
        %add3A_308 = arith.addi %add3A_278, %add3A_307 : vector<16xi32>
        %gather3A_309 = tpu.vector_load_idx %arg10[%add3A_308] : memref<3584xi32, #tpu.memory_space<vmem>>[vector<16xi32>], vector<16xi32>,
        %bitcast3A_310 = vector.bitcast %gather3A_309 : vector<16xi32> to vector<32xbf16>
        %add3A_311 = arith.constant 1 : i32
        %add3A_312 = vector.broadcast %add3A_311 : i32 to vector<16xi32>
        %add3A_313 = arith.addi %add3A_275, %add3A_312 : vector<16xi32>
        %gather3A_314 = tpu.vector_load_idx %arg10[%add3A_313] : memref<3584xi32, #tpu.memory_space<vmem>>[vector<16xi32>], vector<16xi32>,
        %bitcast3A_315 = vector.bitcast %gather3A_314 : vector<16xi32> to vector<32xbf16>
        %add3A_316 = arith.constant 1 : i32
        %add3A_317 = vector.broadcast %add3A_316 : i32 to vector<16xi32>
        %add3A_318 = arith.addi %add3A_276, %add3A_317 : vector<16xi32>
        %gather3A_319 = tpu.vector_load_idx %arg10[%add3A_318] : memref<3584xi32, #tpu.memory_space<vmem>>[vector<16xi32>], vector<16xi32>,
        %bitcast3A_320 = vector.bitcast %gather3A_319 : vector<16xi32> to vector<32xbf16>
        %add3A_321 = arith.constant 1 : i32
        %add3A_322 = vector.broadcast %add3A_321 : i32 to vector<16xi32>
        %add3A_323 = arith.addi %add3A_277, %add3A_322 : vector<16xi32>
        %gather3A_324 = tpu.vector_load_idx %arg10[%add3A_323] : memref<3584xi32, #tpu.memory_space<vmem>>[vector<16xi32>], vector<16xi32>,
        %bitcast3A_325 = vector.bitcast %gather3A_324 : vector<16xi32> to vector<32xbf16>
        %add3A_326 = arith.constant 1 : i32
        %add3A_327 = vector.broadcast %add3A_326 : i32 to vector<16xi32>
        %add3A_328 = arith.addi %add3A_278, %add3A_327 : vector<16xi32>
        %gather3A_329 = tpu.vector_load_idx %arg10[%add3A_328] : memref<3584xi32, #tpu.memory_space<vmem>>[vector<16xi32>], vector<16xi32>,
        %bitcast3A_330 = vector.bitcast %gather3A_329 : vector<16xi32> to vector<32xbf16>
        %add3A_331 = arith.constant 2 : i32
        %add3A_332 = vector.broadcast %add3A_331 : i32 to vector<16xi32>
        %add3A_333 = arith.addi %add3A_275, %add3A_332 : vector<16xi32>
        %gather3A_334 = tpu.vector_load_idx %arg10[%add3A_333] : memref<3584xi32, #tpu.memory_space<vmem>>[vector<16xi32>], vector<16xi32>,
        %bitcast3A_335 = vector.bitcast %gather3A_334 : vector<16xi32> to vector<32xbf16>
        %add3A_336 = arith.constant 2 : i32
        %add3A_337 = vector.broadcast %add3A_336 : i32 to vector<16xi32>
        %add3A_338 = arith.addi %add3A_276, %add3A_337 : vector<16xi32>
        %gather3A_339 = tpu.vector_load_idx %arg10[%add3A_338] : memref<3584xi32, #tpu.memory_space<vmem>>[vector<16xi32>], vector<16xi32>,
        %bitcast3A_340 = vector.bitcast %gather3A_339 : vector<16xi32> to vector<32xbf16>
        %add3A_341 = arith.constant 2 : i32
        %add3A_342 = vector.broadcast %add3A_341 : i32 to vector<16xi32>
        %add3A_343 = arith.addi %add3A_277, %add3A_342 : vector<16xi32>
        %gather3A_344 = tpu.vector_load_idx %arg10[%add3A_343] : memref<3584xi32, #tpu.memory_space<vmem>>[vector<16xi32>], vector<16xi32>,
        %bitcast3A_345 = vector.bitcast %gather3A_344 : vector<16xi32> to vector<32xbf16>
        %add3A_346 = arith.constant 2 : i32
        %add3A_347 = vector.broadcast %add3A_346 : i32 to vector<16xi32>
        %add3A_348 = arith.addi %add3A_278, %add3A_347 : vector<16xi32>
        %gather3A_349 = tpu.vector_load_idx %arg10[%add3A_348] : memref<3584xi32, #tpu.memory_space<vmem>>[vector<16xi32>], vector<16xi32>,
        %bitcast3A_350 = vector.bitcast %gather3A_349 : vector<16xi32> to vector<32xbf16>
        %add3A_351 = arith.constant 3 : i32
        %add3A_352 = vector.broadcast %add3A_351 : i32 to vector<16xi32>
        %add3A_353 = arith.addi %add3A_275, %add3A_352 : vector<16xi32>
        %gather3A_354 = tpu.vector_load_idx %arg10[%add3A_353] : memref<3584xi32, #tpu.memory_space<vmem>>[vector<16xi32>], vector<16xi32>,
        %bitcast3A_355 = vector.bitcast %gather3A_354 : vector<16xi32> to vector<32xbf16>
        %add3A_356 = arith.constant 3 : i32
        %add3A_357 = vector.broadcast %add3A_356 : i32 to vector<16xi32>
        %add3A_358 = arith.addi %add3A_276, %add3A_357 : vector<16xi32>
        %gather3A_359 = tpu.vector_load_idx %arg10[%add3A_358] : memref<3584xi32, #tpu.memory_space<vmem>>[vector<16xi32>], vector<16xi32>,
        %bitcast3A_360 = vector.bitcast %gather3A_359 : vector<16xi32> to vector<32xbf16>
        %add3A_361 = arith.constant 3 : i32
        %add3A_362 = vector.broadcast %add3A_361 : i32 to vector<16xi32>
        %add3A_363 = arith.addi %add3A_277, %add3A_362 : vector<16xi32>
        %gather3A_364 = tpu.vector_load_idx %arg10[%add3A_363] : memref<3584xi32, #tpu.memory_space<vmem>>[vector<16xi32>], vector<16xi32>,
        %bitcast3A_365 = vector.bitcast %gather3A_364 : vector<16xi32> to vector<32xbf16>
        %add3A_366 = arith.constant 3 : i32
        %add3A_367 = vector.broadcast %add3A_366 : i32 to vector<16xi32>
        %add3A_368 = arith.addi %add3A_278, %add3A_367 : vector<16xi32>
        %gather3A_369 = tpu.vector_load_idx %arg10[%add3A_368] : memref<3584xi32, #tpu.memory_space<vmem>>[vector<16xi32>], vector<16xi32>,
        %bitcast3A_370 = vector.bitcast %gather3A_369 : vector<16xi32> to vector<32xbf16>
        %add3A_371 = arith.constant 4 : i32
        %add3A_372 = vector.broadcast %add3A_371 : i32 to vector<16xi32>
        %add3A_373 = arith.addi %add3A_275, %add3A_372 : vector<16xi32>
        %gather3A_374 = tpu.vector_load_idx %arg10[%add3A_373] : memref<3584xi32, #tpu.memory_space<vmem>>[vector<16xi32>], vector<16xi32>,
        %bitcast3A_375 = vector.bitcast %gather3A_374 : vector<16xi32> to vector<32xbf16>
        %add3A_376 = arith.constant 4 : i32
        %add3A_377 = vector.broadcast %add3A_376 : i32 to vector<16xi32>
        %add3A_378 = arith.addi %add3A_276, %add3A_377 : vector<16xi32>
        %gather3A_379 = tpu.vector_load_idx %arg10[%add3A_378] : memref<3584xi32, #tpu.memory_space<vmem>>[vector<16xi32>], vector<16xi32>,
        %bitcast3A_380 = vector.bitcast %gather3A_379 : vector<16xi32> to vector<32xbf16>
        %add3A_381 = arith.constant 4 : i32
        %add3A_382 = vector.broadcast %add3A_381 : i32 to vector<16xi32>
        %add3A_383 = arith.addi %add3A_277, %add3A_382 : vector<16xi32>
        %gather3A_384 = tpu.vector_load_idx %arg10[%add3A_383] : memref<3584xi32, #tpu.memory_space<vmem>>[vector<16xi32>], vector<16xi32>,
        %bitcast3A_385 = vector.bitcast %gather3A_384 : vector<16xi32> to vector<32xbf16>
        %add3A_386 = arith.constant 4 : i32
        %add3A_387 = vector.broadcast %add3A_386 : i32 to vector<16xi32>
        %add3A_388 = arith.addi %add3A_278, %add3A_387 : vector<16xi32>
        %gather3A_389 = tpu.vector_load_idx %arg10[%add3A_388] : memref<3584xi32, #tpu.memory_space<vmem>>[vector<16xi32>], vector<16xi32>,
        %bitcast3A_390 = vector.bitcast %gather3A_389 : vector<16xi32> to vector<32xbf16>
        %add3A_391 = arith.constant 5 : i32
        %add3A_392 = vector.broadcast %add3A_391 : i32 to vector<16xi32>
        %add3A_393 = arith.addi %add3A_275, %add3A_392 : vector<16xi32>
        %gather3A_394 = tpu.vector_load_idx %arg10[%add3A_393] : memref<3584xi32, #tpu.memory_space<vmem>>[vector<16xi32>], vector<16xi32>,
        %bitcast3A_395 = vector.bitcast %gather3A_394 : vector<16xi32> to vector<32xbf16>
        %add3A_396 = arith.constant 5 : i32
        %add3A_397 = vector.broadcast %add3A_396 : i32 to vector<16xi32>
        %add3A_398 = arith.addi %add3A_276, %add3A_397 : vector<16xi32>
        %gather3A_399 = tpu.vector_load_idx %arg10[%add3A_398] : memref<3584xi32, #tpu.memory_space<vmem>>[vector<16xi32>], vector<16xi32>,
        %bitcast3A_400 = vector.bitcast %gather3A_399 : vector<16xi32> to vector<32xbf16>
        %add3A_401 = arith.constant 5 : i32
        %add3A_402 = vector.broadcast %add3A_401 : i32 to vector<16xi32>
        %add3A_403 = arith.addi %add3A_277, %add3A_402 : vector<16xi32>
        %gather3A_404 = tpu.vector_load_idx %arg10[%add3A_403] : memref<3584xi32, #tpu.memory_space<vmem>>[vector<16xi32>], vector<16xi32>,
        %bitcast3A_405 = vector.bitcast %gather3A_404 : vector<16xi32> to vector<32xbf16>
        %add3A_406 = arith.constant 5 : i32
        %add3A_407 = vector.broadcast %add3A_406 : i32 to vector<16xi32>
        %add3A_408 = arith.addi %add3A_278, %add3A_407 : vector<16xi32>
        %gather3A_409 = tpu.vector_load_idx %arg10[%add3A_408] : memref<3584xi32, #tpu.memory_space<vmem>>[vector<16xi32>], vector<16xi32>,
        %bitcast3A_410 = vector.bitcast %gather3A_409 : vector<16xi32> to vector<32xbf16>
        %mul3A_411 = arith.mulf %bitcast3A, %pack3A : vector<32xbf16>
        %mul3A_412 = arith.mulf %bitcast3A_300, %pack3A_286 : vector<32xbf16>
        %add3A_413 = arith.addf %mul3A_411, %mul3A_412 : vector<32xbf16>
        %mul3A_414 = arith.mulf %bitcast3A_305, %pack3A_289 : vector<32xbf16>
        %mul3A_415 = arith.mulf %bitcast3A_310, %pack3A_292 : vector<32xbf16>
        %add3A_416 = arith.addf %mul3A_414, %mul3A_415 : vector<32xbf16>
        %add3A_417 = arith.addf %add3A_413, %add3A_416 : vector<32xbf16>
        %unpack3A = tpu.unpack_subelements %add3A_417, 0 {pack_format = #tpu.pack_format<interleaved>} : vector<32xbf16> -> vector<16xf32>
        %unpack3A_418 = tpu.unpack_subelements %add3A_417, 1 {pack_format = #tpu.pack_format<interleaved>} : vector<32xbf16> -> vector<16xf32>
        %swap3A = arith.constant 1 : i32
        %swap3A_419 = arith.constant 0 : i32
        %swap3A_420 = arith.constant 0 : i32
        %swap3A_421 = arith.index_cast %swap3A : i32 to index
        %swap3A_422 = arith.index_cast %swap3A_419 : i32 to index
        %swap3A_423 = arith.index_cast %swap3A_420 : i32 to index
        %swap3A_424 = arith.index_cast %mul3A_236 : i32 to index
        %swap3A_425 = tpu.vector_load %arg12[%swap3A_421, %swap3A_422, %swap3A_423, %swap3A_424] {strides = array<i32>} : memref<2x12x4x512xf32, #tpu.memory_space<vmem>>, vector<16xf32>,
        tpu.vector_store %arg12[%swap3A_421, %swap3A_422, %swap3A_423, %swap3A_424], %unpack3A {strides = array<i32>} : memref<2x12x4x512xf32, #tpu.memory_space<vmem>>, vector<16xf32>,
        %swap3A_426 = arith.constant 1 : i32
        %swap3A_427 = arith.constant 1 : i32
        %swap3A_428 = arith.constant 0 : i32
        %swap3A_429 = arith.index_cast %swap3A_426 : i32 to index
        %swap3A_430 = arith.index_cast %swap3A_427 : i32 to index
        %swap3A_431 = arith.index_cast %swap3A_428 : i32 to index
        %swap3A_432 = arith.index_cast %mul3A_236 : i32 to index
        %swap3A_433 = tpu.vector_load %arg12[%swap3A_429, %swap3A_430, %swap3A_431, %swap3A_432] {strides = array<i32>} : memref<2x12x4x512xf32, #tpu.memory_space<vmem>>, vector<16xf32>,
        tpu.vector_store %arg12[%swap3A_429, %swap3A_430, %swap3A_431, %swap3A_432], %unpack3A_418 {strides = array<i32>} : memref<2x12x4x512xf32, #tpu.memory_space<vmem>>, vector<16xf32>,
        %mul3A_434 = arith.mulf %bitcast3A_315, %pack3A : vector<32xbf16>
        %mul3A_435 = arith.mulf %bitcast3A_320, %pack3A_286 : vector<32xbf16>
        %add3A_436 = arith.addf %mul3A_434, %mul3A_435 : vector<32xbf16>
        %mul3A_437 = arith.mulf %bitcast3A_325, %pack3A_289 : vector<32xbf16>
        %mul3A_438 = arith.mulf %bitcast3A_330, %pack3A_292 : vector<32xbf16>
        %add3A_439 = arith.addf %mul3A_437, %mul3A_438 : vector<32xbf16>
        %add3A_440 = arith.addf %add3A_436, %add3A_439 : vector<32xbf16>
        %unpack3A_441 = tpu.unpack_subelements %add3A_440, 0 {pack_format = #tpu.pack_format<interleaved>} : vector<32xbf16> -> vector<16xf32>
        %unpack3A_442 = tpu.unpack_subelements %add3A_440, 1 {pack_format = #tpu.pack_format<interleaved>} : vector<32xbf16> -> vector<16xf32>
        %swap3A_443 = arith.constant 1 : i32
        %swap3A_444 = arith.constant 2 : i32
        %swap3A_445 = arith.constant 0 : i32
        %swap3A_446 = arith.index_cast %swap3A_443 : i32 to index
        %swap3A_447 = arith.index_cast %swap3A_444 : i32 to index
        %swap3A_448 = arith.index_cast %swap3A_445 : i32 to index
        %swap3A_449 = arith.index_cast %mul3A_236 : i32 to index
        %swap3A_450 = tpu.vector_load %arg12[%swap3A_446, %swap3A_447, %swap3A_448, %swap3A_449] {strides = array<i32>} : memref<2x12x4x512xf32, #tpu.memory_space<vmem>>, vector<16xf32>,
        tpu.vector_store %arg12[%swap3A_446, %swap3A_447, %swap3A_448, %swap3A_449], %unpack3A_441 {strides = array<i32>} : memref<2x12x4x512xf32, #tpu.memory_space<vmem>>, vector<16xf32>,
        %swap3A_451 = arith.constant 1 : i32
        %swap3A_452 = arith.constant 3 : i32
        %swap3A_453 = arith.constant 0 : i32
        %swap3A_454 = arith.index_cast %swap3A_451 : i32 to index
        %swap3A_455 = arith.index_cast %swap3A_452 : i32 to index
        %swap3A_456 = arith.index_cast %swap3A_453 : i32 to index
        %swap3A_457 = arith.index_cast %mul3A_236 : i32 to index
        %swap3A_458 = tpu.vector_load %arg12[%swap3A_454, %swap3A_455, %swap3A_456, %swap3A_457] {strides = array<i32>} : memref<2x12x4x512xf32, #tpu.memory_space<vmem>>, vector<16xf32>,
        tpu.vector_store %arg12[%swap3A_454, %swap3A_455, %swap3A_456, %swap3A_457], %unpack3A_442 {strides = array<i32>} : memref<2x12x4x512xf32, #tpu.memory_space<vmem>>, vector<16xf32>,
        %mul3A_459 = arith.mulf %bitcast3A_335, %pack3A : vector<32xbf16>
        %mul3A_460 = arith.mulf %bitcast3A_340, %pack3A_286 : vector<32xbf16>
        %add3A_461 = arith.addf %mul3A_459, %mul3A_460 : vector<32xbf16>
        %mul3A_462 = arith.mulf %bitcast3A_345, %pack3A_289 : vector<32xbf16>
        %mul3A_463 = arith.mulf %bitcast3A_350, %pack3A_292 : vector<32xbf16>
        %add3A_464 = arith.addf %mul3A_462, %mul3A_463 : vector<32xbf16>
        %add3A_465 = arith.addf %add3A_461, %add3A_464 : vector<32xbf16>
        %unpack3A_466 = tpu.unpack_subelements %add3A_465, 0 {pack_format = #tpu.pack_format<interleaved>} : vector<32xbf16> -> vector<16xf32>
        %unpack3A_467 = tpu.unpack_subelements %add3A_465, 1 {pack_format = #tpu.pack_format<interleaved>} : vector<32xbf16> -> vector<16xf32>
        %swap3A_468 = arith.constant 1 : i32
        %swap3A_469 = arith.constant 4 : i32
        %swap3A_470 = arith.constant 0 : i32
        %swap3A_471 = arith.index_cast %swap3A_468 : i32 to index
        %swap3A_472 = arith.index_cast %swap3A_469 : i32 to index
        %swap3A_473 = arith.index_cast %swap3A_470 : i32 to index
        %swap3A_474 = arith.index_cast %mul3A_236 : i32 to index
        %swap3A_475 = tpu.vector_load %arg12[%swap3A_471, %swap3A_472, %swap3A_473, %swap3A_474] {strides = array<i32>} : memref<2x12x4x512xf32, #tpu.memory_space<vmem>>, vector<16xf32>,
        tpu.vector_store %arg12[%swap3A_471, %swap3A_472, %swap3A_473, %swap3A_474], %unpack3A_466 {strides = array<i32>} : memref<2x12x4x512xf32, #tpu.memory_space<vmem>>, vector<16xf32>,
        %swap3A_476 = arith.constant 1 : i32
        %swap3A_477 = arith.constant 5 : i32
        %swap3A_478 = arith.constant 0 : i32
        %swap3A_479 = arith.index_cast %swap3A_476 : i32 to index
        %swap3A_480 = arith.index_cast %swap3A_477 : i32 to index
        %swap3A_481 = arith.index_cast %swap3A_478 : i32 to index
        %swap3A_482 = arith.index_cast %mul3A_236 : i32 to index
        %swap3A_483 = tpu.vector_load %arg12[%swap3A_479, %swap3A_480, %swap3A_481, %swap3A_482] {strides = array<i32>} : memref<2x12x4x512xf32, #tpu.memory_space<vmem>>, vector<16xf32>,
        tpu.vector_store %arg12[%swap3A_479, %swap3A_480, %swap3A_481, %swap3A_482], %unpack3A_467 {strides = array<i32>} : memref<2x12x4x512xf32, #tpu.memory_space<vmem>>, vector<16xf32>,
        %mul3A_484 = arith.mulf %bitcast3A_355, %pack3A : vector<32xbf16>
        %mul3A_485 = arith.mulf %bitcast3A_360, %pack3A_286 : vector<32xbf16>
        %add3A_486 = arith.addf %mul3A_484, %mul3A_485 : vector<32xbf16>
        %mul3A_487 = arith.mulf %bitcast3A_365, %pack3A_289 : vector<32xbf16>
        %mul3A_488 = arith.mulf %bitcast3A_370, %pack3A_292 : vector<32xbf16>
        %add3A_489 = arith.addf %mul3A_487, %mul3A_488 : vector<32xbf16>
        %add3A_490 = arith.addf %add3A_486, %add3A_489 : vector<32xbf16>
        %unpack3A_491 = tpu.unpack_subelements %add3A_490, 0 {pack_format = #tpu.pack_format<interleaved>} : vector<32xbf16> -> vector<16xf32>
        %unpack3A_492 = tpu.unpack_subelements %add3A_490, 1 {pack_format = #tpu.pack_format<interleaved>} : vector<32xbf16> -> vector<16xf32>
        %swap3A_493 = arith.constant 1 : i32
        %swap3A_494 = arith.constant 6 : i32
        %swap3A_495 = arith.constant 0 : i32
        %swap3A_496 = arith.index_cast %swap3A_493 : i32 to index
        %swap3A_497 = arith.index_cast %swap3A_494 : i32 to index
        %swap3A_498 = arith.index_cast %swap3A_495 : i32 to index
        %swap3A_499 = arith.index_cast %mul3A_236 : i32 to index
        %swap3A_500 = tpu.vector_load %arg12[%swap3A_496, %swap3A_497, %swap3A_498, %swap3A_499] {strides = array<i32>} : memref<2x12x4x512xf32, #tpu.memory_space<vmem>>, vector<16xf32>,
        tpu.vector_store %arg12[%swap3A_496, %swap3A_497, %swap3A_498, %swap3A_499], %unpack3A_491 {strides = array<i32>} : memref<2x12x4x512xf32, #tpu.memory_space<vmem>>, vector<16xf32>,
        %swap3A_501 = arith.constant 1 : i32
        %swap3A_502 = arith.constant 7 : i32
        %swap3A_503 = arith.constant 0 : i32
        %swap3A_504 = arith.index_cast %swap3A_501 : i32 to index
        %swap3A_505 = arith.index_cast %swap3A_502 : i32 to index
        %swap3A_506 = arith.index_cast %swap3A_503 : i32 to index
        %swap3A_507 = arith.index_cast %mul3A_236 : i32 to index
        %swap3A_508 = tpu.vector_load %arg12[%swap3A_504, %swap3A_505, %swap3A_506, %swap3A_507] {strides = array<i32>} : memref<2x12x4x512xf32, #tpu.memory_space<vmem>>, vector<16xf32>,
        tpu.vector_store %arg12[%swap3A_504, %swap3A_505, %swap3A_506, %swap3A_507], %unpack3A_492 {strides = array<i32>} : memref<2x12x4x512xf32, #tpu.memory_space<vmem>>, vector<16xf32>,
        %mul3A_509 = arith.mulf %bitcast3A_375, %pack3A : vector<32xbf16>
        %mul3A_510 = arith.mulf %bitcast3A_380, %pack3A_286 : vector<32xbf16>
        %add3A_511 = arith.addf %mul3A_509, %mul3A_510 : vector<32xbf16>
        %mul3A_512 = arith.mulf %bitcast3A_385, %pack3A_289 : vector<32xbf16>
        %mul3A_513 = arith.mulf %bitcast3A_390, %pack3A_292 : vector<32xbf16>
        %add3A_514 = arith.addf %mul3A_512, %mul3A_513 : vector<32xbf16>
        %add3A_515 = arith.addf %add3A_511, %add3A_514 : vector<32xbf16>
        %unpack3A_516 = tpu.unpack_subelements %add3A_515, 0 {pack_format = #tpu.pack_format<interleaved>} : vector<32xbf16> -> vector<16xf32>
        %unpack3A_517 = tpu.unpack_subelements %add3A_515, 1 {pack_format = #tpu.pack_format<interleaved>} : vector<32xbf16> -> vector<16xf32>
        %swap3A_518 = arith.constant 1 : i32
        %swap3A_519 = arith.constant 8 : i32
        %swap3A_520 = arith.constant 0 : i32
        %swap3A_521 = arith.index_cast %swap3A_518 : i32 to index
        %swap3A_522 = arith.index_cast %swap3A_519 : i32 to index
        %swap3A_523 = arith.index_cast %swap3A_520 : i32 to index
        %swap3A_524 = arith.index_cast %mul3A_236 : i32 to index
        %swap3A_525 = tpu.vector_load %arg12[%swap3A_521, %swap3A_522, %swap3A_523, %swap3A_524] {strides = array<i32>} : memref<2x12x4x512xf32, #tpu.memory_space<vmem>>, vector<16xf32>,
        tpu.vector_store %arg12[%swap3A_521, %swap3A_522, %swap3A_523, %swap3A_524], %unpack3A_516 {strides = array<i32>} : memref<2x12x4x512xf32, #tpu.memory_space<vmem>>, vector<16xf32>,
        %swap3A_526 = arith.constant 1 : i32
        %swap3A_527 = arith.constant 9 : i32
        %swap3A_528 = arith.constant 0 : i32
        %swap3A_529 = arith.index_cast %swap3A_526 : i32 to index
        %swap3A_530 = arith.index_cast %swap3A_527 : i32 to index
        %swap3A_531 = arith.index_cast %swap3A_528 : i32 to index
        %swap3A_532 = arith.index_cast %mul3A_236 : i32 to index
        %swap3A_533 = tpu.vector_load %arg12[%swap3A_529, %swap3A_530, %swap3A_531, %swap3A_532] {strides = array<i32>} : memref<2x12x4x512xf32, #tpu.memory_space<vmem>>, vector<16xf32>,
        tpu.vector_store %arg12[%swap3A_529, %swap3A_530, %swap3A_531, %swap3A_532], %unpack3A_517 {strides = array<i32>} : memref<2x12x4x512xf32, #tpu.memory_space<vmem>>, vector<16xf32>,
        %mul3A_534 = arith.mulf %bitcast3A_395, %pack3A : vector<32xbf16>
        %mul3A_535 = arith.mulf %bitcast3A_400, %pack3A_286 : vector<32xbf16>
        %add3A_536 = arith.addf %mul3A_534, %mul3A_535 : vector<32xbf16>
        %mul3A_537 = arith.mulf %bitcast3A_405, %pack3A_289 : vector<32xbf16>
        %mul3A_538 = arith.mulf %bitcast3A_410, %pack3A_292 : vector<32xbf16>
        %add3A_539 = arith.addf %mul3A_537, %mul3A_538 : vector<32xbf16>
        %add3A_540 = arith.addf %add3A_536, %add3A_539 : vector<32xbf16>
        %unpack3A_541 = tpu.unpack_subelements %add3A_540, 0 {pack_format = #tpu.pack_format<interleaved>} : vector<32xbf16> -> vector<16xf32>
        %unpack3A_542 = tpu.unpack_subelements %add3A_540, 1 {pack_format = #tpu.pack_format<interleaved>} : vector<32xbf16> -> vector<16xf32>
        %swap3A_543 = arith.constant 1 : i32
        %swap3A_544 = arith.constant 10 : i32
        %swap3A_545 = arith.constant 0 : i32
        %swap3A_546 = arith.index_cast %swap3A_543 : i32 to index
        %swap3A_547 = arith.index_cast %swap3A_544 : i32 to index
        %swap3A_548 = arith.index_cast %swap3A_545 : i32 to index
        %swap3A_549 = arith.index_cast %mul3A_236 : i32 to index
        %swap3A_550 = tpu.vector_load %arg12[%swap3A_546, %swap3A_547, %swap3A_548, %swap3A_549] {strides = array<i32>} : memref<2x12x4x512xf32, #tpu.memory_space<vmem>>, vector<16xf32>,
        tpu.vector_store %arg12[%swap3A_546, %swap3A_547, %swap3A_548, %swap3A_549], %unpack3A_541 {strides = array<i32>} : memref<2x12x4x512xf32, #tpu.memory_space<vmem>>, vector<16xf32>,
        %swap3A_551 = arith.constant 1 : i32
        %swap3A_552 = arith.constant 11 : i32
        %swap3A_553 = arith.constant 0 : i32
        %swap3A_554 = arith.index_cast %swap3A_551 : i32 to index
        %swap3A_555 = arith.index_cast %swap3A_552 : i32 to index
        %swap3A_556 = arith.index_cast %swap3A_553 : i32 to index
        %swap3A_557 = arith.index_cast %mul3A_236 : i32 to index
        %swap3A_558 = tpu.vector_load %arg12[%swap3A_554, %swap3A_555, %swap3A_556, %swap3A_557] {strides = array<i32>} : memref<2x12x4x512xf32, #tpu.memory_space<vmem>>, vector<16xf32>,
        tpu.vector_store %arg12[%swap3A_554, %swap3A_555, %swap3A_556, %swap3A_557], %unpack3A_542 {strides = array<i32>} : memref<2x12x4x512xf32, #tpu.memory_space<vmem>>, vector<16xf32>,
        %get3A_559 = arith.constant 1 : i32
        %get3A_560 = arith.constant 1 : i32
        %get3A_561 = arith.index_cast %get3A_559 : i32 to index
        %get3A_562 = arith.index_cast %get3A_560 : i32 to index
        %get3A_563 = arith.index_cast %mul3A_236 : i32 to index
        %get3A_564 = tpu.vector_load %arg11[%get3A_561, %get3A_562, %get3A_563] {strides = array<i32>} : memref<2x4x512xf32, #tpu.memory_space<vmem>>, vector<16xf32>,
        %add3A_565 = arith.constant 1.000000e+00 : f32
        %add3A_566 = vector.broadcast %add3A_565 : f32 to vector<16xf32>
        %add3A_567 = arith.addf %get3A_564, %add3A_566 : vector<16xf32>
        %mul3A_568 = arith.constant 3.500000e+00 : f32
        %mul3A_569 = vector.broadcast %mul3A_568 : f32 to vector<16xf32>
        %mul3A_570 = arith.mulf %add3A_567, %mul3A_569 : vector<16xf32>
        %jit3A_571 = arith.constant 0.000000e+00 : f32
        %jit3A_572 = arith.constant 7.000000e+00 : f32
        %max3A_573 = vector.broadcast %jit3A_571 : f32 to vector<16xf32>
        %max3A_574 = arith.maximumf %max3A_573, %mul3A_570 : vector<16xf32>
        %min3A_575 = vector.broadcast %jit3A_572 : f32 to vector<16xf32>
        %min3A_576 = arith.minimumf %min3A_575, %max3A_574 : vector<16xf32>
        %convert_element_type3A_577 = arith.fptosi %min3A_576 : vector<16xf32> to vector<16xi32>
        %convert_element_type3A_578 = arith.sitofp %convert_element_type3A_577 : vector<16xi32> to vector<16xf32>
        %sub3A_579 = arith.subf %min3A_576, %convert_element_type3A_578 : vector<16xf32>
        %add3A_580 = arith.constant 1 : i32
        %add3A_581 = vector.broadcast %add3A_580 : i32 to vector<16xi32>
        %add3A_582 = arith.addi %convert_element_type3A_577, %add3A_581 : vector<16xi32>
        %min3A_583 = arith.constant 7 : i32
        %min3A_584 = vector.broadcast %min3A_583 : i32 to vector<16xi32>
        %min3A_585 = arith.minsi %add3A_582, %min3A_584 : vector<16xi32>
        %mul3A_586 = arith.constant 7 : i32
        %mul3A_587 = vector.broadcast %mul3A_586 : i32 to vector<16xi32>
        %mul3A_588 = arith.muli %convert_element_type3A_577, %mul3A_587 : vector<16xi32>
        %mul3A_589 = arith.constant 7 : i32
        %mul3A_590 = vector.broadcast %mul3A_589 : i32 to vector<16xi32>
        %mul3A_591 = arith.muli %min3A_585, %mul3A_590 : vector<16xi32>
        %add3A_592 = arith.addi %mul3A_588, %get3A_237 : vector<16xi32>
        %add3A_593 = arith.addi %mul3A_588, %get3A_239 : vector<16xi32>
        %add3A_594 = arith.addi %mul3A_591, %get3A_237 : vector<16xi32>
        %add3A_595 = arith.addi %mul3A_591, %get3A_239 : vector<16xi32>
        %sub3A_596 = arith.constant 1.000000e+00 : f32
        %sub3A_597 = vector.broadcast %sub3A_596 : f32 to vector<16xf32>
        %sub3A_598 = arith.subf %sub3A_597, %sub3A_579 : vector<16xf32>
        %mul3A_599 = arith.mulf %sub3A_598, %get3A_243 : vector<16xf32>
        %mul3A_600 = arith.mulf %sub3A_598, %get3A_243 : vector<16xf32>
        %pack3A_601 = tpu.pack_subelements %mul3A_599, %mul3A_600 {pack_format = #tpu.pack_format<interleaved>, positions = array<i32: 0, 1>} : vector<16xf32>, vector<16xf32> -> vector<32xbf16>
        %mul3A_602 = arith.mulf %sub3A_598, %get3A_241 : vector<16xf32>
        %mul3A_603 = arith.mulf %sub3A_598, %get3A_241 : vector<16xf32>
        %pack3A_604 = tpu.pack_subelements %mul3A_602, %mul3A_603 {pack_format = #tpu.pack_format<interleaved>, positions = array<i32: 0, 1>} : vector<16xf32>, vector<16xf32> -> vector<32xbf16>
        %mul3A_605 = arith.mulf %sub3A_579, %get3A_243 : vector<16xf32>
        %mul3A_606 = arith.mulf %sub3A_579, %get3A_243 : vector<16xf32>
        %pack3A_607 = tpu.pack_subelements %mul3A_605, %mul3A_606 {pack_format = #tpu.pack_format<interleaved>, positions = array<i32: 0, 1>} : vector<16xf32>, vector<16xf32> -> vector<32xbf16>
        %mul3A_608 = arith.mulf %sub3A_579, %get3A_241 : vector<16xf32>
        %mul3A_609 = arith.mulf %sub3A_579, %get3A_241 : vector<16xf32>
        %pack3A_610 = tpu.pack_subelements %mul3A_608, %mul3A_609 {pack_format = #tpu.pack_format<interleaved>, positions = array<i32: 0, 1>} : vector<16xf32>, vector<16xf32> -> vector<32xbf16>
        %add3A_611 = arith.constant 896 : i32
        %add3A_612 = vector.broadcast %add3A_611 : i32 to vector<16xi32>
        %add3A_613 = arith.addi %add3A_592, %add3A_612 : vector<16xi32>
        %gather3A_614 = tpu.vector_load_idx %arg10[%add3A_613] : memref<3584xi32, #tpu.memory_space<vmem>>[vector<16xi32>], vector<16xi32>,
        %bitcast3A_615 = vector.bitcast %gather3A_614 : vector<16xi32> to vector<32xbf16>
        %add3A_616 = arith.constant 896 : i32
        %add3A_617 = vector.broadcast %add3A_616 : i32 to vector<16xi32>
        %add3A_618 = arith.addi %add3A_593, %add3A_617 : vector<16xi32>
        %gather3A_619 = tpu.vector_load_idx %arg10[%add3A_618] : memref<3584xi32, #tpu.memory_space<vmem>>[vector<16xi32>], vector<16xi32>,
        %bitcast3A_620 = vector.bitcast %gather3A_619 : vector<16xi32> to vector<32xbf16>
        %add3A_621 = arith.constant 896 : i32
        %add3A_622 = vector.broadcast %add3A_621 : i32 to vector<16xi32>
        %add3A_623 = arith.addi %add3A_594, %add3A_622 : vector<16xi32>
        %gather3A_624 = tpu.vector_load_idx %arg10[%add3A_623] : memref<3584xi32, #tpu.memory_space<vmem>>[vector<16xi32>], vector<16xi32>,
        %bitcast3A_625 = vector.bitcast %gather3A_624 : vector<16xi32> to vector<32xbf16>
        %add3A_626 = arith.constant 896 : i32
        %add3A_627 = vector.broadcast %add3A_626 : i32 to vector<16xi32>
        %add3A_628 = arith.addi %add3A_595, %add3A_627 : vector<16xi32>
        %gather3A_629 = tpu.vector_load_idx %arg10[%add3A_628] : memref<3584xi32, #tpu.memory_space<vmem>>[vector<16xi32>], vector<16xi32>,
        %bitcast3A_630 = vector.bitcast %gather3A_629 : vector<16xi32> to vector<32xbf16>
        %add3A_631 = arith.constant 897 : i32
        %add3A_632 = vector.broadcast %add3A_631 : i32 to vector<16xi32>
        %add3A_633 = arith.addi %add3A_592, %add3A_632 : vector<16xi32>
        %gather3A_634 = tpu.vector_load_idx %arg10[%add3A_633] : memref<3584xi32, #tpu.memory_space<vmem>>[vector<16xi32>], vector<16xi32>,
        %bitcast3A_635 = vector.bitcast %gather3A_634 : vector<16xi32> to vector<32xbf16>
        %add3A_636 = arith.constant 897 : i32
        %add3A_637 = vector.broadcast %add3A_636 : i32 to vector<16xi32>
        %add3A_638 = arith.addi %add3A_593, %add3A_637 : vector<16xi32>
        %gather3A_639 = tpu.vector_load_idx %arg10[%add3A_638] : memref<3584xi32, #tpu.memory_space<vmem>>[vector<16xi32>], vector<16xi32>,
        %bitcast3A_640 = vector.bitcast %gather3A_639 : vector<16xi32> to vector<32xbf16>
        %add3A_641 = arith.constant 897 : i32
        %add3A_642 = vector.broadcast %add3A_641 : i32 to vector<16xi32>
        %add3A_643 = arith.addi %add3A_594, %add3A_642 : vector<16xi32>
        %gather3A_644 = tpu.vector_load_idx %arg10[%add3A_643] : memref<3584xi32, #tpu.memory_space<vmem>>[vector<16xi32>], vector<16xi32>,
        %bitcast3A_645 = vector.bitcast %gather3A_644 : vector<16xi32> to vector<32xbf16>
        %add3A_646 = arith.constant 897 : i32
        %add3A_647 = vector.broadcast %add3A_646 : i32 to vector<16xi32>
        %add3A_648 = arith.addi %add3A_595, %add3A_647 : vector<16xi32>
        %gather3A_649 = tpu.vector_load_idx %arg10[%add3A_648] : memref<3584xi32, #tpu.memory_space<vmem>>[vector<16xi32>], vector<16xi32>,
        %bitcast3A_650 = vector.bitcast %gather3A_649 : vector<16xi32> to vector<32xbf16>
        %add3A_651 = arith.constant 898 : i32
        %add3A_652 = vector.broadcast %add3A_651 : i32 to vector<16xi32>
        %add3A_653 = arith.addi %add3A_592, %add3A_652 : vector<16xi32>
        %gather3A_654 = tpu.vector_load_idx %arg10[%add3A_653] : memref<3584xi32, #tpu.memory_space<vmem>>[vector<16xi32>], vector<16xi32>,
        %bitcast3A_655 = vector.bitcast %gather3A_654 : vector<16xi32> to vector<32xbf16>
        %add3A_656 = arith.constant 898 : i32
        %add3A_657 = vector.broadcast %add3A_656 : i32 to vector<16xi32>
        %add3A_658 = arith.addi %add3A_593, %add3A_657 : vector<16xi32>
        %gather3A_659 = tpu.vector_load_idx %arg10[%add3A_658] : memref<3584xi32, #tpu.memory_space<vmem>>[vector<16xi32>], vector<16xi32>,
        %bitcast3A_660 = vector.bitcast %gather3A_659 : vector<16xi32> to vector<32xbf16>
        %add3A_661 = arith.constant 898 : i32
        %add3A_662 = vector.broadcast %add3A_661 : i32 to vector<16xi32>
        %add3A_663 = arith.addi %add3A_594, %add3A_662 : vector<16xi32>
        %gather3A_664 = tpu.vector_load_idx %arg10[%add3A_663] : memref<3584xi32, #tpu.memory_space<vmem>>[vector<16xi32>], vector<16xi32>,
        %bitcast3A_665 = vector.bitcast %gather3A_664 : vector<16xi32> to vector<32xbf16>
        %add3A_666 = arith.constant 898 : i32
        %add3A_667 = vector.broadcast %add3A_666 : i32 to vector<16xi32>
        %add3A_668 = arith.addi %add3A_595, %add3A_667 : vector<16xi32>
        %gather3A_669 = tpu.vector_load_idx %arg10[%add3A_668] : memref<3584xi32, #tpu.memory_space<vmem>>[vector<16xi32>], vector<16xi32>,
        %bitcast3A_670 = vector.bitcast %gather3A_669 : vector<16xi32> to vector<32xbf16>
        %add3A_671 = arith.constant 899 : i32
        %add3A_672 = vector.broadcast %add3A_671 : i32 to vector<16xi32>
        %add3A_673 = arith.addi %add3A_592, %add3A_672 : vector<16xi32>
        %gather3A_674 = tpu.vector_load_idx %arg10[%add3A_673] : memref<3584xi32, #tpu.memory_space<vmem>>[vector<16xi32>], vector<16xi32>,
        %bitcast3A_675 = vector.bitcast %gather3A_674 : vector<16xi32> to vector<32xbf16>
        %add3A_676 = arith.constant 899 : i32
        %add3A_677 = vector.broadcast %add3A_676 : i32 to vector<16xi32>
        %add3A_678 = arith.addi %add3A_593, %add3A_677 : vector<16xi32>
        %gather3A_679 = tpu.vector_load_idx %arg10[%add3A_678] : memref<3584xi32, #tpu.memory_space<vmem>>[vector<16xi32>], vector<16xi32>,
        %bitcast3A_680 = vector.bitcast %gather3A_679 : vector<16xi32> to vector<32xbf16>
        %add3A_681 = arith.constant 899 : i32
        %add3A_682 = vector.broadcast %add3A_681 : i32 to vector<16xi32>
        %add3A_683 = arith.addi %add3A_594, %add3A_682 : vector<16xi32>
        %gather3A_684 = tpu.vector_load_idx %arg10[%add3A_683] : memref<3584xi32, #tpu.memory_space<vmem>>[vector<16xi32>], vector<16xi32>,
        %bitcast3A_685 = vector.bitcast %gather3A_684 : vector<16xi32> to vector<32xbf16>
        %add3A_686 = arith.constant 899 : i32
        %add3A_687 = vector.broadcast %add3A_686 : i32 to vector<16xi32>
        %add3A_688 = arith.addi %add3A_595, %add3A_687 : vector<16xi32>
        %gather3A_689 = tpu.vector_load_idx %arg10[%add3A_688] : memref<3584xi32, #tpu.memory_space<vmem>>[vector<16xi32>], vector<16xi32>,
        %bitcast3A_690 = vector.bitcast %gather3A_689 : vector<16xi32> to vector<32xbf16>
        %add3A_691 = arith.constant 900 : i32
        %add3A_692 = vector.broadcast %add3A_691 : i32 to vector<16xi32>
        %add3A_693 = arith.addi %add3A_592, %add3A_692 : vector<16xi32>
        %gather3A_694 = tpu.vector_load_idx %arg10[%add3A_693] : memref<3584xi32, #tpu.memory_space<vmem>>[vector<16xi32>], vector<16xi32>,
        %bitcast3A_695 = vector.bitcast %gather3A_694 : vector<16xi32> to vector<32xbf16>
        %add3A_696 = arith.constant 900 : i32
        %add3A_697 = vector.broadcast %add3A_696 : i32 to vector<16xi32>
        %add3A_698 = arith.addi %add3A_593, %add3A_697 : vector<16xi32>
        %gather3A_699 = tpu.vector_load_idx %arg10[%add3A_698] : memref<3584xi32, #tpu.memory_space<vmem>>[vector<16xi32>], vector<16xi32>,
        %bitcast3A_700 = vector.bitcast %gather3A_699 : vector<16xi32> to vector<32xbf16>
        %add3A_701 = arith.constant 900 : i32
        %add3A_702 = vector.broadcast %add3A_701 : i32 to vector<16xi32>
        %add3A_703 = arith.addi %add3A_594, %add3A_702 : vector<16xi32>
        %gather3A_704 = tpu.vector_load_idx %arg10[%add3A_703] : memref<3584xi32, #tpu.memory_space<vmem>>[vector<16xi32>], vector<16xi32>,
        %bitcast3A_705 = vector.bitcast %gather3A_704 : vector<16xi32> to vector<32xbf16>
        %add3A_706 = arith.constant 900 : i32
        %add3A_707 = vector.broadcast %add3A_706 : i32 to vector<16xi32>
        %add3A_708 = arith.addi %add3A_595, %add3A_707 : vector<16xi32>
        %gather3A_709 = tpu.vector_load_idx %arg10[%add3A_708] : memref<3584xi32, #tpu.memory_space<vmem>>[vector<16xi32>], vector<16xi32>,
        %bitcast3A_710 = vector.bitcast %gather3A_709 : vector<16xi32> to vector<32xbf16>
        %add3A_711 = arith.constant 901 : i32
        %add3A_712 = vector.broadcast %add3A_711 : i32 to vector<16xi32>
        %add3A_713 = arith.addi %add3A_592, %add3A_712 : vector<16xi32>
        %gather3A_714 = tpu.vector_load_idx %arg10[%add3A_713] : memref<3584xi32, #tpu.memory_space<vmem>>[vector<16xi32>], vector<16xi32>,
        %bitcast3A_715 = vector.bitcast %gather3A_714 : vector<16xi32> to vector<32xbf16>
        %add3A_716 = arith.constant 901 : i32
        %add3A_717 = vector.broadcast %add3A_716 : i32 to vector<16xi32>
        %add3A_718 = arith.addi %add3A_593, %add3A_717 : vector<16xi32>
        %gather3A_719 = tpu.vector_load_idx %arg10[%add3A_718] : memref<3584xi32, #tpu.memory_space<vmem>>[vector<16xi32>], vector<16xi32>,
        %bitcast3A_720 = vector.bitcast %gather3A_719 : vector<16xi32> to vector<32xbf16>
        %add3A_721 = arith.constant 901 : i32
        %add3A_722 = vector.broadcast %add3A_721 : i32 to vector<16xi32>
        %add3A_723 = arith.addi %add3A_594, %add3A_722 : vector<16xi32>
        %gather3A_724 = tpu.vector_load_idx %arg10[%add3A_723] : memref<3584xi32, #tpu.memory_space<vmem>>[vector<16xi32>], vector<16xi32>,
        %bitcast3A_725 = vector.bitcast %gather3A_724 : vector<16xi32> to vector<32xbf16>
        %add3A_726 = arith.constant 901 : i32
        %add3A_727 = vector.broadcast %add3A_726 : i32 to vector<16xi32>
        %add3A_728 = arith.addi %add3A_595, %add3A_727 : vector<16xi32>
        %gather3A_729 = tpu.vector_load_idx %arg10[%add3A_728] : memref<3584xi32, #tpu.memory_space<vmem>>[vector<16xi32>], vector<16xi32>,
        %bitcast3A_730 = vector.bitcast %gather3A_729 : vector<16xi32> to vector<32xbf16>
        %mul3A_731 = arith.mulf %bitcast3A_615, %pack3A_601 : vector<32xbf16>
        %mul3A_732 = arith.mulf %bitcast3A_620, %pack3A_604 : vector<32xbf16>
        %add3A_733 = arith.addf %mul3A_731, %mul3A_732 : vector<32xbf16>
        %mul3A_734 = arith.mulf %bitcast3A_625, %pack3A_607 : vector<32xbf16>
        %mul3A_735 = arith.mulf %bitcast3A_630, %pack3A_610 : vector<32xbf16>
        %add3A_736 = arith.addf %mul3A_734, %mul3A_735 : vector<32xbf16>
        %add3A_737 = arith.addf %add3A_733, %add3A_736 : vector<32xbf16>
        %unpack3A_738 = tpu.unpack_subelements %add3A_737, 0 {pack_format = #tpu.pack_format<interleaved>} : vector<32xbf16> -> vector<16xf32>
        %unpack3A_739 = tpu.unpack_subelements %add3A_737, 1 {pack_format = #tpu.pack_format<interleaved>} : vector<32xbf16> -> vector<16xf32>
        %swap3A_740 = arith.constant 1 : i32
        %swap3A_741 = arith.constant 0 : i32
        %swap3A_742 = arith.constant 1 : i32
        %swap3A_743 = arith.index_cast %swap3A_740 : i32 to index
        %swap3A_744 = arith.index_cast %swap3A_741 : i32 to index
        %swap3A_745 = arith.index_cast %swap3A_742 : i32 to index
        %swap3A_746 = arith.index_cast %mul3A_236 : i32 to index
        %swap3A_747 = tpu.vector_load %arg12[%swap3A_743, %swap3A_744, %swap3A_745, %swap3A_746] {strides = array<i32>} : memref<2x12x4x512xf32, #tpu.memory_space<vmem>>, vector<16xf32>,
        tpu.vector_store %arg12[%swap3A_743, %swap3A_744, %swap3A_745, %swap3A_746], %unpack3A_738 {strides = array<i32>} : memref<2x12x4x512xf32, #tpu.memory_space<vmem>>, vector<16xf32>,
        %swap3A_748 = arith.constant 1 : i32
        %swap3A_749 = arith.constant 1 : i32
        %swap3A_750 = arith.constant 1 : i32
        %swap3A_751 = arith.index_cast %swap3A_748 : i32 to index
        %swap3A_752 = arith.index_cast %swap3A_749 : i32 to index
        %swap3A_753 = arith.index_cast %swap3A_750 : i32 to index
        %swap3A_754 = arith.index_cast %mul3A_236 : i32 to index
        %swap3A_755 = tpu.vector_load %arg12[%swap3A_751, %swap3A_752, %swap3A_753, %swap3A_754] {strides = array<i32>} : memref<2x12x4x512xf32, #tpu.memory_space<vmem>>, vector<16xf32>,
        tpu.vector_store %arg12[%swap3A_751, %swap3A_752, %swap3A_753, %swap3A_754], %unpack3A_739 {strides = array<i32>} : memref<2x12x4x512xf32, #tpu.memory_space<vmem>>, vector<16xf32>,
        %mul3A_756 = arith.mulf %bitcast3A_635, %pack3A_601 : vector<32xbf16>
        %mul3A_757 = arith.mulf %bitcast3A_640, %pack3A_604 : vector<32xbf16>
        %add3A_758 = arith.addf %mul3A_756, %mul3A_757 : vector<32xbf16>
        %mul3A_759 = arith.mulf %bitcast3A_645, %pack3A_607 : vector<32xbf16>
        %mul3A_760 = arith.mulf %bitcast3A_650, %pack3A_610 : vector<32xbf16>
        %add3A_761 = arith.addf %mul3A_759, %mul3A_760 : vector<32xbf16>
        %add3A_762 = arith.addf %add3A_758, %add3A_761 : vector<32xbf16>
        %unpack3A_763 = tpu.unpack_subelements %add3A_762, 0 {pack_format = #tpu.pack_format<interleaved>} : vector<32xbf16> -> vector<16xf32>
        %unpack3A_764 = tpu.unpack_subelements %add3A_762, 1 {pack_format = #tpu.pack_format<interleaved>} : vector<32xbf16> -> vector<16xf32>
        %swap3A_765 = arith.constant 1 : i32
        %swap3A_766 = arith.constant 2 : i32
        %swap3A_767 = arith.constant 1 : i32
        %swap3A_768 = arith.index_cast %swap3A_765 : i32 to index
        %swap3A_769 = arith.index_cast %swap3A_766 : i32 to index
        %swap3A_770 = arith.index_cast %swap3A_767 : i32 to index
        %swap3A_771 = arith.index_cast %mul3A_236 : i32 to index
        %swap3A_772 = tpu.vector_load %arg12[%swap3A_768, %swap3A_769, %swap3A_770, %swap3A_771] {strides = array<i32>} : memref<2x12x4x512xf32, #tpu.memory_space<vmem>>, vector<16xf32>,
        tpu.vector_store %arg12[%swap3A_768, %swap3A_769, %swap3A_770, %swap3A_771], %unpack3A_763 {strides = array<i32>} : memref<2x12x4x512xf32, #tpu.memory_space<vmem>>, vector<16xf32>,
        %swap3A_773 = arith.constant 1 : i32
        %swap3A_774 = arith.constant 3 : i32
        %swap3A_775 = arith.constant 1 : i32
        %swap3A_776 = arith.index_cast %swap3A_773 : i32 to index
        %swap3A_777 = arith.index_cast %swap3A_774 : i32 to index
        %swap3A_778 = arith.index_cast %swap3A_775 : i32 to index
        %swap3A_779 = arith.index_cast %mul3A_236 : i32 to index
        %swap3A_780 = tpu.vector_load %arg12[%swap3A_776, %swap3A_777, %swap3A_778, %swap3A_779] {strides = array<i32>} : memref<2x12x4x512xf32, #tpu.memory_space<vmem>>, vector<16xf32>,
        tpu.vector_store %arg12[%swap3A_776, %swap3A_777, %swap3A_778, %swap3A_779], %unpack3A_764 {strides = array<i32>} : memref<2x12x4x512xf32, #tpu.memory_space<vmem>>, vector<16xf32>,
        %mul3A_781 = arith.mulf %bitcast3A_655, %pack3A_601 : vector<32xbf16>
        %mul3A_782 = arith.mulf %bitcast3A_660, %pack3A_604 : vector<32xbf16>
        %add3A_783 = arith.addf %mul3A_781, %mul3A_782 : vector<32xbf16>
        %mul3A_784 = arith.mulf %bitcast3A_665, %pack3A_607 : vector<32xbf16>
        %mul3A_785 = arith.mulf %bitcast3A_670, %pack3A_610 : vector<32xbf16>
        %add3A_786 = arith.addf %mul3A_784, %mul3A_785 : vector<32xbf16>
        %add3A_787 = arith.addf %add3A_783, %add3A_786 : vector<32xbf16>
        %unpack3A_788 = tpu.unpack_subelements %add3A_787, 0 {pack_format = #tpu.pack_format<interleaved>} : vector<32xbf16> -> vector<16xf32>
        %unpack3A_789 = tpu.unpack_subelements %add3A_787, 1 {pack_format = #tpu.pack_format<interleaved>} : vector<32xbf16> -> vector<16xf32>
        %swap3A_790 = arith.constant 1 : i32
        %swap3A_791 = arith.constant 4 : i32
        %swap3A_792 = arith.constant 1 : i32
        %swap3A_793 = arith.index_cast %swap3A_790 : i32 to index
        %swap3A_794 = arith.index_cast %swap3A_791 : i32 to index
        %swap3A_795 = arith.index_cast %swap3A_792 : i32 to index
        %swap3A_796 = arith.index_cast %mul3A_236 : i32 to index
        %swap3A_797 = tpu.vector_load %arg12[%swap3A_793, %swap3A_794, %swap3A_795, %swap3A_796] {strides = array<i32>} : memref<2x12x4x512xf32, #tpu.memory_space<vmem>>, vector<16xf32>,
        tpu.vector_store %arg12[%swap3A_793, %swap3A_794, %swap3A_795, %swap3A_796], %unpack3A_788 {strides = array<i32>} : memref<2x12x4x512xf32, #tpu.memory_space<vmem>>, vector<16xf32>,
        %swap3A_798 = arith.constant 1 : i32
        %swap3A_799 = arith.constant 5 : i32
        %swap3A_800 = arith.constant 1 : i32
        %swap3A_801 = arith.index_cast %swap3A_798 : i32 to index
        %swap3A_802 = arith.index_cast %swap3A_799 : i32 to index
        %swap3A_803 = arith.index_cast %swap3A_800 : i32 to index
        %swap3A_804 = arith.index_cast %mul3A_236 : i32 to index
        %swap3A_805 = tpu.vector_load %arg12[%swap3A_801, %swap3A_802, %swap3A_803, %swap3A_804] {strides = array<i32>} : memref<2x12x4x512xf32, #tpu.memory_space<vmem>>, vector<16xf32>,
        tpu.vector_store %arg12[%swap3A_801, %swap3A_802, %swap3A_803, %swap3A_804], %unpack3A_789 {strides = array<i32>} : memref<2x12x4x512xf32, #tpu.memory_space<vmem>>, vector<16xf32>,
        %mul3A_806 = arith.mulf %bitcast3A_675, %pack3A_601 : vector<32xbf16>
        %mul3A_807 = arith.mulf %bitcast3A_680, %pack3A_604 : vector<32xbf16>
        %add3A_808 = arith.addf %mul3A_806, %mul3A_807 : vector<32xbf16>
        %mul3A_809 = arith.mulf %bitcast3A_685, %pack3A_607 : vector<32xbf16>
        %mul3A_810 = arith.mulf %bitcast3A_690, %pack3A_610 : vector<32xbf16>
        %add3A_811 = arith.addf %mul3A_809, %mul3A_810 : vector<32xbf16>
        %add3A_812 = arith.addf %add3A_808, %add3A_811 : vector<32xbf16>
        %unpack3A_813 = tpu.unpack_subelements %add3A_812, 0 {pack_format = #tpu.pack_format<interleaved>} : vector<32xbf16> -> vector<16xf32>
        %unpack3A_814 = tpu.unpack_subelements %add3A_812, 1 {pack_format = #tpu.pack_format<interleaved>} : vector<32xbf16> -> vector<16xf32>
        %swap3A_815 = arith.constant 1 : i32
        %swap3A_816 = arith.constant 6 : i32
        %swap3A_817 = arith.constant 1 : i32
        %swap3A_818 = arith.index_cast %swap3A_815 : i32 to index
        %swap3A_819 = arith.index_cast %swap3A_816 : i32 to index
        %swap3A_820 = arith.index_cast %swap3A_817 : i32 to index
        %swap3A_821 = arith.index_cast %mul3A_236 : i32 to index
        %swap3A_822 = tpu.vector_load %arg12[%swap3A_818, %swap3A_819, %swap3A_820, %swap3A_821] {strides = array<i32>} : memref<2x12x4x512xf32, #tpu.memory_space<vmem>>, vector<16xf32>,
        tpu.vector_store %arg12[%swap3A_818, %swap3A_819, %swap3A_820, %swap3A_821], %unpack3A_813 {strides = array<i32>} : memref<2x12x4x512xf32, #tpu.memory_space<vmem>>, vector<16xf32>,
        %swap3A_823 = arith.constant 1 : i32
        %swap3A_824 = arith.constant 7 : i32
        %swap3A_825 = arith.constant 1 : i32
        %swap3A_826 = arith.index_cast %swap3A_823 : i32 to index
        %swap3A_827 = arith.index_cast %swap3A_824 : i32 to index
        %swap3A_828 = arith.index_cast %swap3A_825 : i32 to index
        %swap3A_829 = arith.index_cast %mul3A_236 : i32 to index
        %swap3A_830 = tpu.vector_load %arg12[%swap3A_826, %swap3A_827, %swap3A_828, %swap3A_829] {strides = array<i32>} : memref<2x12x4x512xf32, #tpu.memory_space<vmem>>, vector<16xf32>,
        tpu.vector_store %arg12[%swap3A_826, %swap3A_827, %swap3A_828, %swap3A_829], %unpack3A_814 {strides = array<i32>} : memref<2x12x4x512xf32, #tpu.memory_space<vmem>>, vector<16xf32>,
        %mul3A_831 = arith.mulf %bitcast3A_695, %pack3A_601 : vector<32xbf16>
        %mul3A_832 = arith.mulf %bitcast3A_700, %pack3A_604 : vector<32xbf16>
        %add3A_833 = arith.addf %mul3A_831, %mul3A_832 : vector<32xbf16>
        %mul3A_834 = arith.mulf %bitcast3A_705, %pack3A_607 : vector<32xbf16>
        %mul3A_835 = arith.mulf %bitcast3A_710, %pack3A_610 : vector<32xbf16>
        %add3A_836 = arith.addf %mul3A_834, %mul3A_835 : vector<32xbf16>
        %add3A_837 = arith.addf %add3A_833, %add3A_836 : vector<32xbf16>
        %unpack3A_838 = tpu.unpack_subelements %add3A_837, 0 {pack_format = #tpu.pack_format<interleaved>} : vector<32xbf16> -> vector<16xf32>
        %unpack3A_839 = tpu.unpack_subelements %add3A_837, 1 {pack_format = #tpu.pack_format<interleaved>} : vector<32xbf16> -> vector<16xf32>
        %swap3A_840 = arith.constant 1 : i32
        %swap3A_841 = arith.constant 8 : i32
        %swap3A_842 = arith.constant 1 : i32
        %swap3A_843 = arith.index_cast %swap3A_840 : i32 to index
        %swap3A_844 = arith.index_cast %swap3A_841 : i32 to index
        %swap3A_845 = arith.index_cast %swap3A_842 : i32 to index
        %swap3A_846 = arith.index_cast %mul3A_236 : i32 to index
        %swap3A_847 = tpu.vector_load %arg12[%swap3A_843, %swap3A_844, %swap3A_845, %swap3A_846] {strides = array<i32>} : memref<2x12x4x512xf32, #tpu.memory_space<vmem>>, vector<16xf32>,
        tpu.vector_store %arg12[%swap3A_843, %swap3A_844, %swap3A_845, %swap3A_846], %unpack3A_838 {strides = array<i32>} : memref<2x12x4x512xf32, #tpu.memory_space<vmem>>, vector<16xf32>,
        %swap3A_848 = arith.constant 1 : i32
        %swap3A_849 = arith.constant 9 : i32
        %swap3A_850 = arith.constant 1 : i32
        %swap3A_851 = arith.index_cast %swap3A_848 : i32 to index
        %swap3A_852 = arith.index_cast %swap3A_849 : i32 to index
        %swap3A_853 = arith.index_cast %swap3A_850 : i32 to index
        %swap3A_854 = arith.index_cast %mul3A_236 : i32 to index
        %swap3A_855 = tpu.vector_load %arg12[%swap3A_851, %swap3A_852, %swap3A_853, %swap3A_854] {strides = array<i32>} : memref<2x12x4x512xf32, #tpu.memory_space<vmem>>, vector<16xf32>,
        tpu.vector_store %arg12[%swap3A_851, %swap3A_852, %swap3A_853, %swap3A_854], %unpack3A_839 {strides = array<i32>} : memref<2x12x4x512xf32, #tpu.memory_space<vmem>>, vector<16xf32>,
        %mul3A_856 = arith.mulf %bitcast3A_715, %pack3A_601 : vector<32xbf16>
        %mul3A_857 = arith.mulf %bitcast3A_720, %pack3A_604 : vector<32xbf16>
        %add3A_858 = arith.addf %mul3A_856, %mul3A_857 : vector<32xbf16>
        %mul3A_859 = arith.mulf %bitcast3A_725, %pack3A_607 : vector<32xbf16>
        %mul3A_860 = arith.mulf %bitcast3A_730, %pack3A_610 : vector<32xbf16>
        %add3A_861 = arith.addf %mul3A_859, %mul3A_860 : vector<32xbf16>
        %add3A_862 = arith.addf %add3A_858, %add3A_861 : vector<32xbf16>
        %unpack3A_863 = tpu.unpack_subelements %add3A_862, 0 {pack_format = #tpu.pack_format<interleaved>} : vector<32xbf16> -> vector<16xf32>
        %unpack3A_864 = tpu.unpack_subelements %add3A_862, 1 {pack_format = #tpu.pack_format<interleaved>} : vector<32xbf16> -> vector<16xf32>
        %swap3A_865 = arith.constant 1 : i32
        %swap3A_866 = arith.constant 10 : i32
        %swap3A_867 = arith.constant 1 : i32
        %swap3A_868 = arith.index_cast %swap3A_865 : i32 to index
        %swap3A_869 = arith.index_cast %swap3A_866 : i32 to index
        %swap3A_870 = arith.index_cast %swap3A_867 : i32 to index
        %swap3A_871 = arith.index_cast %mul3A_236 : i32 to index
        %swap3A_872 = tpu.vector_load %arg12[%swap3A_868, %swap3A_869, %swap3A_870, %swap3A_871] {strides = array<i32>} : memref<2x12x4x512xf32, #tpu.memory_space<vmem>>, vector<16xf32>,
        tpu.vector_store %arg12[%swap3A_868, %swap3A_869, %swap3A_870, %swap3A_871], %unpack3A_863 {strides = array<i32>} : memref<2x12x4x512xf32, #tpu.memory_space<vmem>>, vector<16xf32>,
        %swap3A_873 = arith.constant 1 : i32
        %swap3A_874 = arith.constant 11 : i32
        %swap3A_875 = arith.constant 1 : i32
        %swap3A_876 = arith.index_cast %swap3A_873 : i32 to index
        %swap3A_877 = arith.index_cast %swap3A_874 : i32 to index
        %swap3A_878 = arith.index_cast %swap3A_875 : i32 to index
        %swap3A_879 = arith.index_cast %mul3A_236 : i32 to index
        %swap3A_880 = tpu.vector_load %arg12[%swap3A_876, %swap3A_877, %swap3A_878, %swap3A_879] {strides = array<i32>} : memref<2x12x4x512xf32, #tpu.memory_space<vmem>>, vector<16xf32>,
        tpu.vector_store %arg12[%swap3A_876, %swap3A_877, %swap3A_878, %swap3A_879], %unpack3A_864 {strides = array<i32>} : memref<2x12x4x512xf32, #tpu.memory_space<vmem>>, vector<16xf32>,
        %get3A_881 = arith.constant 1 : i32
        %get3A_882 = arith.constant 2 : i32
        %get3A_883 = arith.index_cast %get3A_881 : i32 to index
        %get3A_884 = arith.index_cast %get3A_882 : i32 to index
        %get3A_885 = arith.index_cast %mul3A_236 : i32 to index
        %get3A_886 = tpu.vector_load %arg11[%get3A_883, %get3A_884, %get3A_885] {strides = array<i32>} : memref<2x4x512xf32, #tpu.memory_space<vmem>>, vector<16xf32>,
        %add3A_887 = arith.constant 1.000000e+00 : f32
        %add3A_888 = vector.broadcast %add3A_887 : f32 to vector<16xf32>
        %add3A_889 = arith.addf %get3A_886, %add3A_888 : vector<16xf32>
        %mul3A_890 = arith.constant 3.500000e+00 : f32
        %mul3A_891 = vector.broadcast %mul3A_890 : f32 to vector<16xf32>
        %mul3A_892 = arith.mulf %add3A_889, %mul3A_891 : vector<16xf32>
        %jit3A_893 = arith.constant 0.000000e+00 : f32
        %jit3A_894 = arith.constant 7.000000e+00 : f32
        %max3A_895 = vector.broadcast %jit3A_893 : f32 to vector<16xf32>
        %max3A_896 = arith.maximumf %max3A_895, %mul3A_892 : vector<16xf32>
        %min3A_897 = vector.broadcast %jit3A_894 : f32 to vector<16xf32>
        %min3A_898 = arith.minimumf %min3A_897, %max3A_896 : vector<16xf32>
        %convert_element_type3A_899 = arith.fptosi %min3A_898 : vector<16xf32> to vector<16xi32>
        %convert_element_type3A_900 = arith.sitofp %convert_element_type3A_899 : vector<16xi32> to vector<16xf32>
        %sub3A_901 = arith.subf %min3A_898, %convert_element_type3A_900 : vector<16xf32>
        %add3A_902 = arith.constant 1 : i32
        %add3A_903 = vector.broadcast %add3A_902 : i32 to vector<16xi32>
        %add3A_904 = arith.addi %convert_element_type3A_899, %add3A_903 : vector<16xi32>
        %min3A_905 = arith.constant 7 : i32
        %min3A_906 = vector.broadcast %min3A_905 : i32 to vector<16xi32>
        %min3A_907 = arith.minsi %add3A_904, %min3A_906 : vector<16xi32>
        %mul3A_908 = arith.constant 7 : i32
        %mul3A_909 = vector.broadcast %mul3A_908 : i32 to vector<16xi32>
        %mul3A_910 = arith.muli %convert_element_type3A_899, %mul3A_909 : vector<16xi32>
        %mul3A_911 = arith.constant 7 : i32
        %mul3A_912 = vector.broadcast %mul3A_911 : i32 to vector<16xi32>
        %mul3A_913 = arith.muli %min3A_907, %mul3A_912 : vector<16xi32>
        %add3A_914 = arith.addi %mul3A_910, %get3A_237 : vector<16xi32>
        %add3A_915 = arith.addi %mul3A_910, %get3A_239 : vector<16xi32>
        %add3A_916 = arith.addi %mul3A_913, %get3A_237 : vector<16xi32>
        %add3A_917 = arith.addi %mul3A_913, %get3A_239 : vector<16xi32>
        %sub3A_918 = arith.constant 1.000000e+00 : f32
        %sub3A_919 = vector.broadcast %sub3A_918 : f32 to vector<16xf32>
        %sub3A_920 = arith.subf %sub3A_919, %sub3A_901 : vector<16xf32>
        %mul3A_921 = arith.mulf %sub3A_920, %get3A_243 : vector<16xf32>
        %mul3A_922 = arith.mulf %sub3A_920, %get3A_243 : vector<16xf32>
        %pack3A_923 = tpu.pack_subelements %mul3A_921, %mul3A_922 {pack_format = #tpu.pack_format<interleaved>, positions = array<i32: 0, 1>} : vector<16xf32>, vector<16xf32> -> vector<32xbf16>
        %mul3A_924 = arith.mulf %sub3A_920, %get3A_241 : vector<16xf32>
        %mul3A_925 = arith.mulf %sub3A_920, %get3A_241 : vector<16xf32>
        %pack3A_926 = tpu.pack_subelements %mul3A_924, %mul3A_925 {pack_format = #tpu.pack_format<interleaved>, positions = array<i32: 0, 1>} : vector<16xf32>, vector<16xf32> -> vector<32xbf16>
        %mul3A_927 = arith.mulf %sub3A_901, %get3A_243 : vector<16xf32>
        %mul3A_928 = arith.mulf %sub3A_901, %get3A_243 : vector<16xf32>
        %pack3A_929 = tpu.pack_subelements %mul3A_927, %mul3A_928 {pack_format = #tpu.pack_format<interleaved>, positions = array<i32: 0, 1>} : vector<16xf32>, vector<16xf32> -> vector<32xbf16>
        %mul3A_930 = arith.mulf %sub3A_901, %get3A_241 : vector<16xf32>
        %mul3A_931 = arith.mulf %sub3A_901, %get3A_241 : vector<16xf32>
        %pack3A_932 = tpu.pack_subelements %mul3A_930, %mul3A_931 {pack_format = #tpu.pack_format<interleaved>, positions = array<i32: 0, 1>} : vector<16xf32>, vector<16xf32> -> vector<32xbf16>
        %add3A_933 = arith.constant 1792 : i32
        %add3A_934 = vector.broadcast %add3A_933 : i32 to vector<16xi32>
        %add3A_935 = arith.addi %add3A_914, %add3A_934 : vector<16xi32>
        %gather3A_936 = tpu.vector_load_idx %arg10[%add3A_935] : memref<3584xi32, #tpu.memory_space<vmem>>[vector<16xi32>], vector<16xi32>,
        %bitcast3A_937 = vector.bitcast %gather3A_936 : vector<16xi32> to vector<32xbf16>
        %add3A_938 = arith.constant 1792 : i32
        %add3A_939 = vector.broadcast %add3A_938 : i32 to vector<16xi32>
        %add3A_940 = arith.addi %add3A_915, %add3A_939 : vector<16xi32>
        %gather3A_941 = tpu.vector_load_idx %arg10[%add3A_940] : memref<3584xi32, #tpu.memory_space<vmem>>[vector<16xi32>], vector<16xi32>,
        %bitcast3A_942 = vector.bitcast %gather3A_941 : vector<16xi32> to vector<32xbf16>
        %add3A_943 = arith.constant 1792 : i32
        %add3A_944 = vector.broadcast %add3A_943 : i32 to vector<16xi32>
        %add3A_945 = arith.addi %add3A_916, %add3A_944 : vector<16xi32>
        %gather3A_946 = tpu.vector_load_idx %arg10[%add3A_945] : memref<3584xi32, #tpu.memory_space<vmem>>[vector<16xi32>], vector<16xi32>,
        %bitcast3A_947 = vector.bitcast %gather3A_946 : vector<16xi32> to vector<32xbf16>
        %add3A_948 = arith.constant 1792 : i32
        %add3A_949 = vector.broadcast %add3A_948 : i32 to vector<16xi32>
        %add3A_950 = arith.addi %add3A_917, %add3A_949 : vector<16xi32>
        %gather3A_951 = tpu.vector_load_idx %arg10[%add3A_950] : memref<3584xi32, #tpu.memory_space<vmem>>[vector<16xi32>], vector<16xi32>,
        %bitcast3A_952 = vector.bitcast %gather3A_951 : vector<16xi32> to vector<32xbf16>
        %add3A_953 = arith.constant 1793 : i32
        %add3A_954 = vector.broadcast %add3A_953 : i32 to vector<16xi32>
        %add3A_955 = arith.addi %add3A_914, %add3A_954 : vector<16xi32>
        %gather3A_956 = tpu.vector_load_idx %arg10[%add3A_955] : memref<3584xi32, #tpu.memory_space<vmem>>[vector<16xi32>], vector<16xi32>,
        %bitcast3A_957 = vector.bitcast %gather3A_956 : vector<16xi32> to vector<32xbf16>
        %add3A_958 = arith.constant 1793 : i32
        %add3A_959 = vector.broadcast %add3A_958 : i32 to vector<16xi32>
        %add3A_960 = arith.addi %add3A_915, %add3A_959 : vector<16xi32>
        %gather3A_961 = tpu.vector_load_idx %arg10[%add3A_960] : memref<3584xi32, #tpu.memory_space<vmem>>[vector<16xi32>], vector<16xi32>,
        %bitcast3A_962 = vector.bitcast %gather3A_961 : vector<16xi32> to vector<32xbf16>
        %add3A_963 = arith.constant 1793 : i32
        %add3A_964 = vector.broadcast %add3A_963 : i32 to vector<16xi32>
        %add3A_965 = arith.addi %add3A_916, %add3A_964 : vector<16xi32>
        %gather3A_966 = tpu.vector_load_idx %arg10[%add3A_965] : memref<3584xi32, #tpu.memory_space<vmem>>[vector<16xi32>], vector<16xi32>,
        %bitcast3A_967 = vector.bitcast %gather3A_966 : vector<16xi32> to vector<32xbf16>
        %add3A_968 = arith.constant 1793 : i32
        %add3A_969 = vector.broadcast %add3A_968 : i32 to vector<16xi32>
        %add3A_970 = arith.addi %add3A_917, %add3A_969 : vector<16xi32>
        %gather3A_971 = tpu.vector_load_idx %arg10[%add3A_970] : memref<3584xi32, #tpu.memory_space<vmem>>[vector<16xi32>], vector<16xi32>,
        %bitcast3A_972 = vector.bitcast %gather3A_971 : vector<16xi32> to vector<32xbf16>
        %add3A_973 = arith.constant 1794 : i32
        %add3A_974 = vector.broadcast %add3A_973 : i32 to vector<16xi32>
        %add3A_975 = arith.addi %add3A_914, %add3A_974 : vector<16xi32>
        %gather3A_976 = tpu.vector_load_idx %arg10[%add3A_975] : memref<3584xi32, #tpu.memory_space<vmem>>[vector<16xi32>], vector<16xi32>,
        %bitcast3A_977 = vector.bitcast %gather3A_976 : vector<16xi32> to vector<32xbf16>
        %add3A_978 = arith.constant 1794 : i32
        %add3A_979 = vector.broadcast %add3A_978 : i32 to vector<16xi32>
        %add3A_980 = arith.addi %add3A_915, %add3A_979 : vector<16xi32>
        %gather3A_981 = tpu.vector_load_idx %arg10[%add3A_980] : memref<3584xi32, #tpu.memory_space<vmem>>[vector<16xi32>], vector<16xi32>,
        %bitcast3A_982 = vector.bitcast %gather3A_981 : vector<16xi32> to vector<32xbf16>
        %add3A_983 = arith.constant 1794 : i32
        %add3A_984 = vector.broadcast %add3A_983 : i32 to vector<16xi32>
        %add3A_985 = arith.addi %add3A_916, %add3A_984 : vector<16xi32>
        %gather3A_986 = tpu.vector_load_idx %arg10[%add3A_985] : memref<3584xi32, #tpu.memory_space<vmem>>[vector<16xi32>], vector<16xi32>,
        %bitcast3A_987 = vector.bitcast %gather3A_986 : vector<16xi32> to vector<32xbf16>
        %add3A_988 = arith.constant 1794 : i32
        %add3A_989 = vector.broadcast %add3A_988 : i32 to vector<16xi32>
        %add3A_990 = arith.addi %add3A_917, %add3A_989 : vector<16xi32>
        %gather3A_991 = tpu.vector_load_idx %arg10[%add3A_990] : memref<3584xi32, #tpu.memory_space<vmem>>[vector<16xi32>], vector<16xi32>,
        %bitcast3A_992 = vector.bitcast %gather3A_991 : vector<16xi32> to vector<32xbf16>
        %add3A_993 = arith.constant 1795 : i32
        %add3A_994 = vector.broadcast %add3A_993 : i32 to vector<16xi32>
        %add3A_995 = arith.addi %add3A_914, %add3A_994 : vector<16xi32>
        %gather3A_996 = tpu.vector_load_idx %arg10[%add3A_995] : memref<3584xi32, #tpu.memory_space<vmem>>[vector<16xi32>], vector<16xi32>,
        %bitcast3A_997 = vector.bitcast %gather3A_996 : vector<16xi32> to vector<32xbf16>
        %add3A_998 = arith.constant 1795 : i32
        %add3A_999 = vector.broadcast %add3A_998 : i32 to vector<16xi32>
        %add3A_1000 = arith.addi %add3A_915, %add3A_999 : vector<16xi32>
        %gather3A_1001 = tpu.vector_load_idx %arg10[%add3A_1000] : memref<3584xi32, #tpu.memory_space<vmem>>[vector<16xi32>], vector<16xi32>,
        %bitcast3A_1002 = vector.bitcast %gather3A_1001 : vector<16xi32> to vector<32xbf16>
        %add3A_1003 = arith.constant 1795 : i32
        %add3A_1004 = vector.broadcast %add3A_1003 : i32 to vector<16xi32>
        %add3A_1005 = arith.addi %add3A_916, %add3A_1004 : vector<16xi32>
        %gather3A_1006 = tpu.vector_load_idx %arg10[%add3A_1005] : memref<3584xi32, #tpu.memory_space<vmem>>[vector<16xi32>], vector<16xi32>,
        %bitcast3A_1007 = vector.bitcast %gather3A_1006 : vector<16xi32> to vector<32xbf16>
        %add3A_1008 = arith.constant 1795 : i32
        %add3A_1009 = vector.broadcast %add3A_1008 : i32 to vector<16xi32>
        %add3A_1010 = arith.addi %add3A_917, %add3A_1009 : vector<16xi32>
        %gather3A_1011 = tpu.vector_load_idx %arg10[%add3A_1010] : memref<3584xi32, #tpu.memory_space<vmem>>[vector<16xi32>], vector<16xi32>,
        %bitcast3A_1012 = vector.bitcast %gather3A_1011 : vector<16xi32> to vector<32xbf16>
        %add3A_1013 = arith.constant 1796 : i32
        %add3A_1014 = vector.broadcast %add3A_1013 : i32 to vector<16xi32>
        %add3A_1015 = arith.addi %add3A_914, %add3A_1014 : vector<16xi32>
        %gather3A_1016 = tpu.vector_load_idx %arg10[%add3A_1015] : memref<3584xi32, #tpu.memory_space<vmem>>[vector<16xi32>], vector<16xi32>,
        %bitcast3A_1017 = vector.bitcast %gather3A_1016 : vector<16xi32> to vector<32xbf16>
        %add3A_1018 = arith.constant 1796 : i32
        %add3A_1019 = vector.broadcast %add3A_1018 : i32 to vector<16xi32>
        %add3A_1020 = arith.addi %add3A_915, %add3A_1019 : vector<16xi32>
        %gather3A_1021 = tpu.vector_load_idx %arg10[%add3A_1020] : memref<3584xi32, #tpu.memory_space<vmem>>[vector<16xi32>], vector<16xi32>,
        %bitcast3A_1022 = vector.bitcast %gather3A_1021 : vector<16xi32> to vector<32xbf16>
        %add3A_1023 = arith.constant 1796 : i32
        %add3A_1024 = vector.broadcast %add3A_1023 : i32 to vector<16xi32>
        %add3A_1025 = arith.addi %add3A_916, %add3A_1024 : vector<16xi32>
        %gather3A_1026 = tpu.vector_load_idx %arg10[%add3A_1025] : memref<3584xi32, #tpu.memory_space<vmem>>[vector<16xi32>], vector<16xi32>,
        %bitcast3A_1027 = vector.bitcast %gather3A_1026 : vector<16xi32> to vector<32xbf16>
        %add3A_1028 = arith.constant 1796 : i32
        %add3A_1029 = vector.broadcast %add3A_1028 : i32 to vector<16xi32>
        %add3A_1030 = arith.addi %add3A_917, %add3A_1029 : vector<16xi32>
        %gather3A_1031 = tpu.vector_load_idx %arg10[%add3A_1030] : memref<3584xi32, #tpu.memory_space<vmem>>[vector<16xi32>], vector<16xi32>,
        %bitcast3A_1032 = vector.bitcast %gather3A_1031 : vector<16xi32> to vector<32xbf16>
        %add3A_1033 = arith.constant 1797 : i32
        %add3A_1034 = vector.broadcast %add3A_1033 : i32 to vector<16xi32>
        %add3A_1035 = arith.addi %add3A_914, %add3A_1034 : vector<16xi32>
        %gather3A_1036 = tpu.vector_load_idx %arg10[%add3A_1035] : memref<3584xi32, #tpu.memory_space<vmem>>[vector<16xi32>], vector<16xi32>,
        %bitcast3A_1037 = vector.bitcast %gather3A_1036 : vector<16xi32> to vector<32xbf16>
        %add3A_1038 = arith.constant 1797 : i32
        %add3A_1039 = vector.broadcast %add3A_1038 : i32 to vector<16xi32>
        %add3A_1040 = arith.addi %add3A_915, %add3A_1039 : vector<16xi32>
        %gather3A_1041 = tpu.vector_load_idx %arg10[%add3A_1040] : memref<3584xi32, #tpu.memory_space<vmem>>[vector<16xi32>], vector<16xi32>,
        %bitcast3A_1042 = vector.bitcast %gather3A_1041 : vector<16xi32> to vector<32xbf16>
        %add3A_1043 = arith.constant 1797 : i32
        %add3A_1044 = vector.broadcast %add3A_1043 : i32 to vector<16xi32>
        %add3A_1045 = arith.addi %add3A_916, %add3A_1044 : vector<16xi32>
        %gather3A_1046 = tpu.vector_load_idx %arg10[%add3A_1045] : memref<3584xi32, #tpu.memory_space<vmem>>[vector<16xi32>], vector<16xi32>,
        %bitcast3A_1047 = vector.bitcast %gather3A_1046 : vector<16xi32> to vector<32xbf16>
        %add3A_1048 = arith.constant 1797 : i32
        %add3A_1049 = vector.broadcast %add3A_1048 : i32 to vector<16xi32>
        %add3A_1050 = arith.addi %add3A_917, %add3A_1049 : vector<16xi32>
        %gather3A_1051 = tpu.vector_load_idx %arg10[%add3A_1050] : memref<3584xi32, #tpu.memory_space<vmem>>[vector<16xi32>], vector<16xi32>,
        %bitcast3A_1052 = vector.bitcast %gather3A_1051 : vector<16xi32> to vector<32xbf16>
        %mul3A_1053 = arith.mulf %bitcast3A_937, %pack3A_923 : vector<32xbf16>
        %mul3A_1054 = arith.mulf %bitcast3A_942, %pack3A_926 : vector<32xbf16>
        %add3A_1055 = arith.addf %mul3A_1053, %mul3A_1054 : vector<32xbf16>
        %mul3A_1056 = arith.mulf %bitcast3A_947, %pack3A_929 : vector<32xbf16>
        %mul3A_1057 = arith.mulf %bitcast3A_952, %pack3A_932 : vector<32xbf16>
        %add3A_1058 = arith.addf %mul3A_1056, %mul3A_1057 : vector<32xbf16>
        %add3A_1059 = arith.addf %add3A_1055, %add3A_1058 : vector<32xbf16>
        %unpack3A_1060 = tpu.unpack_subelements %add3A_1059, 0 {pack_format = #tpu.pack_format<interleaved>} : vector<32xbf16> -> vector<16xf32>
        %unpack3A_1061 = tpu.unpack_subelements %add3A_1059, 1 {pack_format = #tpu.pack_format<interleaved>} : vector<32xbf16> -> vector<16xf32>
        %swap3A_1062 = arith.constant 1 : i32
        %swap3A_1063 = arith.constant 0 : i32
        %swap3A_1064 = arith.constant 2 : i32
        %swap3A_1065 = arith.index_cast %swap3A_1062 : i32 to index
        %swap3A_1066 = arith.index_cast %swap3A_1063 : i32 to index
        %swap3A_1067 = arith.index_cast %swap3A_1064 : i32 to index
        %swap3A_1068 = arith.index_cast %mul3A_236 : i32 to index
        %swap3A_1069 = tpu.vector_load %arg12[%swap3A_1065, %swap3A_1066, %swap3A_1067, %swap3A_1068] {strides = array<i32>} : memref<2x12x4x512xf32, #tpu.memory_space<vmem>>, vector<16xf32>,
        tpu.vector_store %arg12[%swap3A_1065, %swap3A_1066, %swap3A_1067, %swap3A_1068], %unpack3A_1060 {strides = array<i32>} : memref<2x12x4x512xf32, #tpu.memory_space<vmem>>, vector<16xf32>,
        %swap3A_1070 = arith.constant 1 : i32
        %swap3A_1071 = arith.constant 1 : i32
        %swap3A_1072 = arith.constant 2 : i32
        %swap3A_1073 = arith.index_cast %swap3A_1070 : i32 to index
        %swap3A_1074 = arith.index_cast %swap3A_1071 : i32 to index
        %swap3A_1075 = arith.index_cast %swap3A_1072 : i32 to index
        %swap3A_1076 = arith.index_cast %mul3A_236 : i32 to index
        %swap3A_1077 = tpu.vector_load %arg12[%swap3A_1073, %swap3A_1074, %swap3A_1075, %swap3A_1076] {strides = array<i32>} : memref<2x12x4x512xf32, #tpu.memory_space<vmem>>, vector<16xf32>,
        tpu.vector_store %arg12[%swap3A_1073, %swap3A_1074, %swap3A_1075, %swap3A_1076], %unpack3A_1061 {strides = array<i32>} : memref<2x12x4x512xf32, #tpu.memory_space<vmem>>, vector<16xf32>,
        %mul3A_1078 = arith.mulf %bitcast3A_957, %pack3A_923 : vector<32xbf16>
        %mul3A_1079 = arith.mulf %bitcast3A_962, %pack3A_926 : vector<32xbf16>
        %add3A_1080 = arith.addf %mul3A_1078, %mul3A_1079 : vector<32xbf16>
        %mul3A_1081 = arith.mulf %bitcast3A_967, %pack3A_929 : vector<32xbf16>
        %mul3A_1082 = arith.mulf %bitcast3A_972, %pack3A_932 : vector<32xbf16>
        %add3A_1083 = arith.addf %mul3A_1081, %mul3A_1082 : vector<32xbf16>
        %add3A_1084 = arith.addf %add3A_1080, %add3A_1083 : vector<32xbf16>
        %unpack3A_1085 = tpu.unpack_subelements %add3A_1084, 0 {pack_format = #tpu.pack_format<interleaved>} : vector<32xbf16> -> vector<16xf32>
        %unpack3A_1086 = tpu.unpack_subelements %add3A_1084, 1 {pack_format = #tpu.pack_format<interleaved>} : vector<32xbf16> -> vector<16xf32>
        %swap3A_1087 = arith.constant 1 : i32
        %swap3A_1088 = arith.constant 2 : i32
        %swap3A_1089 = arith.constant 2 : i32
        %swap3A_1090 = arith.index_cast %swap3A_1087 : i32 to index
        %swap3A_1091 = arith.index_cast %swap3A_1088 : i32 to index
        %swap3A_1092 = arith.index_cast %swap3A_1089 : i32 to index
        %swap3A_1093 = arith.index_cast %mul3A_236 : i32 to index
        %swap3A_1094 = tpu.vector_load %arg12[%swap3A_1090, %swap3A_1091, %swap3A_1092, %swap3A_1093] {strides = array<i32>} : memref<2x12x4x512xf32, #tpu.memory_space<vmem>>, vector<16xf32>,
        tpu.vector_store %arg12[%swap3A_1090, %swap3A_1091, %swap3A_1092, %swap3A_1093], %unpack3A_1085 {strides = array<i32>} : memref<2x12x4x512xf32, #tpu.memory_space<vmem>>, vector<16xf32>,
        %swap3A_1095 = arith.constant 1 : i32
        %swap3A_1096 = arith.constant 3 : i32
        %swap3A_1097 = arith.constant 2 : i32
        %swap3A_1098 = arith.index_cast %swap3A_1095 : i32 to index
        %swap3A_1099 = arith.index_cast %swap3A_1096 : i32 to index
        %swap3A_1100 = arith.index_cast %swap3A_1097 : i32 to index
        %swap3A_1101 = arith.index_cast %mul3A_236 : i32 to index
        %swap3A_1102 = tpu.vector_load %arg12[%swap3A_1098, %swap3A_1099, %swap3A_1100, %swap3A_1101] {strides = array<i32>} : memref<2x12x4x512xf32, #tpu.memory_space<vmem>>, vector<16xf32>,
        tpu.vector_store %arg12[%swap3A_1098, %swap3A_1099, %swap3A_1100, %swap3A_1101], %unpack3A_1086 {strides = array<i32>} : memref<2x12x4x512xf32, #tpu.memory_space<vmem>>, vector<16xf32>,
        %mul3A_1103 = arith.mulf %bitcast3A_977, %pack3A_923 : vector<32xbf16>
        %mul3A_1104 = arith.mulf %bitcast3A_982, %pack3A_926 : vector<32xbf16>
        %add3A_1105 = arith.addf %mul3A_1103, %mul3A_1104 : vector<32xbf16>
        %mul3A_1106 = arith.mulf %bitcast3A_987, %pack3A_929 : vector<32xbf16>
        %mul3A_1107 = arith.mulf %bitcast3A_992, %pack3A_932 : vector<32xbf16>
        %add3A_1108 = arith.addf %mul3A_1106, %mul3A_1107 : vector<32xbf16>
        %add3A_1109 = arith.addf %add3A_1105, %add3A_1108 : vector<32xbf16>
        %unpack3A_1110 = tpu.unpack_subelements %add3A_1109, 0 {pack_format = #tpu.pack_format<interleaved>} : vector<32xbf16> -> vector<16xf32>
        %unpack3A_1111 = tpu.unpack_subelements %add3A_1109, 1 {pack_format = #tpu.pack_format<interleaved>} : vector<32xbf16> -> vector<16xf32>
        %swap3A_1112 = arith.constant 1 : i32
        %swap3A_1113 = arith.constant 4 : i32
        %swap3A_1114 = arith.constant 2 : i32
        %swap3A_1115 = arith.index_cast %swap3A_1112 : i32 to index
        %swap3A_1116 = arith.index_cast %swap3A_1113 : i32 to index
        %swap3A_1117 = arith.index_cast %swap3A_1114 : i32 to index
        %swap3A_1118 = arith.index_cast %mul3A_236 : i32 to index
        %swap3A_1119 = tpu.vector_load %arg12[%swap3A_1115, %swap3A_1116, %swap3A_1117, %swap3A_1118] {strides = array<i32>} : memref<2x12x4x512xf32, #tpu.memory_space<vmem>>, vector<16xf32>,
        tpu.vector_store %arg12[%swap3A_1115, %swap3A_1116, %swap3A_1117, %swap3A_1118], %unpack3A_1110 {strides = array<i32>} : memref<2x12x4x512xf32, #tpu.memory_space<vmem>>, vector<16xf32>,
        %swap3A_1120 = arith.constant 1 : i32
        %swap3A_1121 = arith.constant 5 : i32
        %swap3A_1122 = arith.constant 2 : i32
        %swap3A_1123 = arith.index_cast %swap3A_1120 : i32 to index
        %swap3A_1124 = arith.index_cast %swap3A_1121 : i32 to index
        %swap3A_1125 = arith.index_cast %swap3A_1122 : i32 to index
        %swap3A_1126 = arith.index_cast %mul3A_236 : i32 to index
        %swap3A_1127 = tpu.vector_load %arg12[%swap3A_1123, %swap3A_1124, %swap3A_1125, %swap3A_1126] {strides = array<i32>} : memref<2x12x4x512xf32, #tpu.memory_space<vmem>>, vector<16xf32>,
        tpu.vector_store %arg12[%swap3A_1123, %swap3A_1124, %swap3A_1125, %swap3A_1126], %unpack3A_1111 {strides = array<i32>} : memref<2x12x4x512xf32, #tpu.memory_space<vmem>>, vector<16xf32>,
        %mul3A_1128 = arith.mulf %bitcast3A_997, %pack3A_923 : vector<32xbf16>
        %mul3A_1129 = arith.mulf %bitcast3A_1002, %pack3A_926 : vector<32xbf16>
        %add3A_1130 = arith.addf %mul3A_1128, %mul3A_1129 : vector<32xbf16>
        %mul3A_1131 = arith.mulf %bitcast3A_1007, %pack3A_929 : vector<32xbf16>
        %mul3A_1132 = arith.mulf %bitcast3A_1012, %pack3A_932 : vector<32xbf16>
        %add3A_1133 = arith.addf %mul3A_1131, %mul3A_1132 : vector<32xbf16>
        %add3A_1134 = arith.addf %add3A_1130, %add3A_1133 : vector<32xbf16>
        %unpack3A_1135 = tpu.unpack_subelements %add3A_1134, 0 {pack_format = #tpu.pack_format<interleaved>} : vector<32xbf16> -> vector<16xf32>
        %unpack3A_1136 = tpu.unpack_subelements %add3A_1134, 1 {pack_format = #tpu.pack_format<interleaved>} : vector<32xbf16> -> vector<16xf32>
        %swap3A_1137 = arith.constant 1 : i32
        %swap3A_1138 = arith.constant 6 : i32
        %swap3A_1139 = arith.constant 2 : i32
        %swap3A_1140 = arith.index_cast %swap3A_1137 : i32 to index
        %swap3A_1141 = arith.index_cast %swap3A_1138 : i32 to index
        %swap3A_1142 = arith.index_cast %swap3A_1139 : i32 to index
        %swap3A_1143 = arith.index_cast %mul3A_236 : i32 to index
        %swap3A_1144 = tpu.vector_load %arg12[%swap3A_1140, %swap3A_1141, %swap3A_1142, %swap3A_1143] {strides = array<i32>} : memref<2x12x4x512xf32, #tpu.memory_space<vmem>>, vector<16xf32>,
        tpu.vector_store %arg12[%swap3A_1140, %swap3A_1141, %swap3A_1142, %swap3A_1143], %unpack3A_1135 {strides = array<i32>} : memref<2x12x4x512xf32, #tpu.memory_space<vmem>>, vector<16xf32>,
        %swap3A_1145 = arith.constant 1 : i32
        %swap3A_1146 = arith.constant 7 : i32
        %swap3A_1147 = arith.constant 2 : i32
        %swap3A_1148 = arith.index_cast %swap3A_1145 : i32 to index
        %swap3A_1149 = arith.index_cast %swap3A_1146 : i32 to index
        %swap3A_1150 = arith.index_cast %swap3A_1147 : i32 to index
        %swap3A_1151 = arith.index_cast %mul3A_236 : i32 to index
        %swap3A_1152 = tpu.vector_load %arg12[%swap3A_1148, %swap3A_1149, %swap3A_1150, %swap3A_1151] {strides = array<i32>} : memref<2x12x4x512xf32, #tpu.memory_space<vmem>>, vector<16xf32>,
        tpu.vector_store %arg12[%swap3A_1148, %swap3A_1149, %swap3A_1150, %swap3A_1151], %unpack3A_1136 {strides = array<i32>} : memref<2x12x4x512xf32, #tpu.memory_space<vmem>>, vector<16xf32>,
        %mul3A_1153 = arith.mulf %bitcast3A_1017, %pack3A_923 : vector<32xbf16>
        %mul3A_1154 = arith.mulf %bitcast3A_1022, %pack3A_926 : vector<32xbf16>
        %add3A_1155 = arith.addf %mul3A_1153, %mul3A_1154 : vector<32xbf16>
        %mul3A_1156 = arith.mulf %bitcast3A_1027, %pack3A_929 : vector<32xbf16>
        %mul3A_1157 = arith.mulf %bitcast3A_1032, %pack3A_932 : vector<32xbf16>
        %add3A_1158 = arith.addf %mul3A_1156, %mul3A_1157 : vector<32xbf16>
        %add3A_1159 = arith.addf %add3A_1155, %add3A_1158 : vector<32xbf16>
        %unpack3A_1160 = tpu.unpack_subelements %add3A_1159, 0 {pack_format = #tpu.pack_format<interleaved>} : vector<32xbf16> -> vector<16xf32>
        %unpack3A_1161 = tpu.unpack_subelements %add3A_1159, 1 {pack_format = #tpu.pack_format<interleaved>} : vector<32xbf16> -> vector<16xf32>
        %swap3A_1162 = arith.constant 1 : i32
        %swap3A_1163 = arith.constant 8 : i32
        %swap3A_1164 = arith.constant 2 : i32
        %swap3A_1165 = arith.index_cast %swap3A_1162 : i32 to index
        %swap3A_1166 = arith.index_cast %swap3A_1163 : i32 to index
        %swap3A_1167 = arith.index_cast %swap3A_1164 : i32 to index
        %swap3A_1168 = arith.index_cast %mul3A_236 : i32 to index
        %swap3A_1169 = tpu.vector_load %arg12[%swap3A_1165, %swap3A_1166, %swap3A_1167, %swap3A_1168] {strides = array<i32>} : memref<2x12x4x512xf32, #tpu.memory_space<vmem>>, vector<16xf32>,
        tpu.vector_store %arg12[%swap3A_1165, %swap3A_1166, %swap3A_1167, %swap3A_1168], %unpack3A_1160 {strides = array<i32>} : memref<2x12x4x512xf32, #tpu.memory_space<vmem>>, vector<16xf32>,
        %swap3A_1170 = arith.constant 1 : i32
        %swap3A_1171 = arith.constant 9 : i32
        %swap3A_1172 = arith.constant 2 : i32
        %swap3A_1173 = arith.index_cast %swap3A_1170 : i32 to index
        %swap3A_1174 = arith.index_cast %swap3A_1171 : i32 to index
        %swap3A_1175 = arith.index_cast %swap3A_1172 : i32 to index
        %swap3A_1176 = arith.index_cast %mul3A_236 : i32 to index
        %swap3A_1177 = tpu.vector_load %arg12[%swap3A_1173, %swap3A_1174, %swap3A_1175, %swap3A_1176] {strides = array<i32>} : memref<2x12x4x512xf32, #tpu.memory_space<vmem>>, vector<16xf32>,
        tpu.vector_store %arg12[%swap3A_1173, %swap3A_1174, %swap3A_1175, %swap3A_1176], %unpack3A_1161 {strides = array<i32>} : memref<2x12x4x512xf32, #tpu.memory_space<vmem>>, vector<16xf32>,
        %mul3A_1178 = arith.mulf %bitcast3A_1037, %pack3A_923 : vector<32xbf16>
        %mul3A_1179 = arith.mulf %bitcast3A_1042, %pack3A_926 : vector<32xbf16>
        %add3A_1180 = arith.addf %mul3A_1178, %mul3A_1179 : vector<32xbf16>
        %mul3A_1181 = arith.mulf %bitcast3A_1047, %pack3A_929 : vector<32xbf16>
        %mul3A_1182 = arith.mulf %bitcast3A_1052, %pack3A_932 : vector<32xbf16>
        %add3A_1183 = arith.addf %mul3A_1181, %mul3A_1182 : vector<32xbf16>
        %add3A_1184 = arith.addf %add3A_1180, %add3A_1183 : vector<32xbf16>
        %unpack3A_1185 = tpu.unpack_subelements %add3A_1184, 0 {pack_format = #tpu.pack_format<interleaved>} : vector<32xbf16> -> vector<16xf32>
        %unpack3A_1186 = tpu.unpack_subelements %add3A_1184, 1 {pack_format = #tpu.pack_format<interleaved>} : vector<32xbf16> -> vector<16xf32>
        %swap3A_1187 = arith.constant 1 : i32
        %swap3A_1188 = arith.constant 10 : i32
        %swap3A_1189 = arith.constant 2 : i32
        %swap3A_1190 = arith.index_cast %swap3A_1187 : i32 to index
        %swap3A_1191 = arith.index_cast %swap3A_1188 : i32 to index
        %swap3A_1192 = arith.index_cast %swap3A_1189 : i32 to index
        %swap3A_1193 = arith.index_cast %mul3A_236 : i32 to index
        %swap3A_1194 = tpu.vector_load %arg12[%swap3A_1190, %swap3A_1191, %swap3A_1192, %swap3A_1193] {strides = array<i32>} : memref<2x12x4x512xf32, #tpu.memory_space<vmem>>, vector<16xf32>,
        tpu.vector_store %arg12[%swap3A_1190, %swap3A_1191, %swap3A_1192, %swap3A_1193], %unpack3A_1185 {strides = array<i32>} : memref<2x12x4x512xf32, #tpu.memory_space<vmem>>, vector<16xf32>,
        %swap3A_1195 = arith.constant 1 : i32
        %swap3A_1196 = arith.constant 11 : i32
        %swap3A_1197 = arith.constant 2 : i32
        %swap3A_1198 = arith.index_cast %swap3A_1195 : i32 to index
        %swap3A_1199 = arith.index_cast %swap3A_1196 : i32 to index
        %swap3A_1200 = arith.index_cast %swap3A_1197 : i32 to index
        %swap3A_1201 = arith.index_cast %mul3A_236 : i32 to index
        %swap3A_1202 = tpu.vector_load %arg12[%swap3A_1198, %swap3A_1199, %swap3A_1200, %swap3A_1201] {strides = array<i32>} : memref<2x12x4x512xf32, #tpu.memory_space<vmem>>, vector<16xf32>,
        tpu.vector_store %arg12[%swap3A_1198, %swap3A_1199, %swap3A_1200, %swap3A_1201], %unpack3A_1186 {strides = array<i32>} : memref<2x12x4x512xf32, #tpu.memory_space<vmem>>, vector<16xf32>,
        %get3A_1203 = arith.constant 1 : i32
        %get3A_1204 = arith.constant 3 : i32
        %get3A_1205 = arith.index_cast %get3A_1203 : i32 to index
        %get3A_1206 = arith.index_cast %get3A_1204 : i32 to index
        %get3A_1207 = arith.index_cast %mul3A_236 : i32 to index
        %get3A_1208 = tpu.vector_load %arg11[%get3A_1205, %get3A_1206, %get3A_1207] {strides = array<i32>} : memref<2x4x512xf32, #tpu.memory_space<vmem>>, vector<16xf32>,
        %add3A_1209 = arith.constant 1.000000e+00 : f32
        %add3A_1210 = vector.broadcast %add3A_1209 : f32 to vector<16xf32>
        %add3A_1211 = arith.addf %get3A_1208, %add3A_1210 : vector<16xf32>
        %mul3A_1212 = arith.constant 3.500000e+00 : f32
        %mul3A_1213 = vector.broadcast %mul3A_1212 : f32 to vector<16xf32>
        %mul3A_1214 = arith.mulf %add3A_1211, %mul3A_1213 : vector<16xf32>
        %jit3A_1215 = arith.constant 0.000000e+00 : f32
        %jit3A_1216 = arith.constant 7.000000e+00 : f32
        %max3A_1217 = vector.broadcast %jit3A_1215 : f32 to vector<16xf32>
        %max3A_1218 = arith.maximumf %max3A_1217, %mul3A_1214 : vector<16xf32>
        %min3A_1219 = vector.broadcast %jit3A_1216 : f32 to vector<16xf32>
        %min3A_1220 = arith.minimumf %min3A_1219, %max3A_1218 : vector<16xf32>
        %convert_element_type3A_1221 = arith.fptosi %min3A_1220 : vector<16xf32> to vector<16xi32>
        %convert_element_type3A_1222 = arith.sitofp %convert_element_type3A_1221 : vector<16xi32> to vector<16xf32>
        %sub3A_1223 = arith.subf %min3A_1220, %convert_element_type3A_1222 : vector<16xf32>
        %add3A_1224 = arith.constant 1 : i32
        %add3A_1225 = vector.broadcast %add3A_1224 : i32 to vector<16xi32>
        %add3A_1226 = arith.addi %convert_element_type3A_1221, %add3A_1225 : vector<16xi32>
        %min3A_1227 = arith.constant 7 : i32
        %min3A_1228 = vector.broadcast %min3A_1227 : i32 to vector<16xi32>
        %min3A_1229 = arith.minsi %add3A_1226, %min3A_1228 : vector<16xi32>
        %mul3A_1230 = arith.constant 7 : i32
        %mul3A_1231 = vector.broadcast %mul3A_1230 : i32 to vector<16xi32>
        %mul3A_1232 = arith.muli %convert_element_type3A_1221, %mul3A_1231 : vector<16xi32>
        %mul3A_1233 = arith.constant 7 : i32
        %mul3A_1234 = vector.broadcast %mul3A_1233 : i32 to vector<16xi32>
        %mul3A_1235 = arith.muli %min3A_1229, %mul3A_1234 : vector<16xi32>
        %add3A_1236 = arith.addi %mul3A_1232, %get3A_237 : vector<16xi32>
        %add3A_1237 = arith.addi %mul3A_1232, %get3A_239 : vector<16xi32>
        %add3A_1238 = arith.addi %mul3A_1235, %get3A_237 : vector<16xi32>
        %add3A_1239 = arith.addi %mul3A_1235, %get3A_239 : vector<16xi32>
        %sub3A_1240 = arith.constant 1.000000e+00 : f32
        %sub3A_1241 = vector.broadcast %sub3A_1240 : f32 to vector<16xf32>
        %sub3A_1242 = arith.subf %sub3A_1241, %sub3A_1223 : vector<16xf32>
        %mul3A_1243 = arith.mulf %sub3A_1242, %get3A_243 : vector<16xf32>
        %mul3A_1244 = arith.mulf %sub3A_1242, %get3A_243 : vector<16xf32>
        %pack3A_1245 = tpu.pack_subelements %mul3A_1243, %mul3A_1244 {pack_format = #tpu.pack_format<interleaved>, positions = array<i32: 0, 1>} : vector<16xf32>, vector<16xf32> -> vector<32xbf16>
        %mul3A_1246 = arith.mulf %sub3A_1242, %get3A_241 : vector<16xf32>
        %mul3A_1247 = arith.mulf %sub3A_1242, %get3A_241 : vector<16xf32>
        %pack3A_1248 = tpu.pack_subelements %mul3A_1246, %mul3A_1247 {pack_format = #tpu.pack_format<interleaved>, positions = array<i32: 0, 1>} : vector<16xf32>, vector<16xf32> -> vector<32xbf16>
        %mul3A_1249 = arith.mulf %sub3A_1223, %get3A_243 : vector<16xf32>
        %mul3A_1250 = arith.mulf %sub3A_1223, %get3A_243 : vector<16xf32>
        %pack3A_1251 = tpu.pack_subelements %mul3A_1249, %mul3A_1250 {pack_format = #tpu.pack_format<interleaved>, positions = array<i32: 0, 1>} : vector<16xf32>, vector<16xf32> -> vector<32xbf16>
        %mul3A_1252 = arith.mulf %sub3A_1223, %get3A_241 : vector<16xf32>
        %mul3A_1253 = arith.mulf %sub3A_1223, %get3A_241 : vector<16xf32>
        %pack3A_1254 = tpu.pack_subelements %mul3A_1252, %mul3A_1253 {pack_format = #tpu.pack_format<interleaved>, positions = array<i32: 0, 1>} : vector<16xf32>, vector<16xf32> -> vector<32xbf16>
        %add3A_1255 = arith.constant 2688 : i32
        %add3A_1256 = vector.broadcast %add3A_1255 : i32 to vector<16xi32>
        %add3A_1257 = arith.addi %add3A_1236, %add3A_1256 : vector<16xi32>
        %gather3A_1258 = tpu.vector_load_idx %arg10[%add3A_1257] : memref<3584xi32, #tpu.memory_space<vmem>>[vector<16xi32>], vector<16xi32>,
        %bitcast3A_1259 = vector.bitcast %gather3A_1258 : vector<16xi32> to vector<32xbf16>
        %add3A_1260 = arith.constant 2688 : i32
        %add3A_1261 = vector.broadcast %add3A_1260 : i32 to vector<16xi32>
        %add3A_1262 = arith.addi %add3A_1237, %add3A_1261 : vector<16xi32>
        %gather3A_1263 = tpu.vector_load_idx %arg10[%add3A_1262] : memref<3584xi32, #tpu.memory_space<vmem>>[vector<16xi32>], vector<16xi32>,
        %bitcast3A_1264 = vector.bitcast %gather3A_1263 : vector<16xi32> to vector<32xbf16>
        %add3A_1265 = arith.constant 2688 : i32
        %add3A_1266 = vector.broadcast %add3A_1265 : i32 to vector<16xi32>
        %add3A_1267 = arith.addi %add3A_1238, %add3A_1266 : vector<16xi32>
        %gather3A_1268 = tpu.vector_load_idx %arg10[%add3A_1267] : memref<3584xi32, #tpu.memory_space<vmem>>[vector<16xi32>], vector<16xi32>,
        %bitcast3A_1269 = vector.bitcast %gather3A_1268 : vector<16xi32> to vector<32xbf16>
        %add3A_1270 = arith.constant 2688 : i32
        %add3A_1271 = vector.broadcast %add3A_1270 : i32 to vector<16xi32>
        %add3A_1272 = arith.addi %add3A_1239, %add3A_1271 : vector<16xi32>
        %gather3A_1273 = tpu.vector_load_idx %arg10[%add3A_1272] : memref<3584xi32, #tpu.memory_space<vmem>>[vector<16xi32>], vector<16xi32>,
        %bitcast3A_1274 = vector.bitcast %gather3A_1273 : vector<16xi32> to vector<32xbf16>
        %add3A_1275 = arith.constant 2689 : i32
        %add3A_1276 = vector.broadcast %add3A_1275 : i32 to vector<16xi32>
        %add3A_1277 = arith.addi %add3A_1236, %add3A_1276 : vector<16xi32>
        %gather3A_1278 = tpu.vector_load_idx %arg10[%add3A_1277] : memref<3584xi32, #tpu.memory_space<vmem>>[vector<16xi32>], vector<16xi32>,
        %bitcast3A_1279 = vector.bitcast %gather3A_1278 : vector<16xi32> to vector<32xbf16>
        %add3A_1280 = arith.constant 2689 : i32
        %add3A_1281 = vector.broadcast %add3A_1280 : i32 to vector<16xi32>
        %add3A_1282 = arith.addi %add3A_1237, %add3A_1281 : vector<16xi32>
        %gather3A_1283 = tpu.vector_load_idx %arg10[%add3A_1282] : memref<3584xi32, #tpu.memory_space<vmem>>[vector<16xi32>], vector<16xi32>,
        %bitcast3A_1284 = vector.bitcast %gather3A_1283 : vector<16xi32> to vector<32xbf16>
        %add3A_1285 = arith.constant 2689 : i32
        %add3A_1286 = vector.broadcast %add3A_1285 : i32 to vector<16xi32>
        %add3A_1287 = arith.addi %add3A_1238, %add3A_1286 : vector<16xi32>
        %gather3A_1288 = tpu.vector_load_idx %arg10[%add3A_1287] : memref<3584xi32, #tpu.memory_space<vmem>>[vector<16xi32>], vector<16xi32>,
        %bitcast3A_1289 = vector.bitcast %gather3A_1288 : vector<16xi32> to vector<32xbf16>
        %add3A_1290 = arith.constant 2689 : i32
        %add3A_1291 = vector.broadcast %add3A_1290 : i32 to vector<16xi32>
        %add3A_1292 = arith.addi %add3A_1239, %add3A_1291 : vector<16xi32>
        %gather3A_1293 = tpu.vector_load_idx %arg10[%add3A_1292] : memref<3584xi32, #tpu.memory_space<vmem>>[vector<16xi32>], vector<16xi32>,
        %bitcast3A_1294 = vector.bitcast %gather3A_1293 : vector<16xi32> to vector<32xbf16>
        %add3A_1295 = arith.constant 2690 : i32
        %add3A_1296 = vector.broadcast %add3A_1295 : i32 to vector<16xi32>
        %add3A_1297 = arith.addi %add3A_1236, %add3A_1296 : vector<16xi32>
        %gather3A_1298 = tpu.vector_load_idx %arg10[%add3A_1297] : memref<3584xi32, #tpu.memory_space<vmem>>[vector<16xi32>], vector<16xi32>,
        %bitcast3A_1299 = vector.bitcast %gather3A_1298 : vector<16xi32> to vector<32xbf16>
        %add3A_1300 = arith.constant 2690 : i32
        %add3A_1301 = vector.broadcast %add3A_1300 : i32 to vector<16xi32>
        %add3A_1302 = arith.addi %add3A_1237, %add3A_1301 : vector<16xi32>
        %gather3A_1303 = tpu.vector_load_idx %arg10[%add3A_1302] : memref<3584xi32, #tpu.memory_space<vmem>>[vector<16xi32>], vector<16xi32>,
        %bitcast3A_1304 = vector.bitcast %gather3A_1303 : vector<16xi32> to vector<32xbf16>
        %add3A_1305 = arith.constant 2690 : i32
        %add3A_1306 = vector.broadcast %add3A_1305 : i32 to vector<16xi32>
        %add3A_1307 = arith.addi %add3A_1238, %add3A_1306 : vector<16xi32>
        %gather3A_1308 = tpu.vector_load_idx %arg10[%add3A_1307] : memref<3584xi32, #tpu.memory_space<vmem>>[vector<16xi32>], vector<16xi32>,
        %bitcast3A_1309 = vector.bitcast %gather3A_1308 : vector<16xi32> to vector<32xbf16>
        %add3A_1310 = arith.constant 2690 : i32
        %add3A_1311 = vector.broadcast %add3A_1310 : i32 to vector<16xi32>
        %add3A_1312 = arith.addi %add3A_1239, %add3A_1311 : vector<16xi32>
        %gather3A_1313 = tpu.vector_load_idx %arg10[%add3A_1312] : memref<3584xi32, #tpu.memory_space<vmem>>[vector<16xi32>], vector<16xi32>,
        %bitcast3A_1314 = vector.bitcast %gather3A_1313 : vector<16xi32> to vector<32xbf16>
        %add3A_1315 = arith.constant 2691 : i32
        %add3A_1316 = vector.broadcast %add3A_1315 : i32 to vector<16xi32>
        %add3A_1317 = arith.addi %add3A_1236, %add3A_1316 : vector<16xi32>
        %gather3A_1318 = tpu.vector_load_idx %arg10[%add3A_1317] : memref<3584xi32, #tpu.memory_space<vmem>>[vector<16xi32>], vector<16xi32>,
        %bitcast3A_1319 = vector.bitcast %gather3A_1318 : vector<16xi32> to vector<32xbf16>
        %add3A_1320 = arith.constant 2691 : i32
        %add3A_1321 = vector.broadcast %add3A_1320 : i32 to vector<16xi32>
        %add3A_1322 = arith.addi %add3A_1237, %add3A_1321 : vector<16xi32>
        %gather3A_1323 = tpu.vector_load_idx %arg10[%add3A_1322] : memref<3584xi32, #tpu.memory_space<vmem>>[vector<16xi32>], vector<16xi32>,
        %bitcast3A_1324 = vector.bitcast %gather3A_1323 : vector<16xi32> to vector<32xbf16>
        %add3A_1325 = arith.constant 2691 : i32
        %add3A_1326 = vector.broadcast %add3A_1325 : i32 to vector<16xi32>
        %add3A_1327 = arith.addi %add3A_1238, %add3A_1326 : vector<16xi32>
        %gather3A_1328 = tpu.vector_load_idx %arg10[%add3A_1327] : memref<3584xi32, #tpu.memory_space<vmem>>[vector<16xi32>], vector<16xi32>,
        %bitcast3A_1329 = vector.bitcast %gather3A_1328 : vector<16xi32> to vector<32xbf16>
        %add3A_1330 = arith.constant 2691 : i32
        %add3A_1331 = vector.broadcast %add3A_1330 : i32 to vector<16xi32>
        %add3A_1332 = arith.addi %add3A_1239, %add3A_1331 : vector<16xi32>
        %gather3A_1333 = tpu.vector_load_idx %arg10[%add3A_1332] : memref<3584xi32, #tpu.memory_space<vmem>>[vector<16xi32>], vector<16xi32>,
        %bitcast3A_1334 = vector.bitcast %gather3A_1333 : vector<16xi32> to vector<32xbf16>
        %add3A_1335 = arith.constant 2692 : i32
        %add3A_1336 = vector.broadcast %add3A_1335 : i32 to vector<16xi32>
        %add3A_1337 = arith.addi %add3A_1236, %add3A_1336 : vector<16xi32>
        %gather3A_1338 = tpu.vector_load_idx %arg10[%add3A_1337] : memref<3584xi32, #tpu.memory_space<vmem>>[vector<16xi32>], vector<16xi32>,
        %bitcast3A_1339 = vector.bitcast %gather3A_1338 : vector<16xi32> to vector<32xbf16>
        %add3A_1340 = arith.constant 2692 : i32
        %add3A_1341 = vector.broadcast %add3A_1340 : i32 to vector<16xi32>
        %add3A_1342 = arith.addi %add3A_1237, %add3A_1341 : vector<16xi32>
        %gather3A_1343 = tpu.vector_load_idx %arg10[%add3A_1342] : memref<3584xi32, #tpu.memory_space<vmem>>[vector<16xi32>], vector<16xi32>,
        %bitcast3A_1344 = vector.bitcast %gather3A_1343 : vector<16xi32> to vector<32xbf16>
        %add3A_1345 = arith.constant 2692 : i32
        %add3A_1346 = vector.broadcast %add3A_1345 : i32 to vector<16xi32>
        %add3A_1347 = arith.addi %add3A_1238, %add3A_1346 : vector<16xi32>
        %gather3A_1348 = tpu.vector_load_idx %arg10[%add3A_1347] : memref<3584xi32, #tpu.memory_space<vmem>>[vector<16xi32>], vector<16xi32>,
        %bitcast3A_1349 = vector.bitcast %gather3A_1348 : vector<16xi32> to vector<32xbf16>
        %add3A_1350 = arith.constant 2692 : i32
        %add3A_1351 = vector.broadcast %add3A_1350 : i32 to vector<16xi32>
        %add3A_1352 = arith.addi %add3A_1239, %add3A_1351 : vector<16xi32>
        %gather3A_1353 = tpu.vector_load_idx %arg10[%add3A_1352] : memref<3584xi32, #tpu.memory_space<vmem>>[vector<16xi32>], vector<16xi32>,
        %bitcast3A_1354 = vector.bitcast %gather3A_1353 : vector<16xi32> to vector<32xbf16>
        %add3A_1355 = arith.constant 2693 : i32
        %add3A_1356 = vector.broadcast %add3A_1355 : i32 to vector<16xi32>
        %add3A_1357 = arith.addi %add3A_1236, %add3A_1356 : vector<16xi32>
        %gather3A_1358 = tpu.vector_load_idx %arg10[%add3A_1357] : memref<3584xi32, #tpu.memory_space<vmem>>[vector<16xi32>], vector<16xi32>,
        %bitcast3A_1359 = vector.bitcast %gather3A_1358 : vector<16xi32> to vector<32xbf16>
        %add3A_1360 = arith.constant 2693 : i32
        %add3A_1361 = vector.broadcast %add3A_1360 : i32 to vector<16xi32>
        %add3A_1362 = arith.addi %add3A_1237, %add3A_1361 : vector<16xi32>
        %gather3A_1363 = tpu.vector_load_idx %arg10[%add3A_1362] : memref<3584xi32, #tpu.memory_space<vmem>>[vector<16xi32>], vector<16xi32>,
        %bitcast3A_1364 = vector.bitcast %gather3A_1363 : vector<16xi32> to vector<32xbf16>
        %add3A_1365 = arith.constant 2693 : i32
        %add3A_1366 = vector.broadcast %add3A_1365 : i32 to vector<16xi32>
        %add3A_1367 = arith.addi %add3A_1238, %add3A_1366 : vector<16xi32>
        %gather3A_1368 = tpu.vector_load_idx %arg10[%add3A_1367] : memref<3584xi32, #tpu.memory_space<vmem>>[vector<16xi32>], vector<16xi32>,
        %bitcast3A_1369 = vector.bitcast %gather3A_1368 : vector<16xi32> to vector<32xbf16>
        %add3A_1370 = arith.constant 2693 : i32
        %add3A_1371 = vector.broadcast %add3A_1370 : i32 to vector<16xi32>
        %add3A_1372 = arith.addi %add3A_1239, %add3A_1371 : vector<16xi32>
        %gather3A_1373 = tpu.vector_load_idx %arg10[%add3A_1372] : memref<3584xi32, #tpu.memory_space<vmem>>[vector<16xi32>], vector<16xi32>,
        %bitcast3A_1374 = vector.bitcast %gather3A_1373 : vector<16xi32> to vector<32xbf16>
        %mul3A_1375 = arith.mulf %bitcast3A_1259, %pack3A_1245 : vector<32xbf16>
        %mul3A_1376 = arith.mulf %bitcast3A_1264, %pack3A_1248 : vector<32xbf16>
        %add3A_1377 = arith.addf %mul3A_1375, %mul3A_1376 : vector<32xbf16>
        %mul3A_1378 = arith.mulf %bitcast3A_1269, %pack3A_1251 : vector<32xbf16>
        %mul3A_1379 = arith.mulf %bitcast3A_1274, %pack3A_1254 : vector<32xbf16>
        %add3A_1380 = arith.addf %mul3A_1378, %mul3A_1379 : vector<32xbf16>
        %add3A_1381 = arith.addf %add3A_1377, %add3A_1380 : vector<32xbf16>
        %unpack3A_1382 = tpu.unpack_subelements %add3A_1381, 0 {pack_format = #tpu.pack_format<interleaved>} : vector<32xbf16> -> vector<16xf32>
        %unpack3A_1383 = tpu.unpack_subelements %add3A_1381, 1 {pack_format = #tpu.pack_format<interleaved>} : vector<32xbf16> -> vector<16xf32>
        %swap3A_1384 = arith.constant 1 : i32
        %swap3A_1385 = arith.constant 0 : i32
        %swap3A_1386 = arith.constant 3 : i32
        %swap3A_1387 = arith.index_cast %swap3A_1384 : i32 to index
        %swap3A_1388 = arith.index_cast %swap3A_1385 : i32 to index
        %swap3A_1389 = arith.index_cast %swap3A_1386 : i32 to index
        %swap3A_1390 = arith.index_cast %mul3A_236 : i32 to index
        %swap3A_1391 = tpu.vector_load %arg12[%swap3A_1387, %swap3A_1388, %swap3A_1389, %swap3A_1390] {strides = array<i32>} : memref<2x12x4x512xf32, #tpu.memory_space<vmem>>, vector<16xf32>,
        tpu.vector_store %arg12[%swap3A_1387, %swap3A_1388, %swap3A_1389, %swap3A_1390], %unpack3A_1382 {strides = array<i32>} : memref<2x12x4x512xf32, #tpu.memory_space<vmem>>, vector<16xf32>,
        %swap3A_1392 = arith.constant 1 : i32
        %swap3A_1393 = arith.constant 1 : i32
        %swap3A_1394 = arith.constant 3 : i32
        %swap3A_1395 = arith.index_cast %swap3A_1392 : i32 to index
        %swap3A_1396 = arith.index_cast %swap3A_1393 : i32 to index
        %swap3A_1397 = arith.index_cast %swap3A_1394 : i32 to index
        %swap3A_1398 = arith.index_cast %mul3A_236 : i32 to index
        %swap3A_1399 = tpu.vector_load %arg12[%swap3A_1395, %swap3A_1396, %swap3A_1397, %swap3A_1398] {strides = array<i32>} : memref<2x12x4x512xf32, #tpu.memory_space<vmem>>, vector<16xf32>,
        tpu.vector_store %arg12[%swap3A_1395, %swap3A_1396, %swap3A_1397, %swap3A_1398], %unpack3A_1383 {strides = array<i32>} : memref<2x12x4x512xf32, #tpu.memory_space<vmem>>, vector<16xf32>,
        %mul3A_1400 = arith.mulf %bitcast3A_1279, %pack3A_1245 : vector<32xbf16>
        %mul3A_1401 = arith.mulf %bitcast3A_1284, %pack3A_1248 : vector<32xbf16>
        %add3A_1402 = arith.addf %mul3A_1400, %mul3A_1401 : vector<32xbf16>
        %mul3A_1403 = arith.mulf %bitcast3A_1289, %pack3A_1251 : vector<32xbf16>
        %mul3A_1404 = arith.mulf %bitcast3A_1294, %pack3A_1254 : vector<32xbf16>
        %add3A_1405 = arith.addf %mul3A_1403, %mul3A_1404 : vector<32xbf16>
        %add3A_1406 = arith.addf %add3A_1402, %add3A_1405 : vector<32xbf16>
        %unpack3A_1407 = tpu.unpack_subelements %add3A_1406, 0 {pack_format = #tpu.pack_format<interleaved>} : vector<32xbf16> -> vector<16xf32>
        %unpack3A_1408 = tpu.unpack_subelements %add3A_1406, 1 {pack_format = #tpu.pack_format<interleaved>} : vector<32xbf16> -> vector<16xf32>
        %swap3A_1409 = arith.constant 1 : i32
        %swap3A_1410 = arith.constant 2 : i32
        %swap3A_1411 = arith.constant 3 : i32
        %swap3A_1412 = arith.index_cast %swap3A_1409 : i32 to index
        %swap3A_1413 = arith.index_cast %swap3A_1410 : i32 to index
        %swap3A_1414 = arith.index_cast %swap3A_1411 : i32 to index
        %swap3A_1415 = arith.index_cast %mul3A_236 : i32 to index
        %swap3A_1416 = tpu.vector_load %arg12[%swap3A_1412, %swap3A_1413, %swap3A_1414, %swap3A_1415] {strides = array<i32>} : memref<2x12x4x512xf32, #tpu.memory_space<vmem>>, vector<16xf32>,
        tpu.vector_store %arg12[%swap3A_1412, %swap3A_1413, %swap3A_1414, %swap3A_1415], %unpack3A_1407 {strides = array<i32>} : memref<2x12x4x512xf32, #tpu.memory_space<vmem>>, vector<16xf32>,
        %swap3A_1417 = arith.constant 1 : i32
        %swap3A_1418 = arith.constant 3 : i32
        %swap3A_1419 = arith.constant 3 : i32
        %swap3A_1420 = arith.index_cast %swap3A_1417 : i32 to index
        %swap3A_1421 = arith.index_cast %swap3A_1418 : i32 to index
        %swap3A_1422 = arith.index_cast %swap3A_1419 : i32 to index
        %swap3A_1423 = arith.index_cast %mul3A_236 : i32 to index
        %swap3A_1424 = tpu.vector_load %arg12[%swap3A_1420, %swap3A_1421, %swap3A_1422, %swap3A_1423] {strides = array<i32>} : memref<2x12x4x512xf32, #tpu.memory_space<vmem>>, vector<16xf32>,
        tpu.vector_store %arg12[%swap3A_1420, %swap3A_1421, %swap3A_1422, %swap3A_1423], %unpack3A_1408 {strides = array<i32>} : memref<2x12x4x512xf32, #tpu.memory_space<vmem>>, vector<16xf32>,
        %mul3A_1425 = arith.mulf %bitcast3A_1299, %pack3A_1245 : vector<32xbf16>
        %mul3A_1426 = arith.mulf %bitcast3A_1304, %pack3A_1248 : vector<32xbf16>
        %add3A_1427 = arith.addf %mul3A_1425, %mul3A_1426 : vector<32xbf16>
        %mul3A_1428 = arith.mulf %bitcast3A_1309, %pack3A_1251 : vector<32xbf16>
        %mul3A_1429 = arith.mulf %bitcast3A_1314, %pack3A_1254 : vector<32xbf16>
        %add3A_1430 = arith.addf %mul3A_1428, %mul3A_1429 : vector<32xbf16>
        %add3A_1431 = arith.addf %add3A_1427, %add3A_1430 : vector<32xbf16>
        %unpack3A_1432 = tpu.unpack_subelements %add3A_1431, 0 {pack_format = #tpu.pack_format<interleaved>} : vector<32xbf16> -> vector<16xf32>
        %unpack3A_1433 = tpu.unpack_subelements %add3A_1431, 1 {pack_format = #tpu.pack_format<interleaved>} : vector<32xbf16> -> vector<16xf32>
        %swap3A_1434 = arith.constant 1 : i32
        %swap3A_1435 = arith.constant 4 : i32
        %swap3A_1436 = arith.constant 3 : i32
        %swap3A_1437 = arith.index_cast %swap3A_1434 : i32 to index
        %swap3A_1438 = arith.index_cast %swap3A_1435 : i32 to index
        %swap3A_1439 = arith.index_cast %swap3A_1436 : i32 to index
        %swap3A_1440 = arith.index_cast %mul3A_236 : i32 to index
        %swap3A_1441 = tpu.vector_load %arg12[%swap3A_1437, %swap3A_1438, %swap3A_1439, %swap3A_1440] {strides = array<i32>} : memref<2x12x4x512xf32, #tpu.memory_space<vmem>>, vector<16xf32>,
        tpu.vector_store %arg12[%swap3A_1437, %swap3A_1438, %swap3A_1439, %swap3A_1440], %unpack3A_1432 {strides = array<i32>} : memref<2x12x4x512xf32, #tpu.memory_space<vmem>>, vector<16xf32>,
        %swap3A_1442 = arith.constant 1 : i32
        %swap3A_1443 = arith.constant 5 : i32
        %swap3A_1444 = arith.constant 3 : i32
        %swap3A_1445 = arith.index_cast %swap3A_1442 : i32 to index
        %swap3A_1446 = arith.index_cast %swap3A_1443 : i32 to index
        %swap3A_1447 = arith.index_cast %swap3A_1444 : i32 to index
        %swap3A_1448 = arith.index_cast %mul3A_236 : i32 to index
        %swap3A_1449 = tpu.vector_load %arg12[%swap3A_1445, %swap3A_1446, %swap3A_1447, %swap3A_1448] {strides = array<i32>} : memref<2x12x4x512xf32, #tpu.memory_space<vmem>>, vector<16xf32>,
        tpu.vector_store %arg12[%swap3A_1445, %swap3A_1446, %swap3A_1447, %swap3A_1448], %unpack3A_1433 {strides = array<i32>} : memref<2x12x4x512xf32, #tpu.memory_space<vmem>>, vector<16xf32>,
        %mul3A_1450 = arith.mulf %bitcast3A_1319, %pack3A_1245 : vector<32xbf16>
        %mul3A_1451 = arith.mulf %bitcast3A_1324, %pack3A_1248 : vector<32xbf16>
        %add3A_1452 = arith.addf %mul3A_1450, %mul3A_1451 : vector<32xbf16>
        %mul3A_1453 = arith.mulf %bitcast3A_1329, %pack3A_1251 : vector<32xbf16>
        %mul3A_1454 = arith.mulf %bitcast3A_1334, %pack3A_1254 : vector<32xbf16>
        %add3A_1455 = arith.addf %mul3A_1453, %mul3A_1454 : vector<32xbf16>
        %add3A_1456 = arith.addf %add3A_1452, %add3A_1455 : vector<32xbf16>
        %unpack3A_1457 = tpu.unpack_subelements %add3A_1456, 0 {pack_format = #tpu.pack_format<interleaved>} : vector<32xbf16> -> vector<16xf32>
        %unpack3A_1458 = tpu.unpack_subelements %add3A_1456, 1 {pack_format = #tpu.pack_format<interleaved>} : vector<32xbf16> -> vector<16xf32>
        %swap3A_1459 = arith.constant 1 : i32
        %swap3A_1460 = arith.constant 6 : i32
        %swap3A_1461 = arith.constant 3 : i32
        %swap3A_1462 = arith.index_cast %swap3A_1459 : i32 to index
        %swap3A_1463 = arith.index_cast %swap3A_1460 : i32 to index
        %swap3A_1464 = arith.index_cast %swap3A_1461 : i32 to index
        %swap3A_1465 = arith.index_cast %mul3A_236 : i32 to index
        %swap3A_1466 = tpu.vector_load %arg12[%swap3A_1462, %swap3A_1463, %swap3A_1464, %swap3A_1465] {strides = array<i32>} : memref<2x12x4x512xf32, #tpu.memory_space<vmem>>, vector<16xf32>,
        tpu.vector_store %arg12[%swap3A_1462, %swap3A_1463, %swap3A_1464, %swap3A_1465], %unpack3A_1457 {strides = array<i32>} : memref<2x12x4x512xf32, #tpu.memory_space<vmem>>, vector<16xf32>,
        %swap3A_1467 = arith.constant 1 : i32
        %swap3A_1468 = arith.constant 7 : i32
        %swap3A_1469 = arith.constant 3 : i32
        %swap3A_1470 = arith.index_cast %swap3A_1467 : i32 to index
        %swap3A_1471 = arith.index_cast %swap3A_1468 : i32 to index
        %swap3A_1472 = arith.index_cast %swap3A_1469 : i32 to index
        %swap3A_1473 = arith.index_cast %mul3A_236 : i32 to index
        %swap3A_1474 = tpu.vector_load %arg12[%swap3A_1470, %swap3A_1471, %swap3A_1472, %swap3A_1473] {strides = array<i32>} : memref<2x12x4x512xf32, #tpu.memory_space<vmem>>, vector<16xf32>,
        tpu.vector_store %arg12[%swap3A_1470, %swap3A_1471, %swap3A_1472, %swap3A_1473], %unpack3A_1458 {strides = array<i32>} : memref<2x12x4x512xf32, #tpu.memory_space<vmem>>, vector<16xf32>,
        %mul3A_1475 = arith.mulf %bitcast3A_1339, %pack3A_1245 : vector<32xbf16>
        %mul3A_1476 = arith.mulf %bitcast3A_1344, %pack3A_1248 : vector<32xbf16>
        %add3A_1477 = arith.addf %mul3A_1475, %mul3A_1476 : vector<32xbf16>
        %mul3A_1478 = arith.mulf %bitcast3A_1349, %pack3A_1251 : vector<32xbf16>
        %mul3A_1479 = arith.mulf %bitcast3A_1354, %pack3A_1254 : vector<32xbf16>
        %add3A_1480 = arith.addf %mul3A_1478, %mul3A_1479 : vector<32xbf16>
        %add3A_1481 = arith.addf %add3A_1477, %add3A_1480 : vector<32xbf16>
        %unpack3A_1482 = tpu.unpack_subelements %add3A_1481, 0 {pack_format = #tpu.pack_format<interleaved>} : vector<32xbf16> -> vector<16xf32>
        %unpack3A_1483 = tpu.unpack_subelements %add3A_1481, 1 {pack_format = #tpu.pack_format<interleaved>} : vector<32xbf16> -> vector<16xf32>
        %swap3A_1484 = arith.constant 1 : i32
        %swap3A_1485 = arith.constant 8 : i32
        %swap3A_1486 = arith.constant 3 : i32
        %swap3A_1487 = arith.index_cast %swap3A_1484 : i32 to index
        %swap3A_1488 = arith.index_cast %swap3A_1485 : i32 to index
        %swap3A_1489 = arith.index_cast %swap3A_1486 : i32 to index
        %swap3A_1490 = arith.index_cast %mul3A_236 : i32 to index
        %swap3A_1491 = tpu.vector_load %arg12[%swap3A_1487, %swap3A_1488, %swap3A_1489, %swap3A_1490] {strides = array<i32>} : memref<2x12x4x512xf32, #tpu.memory_space<vmem>>, vector<16xf32>,
        tpu.vector_store %arg12[%swap3A_1487, %swap3A_1488, %swap3A_1489, %swap3A_1490], %unpack3A_1482 {strides = array<i32>} : memref<2x12x4x512xf32, #tpu.memory_space<vmem>>, vector<16xf32>,
        %swap3A_1492 = arith.constant 1 : i32
        %swap3A_1493 = arith.constant 9 : i32
        %swap3A_1494 = arith.constant 3 : i32
        %swap3A_1495 = arith.index_cast %swap3A_1492 : i32 to index
        %swap3A_1496 = arith.index_cast %swap3A_1493 : i32 to index
        %swap3A_1497 = arith.index_cast %swap3A_1494 : i32 to index
        %swap3A_1498 = arith.index_cast %mul3A_236 : i32 to index
        %swap3A_1499 = tpu.vector_load %arg12[%swap3A_1495, %swap3A_1496, %swap3A_1497, %swap3A_1498] {strides = array<i32>} : memref<2x12x4x512xf32, #tpu.memory_space<vmem>>, vector<16xf32>,
        tpu.vector_store %arg12[%swap3A_1495, %swap3A_1496, %swap3A_1497, %swap3A_1498], %unpack3A_1483 {strides = array<i32>} : memref<2x12x4x512xf32, #tpu.memory_space<vmem>>, vector<16xf32>,
        %mul3A_1500 = arith.mulf %bitcast3A_1359, %pack3A_1245 : vector<32xbf16>
        %mul3A_1501 = arith.mulf %bitcast3A_1364, %pack3A_1248 : vector<32xbf16>
        %add3A_1502 = arith.addf %mul3A_1500, %mul3A_1501 : vector<32xbf16>
        %mul3A_1503 = arith.mulf %bitcast3A_1369, %pack3A_1251 : vector<32xbf16>
        %mul3A_1504 = arith.mulf %bitcast3A_1374, %pack3A_1254 : vector<32xbf16>
        %add3A_1505 = arith.addf %mul3A_1503, %mul3A_1504 : vector<32xbf16>
        %add3A_1506 = arith.addf %add3A_1502, %add3A_1505 : vector<32xbf16>
        %unpack3A_1507 = tpu.unpack_subelements %add3A_1506, 0 {pack_format = #tpu.pack_format<interleaved>} : vector<32xbf16> -> vector<16xf32>
        %unpack3A_1508 = tpu.unpack_subelements %add3A_1506, 1 {pack_format = #tpu.pack_format<interleaved>} : vector<32xbf16> -> vector<16xf32>
        %swap3A_1509 = arith.constant 1 : i32
        %swap3A_1510 = arith.constant 10 : i32
        %swap3A_1511 = arith.constant 3 : i32
        %swap3A_1512 = arith.index_cast %swap3A_1509 : i32 to index
        %swap3A_1513 = arith.index_cast %swap3A_1510 : i32 to index
        %swap3A_1514 = arith.index_cast %swap3A_1511 : i32 to index
        %swap3A_1515 = arith.index_cast %mul3A_236 : i32 to index
        %swap3A_1516 = tpu.vector_load %arg12[%swap3A_1512, %swap3A_1513, %swap3A_1514, %swap3A_1515] {strides = array<i32>} : memref<2x12x4x512xf32, #tpu.memory_space<vmem>>, vector<16xf32>,
        tpu.vector_store %arg12[%swap3A_1512, %swap3A_1513, %swap3A_1514, %swap3A_1515], %unpack3A_1507 {strides = array<i32>} : memref<2x12x4x512xf32, #tpu.memory_space<vmem>>, vector<16xf32>,
        %swap3A_1517 = arith.constant 1 : i32
        %swap3A_1518 = arith.constant 11 : i32
        %swap3A_1519 = arith.constant 3 : i32
        %swap3A_1520 = arith.index_cast %swap3A_1517 : i32 to index
        %swap3A_1521 = arith.index_cast %swap3A_1518 : i32 to index
        %swap3A_1522 = arith.index_cast %swap3A_1519 : i32 to index
        %swap3A_1523 = arith.index_cast %mul3A_236 : i32 to index
        %swap3A_1524 = tpu.vector_load %arg12[%swap3A_1520, %swap3A_1521, %swap3A_1522, %swap3A_1523] {strides = array<i32>} : memref<2x12x4x512xf32, #tpu.memory_space<vmem>>, vector<16xf32>,
        tpu.vector_store %arg12[%swap3A_1520, %swap3A_1521, %swap3A_1522, %swap3A_1523], %unpack3A_1508 {strides = array<i32>} : memref<2x12x4x512xf32, #tpu.memory_space<vmem>>, vector<16xf32>,
      }
      %scan3A_207 = arith.constant 32 : i32
      %dma_start3A_208 = arith.constant 1 : i32
      %dma_start3A_209 = arith.constant 0 : i32
      %dma_start3A_210 = arith.constant 0 : i32
      %dma_start3A_211 = arith.constant 0 : i32
      %dma_start3A_212 = tpu.memref_slice %arg12[%dma_start3A_208, %dma_start3A_209, %dma_start3A_210, %dma_start3A_211] : memref<2x12x4x512xf32, #tpu.memory_space<vmem>> -> memref<1x12x4x512xf32, #tpu.memory_space<vmem>>
      %dma_start3A_213 = tpu.memref_squeeze %dma_start3A_212 : memref<1x12x4x512xf32, #tpu.memory_space<vmem>> -> memref<12x4x512xf32, #tpu.memory_space<vmem>>
      %dma_start3A_214 = arith.constant 0 : i32
      %dma_start3A_215 = arith.constant 0 : i32
      %dma_start3A_216 = tpu.memref_slice %arg8[%select_n3A, %dma_start3A_214, %add3A_175, %dma_start3A_215] : memref<4x12x512x512xf32, #tpu.memory_space<hbm>> -> memref<1x12x4x512xf32, #tpu.memory_space<hbm>>
      %dma_start3A_217 = tpu.memref_squeeze %dma_start3A_216 : memref<1x12x4x512xf32, #tpu.memory_space<hbm>> -> memref<12x4x512xf32, #tpu.memory_space<hbm>>
      %dma_start3A_218 = arith.constant 0 : i32
      %dma_start3A_219 = arith.constant 0 : i32
      %dma_start3A_220 = tpu.memref_slice %arg8[%select_n3A, %dma_start3A_218, %add3A_175, %dma_start3A_219] : memref<4x12x512x512xf32, #tpu.memory_space<hbm>> -> memref<1x12x4x512xf32, #tpu.memory_space<hbm>>
      %dma_start3A_221 = tpu.memref_squeeze %dma_start3A_220 : memref<1x12x4x512xf32, #tpu.memory_space<hbm>> -> memref<12x4x512xf32, #tpu.memory_space<hbm>>
      %dma_start3A_222 = arith.constant 0 : i32
      %dma_start3A_223 = arith.constant 0 : i32
      %dma_start3A_224 = arith.constant 0 : i32
      %dma_start3A_225 = tpu.memref_slice %arg12[%dma_start3A_208, %dma_start3A_222, %dma_start3A_223, %dma_start3A_224] : memref<2x12x4x512xf32, #tpu.memory_space<vmem>> -> memref<1x12x4x512xf32, #tpu.memory_space<vmem>>
      %dma_start3A_226 = tpu.memref_squeeze %dma_start3A_225 : memref<1x12x4x512xf32, #tpu.memory_space<vmem>> -> memref<12x4x512xf32, #tpu.memory_space<vmem>>
      tpu.enqueue_dma source(%dma_start3A_226 : memref<12x4x512xf32, #tpu.memory_space<vmem>>) target(%dma_start3A_221 : memref<12x4x512xf32, #tpu.memory_space<hbm>>) target_semaphore(%arg18 : memref<!tpu.dma_semaphore, #tpu.memory_space<semaphore_mem>>)
      %add3A_227 = arith.constant 2 : i32
      %add3A_228 = arith.addi %add3A_172, %add3A_227 : i32
      %lt3A_229 = arith.constant 16 : i32
      %lt3A_230 = arith.cmpi slt, %add3A_228, %lt3A_229 : i32
      %convert_element_type3A_231 = arith.extui %lt3A_230 : i1 to i32
      %cond3A_232 = arith.constant 0 : i32
      %cond3A_233 = arith.cmpi ne, %convert_element_type3A_231, %cond3A_232 : i32
      scf.if %cond3A_233 {
        %add3A_234 = arith.constant 8 : i32
        %add3A_235 = arith.addi %add3A_175, %add3A_234 : i32
        %dma_start3A_236 = arith.constant 1 : i32
        %dma_start3A_237 = arith.constant 0 : i32
        %dma_start3A_238 = arith.constant 0 : i32
        %dma_start3A_239 = tpu.memref_slice %arg11[%dma_start3A_236, %dma_start3A_237, %dma_start3A_238] : memref<2x4x512xf32, #tpu.memory_space<vmem>> -> memref<1x4x512xf32, #tpu.memory_space<vmem>>
        %dma_start3A_240 = tpu.memref_squeeze %dma_start3A_239 : memref<1x4x512xf32, #tpu.memory_space<vmem>> -> memref<4x512xf32, #tpu.memory_space<vmem>>
        %dma_start3A_241 = arith.constant 0 : i32
        %dma_start3A_242 = tpu.memref_slice %arg3[%select_n3A, %add3A_235, %dma_start3A_241] : memref<4x512x512xf32, #tpu.memory_space<hbm>> -> memref<1x4x512xf32, #tpu.memory_space<hbm>>
        %dma_start3A_243 = tpu.memref_squeeze %dma_start3A_242 : memref<1x4x512xf32, #tpu.memory_space<hbm>> -> memref<4x512xf32, #tpu.memory_space<hbm>>
        %dma_start3A_244 = arith.constant 0 : i32
        %dma_start3A_245 = arith.constant 0 : i32
        %dma_start3A_246 = tpu.memref_slice %arg11[%dma_start3A_236, %dma_start3A_244, %dma_start3A_245] : memref<2x4x512xf32, #tpu.memory_space<vmem>> -> memref<1x4x512xf32, #tpu.memory_space<vmem>>
        %dma_start3A_247 = tpu.memref_squeeze %dma_start3A_246 : memref<1x4x512xf32, #tpu.memory_space<vmem>> -> memref<4x512xf32, #tpu.memory_space<vmem>>
        %dma_start3A_248 = arith.constant 0 : i32
        %dma_start3A_249 = tpu.memref_slice %arg3[%select_n3A, %add3A_235, %dma_start3A_248] : memref<4x512x512xf32, #tpu.memory_space<hbm>> -> memref<1x4x512xf32, #tpu.memory_space<hbm>>
        %dma_start3A_250 = tpu.memref_squeeze %dma_start3A_249 : memref<1x4x512xf32, #tpu.memory_space<hbm>> -> memref<4x512xf32, #tpu.memory_space<hbm>>
        tpu.enqueue_dma source(%dma_start3A_250 : memref<4x512xf32, #tpu.memory_space<hbm>>) target(%dma_start3A_247 : memref<4x512xf32, #tpu.memory_space<vmem>>) target_semaphore(%arg20 : memref<!tpu.dma_semaphore, #tpu.memory_space<semaphore_mem>>)
      } else {
      }
    }
    %scan3A_68 = arith.constant 8 : i32
    %dma_wait3A = arith.constant 0 : i32
    %dma_wait3A_69 = arith.constant 0 : i32
    %dma_wait3A_70 = arith.constant 0 : i32
    %dma_wait3A_71 = arith.constant 0 : i32
    %dma_wait3A_72 = tpu.memref_slice %arg12[%dma_wait3A, %dma_wait3A_69, %dma_wait3A_70, %dma_wait3A_71] : memref<2x12x4x512xf32, #tpu.memory_space<vmem>> -> memref<1x12x4x512xf32, #tpu.memory_space<vmem>>
    %dma_wait3A_73 = tpu.memref_squeeze %dma_wait3A_72 : memref<1x12x4x512xf32, #tpu.memory_space<vmem>> -> memref<12x4x512xf32, #tpu.memory_space<vmem>>
    %dma_wait3A_74 = arith.constant 0 : i32
    %dma_wait3A_75 = arith.constant 0 : i32
    %dma_wait3A_76 = tpu.memref_slice %arg8[%select_n3A, %dma_wait3A_74, %mul3A_32, %dma_wait3A_75] : memref<4x12x512x512xf32, #tpu.memory_space<hbm>> -> memref<1x12x4x512xf32, #tpu.memory_space<hbm>>
    %dma_wait3A_77 = tpu.memref_squeeze %dma_wait3A_76 : memref<1x12x4x512xf32, #tpu.memory_space<hbm>> -> memref<12x4x512xf32, #tpu.memory_space<hbm>>
    %dma_wait3A_78 = arith.constant 0 : i32
    %dma_wait3A_79 = arith.constant 0 : i32
    %dma_wait3A_80 = tpu.memref_slice %arg8[%select_n3A, %dma_wait3A_78, %mul3A_32, %dma_wait3A_79] : memref<4x12x512x512xf32, #tpu.memory_space<hbm>> -> memref<1x12x4x512xf32, #tpu.memory_space<hbm>>
    %dma_wait3A_81 = tpu.memref_squeeze %dma_wait3A_80 : memref<1x12x4x512xf32, #tpu.memory_space<hbm>> -> memref<12x4x512xf32, #tpu.memory_space<hbm>>
    %dma_wait3A_82 = arith.constant 0 : i32
    %dma_wait3A_83 = arith.constant 0 : i32
    %dma_wait3A_84 = arith.constant 0 : i32
    %dma_wait3A_85 = tpu.memref_slice %arg12[%dma_wait3A, %dma_wait3A_82, %dma_wait3A_83, %dma_wait3A_84] : memref<2x12x4x512xf32, #tpu.memory_space<vmem>> -> memref<1x12x4x512xf32, #tpu.memory_space<vmem>>
    %dma_wait3A_86 = tpu.memref_squeeze %dma_wait3A_85 : memref<1x12x4x512xf32, #tpu.memory_space<vmem>> -> memref<12x4x512xf32, #tpu.memory_space<vmem>>
    tpu.wait_dma2 semaphore(%arg17 : memref<!tpu.dma_semaphore, #tpu.memory_space<semaphore_mem>>) src(%dma_wait3A_86 : memref<12x4x512xf32, #tpu.memory_space<vmem>>) dst(%dma_wait3A_81 : memref<12x4x512xf32, #tpu.memory_space<hbm>>)
    %dma_wait3A_87 = arith.constant 1 : i32
    %dma_wait3A_88 = arith.constant 0 : i32
    %dma_wait3A_89 = arith.constant 0 : i32
    %dma_wait3A_90 = arith.constant 0 : i32
    %dma_wait3A_91 = tpu.memref_slice %arg12[%dma_wait3A_87, %dma_wait3A_88, %dma_wait3A_89, %dma_wait3A_90] : memref<2x12x4x512xf32, #tpu.memory_space<vmem>> -> memref<1x12x4x512xf32, #tpu.memory_space<vmem>>
    %dma_wait3A_92 = tpu.memref_squeeze %dma_wait3A_91 : memref<1x12x4x512xf32, #tpu.memory_space<vmem>> -> memref<12x4x512xf32, #tpu.memory_space<vmem>>
    %dma_wait3A_93 = arith.constant 0 : i32
    %dma_wait3A_94 = arith.constant 0 : i32
    %dma_wait3A_95 = tpu.memref_slice %arg8[%select_n3A, %dma_wait3A_93, %mul3A_32, %dma_wait3A_94] : memref<4x12x512x512xf32, #tpu.memory_space<hbm>> -> memref<1x12x4x512xf32, #tpu.memory_space<hbm>>
    %dma_wait3A_96 = tpu.memref_squeeze %dma_wait3A_95 : memref<1x12x4x512xf32, #tpu.memory_space<hbm>> -> memref<12x4x512xf32, #tpu.memory_space<hbm>>
    %dma_wait3A_97 = arith.constant 0 : i32
    %dma_wait3A_98 = arith.constant 0 : i32
    %dma_wait3A_99 = tpu.memref_slice %arg8[%select_n3A, %dma_wait3A_97, %mul3A_32, %dma_wait3A_98] : memref<4x12x512x512xf32, #tpu.memory_space<hbm>> -> memref<1x12x4x512xf32, #tpu.memory_space<hbm>>
    %dma_wait3A_100 = tpu.memref_squeeze %dma_wait3A_99 : memref<1x12x4x512xf32, #tpu.memory_space<hbm>> -> memref<12x4x512xf32, #tpu.memory_space<hbm>>
    %dma_wait3A_101 = arith.constant 0 : i32
    %dma_wait3A_102 = arith.constant 0 : i32
    %dma_wait3A_103 = arith.constant 0 : i32
    %dma_wait3A_104 = tpu.memref_slice %arg12[%dma_wait3A_87, %dma_wait3A_101, %dma_wait3A_102, %dma_wait3A_103] : memref<2x12x4x512xf32, #tpu.memory_space<vmem>> -> memref<1x12x4x512xf32, #tpu.memory_space<vmem>>
    %dma_wait3A_105 = tpu.memref_squeeze %dma_wait3A_104 : memref<1x12x4x512xf32, #tpu.memory_space<vmem>> -> memref<12x4x512xf32, #tpu.memory_space<vmem>>
    tpu.wait_dma2 semaphore(%arg18 : memref<!tpu.dma_semaphore, #tpu.memory_space<semaphore_mem>>) src(%dma_wait3A_105 : memref<12x4x512xf32, #tpu.memory_space<vmem>>) dst(%dma_wait3A_100 : memref<12x4x512xf32, #tpu.memory_space<hbm>>)
    return
  }
}

</mosaic_0001>

<sc_bundles>
// kernel: kernel.3.cloned.1.call-start
scs
__scs_entry_jumppad:
0x0: {  	(pc) =	sbr.rel $0x88, $3  }
0x1: {  	(tag) =	ssettag $0x0;
	lr =	simm.s32 $0x1  }
0x2: {  	[smem:$0x3F9F] =	sst lr;
	_ =	strace $0xD0000000  }
0x3: {  	_ = 	snop  }
0x4: {  	_ = 	snop  }
0x5: {  	_ = 	snop  }
0x6: {  	_ = 	snop  }
0x7: {  	_ = 	snop  }
__scs_overlays_trampoline_lowered:
0x8: {  	[smem:$0x3FAE] =	sst s0  }
0x9: {  	[smem:$0x3FAF] =	sst s1  }
0xa: {  	[smem:$0x3FB0] =	sst s2  }
0xb: {  	[smem:$0x3FB1] =	sst s3  }
0xc: {  	[smem:$0x3FB2] =	sst s4  }
0xd: {  	[smem:$0x3FB3] =	sst s5  }
0xe: {  	[smem:$0x3FB4] =	sst s6  }
0xf: {  	[smem:$0x3FB5] =	sst s7  }
0x10: {  	[smem:$0x3FB6] =	sst s8  }
0x11: {  	[smem:$0x3FB7] =	sst s9;
	s0 =	simm.s32 @!p0 $0x0  }
0x12: {  	s1 =	sld [smem:$0x3F9D];
	s0 =	simm.s32 @p0 $0x1  }
0x13: {  	[smem:$0x3FB8] =	sst s0;
	s0 =	simm.s32 @!p1 $0x0  }
0x14: {  	s2 =	sld [smem:$0x3F9C];
	s0 =	simm.s32 @p1 $0x1  }
0x15: {  	[smem:$0x3FB9] =	sst s0;
	s0 =	simm.s32 @!p2 $0x0  }
0x16: {  	s3 =	sld [smem:$0x3FDB];
	s0 =	simm.s32 @p2 $0x1  }
0x17: {  	s4 =	simm.s32 $0x1BF5;
	[smem:$0x3FBB] =	sst s0  }
0x18: {  	s0 =	sld [smem:$0x3F9E];
	_ =	swait.ge [sflag:s4], $0x0  }
0x19: {  	s7 =	sld [smem:$0x3F9F]  }
0x1a: {  	s8 =	sadd.s32 $0xFFFFE003, lr  }
0x1b: {  	s9 =	sadd.s32 $0xFFFFFEF7, lr;
	s5 =	simm.s32 $0xFFFFFFFF;
	p2 =	slt.u32 s8, $0xFFFFF086  }
0x1c: {  	p1 =	slt.u32 s9, $0xF7A;
	s5 =	simm.s32 @!p2 $0x0  }
0x1d: {  	s5 =	simm.s32 @p1 $0x1;
	p0 =	seq.s32 s7, s2  }
0x1e: {  	s7 =	smul.u32 @!p0 $0xF7A, s2;
	p2 =	seq.s32 @!p0 s5, $0x0  }
0x1f: {  	s9 =	smul.u32 $0xF7A, s1;
	s8 =	simm.s32 @!p0 $0x1BF5;
	p2 =	por !p2, p0  }
0x20: {  	[sflag:s8] =	ssyncset.s32 @!p0 $0xFFFFF086;
	s6 =	sadd.s32 @!p0 s3, s7;
	s7 =	simm.s32 @!p0 $0x108  }
0x21: {  	s3 =	sadd.s32 s3, s9;
	s6 =	sadd.s32 @!p0 $0x88, s6;
	s7 =	simm.s32 @p2 $0x1082  }
0x22: {  	[simem:s7], [sflag:s8] =	dma.local @!p0 [hbm:s6], $0xF7A  }
0x23: {  	s9 =	sor.u32 $0xD0000000, s2;
	s6 =	simm.s32 $0x108;
	_ =	swait.ge @!p0 [sflag:s8], $0x0  }
0x24: {  	s3 =	sadd.s32 $0x88, s3;
	s6 =	simm.s32 @!p1 $0x1082;
	[sflag:s4] =	ssyncset.s32 $0xFFFFF086  }
0x25: {  	[simem:s6], [sflag:s4] =	dma.local [hbm:s3], $0xF7A  }
0x26: {  	[smem:$0x3F9F] =	sst s1;
	(tag) =	ssettag s2;
	_ =	strace s9  }
0x27: {  	s1 =	sld [smem:$0x3FAF]  }
0x28: {  	s2 =	sld [smem:$0x3FB0]  }
0x29: {  	s4 =	sld [smem:$0x3FB2]  }
0x2a: {  	p0 =	seq.s32 s5, $0x0;
	s5 =	sld [smem:$0x3FB3]  }
0x2b: {  	s6 =	sld [smem:$0x3FB4]  }
0x2c: {  	s7 =	sld [smem:$0x3FB5]  }
0x2d: {  	s3 =	simm.s32 $0x108;
	s8 =	sld [smem:$0x3FB6]  }
0x2e: {  	s3 =	simm.s32 @!p0 $0x1082;
	s9 =	sld [smem:$0x3FB7]  }
0x2f: {  	lr =	sadd.s32 s0, s3;
	s0 =	sld [smem:$0x3FAE]  }
0x30: {  	s3 =	sld [smem:$0x3FB1]  }
0x31: {  	[smem:$0x3FBA] =	sst s10  }
0x32: {  	s10 =	sld [smem:$0x3FB8];
	_ =	sdelay $0x3  }
0x33: {  	p0 =	seq.s32 s10, $0x1;
	s10 =	sld [smem:$0x3FBA];
	_ =	sdelay $0x3  }
0x34: {  	[smem:$0x3FBA] =	sst s10  }
0x35: {  	s10 =	sld [smem:$0x3FB9];
	_ =	sdelay $0x3  }
0x36: {  	p1 =	seq.s32 s10, $0x1;
	s10 =	sld [smem:$0x3FBA];
	_ =	sdelay $0x3  }
0x37: {  	[smem:$0x3FBA] =	sst s10  }
0x38: {  	s10 =	sld [smem:$0x3FBB]  }
0x39: {  	_ = 	snop;
	(pc) =	sbr.ind lr, $3  }
0x3a: {  	_ = 	snop  }
0x3b: {  	_ = 	snop  }
0x3c: {  	p2 =	seq.s32 s10, $0x1;
	s10 =	sld [smem:$0x3FBA]  }
0x3d: {  	_ =	shalt  }
0x3e: {  	_ =	shalt  }
0x3f: {  	_ =	shalt  }
0x40: {  	_ =	shalt  }
0x41: {  	_ =	shalt  }
0x42: {  	_ =	shalt  }
0x43: {  	_ =	shalt  }
0x44: {  	_ =	shalt  }
0x45: {  	_ =	shalt  }
0x46: {  	_ =	shalt  }
0x47: {  	_ =	shalt  }
0x48: {  	_ =	shalt  }
0x49: {  	_ =	shalt  }
0x4a: {  	_ =	shalt  }
0x4b: {  	_ =	shalt  }
0x4c: {  	_ =	shalt  }
0x4d: {  	_ =	shalt  }
0x4e: {  	_ =	shalt  }
0x4f: {  	_ =	shalt  }
0x50: {  	_ =	shalt  }
0x51: {  	_ =	shalt  }
0x52: {  	_ =	shalt  }
0x53: {  	_ =	shalt  }
0x54: {  	_ =	shalt  }
0x55: {  	_ =	shalt  }
0x56: {  	_ =	shalt  }
0x57: {  	_ =	shalt  }
0x58: {  	_ =	shalt  }
0x59: {  	_ =	shalt  }
0x5a: {  	_ =	shalt  }
0x5b: {  	_ =	shalt  }
0x5c: {  	_ =	shalt  }
0x5d: {  	_ =	shalt  }
0x5e: {  	_ =	shalt  }
0x5f: {  	_ =	shalt  }
0x60: {  	_ =	shalt  }
0x61: {  	_ =	shalt  }
0x62: {  	_ =	shalt  }
0x63: {  	_ =	shalt  }
0x64: {  	_ =	shalt  }
0x65: {  	_ =	shalt  }
0x66: {  	_ =	shalt  }
0x67: {  	_ =	shalt  }
0x68: {  	_ =	shalt  }
0x69: {  	_ =	shalt  }
0x6a: {  	_ =	shalt  }
0x6b: {  	_ =	shalt  }
0x6c: {  	_ =	shalt  }
0x6d: {  	_ =	shalt  }
0x6e: {  	_ =	shalt  }
0x6f: {  	_ =	shalt  }
0x70: {  	_ =	shalt  }
0x71: {  	_ =	shalt  }
0x72: {  	_ =	shalt  }
0x73: {  	_ =	shalt  }
0x74: {  	_ =	shalt  }
0x75: {  	_ =	shalt  }
0x76: {  	_ =	shalt  }
0x77: {  	_ =	shalt  }
0x78: {  	_ =	shalt  }
0x79: {  	_ =	shalt  }
0x7a: {  	_ =	shalt  }
0x7b: {  	_ =	shalt  }
0x7c: {  	_ =	shalt  }
0x7d: {  	_ =	shalt  }
0x7e: {  	_ =	shalt  }
0x7f: {  	_ =	shalt  }
0x80: {  	_ =	shalt  }
0x81: {  	_ =	shalt  }
0x82: {  	_ =	shalt  }
0x83: {  	_ =	shalt  }
0x84: {  	_ =	shalt  }
0x85: {  	_ =	shalt  }
0x86: {  	_ =	shalt  }
0x87: {  	_ =	shalt  }
.Lfunc_end0:
.L_simem_size_0:
called_computation_lowered:
.L_overlay_start_0:
0x88: {  	s2 =	sld [smem:$0x3FD9]  }
0x89: {  	s3 =	sld [smem:$0x3FFE];
	_ =	sdelay $0x1  }
0x8a: {  	s1 =	srdreg.scid  }
0x8b: {  	s0 =	sand.u32 $0x1, s1  }
0x8c: {  	s17 =	sshll.u32 s0, $0xA;
	s2 =	sadd.s32 s3, s2  }
0x8d: {  	s2 =	sadd.s32 s2, s17  }
0x8e: {  	[smem:$0x3FC6] =	sst s2  }
0x8f: {  	_ = 	snop  }
0x90: {  	s2 =	sld [smem:$0x3FC8]  }
0x91: {  	s18 =	sld [smem:$0x3FD0];
	(tm) =	ssettm $0x1  }
0x92: {  	s4 =	sld [smem:$0x3FFB];
	_ =	sdelay $0x3  }
0x93: {  	_ =	strace s4  }
0x94: {  	s4 =	sld [smem:$0x3FFC];
	_ =	sdelay $0x3  }
0x95: {  	_ =	strace s4  }
0x96: {  	s4 =	sld [smem:$0x3FFD];
	_ =	sdelay $0x3  }
0x97: {  	_ =	strace s4  }
0x98: {  	_ =	strace $0x8FFFFFFF  }
0x99: {  	s19 =	sld [smem:$0x3FDB];
	_ =	sdelay $0x1  }
0x9a: {  	s5 =	simm.s32 $_scs_section_size  }
0x9b: {  	s6 =	simm.s32 $_size__tile_overlayer_lowered;
	s7 =	simm.s32 $_tile_overlayer_lowered  }
0x9c: {  	s22 =	simm.s32 $0x1BFF;
	s21 =	sshll.u32 s7, $0x1;
	s4 =	sadd.s32 s5, s19  }
0x9d: {  	s8 =	simm.s32 $0x0;
	s20 =	sshll.u32 s6, $0x1;
	s6 =	sadd.s32 s21, s4  }
0x9e: {  	[timem:s8], [sflag:s22] =	dma.local [hbm:s6], s20  }
0x9f: {  	_ =	swait.ge [sflag:s22], s20  }
0xa0: {  	s5 =	ssub.s32 $0x0, s20;
	[sflag:s22] =	ssyncset.done $0x0  }
0xa1: {  	[sflag:s22] =	ssyncadd.s32 s5;
	_ =	sdelay $0x1  }
0xa2: {  	s23 =	simm.s32 $0x1B8B  }
0xa3: {  	_ =	swait.ge [sflag:s23], $0x1  }
0xa4: {  	[sflag:s23] =	ssyncset.done $0x0  }
0xa5: {  	s25 =	simm.s32 $0x1B8E;
	s24 =	sld [smem:$0x3FFE];
	[sflag:s23] =	ssyncadd.s32 $0xFFFFFFFF  }
0xa6: {  	s26 =	simm.s32 $execute0_lowered;
	[smem:$0x3FD2] =	sst s25  }
0xa7: {  	s6 =	sshll.u32 s26, $0x1;
	_ =	strace $0x80000046;
	[dreg:$0x1] =	wrdreg $0xFFFFFFFF  }
0xa8: {  	s28 =	simm.s32 $_size_execute0_lowered;
	s4 =	sadd.s32 s4, s6;
	[dreg:$0x0] =	wrdreg $0x0  }
0xa9: {  	s6 =	sshll.u32 s28, $0x1;
	[dreg:$0x2] =	wrdreg s4  }
0xaa: {  	[dreg:$0x3] =	wrdreg s6  }
0xab: {  	[dreg:$0x4] =	wrdreg $0xC0  }
0xac: {  	_ =	task [dreg:s8], $0x5FFFF  }
0xad: {  	[dreg:$0x1] =	wrdreg $0xFFFFFFFF  }
0xae: {  	[dreg:$0x0] =	wrdreg $0x60  }
0xaf: {  	[dreg:$0x2] =	wrdreg s24  }
0xb0: {  	[dreg:$0x3] =	wrdreg s2  }
0xb1: {  	[dreg:$0x4] =	wrdreg s18  }
0xb2: {  	[dreg:$0x5] =	wrdreg $0x9  }
0xb3: {  	_ =	task.clear_ibuf [dreg:s8], $0x6FFFF;
	_ =	strace $0x90000046  }
0xb4: {  	s29 =	simm.s32 $0x9;
	_ =	strace $0x80000048  }
0xb5: {  	_ =	swait.ge [sflag:s29], $0x1  }
0xb6: {  	[sflag:s29] =	ssyncadd.s32 $0xFFFFFFFF  }
0xb7: {  	_ =	strace $0x90000048  }
0xb8: {  	_ =	sfence  }
0xb9: {  	s30 =	sld [smem:$0x0];
	_ =	sdelay $0x2  }
0xba: {  	s31 =	sshll.u32 s1, $0xD;
	s1 =	sshrl.u32 s1, $0x2  }
0xbb: {  	s3 =	sand.u32 $0x4000, s31;
	s1 =	sadd.s32 s1, s30  }
0xbc: {  	s0 =	sor.u32 s3, s0;
	s1 =	sshll.u32 s1, $0x11  }
0xbd: {  	s0 =	sor.u32 s1, s0  }
0xbe: {  	s0 =	sadd.s32 $0x8F2B, s0  }
0xbf: {  	[sflag:s0] =	ssyncadd.remote.s32 $0x1  }
0xc0: {  	_ =	sfence.sel $0xFFFF  }
0xc1: {  	[dreg:$0x0] =	wrdreg $0xFFFFFFFF;
	(pc) =	sbr.abs _section_cstart, $3  }
0xc2: {  	[dreg:$0x1] =	wrdreg $0xFFFFFFFF  }
0xc3: {  	_ =	task.clear_ibuf [dreg:s8], $0x2FFFF;
	_ =	strace $0x9FFFFFFF  }
0xc4: {  	(tm) =	ssettm $0x7FFFFFFF  }
0xc5: {  	_ =	shalt  }
tec
execute0_lowered:
.L_overlay_start_1:
0x0: {  	(tag) =	ssettag $0x1  }
0x1: {  	s0 =	srdreg.scid;
	s4 =	rddreg [dreg:$0x0]  }
0x2: {  	s2 =	stileid.u32;
	s3 =	simm.s32 $0x1;
	s8 =	rddreg [dreg:$0x1]  }
0x3: {  	s9 =	rddreg [dreg:$0x2];
	s6 =	simm.s32 $0x0;
	s29 =	simm.s32 $0x400  }
0x4: {  	s15 =	simm.s32 $0x4;
	s31 =	simm.s32 $0xF600;
	s0 =	sand.u32 $0x1, s0  }
0x5: {  	[smem:$0x7FF] =	sst s6;
	s21 =	sadd.s32 $0x600, s4;
	s22 =	sadd.s32 $0x400, s4  }
0x6: {  	s23 =	sadd.s32 $0x800, s4;
	_ =	strace $0x80000047;
	[dreg:$0x4] =	wrdreg s21  }
0x7: {  	s13 =	sadd.s32 $0x40, s8;
	s18 =	sadd.s32 $0x40, s9;
	[dreg:$0x5] =	wrdreg s22  }
0x8: {  	s1 =	sshll.u32 s0, $0x4;
	[dreg:$0x6] =	wrdreg s23;
	s0 =	ssub.s32 $0x2, s0  }
0x9: {  	s22 =	simm.s32 $0x200;
	s23 =	simm.s32 $0xDE00;
	s21 =	simm.s32 $0xFE00  }
0xa: {  	s1 =	sor.u32 s2, s1;
	s2 =	sand.u32 $0x7, s2;
	s24 =	sshrl.u32 s0, $0x1  }
0xb: {  	p0 =	seq.s32 s1, $0x0;
	p1 =	sne.s32 s2, $0x0;
	s7 =	sshll.u32 s2, $0xF  }
0xc: {  	s0 =	ssub.s32 s0, s24;
	s10 =	sshll.u32 s2, $0x6;
	p0 =	por !p1, !p0  }
0xd: {  	s2 =	smul.u32 $0x3C0, s2;
	s0 =	smax.u32 s0, $0x1;
	p0 =	por !p0, !p0  }
0xe: {  	s1 =	sshrl.u32 s1, $0x3;
	[dreg:$0xc] =	wrdreg s0;
	s3 =	simm.s32 @!p0 $0x0  }
0xf: {  	s24 =	simm.s32 $0x10600;
	[dreg:$0xa] =	wrdreg s2;
	s1 =	ssub.s32 s1, s3  }
0x10: {  	s30 =	sor.u32 $0x3C, s2;
	s0 =	simm.s32 $0x3800;
	s3 =	sshrl.u32 s1, $0x2  }
0x11: {  	s2 =	simm.s32 $0xE600;
	s5 =	sshll.u32 s1, $0x7;
	s3 =	smul.u32 $0xE000, s3  }
0x12: {  	[dreg:$0xd] =	wrdreg s30;
	s25 =	sshll.u32 s1, $0x12;
	s5 =	sand.u32 $0x180, s5  }
0x13: {  	s16 =	smul.u32 $0x300000, s1;
	s1 =	simm.s32 $0x3;
	s3 =	sor.u32 s5, s3  }
0x14: {  	s26 =	sor.u32 s7, s25;
	s17 =	sor.u32 $0x1000, s25;
	s3 =	sshrl.u32 s3, $0x3  }
.Ltmp0:
0x15: {  	s3 =	sadd.s32 s3, s4;
	s4 =	sadd.s32 $0xA00, s4;
	(pc) =	sbr.rel .LBB2_1-.Ltmp0, $4  }
0x16: {  	s28 =	sshrl.u32 s26, $0x3;
	[dreg:$0x7] =	wrdreg s4;
	s3 =	sadd.s32 $0xC00, s3  }
0x17: {  	s25 =	simm.s32 $0x10E00;
	s4 =	sadd.s32 s8, s28;
	[dreg:$0x8] =	wrdreg s3  }
0x18: {  	s7 =	simm.s32 $0x0;
	[dreg:$0x9] =	wrdreg s4;
	s3 =	sadd.s32 s28, s13  }
0x19: {  	s4 =	simm.s32 $0xD600;
	[dreg:$0xb] =	wrdreg s3;
	s3 =	simm.s32 $0xEE00  }
.LBB2_16:
0x1a: {  	s5 =	simm.s32 $0x1  }
0x1b: {  	_ =	swait.ge [sflag:s5], $0x6000  }
0x1c: {  	[sflag:s5] =	ssyncset.done $0x0  }
0x1d: {  	s6 =	simm.s32 $0x2;
	[sflag:s5] =	ssyncadd.s32 $0xFFFFA000  }
0x1e: {  	_ =	swait.ge [sflag:s6], $0x6000  }
0x1f: {  	s7 =	rddreg [dreg:$0xe]  }
0x20: {  	s30 =	rddreg [dreg:$0xc];
	s7 =	sadd.s32 $0x1, s7  }
0x21: {  	p0 =	sne.s32 s7, s30  }
.Ltmp1:
0x22: {  	_ = 	snop;
	(pc) =	sbr.rel @!p0 .LBB2_17-.Ltmp1, $3  }
0x23: {  	_ =	sdelay $0x1  }
0x24: {  	[sflag:s6] =	ssyncset.done $0x0  }
0x25: {  	[sflag:s6] =	ssyncadd.s32 $0xFFFFA000  }
.LBB2_1:
0x26: {  	[dreg:$0xe] =	wrdreg s7;
	s5 =	simm.s32 $0x0  }
0x27: {  	s6 =	rddreg [dreg:$0x8];
	s12 =	simm.s32 $0x80;
	s14 =	simm.s32 $0x5  }
0x28: {  	[tilespmem:s5], [sflag:$0x5] =	stream.strided.gather [hbm4b:s6+s12], $0x3800, s22, s12, $0x38;
	[tilespmem:$0x11E00] =	vst v63  }
0x29: {  	_ =	swait.ge [sflag:s14], $0x3800  }
0x2a: {  	[sflag:s14] =	ssyncset.done $0x0  }
0x2b: {  	s8 =	simm.s32 $0x11600;
	s19 =	rddreg [dreg:$0x4];
	[sflag:s14] =	ssyncadd.s32 $0xFFFFC800  }
0x2c: {  	[tilespmem:s8], [sflag:$0x5] =	stream.linear.gather [hbm4b:s19+s5], $0x200, $0x38;
	[tilespmem:$0x11E00] =	vst v63  }
0x2d: {  	_ =	swait.ge [sflag:s14], $0x200  }
0x2e: {  	[sflag:s14] =	ssyncset.done $0x0  }
0x2f: {  	s26 =	simm.s32 $0x11800;
	s20 =	rddreg [dreg:$0x5];
	[sflag:s14] =	ssyncadd.s32 $0xFFFFFE00  }
0x30: {  	[tilespmem:s26], [sflag:$0x5] =	stream.linear.gather [hbm4b:s20+s5], $0x200, $0x38;
	[tilespmem:$0x11E00] =	vst v63  }
0x31: {  	_ =	swait.ge [sflag:s14], $0x200  }
0x32: {  	[sflag:s14] =	ssyncset.done $0x0  }
0x33: {  	s9 =	simm.s32 $0x11A00;
	s8 =	rddreg [dreg:$0x6];
	[sflag:s14] =	ssyncadd.s32 $0xFFFFFE00  }
0x34: {  	[tilespmem:s9], [sflag:$0x5] =	stream.linear.gather [hbm4b:s8+s5], $0x200, $0x38;
	[tilespmem:$0x11E00] =	vst v63  }
0x35: {  	_ =	swait.ge [sflag:s14], $0x200  }
0x36: {  	[sflag:s14] =	ssyncset.done $0x0  }
0x37: {  	s12 =	simm.s32 $0x11C00;
	s11 =	rddreg [dreg:$0x7];
	[sflag:s14] =	ssyncadd.s32 $0xFFFFFE00  }
0x38: {  	[tilespmem:s12], [sflag:$0x5] =	stream.linear.gather [hbm4b:s11+s5], $0x200, $0x38;
	[tilespmem:$0x11E00] =	vst v63  }
0x39: {  	_ =	swait.ge [sflag:s14], $0x200  }
0x3a: {  	[sflag:s14] =	ssyncset.done $0x0;
	s20 =	rddreg [dreg:$0xb]  }
0x3b: {  	s19 =	simm.s32 $0x4600;
	[sflag:s14] =	ssyncadd.s32 $0xFFFFFE00;
	s14 =	rddreg [dreg:$0x9]  }
0x3c: {  	[tilespmem:s19], [sflag:$0x3] =	stream.strided.gather [hbm4b:s14+s22], $0x800, s29, s22, $0x38;
	[tilespmem:$0x11E00] =	vst v63  }
0x3d: {  	s26 =	simm.s32 $0x4E00;
	s28 =	rddreg [dreg:$0xa]  }
0x3e: {  	[tilespmem:s26], [sflag:$0x4] =	stream.strided.gather [hbm4b:s20+s22], $0x800, s29, s22, $0x38;
	[tilespmem:$0x11E00] =	vst v63  }
0x3f: {  	s30 =	simm.s32 $0x0;
	s26 =	rddreg [dreg:$0xd]  }
.LBB2_2:
0x40: {  	_ =	swait.ge [sflag:s1], $0x800  }
0x41: {  	p0 =	seq.s32 s30, $0x0;
	[sflag:s1] =	ssyncset.done $0x0  }
0x42: {  	s8 =	simm.s32 @!p0 $0x1;
	[sflag:s1] =	ssyncadd.s32 $0xFFFFF800  }
0x43: {  	s6 =	sshll.u32 s30, $0x3;
	s9 =	simm.s32 $0x3870;
	_ =	swait.ge @!p0 [sflag:s8], $0x6000  }
0x44: {  	s11 =	smov.u32 s28;
	s7 =	sor.u32 s10, s6;
	[sflag:s8] =	ssyncset.done @!p0 $0x0  }
0x45: {  	s6 =	sshll.u32 s7, $0x9;
	[sflag:s8] =	ssyncadd.s32 @!p0 $0xFFFFA000;
	s8 =	simm.s32 $0x0  }
.LBB2_3:
0x46: {  	s12 =	smulhi.u32 $0x804021, s11;
	_ =	sdelay $0x1  }
0x47: {  	s19 =	ssub.s32 s11, s12  }
0x48: {  	s19 =	sshrl.u32 s19, $0x1  }
0x49: {  	s12 =	sadd.s32 s12, s19  }
0x4a: {  	s12 =	sshrl.u32 s12, $0x8  }
0x4b: {  	s12 =	smul.u32 $0xE00, s12;
	_ =	sdelay $0x1  }
0x4c: {  	s20 =	sor.u32 s7, s8;
	s12 =	sshra.s32 s12, $0x2  }
0x4d: {  	s19 =	smul.u32 $0xF, s20;
	v2 =	vmov s12;
	_ =	sdelay $0x1  }
0x4e: {  	s20 =	smulhi.u32 $0x804021, s19;
	_ =	sdelay $0x1  }
0x4f: {  	s14 =	ssub.s32 s19, s20;
	s12 =	simm.s32 $0x0  }
0x50: {  	s14 =	sshrl.u32 s14, $0x1;
	v3 =	vld.idx.msk [tilespmem:v2+s12+$0x40 ss:$0x1], $0xffff  }
0x51: {  	s19 =	scvt.s32.f32 s19;
	s14 =	sadd.s32 s20, s14;
	v5 =	vld.idx.msk [tilespmem:v2+s12+$0x30 ss:$0x1], $0xffff  }
0x52: {  	s14 =	sshrl.u32 s14, $0x8;
	v11 =	vld.idx.msk [tilespmem:v2+s12+$0x3B0 ss:$0x1], $0xffff  }
0x53: {  	s19 =	smul.f32 $1.956947150e-03, s19;
	s14 =	scvt.s32.f32 s14;
	v4 =	vld.idx.msk [tilespmem:v2+s12+$0x20 ss:$0x1], $0xffff  }
0x54: {  	v8 =	vld.idx.msk [tilespmem:v2+s12+$0x3A0 ss:$0x1], $0xffff  }
0x55: {  	s14 =	ssub.f32 s19, s14;
	v9 =	vld.idx.msk [tilespmem:v2+s12+$0x390 ss:$0x1], $0xffff  }
0x56: {  	v7 =	vld.idx.msk [tilespmem:v2+s12+$0x10 ss:$0x1], $0xffff  }
0x57: {  	v6 =	vld.idx.msk [tilespmem:v2+s12+$0x0 ss:$0x1], $0xffff;
	v0 =	vmov s14  }
0x58: {  	s19 =	simm.s32 $0x200;
	v10 =	vld.idx.msk [tilespmem:v2+s12+$0x380 ss:$0x1], $0xffff;
	v1 =	vpack.i.f32.bf16 v0, v0;
	v0 =	vmov s9;
	v11 =	vsub.bf16 v11, v5  }
.LBB2_4:
0x59: {  	p1 =	sne.s32 s19, $0xC00;
	v12 =	vld.idx.msk [tilespmem:v2+s12+$0x3C0 ss:$0x1], $0xffff;
	s14 =	smov.u32 s19;
	s19 =	sadd.s32 $0x200, s19  }
0x5a: {  	v13 =	vld.idx.msk [tilespmem:v2+s12+$0x3E0 ss:$0x1], $0xffff;
	v11 =	vmul.bf16 v11, v1  }
0x5b: {  	v14 =	vld.idx.msk [tilespmem:v2+s12+$0x3D0 ss:$0x1], $0xffff  }
0x5c: {  	v9 =	vsub.bf16 v9, v7;
	v15 =	vld.idx.msk [tilespmem:v2+s12+$0x50 ss:$0x1], $0xffff;
	v5 =	vadd.bf16 v11, v5  }
0x5d: {  	v11 =	vld.idx.msk [tilespmem:v2+s12+$0x60 ss:$0x1], $0xffff  }
0x5e: {  	v8 =	vsub.bf16 v8, v4;
	v10 =	vsub.bf16 v10, v6;
	v9 =	vmul.bf16 v9, v1;
	v16 =	vld.idx.msk [tilespmem:v2+s12+$0x70 ss:$0x1], $0xffff  }
0x5f: {  	v12 =	vsub.bf16 v12, v3;
	v17 =	vld.idx.msk [tilespmem:v2+s12+$0x3F0 ss:$0x1], $0xffff  }
0x60: {  	v8 =	vmul.bf16 v8, v1;
	v10 =	vmul.bf16 v10, v1;
	v7 =	vadd.bf16 v9, v7  }
0x61: {  	s14 =	sshra.s32 s14, $0x2;
	v9 =	vmul.bf16 v12, v1  }
0x62: {  	v6 =	vadd.bf16 v10, v6;
	v10 =	vsub.bf16 v14, v15  }
0x63: {  	v3 =	vadd.bf16 v9, v3;
	v9 =	vsub.bf16 v13, v11  }
0x64: {  	v4 =	vadd.bf16 v8, v4;
	[tilespmem:v0+s12+$0xFFFFFF90 ss:$0x1] =	vst.idx.msk $0xffff, v6;
	v6 =	vmul.bf16 v10, v1  }
0x65: {  	v8 =	vsub.bf16 v17, v16;
	[tilespmem:v0+s12+$0xFFFFFFA0 ss:$0x1] =	vst.idx.msk $0xffff, v7;
	v7 =	vmul.bf16 v9, v1  }
0x66: {  	[tilespmem:v0+s12+$0xFFFFFFB0 ss:$0x1] =	vst.idx.msk $0xffff, v4;
	v4 =	vadd.bf16 v6, v15  }
0x67: {  	v6 =	vmul.bf16 v8, v1;
	[tilespmem:v0+s12+$0xFFFFFFC0 ss:$0x1] =	vst.idx.msk $0xffff, v5;
	v5 =	vadd.bf16 v7, v11  }
0x68: {  	[tilespmem:v0+s12+$0xFFFFFFD0 ss:$0x1] =	vst.idx.msk $0xffff, v3  }
0x69: {  	v3 =	vadd.bf16 v6, v16;
	[tilespmem:v0+s12+$0xFFFFFFE0 ss:$0x1] =	vst.idx.msk $0xffff, v4  }
0x6a: {  	[tilespmem:v0+s12+$0xFFFFFFF0 ss:$0x1] =	vst.idx.msk $0xffff, v5  }
0x6b: {  	[tilespmem:v0+s12+$0x0 ss:$0x1] =	vst.idx.msk $0xffff, v3;
	s12 =	smov.u32 s14  }
0x6c: {  	v3 =	vld.idx.msk [tilespmem:v2+s12+$0x40 ss:$0x1], $0xffff  }
0x6d: {  	v5 =	vld.idx.msk [tilespmem:v2+s12+$0x30 ss:$0x1], $0xffff  }
0x6e: {  	v11 =	vld.idx.msk [tilespmem:v2+s12+$0x3B0 ss:$0x1], $0xffff  }
0x6f: {  	v4 =	vld.idx.msk [tilespmem:v2+s12+$0x20 ss:$0x1], $0xffff  }
.Ltmp2:
0x70: {  	v8 =	vld.idx.msk [tilespmem:v2+s12+$0x3A0 ss:$0x1], $0xffff;
	(pc) =	sbr.rel @p1 .LBB2_4-.Ltmp2, $4  }
0x71: {  	v9 =	vld.idx.msk [tilespmem:v2+s12+$0x390 ss:$0x1], $0xffff  }
0x72: {  	v7 =	vld.idx.msk [tilespmem:v2+s12+$0x10 ss:$0x1], $0xffff  }
0x73: {  	v6 =	vld.idx.msk [tilespmem:v2+s12+$0x0 ss:$0x1], $0xffff  }
0x74: {  	v11 =	vsub.bf16 v11, v5;
	v10 =	vld.idx.msk [tilespmem:v2+s12+$0x380 ss:$0x1], $0xffff  }
0x75: {  	_ =	sdelay $0x3  }
0x76: {  	v12 =	vld.idx.msk [tilespmem:v2+s12+$0x3C0 ss:$0x1], $0xffff  }
0x77: {  	v13 =	vld.idx.msk [tilespmem:v2+s12+$0x3E0 ss:$0x1], $0xffff  }
0x78: {  	v14 =	vld.idx.msk [tilespmem:v2+s12+$0x3D0 ss:$0x1], $0xffff  }
0x79: {  	v15 =	vld.idx.msk [tilespmem:v2+s12+$0x50 ss:$0x1], $0xffff;
	v8 =	vsub.bf16 v8, v4  }
0x7a: {  	v16 =	vld.idx.msk [tilespmem:v2+s12+$0x60 ss:$0x1], $0xffff;
	v10 =	vsub.bf16 v10, v6  }
0x7b: {  	v17 =	vld.idx.msk [tilespmem:v2+s12+$0x70 ss:$0x1], $0xffff;
	v11 =	vmul.bf16 v11, v1;
	v9 =	vsub.bf16 v9, v7;
	v8 =	vmul.bf16 v8, v1  }
0x7c: {  	v51 =	vld.idx.msk [tilespmem:v2+s12+$0x3F0 ss:$0x1], $0xffff;
	v10 =	vmul.bf16 v10, v1  }
0x7d: {  	v5 =	vadd.bf16 v11, v5;
	v9 =	vmul.bf16 v9, v1;
	v57 =	vadd.bf16 v8, v4  }
0x7e: {  	v12 =	vsub.bf16 v12, v3;
	v52 =	vadd.bf16 v10, v6  }
0x7f: {  	v55 =	vsub.bf16 v14, v15;
	v53 =	vadd.bf16 v9, v7  }
0x80: {  	v56 =	vsub.bf16 v13, v16;
	v54 =	vmul.bf16 v12, v1;
	[tilespmem:v0+s12+$0xFFFFFF90 ss:$0x1] =	vst.idx.msk $0xffff, v52  }
0x81: {  	s8 =	sadd.s32 $0x1, s8;
	v2 =	vsub.bf16 v51, v17;
	v58 =	vmul.bf16 v55, v1;
	[tilespmem:v0+s12+$0xFFFFFFA0 ss:$0x1] =	vst.idx.msk $0xffff, v53  }
0x82: {  	p1 =	sne.s32 s8, $0x4;
	v60 =	vmul.bf16 v56, v1;
	v59 =	vadd.bf16 v54, v3;
	[tilespmem:v0+s12+$0xFFFFFFB0 ss:$0x1] =	vst.idx.msk $0xffff, v57  }
.Ltmp3:
0x83: {  	v62 =	vmul.bf16 v2, v1;
	v61 =	vadd.bf16 v58, v15;
	[tilespmem:v0+s12+$0xFFFFFFC0 ss:$0x1] =	vst.idx.msk $0xffff, v5;
	(pc) =	sbr.rel @p1 .LBB2_3-.Ltmp3, $4  }
0x84: {  	v63 =	vadd.bf16 v60, v16;
	[tilespmem:v0+s12+$0xFFFFFFD0 ss:$0x1] =	vst.idx.msk $0xffff, v59  }
0x85: {  	v1 =	vadd.bf16 v62, v17;
	[tilespmem:v0+s12+$0xFFFFFFE0 ss:$0x1] =	vst.idx.msk $0xffff, v61  }
0x86: {  	[tilespmem:v0+s12+$0xFFFFFFF0 ss:$0x1] =	vst.idx.msk $0xffff, v63  }
0x87: {  	s9 =	sadd.s32 $0x380, s9;
	s11 =	sadd.s32 $0xF, s11;
	[tilespmem:v0+s12+$0x0 ss:$0x1] =	vst.idx.msk $0xffff, v1  }
0x88: {  	s8 =	simm.s32 $0x0;
	s9 =	simm.s32 $0x0  }
.LBB2_7:
0x89: {  	s11 =	sand.u32 $0x70, s9;
	s12 =	sand.u32 $0x600, s8  }
0x8a: {  	s11 =	sor.u32 s11, s12  }
0x8b: {  	v0 =	vld [tilespmem:s11+$0x4600];
	_ =	sdelay $0x4  }
0x8c: {  	v0 =	vadd.f32 $1.000000000e+00, v0;
	_ =	sdelay $0x1  }
0x8d: {  	v0 =	vmul.f32 $3.500000000e+00, v0;
	_ =	sdelay $0x1  }
0x8e: {  	v0 =	vmax.f32 v0, $0.0e+00  }
0x8f: {  	s14 =	sshra.s32 s8, $0x2;
	v4 =	vmin.f32 v0, $7.000000000e+00  }
0x90: {  	v2 =	vld [tilespmem:s14+$0x11600];
	v0 =	vtrunc.f32 v4  }
0x91: {  	v3 =	vld [tilespmem:s14+$0x11800];
	v5 =	vcvt.f32.s32 v0;
	_ =	sdelay $0x1  }
0x92: {  	v1 =	vmul.u32 $0x7, v5;
	_ =	sdelay $0x1  }
0x93: {  	v7 =	vadd.s32 v2, v1  }
0x94: {  	v0 =	vadd.s32 $0x1, v5;
	v8 =	vadd.s32 v3, v1  }
0x95: {  	v45 =	vld [tilespmem:s11+$0x4680];
	vm0 =	vlt.s32 v0, $0x7;
	v10 =	vadd.s32 $0x1, v7  }
0x96: {  	v0 =	vnsel vm0, $0x7, v0;
	v1 =	vld [tilespmem:s14+$0x11C00];
	v12 =	vadd.s32 $0x1, v8  }
0x97: {  	v6 =	vmul.u32 $0x7, v0;
	v0 =	vld [tilespmem:s14+$0x11A00];
	v17 =	vadd.s32 $0x2, v7  }
0x98: {  	v19 =	vadd.s32 $0x2, v8;
	v11 =	vld.idx.msk [tilespmem:v7+s0+$0x0], $0xffff  }
0x99: {  	v24 =	vadd.s32 $0x3, v7;
	v13 =	vld.idx.msk [tilespmem:v8+s0+$0x0], $0xffff  }
0x9a: {  	v25 =	vadd.s32 $0x3, v8;
	v10 =	vld.idx.msk [tilespmem:v10+s0+$0x0], $0xffff  }
0x9b: {  	v28 =	vadd.s32 $0x4, v7;
	v12 =	vld.idx.msk [tilespmem:v12+s0+$0x0], $0xffff  }
0x9c: {  	v29 =	vadd.s32 $0x4, v8;
	v17 =	vld.idx.msk [tilespmem:v17+s0+$0x0], $0xffff  }
0x9d: {  	v9 =	vadd.s32 v2, v6;
	v19 =	vld.idx.msk [tilespmem:v19+s0+$0x0], $0xffff  }
0x9e: {  	v5 =	vcvt.s32.f32 v5;
	v6 =	vadd.s32 v3, v6;
	v24 =	vld.idx.msk [tilespmem:v24+s0+$0x0], $0xffff  }
0x9f: {  	v14 =	vadd.s32 $0x1, v9;
	v25 =	vld.idx.msk [tilespmem:v25+s0+$0x0], $0xffff  }
0xa0: {  	v4 =	vsub.f32 v4, v5;
	v15 =	vadd.s32 $0x1, v6;
	v49 =	vld.idx.msk [tilespmem:v28+s0+$0x0], $0xffff  }
0xa1: {  	v20 =	vadd.s32 $0x2, v9;
	v52 =	vld.idx.msk [tilespmem:v29+s0+$0x0], $0xffff  }
0xa2: {  	v18 =	vsub.f32 $1.000000000e+00, v4;
	v22 =	vadd.s32 $0x2, v6;
	v42 =	vld.idx.msk [tilespmem:v9+s0+$0x0], $0xffff  }
0xa3: {  	v26 =	vadd.s32 $0x3, v9;
	v27 =	vadd.s32 $0x3, v6;
	v30 =	vadd.s32 $0x4, v9;
	v16 =	vld.idx.msk [tilespmem:v6+s0+$0x0], $0xffff  }
0xa4: {  	v31 =	vadd.s32 $0x4, v6;
	v21 =	vmul.f32 v18, v1;
	v18 =	vmul.f32 v18, v0;
	v14 =	vld.idx.msk [tilespmem:v14+s0+$0x0], $0xffff  }
0xa5: {  	v23 =	vmul.f32 v4, v1;
	v7 =	vadd.s32 $0x5, v7;
	v8 =	vadd.s32 $0x5, v8;
	v15 =	vld.idx.msk [tilespmem:v15+s0+$0x0], $0xffff  }
0xa6: {  	v4 =	vmul.f32 v4, v0;
	v21 =	vpack.i.f32.bf16 v21, v21;
	v18 =	vpack.i.f32.bf16 v18, v18;
	v20 =	vld.idx.msk [tilespmem:v20+s0+$0x0], $0xffff  }
0xa7: {  	v23 =	vpack.i.f32.bf16 v23, v23;
	v22 =	vld.idx.msk [tilespmem:v22+s0+$0x0], $0xffff;
	v11 =	vmul.bf16 v11, v21;
	v13 =	vmul.bf16 v13, v18  }
0xa8: {  	v4 =	vpack.i.f32.bf16 v4, v4;
	v43 =	vld.idx.msk [tilespmem:v26+s0+$0x0], $0xffff;
	v10 =	vmul.bf16 v10, v21;
	v12 =	vmul.bf16 v12, v18  }
0xa9: {  	v9 =	vadd.s32 $0x5, v9;
	v44 =	vld.idx.msk [tilespmem:v27+s0+$0x0], $0xffff;
	v47 =	vmul.bf16 v17, v21;
	v48 =	vmul.bf16 v19, v18  }
0xaa: {  	v6 =	vadd.s32 $0x5, v6;
	v59 =	vld.idx.msk [tilespmem:v31+s0+$0x0], $0xffff;
	v57 =	vmul.bf16 v24, v21;
	v58 =	vmul.bf16 v25, v18  }
0xab: {  	v7 =	vld.idx.msk [tilespmem:v7+s0+$0x0], $0xffff;
	v63 =	vmul.bf16 v49, v21;
	v27 =	vmul.bf16 v52, v18;
	v11 =	vadd.bf16 v13, v11  }
0xac: {  	v8 =	vld.idx.msk [tilespmem:v8+s0+$0x0], $0xffff;
	v5 =	vmul.bf16 v42, v23;
	v16 =	vmul.bf16 v16, v4;
	v10 =	vadd.bf16 v12, v10  }
0xad: {  	v54 =	vadd.bf16 v48, v47;
	v14 =	vmul.bf16 v14, v23;
	v15 =	vmul.bf16 v15, v4  }
0xae: {  	v55 =	vld.idx.msk [tilespmem:v30+s0+$0x0], $0xffff;
	v50 =	vmul.bf16 v20, v23;
	v51 =	vmul.bf16 v22, v4;
	v5 =	vadd.bf16 v16, v5  }
0xaf: {  	v61 =	vadd.bf16 v58, v57;
	v13 =	vmul.bf16 v43, v23;
	v29 =	vmul.bf16 v59, v4  }
0xb0: {  	v9 =	vld.idx.msk [tilespmem:v9+s0+$0x0], $0xffff;
	v16 =	vmul.bf16 v44, v4;
	v5 =	vadd.bf16 v5, v11;
	v11 =	vadd.f32 $1.000000000e+00, v45  }
0xb1: {  	v7 =	vmul.bf16 v7, v21;
	v8 =	vmul.bf16 v8, v18;
	v46 =	vadd.bf16 v15, v14  }
0xb2: {  	v6 =	vld.idx.msk [tilespmem:v6+s0+$0x0], $0xffff;
	v56 =	vadd.bf16 v51, v50;
	v15 =	vadd.bf16 v27, v63;
	v11 =	vmul.f32 $3.500000000e+00, v11  }
0xb3: {  	v14 =	vmul.bf16 v55, v23;
	v13 =	vadd.bf16 v16, v13;
	v10 =	vadd.bf16 v46, v10  }
0xb4: {  	v53 =	vunpack.i.u.bf16.f32 v5;
	v5 =	vunpack.i.l.bf16.f32 v5;
	v11 =	vmax.f32 v11, $0.0e+00  }
0xb5: {  	v12 =	vadd.bf16 v56, v54;
	v9 =	vmul.bf16 v9, v23;
	[tilespmem:s11+$0x5600] =	vst v5;
	v11 =	vmin.f32 v11, $7.000000000e+00  }
0xb6: {  	v60 =	vunpack.i.u.bf16.f32 v10;
	v10 =	vunpack.i.l.bf16.f32 v10;
	[tilespmem:s11+$0x5E00] =	vst v53;
	v30 =	vtrunc.f32 v11  }
0xb7: {  	v32 =	vadd.bf16 v29, v14;
	v4 =	vmul.bf16 v6, v4;
	[tilespmem:s11+$0x6600] =	vst v10;
	v31 =	vcvt.f32.s32 v30  }
0xb8: {  	v13 =	vadd.bf16 v13, v61;
	v62 =	vunpack.i.u.bf16.f32 v12;
	v12 =	vunpack.i.l.bf16.f32 v12;
	[tilespmem:s11+$0x6E00] =	vst v60  }
0xb9: {  	v7 =	vadd.bf16 v8, v7;
	v4 =	vadd.bf16 v4, v9;
	[tilespmem:s11+$0x7600] =	vst v12;
	v34 =	vmul.u32 $0x7, v31  }
0xba: {  	v28 =	vunpack.i.u.bf16.f32 v13;
	v13 =	vunpack.i.l.bf16.f32 v13;
	v10 =	vadd.bf16 v32, v15;
	[tilespmem:s11+$0x7E00] =	vst v62  }
0xbb: {  	[tilespmem:s11+$0x8600] =	vst v13;
	v4 =	vadd.bf16 v4, v7;
	v36 =	vadd.s32 v2, v34  }
0xbc: {  	[tilespmem:s11+$0x8E00] =	vst v28;
	v35 =	vunpack.i.l.bf16.f32 v10;
	v37 =	vadd.s32 v3, v34;
	v38 =	vadd.s32 $0x380, v36  }
0xbd: {  	v10 =	vunpack.i.u.bf16.f32 v10;
	[tilespmem:s11+$0x9600] =	vst v35;
	v12 =	vadd.s32 $0x380, v37  }
0xbe: {  	[tilespmem:s11+$0x9E00] =	vst v10;
	v40 =	vunpack.i.l.bf16.f32 v4;
	v33 =	vadd.s32 $0x1, v31;
	v43 =	vadd.s32 $0x381, v36  }
0xbf: {  	v4 =	vunpack.i.u.bf16.f32 v4;
	[tilespmem:s11+$0xA600] =	vst v40;
	vm13 =	vlt.s32 v33, $0x7;
	v45 =	vadd.s32 $0x381, v37  }
0xc0: {  	[tilespmem:s11+$0xAE00] =	vst v4;
	v6 =	vnsel vm13, $0x7, v33;
	v33 =	vld [tilespmem:s11+$0x4700];
	v48 =	vadd.s32 $0x382, v36  }
0xc1: {  	v50 =	vadd.s32 $0x382, v37;
	v7 =	vld.idx.msk [tilespmem:v38+s0+$0x0], $0xffff  }
0xc2: {  	v55 =	vadd.s32 $0x383, v36;
	v12 =	vld.idx.msk [tilespmem:v12+s0+$0x0], $0xffff  }
0xc3: {  	v56 =	vadd.s32 $0x383, v37;
	v4 =	vld.idx.msk [tilespmem:v43+s0+$0x0], $0xffff  }
0xc4: {  	v59 =	vadd.s32 $0x384, v36;
	v15 =	vld.idx.msk [tilespmem:v45+s0+$0x0], $0xffff  }
0xc5: {  	v6 =	vmul.u32 $0x7, v6;
	v60 =	vadd.s32 $0x384, v37;
	v17 =	vld.idx.msk [tilespmem:v48+s0+$0x0], $0xffff  }
0xc6: {  	v44 =	vcvt.s32.f32 v31;
	v9 =	vadd.s32 $0x385, v36;
	v19 =	vld.idx.msk [tilespmem:v50+s0+$0x0], $0xffff  }
0xc7: {  	v5 =	vadd.s32 $0x385, v37;
	v39 =	vadd.s32 v2, v6;
	v24 =	vld.idx.msk [tilespmem:v55+s0+$0x0], $0xffff  }
0xc8: {  	v11 =	vsub.f32 v11, v44;
	v6 =	vadd.s32 v3, v6;
	v41 =	vadd.s32 $0x380, v39;
	v25 =	vld.idx.msk [tilespmem:v56+s0+$0x0], $0xffff  }
0xc9: {  	v42 =	vadd.s32 $0x380, v6;
	v37 =	vld.idx.msk [tilespmem:v59+s0+$0x0], $0xffff  }
0xca: {  	v49 =	vsub.f32 $1.000000000e+00, v11;
	v46 =	vadd.s32 $0x381, v39;
	v40 =	vld.idx.msk [tilespmem:v60+s0+$0x0], $0xffff  }
0xcb: {  	v47 =	vadd.s32 $0x381, v6;
	v9 =	vld.idx.msk [tilespmem:v9+s0+$0x0], $0xffff  }
0xcc: {  	v54 =	vmul.f32 v11, v1;
	v51 =	vadd.s32 $0x382, v39;
	v52 =	vmul.f32 v49, v1;
	v5 =	vld.idx.msk [tilespmem:v5+s0+$0x0], $0xffff  }
0xcd: {  	v11 =	vmul.f32 v11, v0;
	v53 =	vadd.s32 $0x382, v6;
	v18 =	vmul.f32 v49, v0;
	v13 =	vld.idx.msk [tilespmem:v41+s0+$0x0], $0xffff  }
0xce: {  	v23 =	vpack.i.f32.bf16 v54, v54;
	v57 =	vadd.s32 $0x383, v39;
	v21 =	vpack.i.f32.bf16 v52, v52;
	v10 =	vld.idx.msk [tilespmem:v42+s0+$0x0], $0xffff  }
0xcf: {  	v58 =	vadd.s32 $0x383, v6;
	v18 =	vpack.i.f32.bf16 v18, v18;
	v16 =	vld.idx.msk [tilespmem:v46+s0+$0x0], $0xffff;
	v7 =	vmul.bf16 v7, v21  }
0xd0: {  	v62 =	vadd.s32 $0x384, v6;
	v14 =	vld.idx.msk [tilespmem:v47+s0+$0x0], $0xffff;
	v12 =	vmul.bf16 v12, v18;
	v4 =	vmul.bf16 v4, v21  }
0xd1: {  	v8 =	vadd.s32 $0x385, v39;
	v20 =	vld.idx.msk [tilespmem:v51+s0+$0x0], $0xffff;
	v26 =	vmul.bf16 v15, v18;
	v35 =	vmul.bf16 v17, v21  }
0xd2: {  	v6 =	vadd.s32 $0x385, v6;
	v22 =	vld.idx.msk [tilespmem:v53+s0+$0x0], $0xffff;
	v36 =	vmul.bf16 v19, v18;
	v45 =	vmul.bf16 v24, v21  }
0xd3: {  	v11 =	vpack.i.f32.bf16 v11, v11;
	v63 =	vld.idx.msk [tilespmem:v57+s0+$0x0], $0xffff;
	v46 =	vmul.bf16 v25, v18;
	v51 =	vmul.bf16 v37, v21  }
0xd4: {  	v61 =	vadd.s32 $0x384, v39;
	v32 =	vld.idx.msk [tilespmem:v58+s0+$0x0], $0xffff;
	v52 =	vmul.bf16 v40, v18;
	v9 =	vmul.bf16 v9, v21  }
0xd5: {  	v47 =	vld.idx.msk [tilespmem:v62+s0+$0x0], $0xffff;
	v7 =	vadd.bf16 v12, v7;
	v13 =	vmul.bf16 v13, v23;
	v10 =	vmul.bf16 v10, v11  }
0xd6: {  	v8 =	vld.idx.msk [tilespmem:v8+s0+$0x0], $0xffff;
	v5 =	vmul.bf16 v5, v18;
	v4 =	vadd.bf16 v26, v4;
	v42 =	vadd.bf16 v36, v35  }
0xd7: {  	v6 =	vld.idx.msk [tilespmem:v6+s0+$0x0], $0xffff;
	v16 =	vmul.bf16 v16, v23;
	v14 =	vmul.bf16 v14, v11;
	v10 =	vadd.bf16 v10, v13  }
0xd8: {  	v49 =	vadd.bf16 v46, v45;
	v38 =	vmul.bf16 v20, v23;
	v39 =	vmul.bf16 v22, v11  }
0xd9: {  	v12 =	vmul.bf16 v63, v23;
	v7 =	vadd.bf16 v10, v7;
	v10 =	vadd.f32 $1.000000000e+00, v33  }
0xda: {  	v15 =	vmul.bf16 v32, v11;
	v54 =	vmul.bf16 v47, v11;
	v34 =	vadd.bf16 v14, v16  }
0xdb: {  	v43 =	vld.idx.msk [tilespmem:v61+s0+$0x0], $0xffff;
	v5 =	vadd.bf16 v5, v9;
	v8 =	vmul.bf16 v8, v23;
	v10 =	vmul.f32 $3.500000000e+00, v10  }
0xdc: {  	v6 =	vmul.bf16 v6, v11;
	v44 =	vadd.bf16 v39, v38;
	v4 =	vadd.bf16 v34, v4  }
0xdd: {  	v41 =	vunpack.i.u.bf16.f32 v7;
	v7 =	vunpack.i.l.bf16.f32 v7;
	v10 =	vmax.f32 v10, $0.0e+00  }
0xde: {  	v12 =	vadd.bf16 v15, v12;
	v13 =	vadd.bf16 v44, v42;
	[tilespmem:s11+$0x5680] =	vst v7;
	v10 =	vmin.f32 v10, $7.000000000e+00  }
0xdf: {  	v48 =	vunpack.i.u.bf16.f32 v4;
	v4 =	vunpack.i.l.bf16.f32 v4;
	[tilespmem:s11+$0x5E80] =	vst v41;
	v55 =	vtrunc.f32 v10  }
0xe0: {  	v14 =	vmul.bf16 v43, v23;
	v6 =	vadd.bf16 v6, v8;
	[tilespmem:s11+$0x6680] =	vst v4;
	v56 =	vcvt.f32.s32 v55  }
0xe1: {  	v12 =	vadd.bf16 v12, v49;
	v50 =	vunpack.i.u.bf16.f32 v13;
	v13 =	vunpack.i.l.bf16.f32 v13;
	[tilespmem:s11+$0x6E80] =	vst v48  }
0xe2: {  	v16 =	vadd.bf16 v52, v51;
	v5 =	vadd.bf16 v6, v5;
	[tilespmem:s11+$0x7680] =	vst v13;
	v59 =	vmul.u32 $0x7, v56  }
0xe3: {  	v57 =	vadd.bf16 v54, v14;
	v53 =	vunpack.i.u.bf16.f32 v12;
	v12 =	vunpack.i.l.bf16.f32 v12;
	[tilespmem:s11+$0x7E80] =	vst v50  }
0xe4: {  	v35 =	vunpack.i.l.bf16.f32 v5;
	[tilespmem:s11+$0x8680] =	vst v12;
	v62 =	vadd.s32 v2, v59  }
0xe5: {  	v4 =	vadd.bf16 v57, v16;
	[tilespmem:s11+$0x8E80] =	vst v53;
	v63 =	vadd.s32 v3, v59;
	v32 =	vadd.s32 $0x700, v62  }
0xe6: {  	v5 =	vunpack.i.u.bf16.f32 v5;
	[tilespmem:s11+$0xA680] =	vst v35;
	v34 =	vadd.s32 $0x700, v63  }
0xe7: {  	[tilespmem:s11+$0xAE80] =	vst v5;
	v61 =	vunpack.i.l.bf16.f32 v4;
	v38 =	vadd.s32 $0x701, v62  }
0xe8: {  	v4 =	vunpack.i.u.bf16.f32 v4;
	[tilespmem:s11+$0x9680] =	vst v61;
	v39 =	vadd.s32 $0x701, v63  }
0xe9: {  	[tilespmem:s11+$0x9E80] =	vst v4;
	v43 =	vadd.s32 $0x702, v62  }
0xea: {  	v44 =	vadd.s32 $0x702, v63;
	v7 =	vld.idx.msk [tilespmem:v32+s0+$0x0], $0xffff  }
0xeb: {  	v58 =	vadd.s32 $0x1, v56;
	v48 =	vadd.s32 $0x703, v62;
	v12 =	vld.idx.msk [tilespmem:v34+s0+$0x0], $0xffff  }
0xec: {  	vm14 =	vlt.s32 v58, $0x7;
	v50 =	vadd.s32 $0x703, v63;
	v5 =	vld.idx.msk [tilespmem:v38+s0+$0x0], $0xffff  }
0xed: {  	v60 =	vnsel vm14, $0x7, v58;
	v54 =	vadd.s32 $0x704, v62;
	v14 =	vld.idx.msk [tilespmem:v39+s0+$0x0], $0xffff  }
0xee: {  	v41 =	vcvt.s32.f32 v56;
	v8 =	vmul.u32 $0x7, v60;
	v55 =	vadd.s32 $0x704, v63;
	v18 =	vld.idx.msk [tilespmem:v43+s0+$0x0], $0xffff  }
0xef: {  	v11 =	vadd.s32 $0x705, v62;
	v16 =	vld.idx.msk [tilespmem:v44+s0+$0x0], $0xffff  }
0xf0: {  	v10 =	vsub.f32 v10, v41;
	v6 =	vadd.s32 $0x705, v63;
	v33 =	vadd.s32 v2, v8;
	v22 =	vld.idx.msk [tilespmem:v48+s0+$0x0], $0xffff  }
0xf1: {  	v8 =	vadd.s32 v3, v8;
	v36 =	vadd.s32 $0x700, v33;
	v24 =	vld.idx.msk [tilespmem:v50+s0+$0x0], $0xffff  }
0xf2: {  	v46 =	vsub.f32 $1.000000000e+00, v10;
	v37 =	vadd.s32 $0x700, v8;
	v28 =	vld.idx.msk [tilespmem:v54+s0+$0x0], $0xffff  }
0xf3: {  	v51 =	vmul.f32 v10, v1;
	v40 =	vadd.s32 $0x701, v33;
	v58 =	vld.idx.msk [tilespmem:v55+s0+$0x0], $0xffff  }
0xf4: {  	v10 =	vmul.f32 v10, v0;
	v42 =	vadd.s32 $0x701, v8;
	v49 =	vmul.f32 v46, v1;
	v11 =	vld.idx.msk [tilespmem:v11+s0+$0x0], $0xffff  }
0xf5: {  	v45 =	vadd.s32 $0x702, v33;
	v47 =	vadd.s32 $0x702, v8;
	v20 =	vmul.f32 v46, v0;
	v6 =	vld.idx.msk [tilespmem:v6+s0+$0x0], $0xffff  }
0xf6: {  	v53 =	vadd.s32 $0x703, v8;
	v57 =	vadd.s32 $0x704, v8;
	v23 =	vpack.i.f32.bf16 v49, v49;
	v13 =	vld.idx.msk [tilespmem:v36+s0+$0x0], $0xffff  }
0xf7: {  	v9 =	vadd.s32 $0x705, v33;
	v20 =	vpack.i.f32.bf16 v20, v20;
	v4 =	vld.idx.msk [tilespmem:v37+s0+$0x0], $0xffff;
	v7 =	vmul.bf16 v7, v23  }
0xf8: {  	v8 =	vadd.s32 $0x705, v8;
	v15 =	vld.idx.msk [tilespmem:v40+s0+$0x0], $0xffff;
	v12 =	vmul.bf16 v12, v20;
	v5 =	vmul.bf16 v5, v23  }
0xf9: {  	v52 =	vadd.s32 $0x703, v33;
	v17 =	vld.idx.msk [tilespmem:v42+s0+$0x0], $0xffff;
	v14 =	vmul.bf16 v14, v20;
	v62 =	vmul.bf16 v18, v23  }
0xfa: {  	v25 =	vpack.i.f32.bf16 v51, v51;
	v19 =	vld.idx.msk [tilespmem:v45+s0+$0x0], $0xffff;
	v63 =	vmul.bf16 v16, v20;
	v34 =	vmul.bf16 v22, v23  }
0xfb: {  	v10 =	vpack.i.f32.bf16 v10, v10;
	v21 =	vld.idx.msk [tilespmem:v47+s0+$0x0], $0xffff;
	v35 =	vmul.bf16 v24, v20;
	v38 =	vmul.bf16 v28, v23  }
0xfc: {  	v56 =	vadd.s32 $0x704, v33;
	v9 =	vld.idx.msk [tilespmem:v9+s0+$0x0], $0xffff;
	v43 =	vmul.bf16 v11, v23;
	v6 =	vmul.bf16 v6, v20  }
0xfd: {  	v8 =	vld.idx.msk [tilespmem:v8+s0+$0x0], $0xffff;
	v13 =	vmul.bf16 v13, v25;
	v4 =	vmul.bf16 v4, v10  }
0xfe: {  	v26 =	vld.idx.msk [tilespmem:v52+s0+$0x0], $0xffff;
	v7 =	vadd.bf16 v12, v7;
	v5 =	vadd.bf16 v14, v5;
	v12 =	vmul.bf16 v58, v20  }
0xff: {  	v27 =	vld.idx.msk [tilespmem:v53+s0+$0x0], $0xffff;
	v15 =	vmul.bf16 v15, v25;
	v17 =	vmul.bf16 v17, v10;
	v4 =	vadd.bf16 v4, v13  }
0x100: {  	v6 =	vadd.bf16 v6, v43;
	v30 =	vmul.bf16 v19, v25;
	v31 =	vmul.bf16 v21, v10  }
0x101: {  	v60 =	vld.idx.msk [tilespmem:v56+s0+$0x0], $0xffff;
	v9 =	vmul.bf16 v9, v25;
	v59 =	vadd.bf16 v17, v15;
	v4 =	vadd.bf16 v4, v7  }
0x102: {  	v61 =	vld.idx.msk [tilespmem:v57+s0+$0x0], $0xffff;
	v8 =	vmul.bf16 v8, v10;
	v13 =	vadd.bf16 v63, v62;
	v33 =	vadd.bf16 v31, v30  }
0x103: {  	v5 =	vadd.bf16 v59, v5;
	v29 =	vunpack.i.u.bf16.f32 v4;
	v4 =	vunpack.i.l.bf16.f32 v4  }
0x104: {  	v36 =	vmul.bf16 v26, v25;
	v37 =	vmul.bf16 v27, v10;
	v46 =	vadd.bf16 v8, v9;
	[tilespmem:s11+$0x5700] =	vst v4  }
0x105: {  	v13 =	vadd.bf16 v33, v13;
	v32 =	vunpack.i.u.bf16.f32 v5;
	v5 =	vunpack.i.l.bf16.f32 v5;
	[tilespmem:s11+$0x5F00] =	vst v29  }
0x106: {  	v39 =	vadd.bf16 v35, v34;
	v14 =	vmul.bf16 v60, v25;
	v41 =	vadd.bf16 v37, v36;
	[tilespmem:s11+$0x6700] =	vst v5  }
0x107: {  	v7 =	vmul.bf16 v61, v10;
	v6 =	vadd.bf16 v46, v6;
	v40 =	vunpack.i.l.bf16.f32 v13;
	[tilespmem:s11+$0x6F00] =	vst v32  }
0x108: {  	v12 =	vadd.bf16 v12, v38;
	v44 =	vunpack.i.u.bf16.f32 v13;
	[tilespmem:s11+$0x7700] =	vst v40  }
0x109: {  	v42 =	vadd.bf16 v7, v14;
	v48 =	vunpack.i.l.bf16.f32 v6;
	v4 =	vadd.bf16 v41, v39;
	[tilespmem:s11+$0x7F00] =	vst v44  }
0x10a: {  	v49 =	vunpack.i.u.bf16.f32 v6;
	[tilespmem:s11+$0xA700] =	vst v48  }
0x10b: {  	[tilespmem:s11+$0xAF00] =	vst v49;
	v5 =	vadd.bf16 v42, v12;
	v45 =	vunpack.i.l.bf16.f32 v4  }
0x10c: {  	v4 =	vunpack.i.u.bf16.f32 v4;
	[tilespmem:s11+$0x8700] =	vst v45  }
0x10d: {  	[tilespmem:s11+$0x8F00] =	vst v4;
	v47 =	vunpack.i.l.bf16.f32 v5  }
0x10e: {  	s12 =	sor.u32 s12, s9;
	v5 =	vunpack.i.u.bf16.f32 v5;
	[tilespmem:s11+$0x9700] =	vst v47  }
0x10f: {  	s12 =	sor.u32 $0x180, s12;
	[tilespmem:s11+$0x9F00] =	vst v5  }
0x110: {  	v4 =	vld [tilespmem:s12+$0x4600];
	_ =	sdelay $0x4  }
0x111: {  	v4 =	vadd.f32 $1.000000000e+00, v4;
	_ =	sdelay $0x1  }
0x112: {  	v4 =	vmul.f32 $3.500000000e+00, v4;
	_ =	sdelay $0x1  }
0x113: {  	v4 =	vmax.f32 v4, $0.0e+00  }
0x114: {  	v4 =	vmin.f32 v4, $7.000000000e+00  }
0x115: {  	v50 =	vtrunc.f32 v4  }
0x116: {  	v5 =	vcvt.f32.s32 v50;
	_ =	sdelay $0x1  }
0x117: {  	v52 =	vmul.u32 $0x7, v5;
	_ =	sdelay $0x1  }
0x118: {  	v53 =	vadd.s32 v2, v52  }
0x119: {  	v7 =	vadd.s32 v3, v52;
	v54 =	vadd.s32 $0xA80, v53  }
0x11a: {  	v55 =	vadd.s32 $0xA80, v7  }
0x11b: {  	v58 =	vadd.s32 $0xA81, v53  }
0x11c: {  	v59 =	vadd.s32 $0xA81, v7  }
0x11d: {  	v62 =	vadd.s32 $0xA82, v53  }
0x11e: {  	v25 =	vadd.s32 $0xA82, v7;
	v9 =	vld.idx.msk [tilespmem:v54+s0+$0x0], $0xffff  }
0x11f: {  	v51 =	vadd.s32 $0x1, v5;
	v29 =	vadd.s32 $0xA83, v53;
	v10 =	vld.idx.msk [tilespmem:v55+s0+$0x0], $0xffff  }
0x120: {  	vm15 =	vlt.s32 v51, $0x7;
	v31 =	vadd.s32 $0xA83, v7;
	v63 =	vld.idx.msk [tilespmem:v58+s0+$0x0], $0xffff  }
0x121: {  	v6 =	vnsel vm15, $0x7, v51;
	v35 =	vadd.s32 $0xA84, v53;
	v13 =	vld.idx.msk [tilespmem:v59+s0+$0x0], $0xffff  }
0x122: {  	v5 =	vcvt.s32.f32 v5;
	v6 =	vmul.u32 $0x7, v6;
	v36 =	vadd.s32 $0xA84, v7;
	v16 =	vld.idx.msk [tilespmem:v62+s0+$0x0], $0xffff  }
0x123: {  	v8 =	vadd.s32 $0xA85, v53;
	v32 =	vld.idx.msk [tilespmem:v25+s0+$0x0], $0xffff  }
0x124: {  	v4 =	vsub.f32 v4, v5;
	v7 =	vadd.s32 $0xA85, v7;
	v2 =	vadd.s32 v2, v6;
	v20 =	vld.idx.msk [tilespmem:v29+s0+$0x0], $0xffff  }
0x125: {  	v3 =	vadd.s32 v3, v6;
	v56 =	vadd.s32 $0xA80, v2;
	v22 =	vld.idx.msk [tilespmem:v31+s0+$0x0], $0xffff  }
0x126: {  	v27 =	vsub.f32 $1.000000000e+00, v4;
	v57 =	vadd.s32 $0xA80, v3;
	v24 =	vld.idx.msk [tilespmem:v35+s0+$0x0], $0xffff  }
0x127: {  	v60 =	vadd.s32 $0xA81, v2;
	v39 =	vld.idx.msk [tilespmem:v36+s0+$0x0], $0xffff  }
0x128: {  	v61 =	vadd.s32 $0xA81, v3;
	v26 =	vadd.s32 $0xA82, v2;
	v30 =	vmul.f32 v27, v1;
	v8 =	vld.idx.msk [tilespmem:v8+s0+$0x0], $0xffff  }
0x129: {  	v28 =	vadd.s32 $0xA82, v3;
	v18 =	vmul.f32 v27, v0;
	v1 =	vmul.f32 v4, v1;
	v7 =	vld.idx.msk [tilespmem:v7+s0+$0x0], $0xffff  }
0x12a: {  	v0 =	vmul.f32 v4, v0;
	v33 =	vadd.s32 $0xA83, v2;
	v34 =	vadd.s32 $0xA83, v3;
	v6 =	vld.idx.msk [tilespmem:v56+s0+$0x0], $0xffff  }
0x12b: {  	v37 =	vadd.s32 $0xA84, v2;
	v21 =	vpack.i.f32.bf16 v30, v30;
	v18 =	vpack.i.f32.bf16 v18, v18;
	v11 =	vld.idx.msk [tilespmem:v57+s0+$0x0], $0xffff  }
0x12c: {  	v38 =	vadd.s32 $0xA84, v3;
	v14 =	vld.idx.msk [tilespmem:v60+s0+$0x0], $0xffff;
	v9 =	vmul.bf16 v9, v21;
	v10 =	vmul.bf16 v10, v18  }
0x12d: {  	v2 =	vadd.s32 $0xA85, v2;
	v15 =	vld.idx.msk [tilespmem:v61+s0+$0x0], $0xffff;
	v5 =	vmul.bf16 v63, v21;
	v13 =	vmul.bf16 v13, v18  }
0x12e: {  	v3 =	vadd.s32 $0xA85, v3;
	v17 =	vld.idx.msk [tilespmem:v26+s0+$0x0], $0xffff;
	v43 =	vmul.bf16 v16, v21;
	v4 =	vmul.bf16 v32, v18  }
0x12f: {  	v1 =	vpack.i.f32.bf16 v1, v1;
	v19 =	vld.idx.msk [tilespmem:v28+s0+$0x0], $0xffff;
	v49 =	vmul.bf16 v20, v21;
	v50 =	vmul.bf16 v22, v18  }
0x130: {  	v0 =	vpack.i.f32.bf16 v0, v0;
	v12 =	vld.idx.msk [tilespmem:v33+s0+$0x0], $0xffff;
	v52 =	vmul.bf16 v24, v21;
	v8 =	vmul.bf16 v8, v21  }
0x131: {  	v23 =	vld.idx.msk [tilespmem:v34+s0+$0x0], $0xffff;
	v9 =	vadd.bf16 v10, v9;
	v6 =	vmul.bf16 v6, v1;
	v11 =	vmul.bf16 v11, v0  }
0x132: {  	v41 =	vld.idx.msk [tilespmem:v37+s0+$0x0], $0xffff;
	v7 =	vmul.bf16 v7, v18;
	v5 =	vadd.bf16 v13, v5;
	v4 =	vadd.bf16 v4, v43  }
0x133: {  	v42 =	vld.idx.msk [tilespmem:v38+s0+$0x0], $0xffff;
	v14 =	vmul.bf16 v14, v1;
	v15 =	vmul.bf16 v15, v0;
	v6 =	vadd.bf16 v11, v6  }
0x134: {  	v2 =	vld.idx.msk [tilespmem:v2+s0+$0x0], $0xffff;
	v53 =	vadd.bf16 v50, v49;
	v45 =	vmul.bf16 v17, v1;
	v46 =	vmul.bf16 v19, v0  }
0x135: {  	v3 =	vld.idx.msk [tilespmem:v3+s0+$0x0], $0xffff;
	v10 =	vmul.bf16 v39, v18;
	v40 =	vadd.bf16 v15, v14;
	v6 =	vadd.bf16 v6, v9  }
0x136: {  	v12 =	vmul.bf16 v12, v1;
	v51 =	vmul.bf16 v23, v0;
	v48 =	vadd.bf16 v46, v45  }
0x137: {  	v5 =	vadd.bf16 v40, v5;
	v44 =	vunpack.i.u.bf16.f32 v6;
	v6 =	vunpack.i.l.bf16.f32 v6  }
0x138: {  	v13 =	vmul.bf16 v41, v1;
	v12 =	vadd.bf16 v51, v12;
	v4 =	vadd.bf16 v48, v4;
	[tilespmem:s12+$0x5600] =	vst v6  }
0x139: {  	v9 =	vmul.bf16 v42, v0;
	v47 =	vunpack.i.u.bf16.f32 v5;
	v5 =	vunpack.i.l.bf16.f32 v5;
	[tilespmem:s11+$0x5F80] =	vst v44  }
0x13a: {  	v1 =	vmul.bf16 v2, v1;
	v10 =	vadd.bf16 v10, v52;
	v0 =	vmul.bf16 v3, v0;
	[tilespmem:s11+$0x6780] =	vst v5  }
0x13b: {  	v54 =	vunpack.i.l.bf16.f32 v4;
	v55 =	vadd.bf16 v9, v13;
	v6 =	vadd.bf16 v12, v53;
	[tilespmem:s11+$0x6F80] =	vst v47  }
0x13c: {  	v59 =	vadd.bf16 v7, v8;
	v56 =	vunpack.i.u.bf16.f32 v4;
	[tilespmem:s11+$0x7780] =	vst v54  }
0x13d: {  	v0 =	vadd.bf16 v0, v1;
	v57 =	vadd.bf16 v55, v10;
	[tilespmem:s11+$0x7F80] =	vst v56;
	v58 =	vunpack.i.l.bf16.f32 v6  }
0x13e: {  	p1 =	sne.s32 s9, $0x1F0;
	v60 =	vunpack.i.u.bf16.f32 v6;
	[tilespmem:s11+$0x8780] =	vst v58  }
.Ltmp4:
0x13f: {  	v0 =	vadd.bf16 v0, v59;
	[tilespmem:s11+$0x8F80] =	vst v60;
	v61 =	vunpack.i.l.bf16.f32 v57;
	(pc) =	sbr.rel @p1 .LBB2_7-.Ltmp4, $4  }
0x140: {  	v62 =	vunpack.i.u.bf16.f32 v57;
	[tilespmem:s11+$0x9780] =	vst v61  }
0x141: {  	v63 =	vunpack.i.l.bf16.f32 v0;
	[tilespmem:s11+$0x9F80] =	vst v62  }
0x142: {  	v0 =	vunpack.i.u.bf16.f32 v0;
	[tilespmem:s11+$0xA780] =	vst v63  }
0x143: {  	s8 =	sadd.s32 $0x40, s8;
	s9 =	sadd.s32 $0x10, s9;
	[tilespmem:s11+$0xAF80] =	vst v0  }
0x144: {  	s8 =	sor.u32 s16, s6  }
0x145: {  	s5 =	rddreg [dreg:$0x2];
	s8 =	sshrl.u32 s8, $0x3  }
0x146: {  	s12 =	simm.s32 $0x5600;
	s9 =	sadd.s32 s5, s8  }
0x147: {  	[hbm4b:s9+s22] =	stream.strided.scatter [tilespmem:s12], [sflag:$0x1], $0x800, s29, s22, $0x38;
	[tilespmem:$0x11E00] =	vst v63  }
0x148: {  	s14 =	simm.s32 $0x5E00;
	s11 =	sadd.s32 $0x8000, s9  }
0x149: {  	[hbm4b:s11+s22] =	stream.strided.scatter [tilespmem:s14], [sflag:$0x1], $0x800, s29, s22, $0x38;
	[tilespmem:$0x11E00] =	vst v63  }
0x14a: {  	s20 =	simm.s32 $0x6600;
	s19 =	sadd.s32 $0x10000, s9  }
0x14b: {  	[hbm4b:s19+s22] =	stream.strided.scatter [tilespmem:s20], [sflag:$0x1], $0x800, s29, s22, $0x38;
	[tilespmem:$0x11E00] =	vst v63  }
0x14c: {  	s12 =	sadd.s32 $0x18000, s9;
	s14 =	simm.s32 $0x6E00  }
0x14d: {  	[hbm4b:s12+s22] =	stream.strided.scatter [tilespmem:s14], [sflag:$0x1], $0x800, s29, s22, $0x38;
	[tilespmem:$0x11E00] =	vst v63  }
0x14e: {  	s19 =	sadd.s32 $0x20000, s9;
	s20 =	simm.s32 $0x7600  }
0x14f: {  	[hbm4b:s19+s22] =	stream.strided.scatter [tilespmem:s20], [sflag:$0x1], $0x800, s29, s22, $0x38;
	[tilespmem:$0x11E00] =	vst v63  }
0x150: {  	s12 =	sadd.s32 $0x28000, s9;
	s14 =	simm.s32 $0x7E00  }
0x151: {  	[hbm4b:s12+s22] =	stream.strided.scatter [tilespmem:s14], [sflag:$0x1], $0x800, s29, s22, $0x38;
	[tilespmem:$0x11E00] =	vst v63  }
0x152: {  	s19 =	sadd.s32 $0x30000, s9;
	s20 =	simm.s32 $0x8600  }
0x153: {  	[hbm4b:s19+s22] =	stream.strided.scatter [tilespmem:s20], [sflag:$0x1], $0x800, s29, s22, $0x38;
	[tilespmem:$0x11E00] =	vst v63  }
0x154: {  	s12 =	sadd.s32 $0x38000, s9;
	s14 =	simm.s32 $0x8E00  }
0x155: {  	[hbm4b:s12+s22] =	stream.strided.scatter [tilespmem:s14], [sflag:$0x1], $0x800, s29, s22, $0x38;
	[tilespmem:$0x11E00] =	vst v63  }
0x156: {  	s19 =	sadd.s32 $0x40000, s9;
	s20 =	simm.s32 $0x9600  }
0x157: {  	[hbm4b:s19+s22] =	stream.strided.scatter [tilespmem:s20], [sflag:$0x1], $0x800, s29, s22, $0x38;
	[tilespmem:$0x11E00] =	vst v63  }
0x158: {  	s5 =	sadd.s32 $0x48000, s9;
	s12 =	simm.s32 $0x9E00  }
0x159: {  	[hbm4b:s5+s22] =	stream.strided.scatter [tilespmem:s12], [sflag:$0x1], $0x800, s29, s22, $0x38;
	[tilespmem:$0x11E00] =	vst v63  }
0x15a: {  	s14 =	sadd.s32 $0x50000, s9;
	s19 =	simm.s32 $0xA600  }
0x15b: {  	[hbm4b:s14+s22] =	stream.strided.scatter [tilespmem:s19], [sflag:$0x1], $0x800, s29, s22, $0x38;
	[tilespmem:$0x11E00] =	vst v63  }
0x15c: {  	p1 =	seq.s32 s30, $0x7;
	s9 =	sadd.s32 $0x58000, s9;
	s20 =	simm.s32 $0xAE00  }
0x15d: {  	[hbm4b:s9+s22] =	stream.strided.scatter [tilespmem:s20], [sflag:$0x1], $0x800, s29, s22, $0x38;
	[tilespmem:$0x11E00] =	vst v63  }
0x15e: {  	s9 =	sadd.s32 @!p1 s6, s17  }
0x15f: {  	s11 =	simm.s32 @!p1 $0x200;
	s5 =	rddreg [dreg:$0x1];
	s9 =	sshrl.u32 @!p1 s9, $0x3  }
0x160: {  	s12 =	simm.s32 @!p1 $0x400;
	s14 =	simm.s32 @!p1 $0x4600;
	s9 =	sadd.s32 @!p1 s5, s9  }
0x161: {  	[tilespmem:s14], [sflag:$0x3] =	stream.strided.gather @!p1 [hbm4b:s9+s11], $0x800, s12, s11, $0x38;
	[tilespmem:$0x11E00] =	vst v63  }
0x162: {  	_ =	swait.ge [sflag:s15], $0x800  }
0x163: {  	[sflag:s15] =	ssyncset.done $0x0  }
0x164: {  	s9 =	simm.s32 @!p0 $0x2;
	[sflag:s15] =	ssyncadd.s32 $0xFFFFF800  }
0x165: {  	_ =	swait.ge @!p0 [sflag:s9], $0x6000  }
0x166: {  	s7 =	sor.u32 $0x4, s7;
	s11 =	simm.s32 $0x3870;
	[sflag:s9] =	ssyncset.done @!p0 $0x0  }
0x167: {  	s12 =	smov.u32 s26;
	[sflag:s9] =	ssyncadd.s32 @!p0 $0xFFFFA000;
	s9 =	simm.s32 $0x0  }
.LBB2_9:
0x168: {  	s14 =	smulhi.u32 $0x804021, s12;
	_ =	sdelay $0x1  }
0x169: {  	s19 =	ssub.s32 s12, s14  }
0x16a: {  	s19 =	sshrl.u32 s19, $0x1  }
0x16b: {  	s14 =	sadd.s32 s14, s19  }
0x16c: {  	s14 =	sshrl.u32 s14, $0x8  }
0x16d: {  	s5 =	smin.u32 s14, $0xE;
	s14 =	smul.u32 $0xE00, s14;
	_ =	sdelay $0x1  }
0x16e: {  	s20 =	sor.u32 s7, s9;
	s19 =	smul.u32 $0xE00, s5;
	s14 =	sshra.s32 s14, $0x2  }
0x16f: {  	s20 =	smul.u32 $0xF, s20;
	v2 =	vmov s14  }
0x170: {  	s19 =	sshrl.u32 s19, $0x2  }
0x171: {  	s5 =	smulhi.u32 $0x804021, s20;
	s19 =	sadd.s32 $0x380, s19  }
0x172: {  	v3 =	vmov s19  }
0x173: {  	s14 =	ssub.s32 s20, s5;
	s19 =	simm.s32 $0x0  }
0x174: {  	s14 =	sshrl.u32 s14, $0x1;
	v4 =	vld.idx.msk [tilespmem:v2+s19+$0x40 ss:$0x1], $0xffff  }
0x175: {  	s20 =	scvt.s32.f32 s20;
	s5 =	sadd.s32 s5, s14;
	v6 =	vld.idx.msk [tilespmem:v2+s19+$0x30 ss:$0x1], $0xffff  }
0x176: {  	s5 =	sshrl.u32 s5, $0x8;
	v5 =	vld.idx.msk [tilespmem:v2+s19+$0x20 ss:$0x1], $0xffff  }
0x177: {  	s14 =	smul.f32 $1.956947150e-03, s20;
	s5 =	scvt.s32.f32 s5;
	v12 =	vld.idx.msk [tilespmem:v3+s19+$0x30 ss:$0x1], $0xffff  }
0x178: {  	v8 =	vld.idx.msk [tilespmem:v2+s19+$0x10 ss:$0x1], $0xffff  }
0x179: {  	v7 =	vld.idx.msk [tilespmem:v2+s19+$0x0 ss:$0x1], $0xffff;
	s5 =	ssub.f32 s14, s5  }
0x17a: {  	v9 =	vld.idx.msk [tilespmem:v3+s19+$0x20 ss:$0x1], $0xffff  }
0x17b: {  	v10 =	vld.idx.msk [tilespmem:v3+s19+$0x10 ss:$0x1], $0xffff;
	v0 =	vmov s5  }
0x17c: {  	s20 =	simm.s32 $0x200;
	v11 =	vld.idx.msk [tilespmem:v3+s19+$0x0 ss:$0x1], $0xffff;
	v1 =	vpack.i.f32.bf16 v0, v0;
	v0 =	vmov s11;
	v12 =	vsub.bf16 v12, v6  }
.LBB2_10:
0x17d: {  	p0 =	sne.s32 s20, $0xC00;
	v13 =	vld.idx.msk [tilespmem:v3+s19+$0x40 ss:$0x1], $0xffff;
	s5 =	smov.u32 s20;
	s20 =	sadd.s32 $0x200, s20  }
0x17e: {  	v14 =	vld.idx.msk [tilespmem:v3+s19+$0x60 ss:$0x1], $0xffff;
	v12 =	vmul.bf16 v12, v1  }
0x17f: {  	v15 =	vld.idx.msk [tilespmem:v3+s19+$0x50 ss:$0x1], $0xffff  }
0x180: {  	v10 =	vsub.bf16 v10, v8;
	v16 =	vld.idx.msk [tilespmem:v2+s19+$0x50 ss:$0x1], $0xffff;
	v6 =	vadd.bf16 v12, v6  }
0x181: {  	v12 =	vld.idx.msk [tilespmem:v2+s19+$0x60 ss:$0x1], $0xffff  }
0x182: {  	v9 =	vsub.bf16 v9, v5;
	v11 =	vsub.bf16 v11, v7;
	v10 =	vmul.bf16 v10, v1;
	v17 =	vld.idx.msk [tilespmem:v2+s19+$0x70 ss:$0x1], $0xffff  }
0x183: {  	v13 =	vsub.bf16 v13, v4;
	v18 =	vld.idx.msk [tilespmem:v3+s19+$0x70 ss:$0x1], $0xffff  }
0x184: {  	v9 =	vmul.bf16 v9, v1;
	v11 =	vmul.bf16 v11, v1;
	v8 =	vadd.bf16 v10, v8  }
0x185: {  	s5 =	sshra.s32 s5, $0x2;
	v10 =	vmul.bf16 v13, v1  }
0x186: {  	v7 =	vadd.bf16 v11, v7;
	v11 =	vsub.bf16 v15, v16  }
0x187: {  	v4 =	vadd.bf16 v10, v4;
	v10 =	vsub.bf16 v14, v12  }
0x188: {  	v5 =	vadd.bf16 v9, v5;
	[tilespmem:v0+s19+$0xFFFFFF90 ss:$0x1] =	vst.idx.msk $0xffff, v7;
	v7 =	vmul.bf16 v11, v1  }
0x189: {  	v9 =	vsub.bf16 v18, v17;
	[tilespmem:v0+s19+$0xFFFFFFA0 ss:$0x1] =	vst.idx.msk $0xffff, v8;
	v8 =	vmul.bf16 v10, v1  }
0x18a: {  	[tilespmem:v0+s19+$0xFFFFFFB0 ss:$0x1] =	vst.idx.msk $0xffff, v5;
	v5 =	vadd.bf16 v7, v16  }
0x18b: {  	v7 =	vmul.bf16 v9, v1;
	[tilespmem:v0+s19+$0xFFFFFFC0 ss:$0x1] =	vst.idx.msk $0xffff, v6;
	v6 =	vadd.bf16 v8, v12  }
0x18c: {  	[tilespmem:v0+s19+$0xFFFFFFD0 ss:$0x1] =	vst.idx.msk $0xffff, v4  }
0x18d: {  	v4 =	vadd.bf16 v7, v17;
	[tilespmem:v0+s19+$0xFFFFFFE0 ss:$0x1] =	vst.idx.msk $0xffff, v5  }
0x18e: {  	[tilespmem:v0+s19+$0xFFFFFFF0 ss:$0x1] =	vst.idx.msk $0xffff, v6  }
0x18f: {  	[tilespmem:v0+s19+$0x0 ss:$0x1] =	vst.idx.msk $0xffff, v4;
	s19 =	smov.u32 s5  }
0x190: {  	v4 =	vld.idx.msk [tilespmem:v2+s19+$0x40 ss:$0x1], $0xffff  }
0x191: {  	v6 =	vld.idx.msk [tilespmem:v2+s19+$0x30 ss:$0x1], $0xffff  }
0x192: {  	v12 =	vld.idx.msk [tilespmem:v3+s19+$0x30 ss:$0x1], $0xffff  }
0x193: {  	v5 =	vld.idx.msk [tilespmem:v2+s19+$0x20 ss:$0x1], $0xffff  }
.Ltmp5:
0x194: {  	v9 =	vld.idx.msk [tilespmem:v3+s19+$0x20 ss:$0x1], $0xffff;
	(pc) =	sbr.rel @p0 .LBB2_10-.Ltmp5, $4  }
0x195: {  	v10 =	vld.idx.msk [tilespmem:v3+s19+$0x10 ss:$0x1], $0xffff  }
0x196: {  	v8 =	vld.idx.msk [tilespmem:v2+s19+$0x10 ss:$0x1], $0xffff  }
0x197: {  	v7 =	vld.idx.msk [tilespmem:v2+s19+$0x0 ss:$0x1], $0xffff  }
0x198: {  	v12 =	vsub.bf16 v12, v6;
	v11 =	vld.idx.msk [tilespmem:v3+s19+$0x0 ss:$0x1], $0xffff  }
0x199: {  	_ =	sdelay $0x3  }
0x19a: {  	v13 =	vld.idx.msk [tilespmem:v3+s19+$0x40 ss:$0x1], $0xffff  }
0x19b: {  	v14 =	vld.idx.msk [tilespmem:v3+s19+$0x60 ss:$0x1], $0xffff  }
0x19c: {  	v15 =	vld.idx.msk [tilespmem:v3+s19+$0x50 ss:$0x1], $0xffff  }
0x19d: {  	v16 =	vld.idx.msk [tilespmem:v2+s19+$0x50 ss:$0x1], $0xffff;
	v9 =	vsub.bf16 v9, v5  }
0x19e: {  	v17 =	vld.idx.msk [tilespmem:v2+s19+$0x60 ss:$0x1], $0xffff;
	v11 =	vsub.bf16 v11, v7  }
0x19f: {  	v50 =	vld.idx.msk [tilespmem:v2+s19+$0x70 ss:$0x1], $0xffff;
	v12 =	vmul.bf16 v12, v1;
	v10 =	vsub.bf16 v10, v8;
	v9 =	vmul.bf16 v9, v1  }
0x1a0: {  	v51 =	vld.idx.msk [tilespmem:v3+s19+$0x70 ss:$0x1], $0xffff;
	v11 =	vmul.bf16 v11, v1  }
0x1a1: {  	v6 =	vadd.bf16 v12, v6;
	v10 =	vmul.bf16 v10, v1;
	v57 =	vadd.bf16 v9, v5  }
0x1a2: {  	v13 =	vsub.bf16 v13, v4;
	v52 =	vadd.bf16 v11, v7  }
0x1a3: {  	v55 =	vsub.bf16 v15, v16;
	v53 =	vadd.bf16 v10, v8  }
0x1a4: {  	v56 =	vsub.bf16 v14, v17;
	v54 =	vmul.bf16 v13, v1;
	[tilespmem:v0+s19+$0xFFFFFF90 ss:$0x1] =	vst.idx.msk $0xffff, v52  }
0x1a5: {  	s9 =	sadd.s32 $0x1, s9;
	v3 =	vsub.bf16 v51, v50;
	v58 =	vmul.bf16 v55, v1;
	[tilespmem:v0+s19+$0xFFFFFFA0 ss:$0x1] =	vst.idx.msk $0xffff, v53  }
0x1a6: {  	p0 =	sne.s32 s9, $0x4;
	v60 =	vmul.bf16 v56, v1;
	v59 =	vadd.bf16 v54, v4;
	[tilespmem:v0+s19+$0xFFFFFFB0 ss:$0x1] =	vst.idx.msk $0xffff, v57  }
.Ltmp6:
0x1a7: {  	v62 =	vmul.bf16 v3, v1;
	v61 =	vadd.bf16 v58, v16;
	[tilespmem:v0+s19+$0xFFFFFFC0 ss:$0x1] =	vst.idx.msk $0xffff, v6;
	(pc) =	sbr.rel @p0 .LBB2_9-.Ltmp6, $4  }
0x1a8: {  	v63 =	vadd.bf16 v60, v17;
	[tilespmem:v0+s19+$0xFFFFFFD0 ss:$0x1] =	vst.idx.msk $0xffff, v59  }
0x1a9: {  	v1 =	vadd.bf16 v62, v50;
	[tilespmem:v0+s19+$0xFFFFFFE0 ss:$0x1] =	vst.idx.msk $0xffff, v61  }
0x1aa: {  	[tilespmem:v0+s19+$0xFFFFFFF0 ss:$0x1] =	vst.idx.msk $0xffff, v63  }
0x1ab: {  	s11 =	sadd.s32 $0x380, s11;
	s12 =	sadd.s32 $0xF, s12;
	[tilespmem:v0+s19+$0x0 ss:$0x1] =	vst.idx.msk $0xffff, v1  }
0x1ac: {  	s7 =	simm.s32 $0x0;
	s9 =	simm.s32 $0x0  }
.LBB2_13:
0x1ad: {  	s5 =	sand.u32 $0x70, s9;
	s11 =	sand.u32 $0x600, s7  }
0x1ae: {  	s11 =	sor.u32 s5, s11  }
0x1af: {  	v0 =	vld [tilespmem:s11+$0x4E00];
	_ =	sdelay $0x4  }
0x1b0: {  	v0 =	vadd.f32 $1.000000000e+00, v0;
	_ =	sdelay $0x1  }
0x1b1: {  	v0 =	vmul.f32 $3.500000000e+00, v0;
	_ =	sdelay $0x1  }
0x1b2: {  	v0 =	vmax.f32 v0, $0.0e+00  }
0x1b3: {  	s20 =	sshra.s32 s7, $0x2;
	v4 =	vmin.f32 v0, $7.000000000e+00  }
0x1b4: {  	v3 =	vld [tilespmem:s20+$0x11600];
	v0 =	vtrunc.f32 v4  }
0x1b5: {  	v2 =	vld [tilespmem:s20+$0x11800];
	v5 =	vcvt.f32.s32 v0;
	_ =	sdelay $0x1  }
0x1b6: {  	v1 =	vmul.u32 $0x7, v5;
	_ =	sdelay $0x1  }
0x1b7: {  	v7 =	vadd.s32 v3, v1  }
0x1b8: {  	v0 =	vadd.s32 $0x1, v5;
	v8 =	vadd.s32 v2, v1  }
0x1b9: {  	v43 =	vld [tilespmem:s11+$0x4E80];
	vm0 =	vlt.s32 v0, $0x7;
	v10 =	vadd.s32 $0x1, v7  }
0x1ba: {  	v0 =	vnsel vm0, $0x7, v0;
	v1 =	vld [tilespmem:s20+$0x11C00];
	v12 =	vadd.s32 $0x1, v8  }
0x1bb: {  	v6 =	vmul.u32 $0x7, v0;
	v0 =	vld [tilespmem:s20+$0x11A00];
	v17 =	vadd.s32 $0x2, v7  }
0x1bc: {  	v19 =	vadd.s32 $0x2, v8;
	v11 =	vld.idx.msk [tilespmem:v7+s0+$0x0], $0xffff  }
0x1bd: {  	v24 =	vadd.s32 $0x3, v7;
	v13 =	vld.idx.msk [tilespmem:v8+s0+$0x0], $0xffff  }
0x1be: {  	v25 =	vadd.s32 $0x3, v8;
	v10 =	vld.idx.msk [tilespmem:v10+s0+$0x0], $0xffff  }
0x1bf: {  	v28 =	vadd.s32 $0x4, v7;
	v12 =	vld.idx.msk [tilespmem:v12+s0+$0x0], $0xffff  }
0x1c0: {  	v29 =	vadd.s32 $0x4, v8;
	v17 =	vld.idx.msk [tilespmem:v17+s0+$0x0], $0xffff  }
0x1c1: {  	v9 =	vadd.s32 v3, v6;
	v19 =	vld.idx.msk [tilespmem:v19+s0+$0x0], $0xffff  }
0x1c2: {  	v5 =	vcvt.s32.f32 v5;
	v6 =	vadd.s32 v2, v6;
	v24 =	vld.idx.msk [tilespmem:v24+s0+$0x0], $0xffff  }
0x1c3: {  	v14 =	vadd.s32 $0x1, v9;
	v25 =	vld.idx.msk [tilespmem:v25+s0+$0x0], $0xffff  }
0x1c4: {  	v4 =	vsub.f32 v4, v5;
	v15 =	vadd.s32 $0x1, v6;
	v47 =	vld.idx.msk [tilespmem:v28+s0+$0x0], $0xffff  }
0x1c5: {  	v20 =	vadd.s32 $0x2, v9;
	v50 =	vld.idx.msk [tilespmem:v29+s0+$0x0], $0xffff  }
0x1c6: {  	v18 =	vsub.f32 $1.000000000e+00, v4;
	v22 =	vadd.s32 $0x2, v6;
	v40 =	vld.idx.msk [tilespmem:v9+s0+$0x0], $0xffff  }
0x1c7: {  	v26 =	vadd.s32 $0x3, v9;
	v27 =	vadd.s32 $0x3, v6;
	v30 =	vadd.s32 $0x4, v9;
	v16 =	vld.idx.msk [tilespmem:v6+s0+$0x0], $0xffff  }
0x1c8: {  	v31 =	vadd.s32 $0x4, v6;
	v21 =	vmul.f32 v18, v1;
	v18 =	vmul.f32 v18, v0;
	v14 =	vld.idx.msk [tilespmem:v14+s0+$0x0], $0xffff  }
0x1c9: {  	v23 =	vmul.f32 v4, v1;
	v7 =	vadd.s32 $0x5, v7;
	v8 =	vadd.s32 $0x5, v8;
	v15 =	vld.idx.msk [tilespmem:v15+s0+$0x0], $0xffff  }
0x1ca: {  	v4 =	vmul.f32 v4, v0;
	v21 =	vpack.i.f32.bf16 v21, v21;
	v18 =	vpack.i.f32.bf16 v18, v18;
	v20 =	vld.idx.msk [tilespmem:v20+s0+$0x0], $0xffff  }
0x1cb: {  	v23 =	vpack.i.f32.bf16 v23, v23;
	v22 =	vld.idx.msk [tilespmem:v22+s0+$0x0], $0xffff;
	v11 =	vmul.bf16 v11, v21;
	v13 =	vmul.bf16 v13, v18  }
0x1cc: {  	v4 =	vpack.i.f32.bf16 v4, v4;
	v41 =	vld.idx.msk [tilespmem:v26+s0+$0x0], $0xffff;
	v10 =	vmul.bf16 v10, v21;
	v12 =	vmul.bf16 v12, v18  }
0x1cd: {  	v9 =	vadd.s32 $0x5, v9;
	v42 =	vld.idx.msk [tilespmem:v27+s0+$0x0], $0xffff;
	v45 =	vmul.bf16 v17, v21;
	v46 =	vmul.bf16 v19, v18  }
0x1ce: {  	v6 =	vadd.s32 $0x5, v6;
	v57 =	vld.idx.msk [tilespmem:v31+s0+$0x0], $0xffff;
	v55 =	vmul.bf16 v24, v21;
	v56 =	vmul.bf16 v25, v18  }
0x1cf: {  	v7 =	vld.idx.msk [tilespmem:v7+s0+$0x0], $0xffff;
	v61 =	vmul.bf16 v47, v21;
	v62 =	vmul.bf16 v50, v18;
	v11 =	vadd.bf16 v13, v11  }
0x1d0: {  	v8 =	vld.idx.msk [tilespmem:v8+s0+$0x0], $0xffff;
	v5 =	vmul.bf16 v40, v23;
	v16 =	vmul.bf16 v16, v4;
	v10 =	vadd.bf16 v12, v10  }
0x1d1: {  	v52 =	vadd.bf16 v46, v45;
	v14 =	vmul.bf16 v14, v23;
	v15 =	vmul.bf16 v15, v4  }
0x1d2: {  	v53 =	vld.idx.msk [tilespmem:v30+s0+$0x0], $0xffff;
	v48 =	vmul.bf16 v20, v23;
	v49 =	vmul.bf16 v22, v4;
	v5 =	vadd.bf16 v16, v5  }
0x1d3: {  	v59 =	vadd.bf16 v56, v55;
	v13 =	vmul.bf16 v41, v23;
	v24 =	vmul.bf16 v57, v4  }
0x1d4: {  	v9 =	vld.idx.msk [tilespmem:v9+s0+$0x0], $0xffff;
	v16 =	vmul.bf16 v42, v4;
	v5 =	vadd.bf16 v5, v11;
	v11 =	vadd.f32 $1.000000000e+00, v43  }
0x1d5: {  	v7 =	vmul.bf16 v7, v21;
	v8 =	vmul.bf16 v8, v18;
	v44 =	vadd.bf16 v15, v14  }
0x1d6: {  	v6 =	vld.idx.msk [tilespmem:v6+s0+$0x0], $0xffff;
	v54 =	vadd.bf16 v49, v48;
	v15 =	vadd.bf16 v62, v61;
	v11 =	vmul.f32 $3.500000000e+00, v11  }
0x1d7: {  	v14 =	vmul.bf16 v53, v23;
	v13 =	vadd.bf16 v16, v13;
	v10 =	vadd.bf16 v44, v10  }
0x1d8: {  	v51 =	vunpack.i.u.bf16.f32 v5;
	v5 =	vunpack.i.l.bf16.f32 v5;
	v11 =	vmax.f32 v11, $0.0e+00  }
0x1d9: {  	v12 =	vadd.bf16 v54, v52;
	v9 =	vmul.bf16 v9, v23;
	[tilespmem:s11+$0xB600] =	vst v5;
	v11 =	vmin.f32 v11, $7.000000000e+00  }
0x1da: {  	v58 =	vunpack.i.u.bf16.f32 v10;
	v10 =	vunpack.i.l.bf16.f32 v10;
	[tilespmem:s11+$0xBE00] =	vst v51;
	v27 =	vtrunc.f32 v11  }
0x1db: {  	v29 =	vadd.bf16 v24, v14;
	v4 =	vmul.bf16 v6, v4;
	[tilespmem:s11+$0xC600] =	vst v10;
	v28 =	vcvt.f32.s32 v27  }
0x1dc: {  	v13 =	vadd.bf16 v13, v59;
	v60 =	vunpack.i.u.bf16.f32 v12;
	v12 =	vunpack.i.l.bf16.f32 v12;
	[tilespmem:s11+$0xCE00] =	vst v58  }
0x1dd: {  	v7 =	vadd.bf16 v8, v7;
	v4 =	vadd.bf16 v4, v9;
	[tilespmem:s11+$0xD600] =	vst v12;
	v31 =	vmul.u32 $0x7, v28  }
0x1de: {  	v63 =	vunpack.i.u.bf16.f32 v13;
	v13 =	vunpack.i.l.bf16.f32 v13;
	v10 =	vadd.bf16 v29, v15;
	[tilespmem:s11+$0xDE00] =	vst v60  }
0x1df: {  	[tilespmem:s11+$0xE600] =	vst v13;
	v4 =	vadd.bf16 v4, v7;
	v33 =	vadd.s32 v3, v31  }
0x1e0: {  	[tilespmem:s11+$0xEE00] =	vst v63;
	v32 =	vunpack.i.l.bf16.f32 v10;
	v34 =	vadd.s32 v2, v31;
	v35 =	vadd.s32 $0x380, v33  }
0x1e1: {  	v10 =	vunpack.i.u.bf16.f32 v10;
	[tilespmem:s11+$0xF600] =	vst v32;
	v12 =	vadd.s32 $0x380, v34  }
0x1e2: {  	[tilespmem:s11+$0xFE00] =	vst v10;
	v37 =	vunpack.i.l.bf16.f32 v4;
	v40 =	vadd.s32 $0x381, v33  }
0x1e3: {  	v4 =	vunpack.i.u.bf16.f32 v4;
	[tilespmem:s11+$0x10600] =	vst v37;
	v42 =	vadd.s32 $0x381, v34  }
0x1e4: {  	v63 =	vld [tilespmem:s11+$0x4F00];
	[tilespmem:s11+$0x10E00] =	vst v4;
	v45 =	vadd.s32 $0x382, v33  }
0x1e5: {  	v30 =	vadd.s32 $0x1, v28;
	v47 =	vadd.s32 $0x382, v34;
	v7 =	vld.idx.msk [tilespmem:v35+s0+$0x0], $0xffff  }
0x1e6: {  	vm13 =	vlt.s32 v30, $0x7;
	v52 =	vadd.s32 $0x383, v33;
	v12 =	vld.idx.msk [tilespmem:v12+s0+$0x0], $0xffff  }
0x1e7: {  	v6 =	vnsel vm13, $0x7, v30;
	v53 =	vadd.s32 $0x383, v34;
	v4 =	vld.idx.msk [tilespmem:v40+s0+$0x0], $0xffff  }
0x1e8: {  	v6 =	vmul.u32 $0x7, v6;
	v56 =	vadd.s32 $0x384, v33;
	v15 =	vld.idx.msk [tilespmem:v42+s0+$0x0], $0xffff  }
0x1e9: {  	v9 =	vadd.s32 $0x385, v33;
	v17 =	vld.idx.msk [tilespmem:v45+s0+$0x0], $0xffff  }
0x1ea: {  	v41 =	vcvt.s32.f32 v28;
	v5 =	vadd.s32 $0x385, v34;
	v36 =	vadd.s32 v3, v6;
	v19 =	vld.idx.msk [tilespmem:v47+s0+$0x0], $0xffff  }
0x1eb: {  	v6 =	vadd.s32 v2, v6;
	v38 =	vadd.s32 $0x380, v36;
	v24 =	vld.idx.msk [tilespmem:v52+s0+$0x0], $0xffff  }
0x1ec: {  	v11 =	vsub.f32 v11, v41;
	v39 =	vadd.s32 $0x380, v6;
	v25 =	vld.idx.msk [tilespmem:v53+s0+$0x0], $0xffff  }
0x1ed: {  	v43 =	vadd.s32 $0x381, v36;
	v35 =	vld.idx.msk [tilespmem:v56+s0+$0x0], $0xffff  }
0x1ee: {  	v46 =	vsub.f32 $1.000000000e+00, v11;
	v44 =	vadd.s32 $0x381, v6;
	v9 =	vld.idx.msk [tilespmem:v9+s0+$0x0], $0xffff  }
0x1ef: {  	v48 =	vadd.s32 $0x382, v36;
	v5 =	vld.idx.msk [tilespmem:v5+s0+$0x0], $0xffff  }
0x1f0: {  	v57 =	vadd.s32 $0x384, v34;
	v49 =	vmul.f32 v46, v1;
	v50 =	vadd.s32 $0x382, v6;
	v13 =	vld.idx.msk [tilespmem:v38+s0+$0x0], $0xffff  }
0x1f1: {  	v51 =	vmul.f32 v11, v1;
	v18 =	vmul.f32 v46, v0;
	v54 =	vadd.s32 $0x383, v36;
	v10 =	vld.idx.msk [tilespmem:v39+s0+$0x0], $0xffff  }
0x1f2: {  	v11 =	vmul.f32 v11, v0;
	v55 =	vadd.s32 $0x383, v6;
	v21 =	vpack.i.f32.bf16 v49, v49;
	v16 =	vld.idx.msk [tilespmem:v43+s0+$0x0], $0xffff  }
0x1f3: {  	v23 =	vpack.i.f32.bf16 v51, v51;
	v18 =	vpack.i.f32.bf16 v18, v18;
	v14 =	vld.idx.msk [tilespmem:v44+s0+$0x0], $0xffff;
	v7 =	vmul.bf16 v7, v21  }
0x1f4: {  	v59 =	vadd.s32 $0x384, v6;
	v20 =	vld.idx.msk [tilespmem:v48+s0+$0x0], $0xffff;
	v12 =	vmul.bf16 v12, v18;
	v4 =	vmul.bf16 v4, v21  }
0x1f5: {  	v8 =	vadd.s32 $0x385, v36;
	v22 =	vld.idx.msk [tilespmem:v50+s0+$0x0], $0xffff;
	v61 =	vmul.bf16 v15, v18;
	v33 =	vmul.bf16 v17, v21  }
0x1f6: {  	v6 =	vadd.s32 $0x385, v6;
	v60 =	vld.idx.msk [tilespmem:v54+s0+$0x0], $0xffff;
	v34 =	vmul.bf16 v19, v18;
	v43 =	vmul.bf16 v24, v21  }
0x1f7: {  	v11 =	vpack.i.f32.bf16 v11, v11;
	v62 =	vld.idx.msk [tilespmem:v55+s0+$0x0], $0xffff;
	v44 =	vmul.bf16 v25, v18;
	v49 =	vmul.bf16 v35, v21  }
0x1f8: {  	v58 =	vadd.s32 $0x384, v36;
	v38 =	vld.idx.msk [tilespmem:v57+s0+$0x0], $0xffff;
	v9 =	vmul.bf16 v9, v21;
	v5 =	vmul.bf16 v5, v18  }
0x1f9: {  	v45 =	vld.idx.msk [tilespmem:v59+s0+$0x0], $0xffff;
	v7 =	vadd.bf16 v12, v7;
	v13 =	vmul.bf16 v13, v23;
	v10 =	vmul.bf16 v10, v11  }
0x1fa: {  	v8 =	vld.idx.msk [tilespmem:v8+s0+$0x0], $0xffff;
	v4 =	vadd.bf16 v61, v4;
	v40 =	vadd.bf16 v34, v33;
	v16 =	vmul.bf16 v16, v23  }
0x1fb: {  	v6 =	vld.idx.msk [tilespmem:v6+s0+$0x0], $0xffff;
	v14 =	vmul.bf16 v14, v11;
	v36 =	vmul.bf16 v20, v23;
	v10 =	vadd.bf16 v10, v13  }
0x1fc: {  	v47 =	vadd.bf16 v44, v43;
	v37 =	vmul.bf16 v22, v11;
	v12 =	vmul.bf16 v60, v23  }
0x1fd: {  	v15 =	vmul.bf16 v62, v11;
	v7 =	vadd.bf16 v10, v7;
	v10 =	vadd.f32 $1.000000000e+00, v63  }
0x1fe: {  	v50 =	vmul.bf16 v38, v18;
	v52 =	vmul.bf16 v45, v11;
	v32 =	vadd.bf16 v14, v16  }
0x1ff: {  	v41 =	vld.idx.msk [tilespmem:v58+s0+$0x0], $0xffff;
	v5 =	vadd.bf16 v5, v9;
	v8 =	vmul.bf16 v8, v23;
	v10 =	vmul.f32 $3.500000000e+00, v10  }
0x200: {  	v6 =	vmul.bf16 v6, v11;
	v42 =	vadd.bf16 v37, v36;
	v4 =	vadd.bf16 v32, v4  }
0x201: {  	v39 =	vunpack.i.u.bf16.f32 v7;
	v7 =	vunpack.i.l.bf16.f32 v7;
	v10 =	vmax.f32 v10, $0.0e+00  }
0x202: {  	v12 =	vadd.bf16 v15, v12;
	v13 =	vadd.bf16 v42, v40;
	[tilespmem:s11+$0xB680] =	vst v7;
	v10 =	vmin.f32 v10, $7.000000000e+00  }
0x203: {  	v46 =	vunpack.i.u.bf16.f32 v4;
	v4 =	vunpack.i.l.bf16.f32 v4;
	[tilespmem:s11+$0xBE80] =	vst v39;
	v53 =	vtrunc.f32 v10  }
0x204: {  	v14 =	vmul.bf16 v41, v23;
	v6 =	vadd.bf16 v6, v8;
	[tilespmem:s11+$0xC680] =	vst v4;
	v54 =	vcvt.f32.s32 v53  }
0x205: {  	v12 =	vadd.bf16 v12, v47;
	v48 =	vunpack.i.u.bf16.f32 v13;
	v13 =	vunpack.i.l.bf16.f32 v13;
	[tilespmem:s11+$0xCE80] =	vst v46  }
0x206: {  	v16 =	vadd.bf16 v50, v49;
	v5 =	vadd.bf16 v6, v5;
	[tilespmem:s11+$0xD680] =	vst v13;
	v57 =	vmul.u32 $0x7, v54  }
0x207: {  	v55 =	vadd.bf16 v52, v14;
	v51 =	vunpack.i.u.bf16.f32 v12;
	v12 =	vunpack.i.l.bf16.f32 v12;
	[tilespmem:s11+$0xDE80] =	vst v48  }
0x208: {  	v30 =	vunpack.i.l.bf16.f32 v5;
	[tilespmem:s11+$0xE680] =	vst v12;
	v60 =	vadd.s32 v3, v57  }
0x209: {  	v4 =	vadd.bf16 v55, v16;
	[tilespmem:s11+$0xEE80] =	vst v51;
	v61 =	vadd.s32 v2, v57;
	v62 =	vadd.s32 $0x700, v60  }
0x20a: {  	v5 =	vunpack.i.u.bf16.f32 v5;
	[tilespmem:s11+$0x10680] =	vst v30;
	v29 =	vadd.s32 $0x700, v61  }
0x20b: {  	[tilespmem:s11+$0x10E80] =	vst v5;
	v59 =	vunpack.i.l.bf16.f32 v4;
	v56 =	vadd.s32 $0x1, v54;
	v33 =	vadd.s32 $0x701, v60  }
0x20c: {  	v4 =	vunpack.i.u.bf16.f32 v4;
	[tilespmem:s11+$0xF680] =	vst v59;
	vm14 =	vlt.s32 v56, $0x7;
	v35 =	vadd.s32 $0x701, v61  }
0x20d: {  	[tilespmem:s11+$0xFE80] =	vst v4;
	v58 =	vnsel vm14, $0x7, v56;
	v56 =	vld [tilespmem:s11+$0x4F80];
	v38 =	vadd.s32 $0x702, v60  }
0x20e: {  	v40 =	vadd.s32 $0x702, v61;
	v7 =	vld.idx.msk [tilespmem:v62+s0+$0x0], $0xffff  }
0x20f: {  	v45 =	vadd.s32 $0x703, v60;
	v12 =	vld.idx.msk [tilespmem:v29+s0+$0x0], $0xffff  }
0x210: {  	v46 =	vadd.s32 $0x703, v61;
	v5 =	vld.idx.msk [tilespmem:v33+s0+$0x0], $0xffff  }
0x211: {  	v34 =	vcvt.s32.f32 v54;
	v49 =	vadd.s32 $0x704, v60;
	v15 =	vld.idx.msk [tilespmem:v35+s0+$0x0], $0xffff  }
0x212: {  	v8 =	vmul.u32 $0x7, v58;
	v50 =	vadd.s32 $0x704, v61;
	v17 =	vld.idx.msk [tilespmem:v38+s0+$0x0], $0xffff  }
0x213: {  	v10 =	vsub.f32 v10, v34;
	v11 =	vadd.s32 $0x705, v60;
	v19 =	vld.idx.msk [tilespmem:v40+s0+$0x0], $0xffff  }
0x214: {  	v6 =	vadd.s32 $0x705, v61;
	v63 =	vadd.s32 v3, v8;
	v24 =	vld.idx.msk [tilespmem:v45+s0+$0x0], $0xffff  }
0x215: {  	v39 =	vsub.f32 $1.000000000e+00, v10;
	v8 =	vadd.s32 v2, v8;
	v31 =	vadd.s32 $0x700, v63;
	v25 =	vld.idx.msk [tilespmem:v46+s0+$0x0], $0xffff  }
0x216: {  	v32 =	vadd.s32 $0x700, v8;
	v36 =	vadd.s32 $0x701, v63;
	v41 =	vadd.s32 $0x702, v63;
	v60 =	vld.idx.msk [tilespmem:v49+s0+$0x0], $0xffff  }
0x217: {  	v47 =	vadd.s32 $0x703, v63;
	v51 =	vadd.s32 $0x704, v63;
	v9 =	vadd.s32 $0x705, v63;
	v63 =	vld.idx.msk [tilespmem:v50+s0+$0x0], $0xffff  }
0x218: {  	v37 =	vadd.s32 $0x701, v8;
	v11 =	vld.idx.msk [tilespmem:v11+s0+$0x0], $0xffff  }
0x219: {  	v42 =	vmul.f32 v39, v1;
	v6 =	vld.idx.msk [tilespmem:v6+s0+$0x0], $0xffff  }
0x21a: {  	v43 =	vadd.s32 $0x702, v8;
	v18 =	vmul.f32 v39, v0;
	v13 =	vld.idx.msk [tilespmem:v31+s0+$0x0], $0xffff  }
0x21b: {  	v44 =	vmul.f32 v10, v1;
	v10 =	vmul.f32 v10, v0;
	v21 =	vpack.i.f32.bf16 v42, v42;
	v4 =	vld.idx.msk [tilespmem:v32+s0+$0x0], $0xffff  }
0x21c: {  	v48 =	vadd.s32 $0x703, v8;
	v18 =	vpack.i.f32.bf16 v18, v18;
	v16 =	vld.idx.msk [tilespmem:v36+s0+$0x0], $0xffff;
	v7 =	vmul.bf16 v7, v21  }
0x21d: {  	v52 =	vadd.s32 $0x704, v8;
	v14 =	vld.idx.msk [tilespmem:v37+s0+$0x0], $0xffff;
	v12 =	vmul.bf16 v12, v18;
	v5 =	vmul.bf16 v5, v21  }
0x21e: {  	v20 =	vld.idx.msk [tilespmem:v41+s0+$0x0], $0xffff;
	v54 =	vmul.bf16 v15, v18;
	v58 =	vmul.bf16 v17, v21  }
0x21f: {  	v8 =	vadd.s32 $0x705, v8;
	v22 =	vld.idx.msk [tilespmem:v43+s0+$0x0], $0xffff;
	v59 =	vmul.bf16 v19, v18;
	v33 =	vmul.bf16 v24, v21  }
0x220: {  	v23 =	vpack.i.f32.bf16 v44, v44;
	v53 =	vld.idx.msk [tilespmem:v47+s0+$0x0], $0xffff;
	v34 =	vmul.bf16 v25, v18;
	v39 =	vmul.bf16 v60, v21  }
0x221: {  	v10 =	vpack.i.f32.bf16 v10, v10;
	v55 =	vld.idx.msk [tilespmem:v48+s0+$0x0], $0xffff;
	v40 =	vmul.bf16 v63, v18;
	v11 =	vmul.bf16 v11, v21  }
0x222: {  	v35 =	vld.idx.msk [tilespmem:v52+s0+$0x0], $0xffff;
	v7 =	vadd.bf16 v12, v7;
	v13 =	vmul.bf16 v13, v23;
	v4 =	vmul.bf16 v4, v10  }
0x223: {  	v9 =	vld.idx.msk [tilespmem:v9+s0+$0x0], $0xffff;
	v6 =	vmul.bf16 v6, v18;
	v5 =	vadd.bf16 v54, v5;
	v29 =	vadd.bf16 v59, v58  }
0x224: {  	v8 =	vld.idx.msk [tilespmem:v8+s0+$0x0], $0xffff;
	v16 =	vmul.bf16 v16, v23;
	v14 =	vmul.bf16 v14, v10;
	v4 =	vadd.bf16 v4, v13  }
0x225: {  	v37 =	vadd.bf16 v34, v33;
	v61 =	vmul.bf16 v20, v23;
	v62 =	vmul.bf16 v22, v10  }
0x226: {  	v12 =	vmul.bf16 v53, v23;
	v4 =	vadd.bf16 v4, v7;
	v7 =	vadd.f32 $1.000000000e+00, v56  }
0x227: {  	v15 =	vmul.bf16 v55, v10;
	v42 =	vmul.bf16 v35, v10;
	v57 =	vadd.bf16 v14, v16  }
0x228: {  	v30 =	vld.idx.msk [tilespmem:v51+s0+$0x0], $0xffff;
	v6 =	vadd.bf16 v6, v11;
	v9 =	vmul.bf16 v9, v23;
	v7 =	vmul.f32 $3.500000000e+00, v7  }
0x229: {  	v8 =	vmul.bf16 v8, v10;
	v32 =	vadd.bf16 v62, v61;
	v5 =	vadd.bf16 v57, v5  }
0x22a: {  	v28 =	vunpack.i.u.bf16.f32 v4;
	v4 =	vunpack.i.l.bf16.f32 v4;
	v7 =	vmax.f32 v7, $0.0e+00  }
0x22b: {  	v12 =	vadd.bf16 v15, v12;
	v13 =	vadd.bf16 v32, v29;
	[tilespmem:s11+$0xB700] =	vst v4;
	v7 =	vmin.f32 v7, $7.000000000e+00  }
0x22c: {  	v36 =	vunpack.i.u.bf16.f32 v5;
	v5 =	vunpack.i.l.bf16.f32 v5;
	[tilespmem:s11+$0xBF00] =	vst v28;
	v43 =	vtrunc.f32 v7  }
0x22d: {  	v14 =	vmul.bf16 v30, v23;
	v8 =	vadd.bf16 v8, v9;
	[tilespmem:s11+$0xC700] =	vst v5;
	v44 =	vcvt.f32.s32 v43  }
0x22e: {  	v12 =	vadd.bf16 v12, v37;
	v38 =	vunpack.i.u.bf16.f32 v13;
	v13 =	vunpack.i.l.bf16.f32 v13;
	[tilespmem:s11+$0xCF00] =	vst v36  }
0x22f: {  	v16 =	vadd.bf16 v40, v39;
	v51 =	vadd.bf16 v8, v6;
	[tilespmem:s11+$0xD700] =	vst v13;
	v47 =	vmul.u32 $0x7, v44  }
0x230: {  	v45 =	vadd.bf16 v42, v14;
	v41 =	vunpack.i.u.bf16.f32 v12;
	v12 =	vunpack.i.l.bf16.f32 v12;
	[tilespmem:s11+$0xDF00] =	vst v38  }
0x231: {  	v55 =	vunpack.i.l.bf16.f32 v51;
	[tilespmem:s11+$0xE700] =	vst v12;
	v50 =	vadd.s32 v3, v47  }
0x232: {  	v5 =	vadd.bf16 v45, v16;
	[tilespmem:s11+$0xEF00] =	vst v41;
	v52 =	vadd.s32 v2, v47;
	v53 =	vadd.s32 $0xA80, v50  }
0x233: {  	v4 =	vunpack.i.u.bf16.f32 v51;
	[tilespmem:s11+$0x10700] =	vst v55;
	v54 =	vadd.s32 $0xA80, v52  }
0x234: {  	[tilespmem:s11+$0x10F00] =	vst v4;
	v49 =	vunpack.i.l.bf16.f32 v5;
	v58 =	vadd.s32 $0xA81, v50  }
0x235: {  	v5 =	vunpack.i.u.bf16.f32 v5;
	[tilespmem:s11+$0xF700] =	vst v49;
	v59 =	vadd.s32 $0xA81, v52  }
0x236: {  	[tilespmem:s11+$0xFF00] =	vst v5;
	v63 =	vadd.s32 $0xA82, v50  }
0x237: {  	v46 =	vadd.s32 $0x1, v44;
	v24 =	vadd.s32 $0xA82, v52;
	v8 =	vld.idx.msk [tilespmem:v53+s0+$0x0], $0xffff  }
0x238: {  	vm15 =	vlt.s32 v46, $0x7;
	v28 =	vadd.s32 $0xA83, v50;
	v10 =	vld.idx.msk [tilespmem:v54+s0+$0x0], $0xffff  }
0x239: {  	v48 =	vnsel vm15, $0x7, v46;
	v30 =	vadd.s32 $0xA83, v52;
	v4 =	vld.idx.msk [tilespmem:v58+s0+$0x0], $0xffff  }
0x23a: {  	v9 =	vmul.u32 $0x7, v48;
	v34 =	vadd.s32 $0xA84, v50;
	v12 =	vld.idx.msk [tilespmem:v59+s0+$0x0], $0xffff  }
0x23b: {  	v61 =	vcvt.s32.f32 v44;
	v11 =	vadd.s32 $0xA85, v50;
	v16 =	vld.idx.msk [tilespmem:v63+s0+$0x0], $0xffff  }
0x23c: {  	v6 =	vadd.s32 $0xA85, v52;
	v3 =	vadd.s32 v3, v9;
	v31 =	vld.idx.msk [tilespmem:v24+s0+$0x0], $0xffff  }
0x23d: {  	v7 =	vsub.f32 v7, v61;
	v2 =	vadd.s32 v2, v9;
	v56 =	vadd.s32 $0xA80, v3;
	v20 =	vld.idx.msk [tilespmem:v28+s0+$0x0], $0xffff  }
0x23e: {  	v57 =	vadd.s32 $0xA80, v2;
	v22 =	vld.idx.msk [tilespmem:v30+s0+$0x0], $0xffff  }
0x23f: {  	v26 =	vsub.f32 $1.000000000e+00, v7;
	v60 =	vadd.s32 $0xA81, v3;
	v24 =	vld.idx.msk [tilespmem:v34+s0+$0x0], $0xffff  }
0x240: {  	v62 =	vadd.s32 $0xA81, v2;
	v11 =	vld.idx.msk [tilespmem:v11+s0+$0x0], $0xffff  }
0x241: {  	v35 =	vadd.s32 $0xA84, v52;
	v25 =	vadd.s32 $0xA82, v3;
	v29 =	vmul.f32 v26, v1;
	v6 =	vld.idx.msk [tilespmem:v6+s0+$0x0], $0xffff  }
0x242: {  	v27 =	vadd.s32 $0xA82, v2;
	v18 =	vmul.f32 v26, v0;
	v1 =	vmul.f32 v7, v1;
	v9 =	vld.idx.msk [tilespmem:v56+s0+$0x0], $0xffff  }
0x243: {  	v0 =	vmul.f32 v7, v0;
	v32 =	vadd.s32 $0xA83, v3;
	v33 =	vadd.s32 $0xA83, v2;
	v5 =	vld.idx.msk [tilespmem:v57+s0+$0x0], $0xffff  }
0x244: {  	v36 =	vadd.s32 $0xA84, v3;
	v21 =	vpack.i.f32.bf16 v29, v29;
	v18 =	vpack.i.f32.bf16 v18, v18;
	v13 =	vld.idx.msk [tilespmem:v60+s0+$0x0], $0xffff  }
0x245: {  	v37 =	vadd.s32 $0xA84, v2;
	v15 =	vld.idx.msk [tilespmem:v62+s0+$0x0], $0xffff;
	v8 =	vmul.bf16 v8, v21;
	v10 =	vmul.bf16 v10, v18  }
0x246: {  	v3 =	vadd.s32 $0xA85, v3;
	v17 =	vld.idx.msk [tilespmem:v25+s0+$0x0], $0xffff;
	v4 =	vmul.bf16 v4, v21;
	v12 =	vmul.bf16 v12, v18  }
0x247: {  	v2 =	vadd.s32 $0xA85, v2;
	v19 =	vld.idx.msk [tilespmem:v27+s0+$0x0], $0xffff;
	v42 =	vmul.bf16 v16, v21;
	v7 =	vmul.bf16 v31, v18  }
0x248: {  	v1 =	vpack.i.f32.bf16 v1, v1;
	v14 =	vld.idx.msk [tilespmem:v32+s0+$0x0], $0xffff;
	v48 =	vmul.bf16 v20, v21;
	v49 =	vmul.bf16 v22, v18  }
0x249: {  	v0 =	vpack.i.f32.bf16 v0, v0;
	v23 =	vld.idx.msk [tilespmem:v33+s0+$0x0], $0xffff;
	v51 =	vmul.bf16 v24, v21;
	v55 =	vmul.bf16 v11, v21  }
0x24a: {  	v40 =	vld.idx.msk [tilespmem:v36+s0+$0x0], $0xffff;
	v8 =	vadd.bf16 v10, v8;
	v9 =	vmul.bf16 v9, v1;
	v5 =	vmul.bf16 v5, v0  }
0x24b: {  	v38 =	vld.idx.msk [tilespmem:v35+s0+$0x0], $0xffff;
	v6 =	vmul.bf16 v6, v18;
	v4 =	vadd.bf16 v12, v4;
	v7 =	vadd.bf16 v7, v42  }
0x24c: {  	v41 =	vld.idx.msk [tilespmem:v37+s0+$0x0], $0xffff;
	v13 =	vmul.bf16 v13, v1;
	v15 =	vmul.bf16 v15, v0;
	v5 =	vadd.bf16 v5, v9  }
0x24d: {  	v3 =	vld.idx.msk [tilespmem:v3+s0+$0x0], $0xffff;
	v52 =	vadd.bf16 v49, v48;
	v44 =	vmul.bf16 v17, v1;
	v45 =	vmul.bf16 v19, v0  }
0x24e: {  	v2 =	vld.idx.msk [tilespmem:v2+s0+$0x0], $0xffff;
	v14 =	vmul.bf16 v14, v1;
	v39 =	vadd.bf16 v15, v13;
	v5 =	vadd.bf16 v5, v8  }
0x24f: {  	v50 =	vmul.bf16 v23, v0;
	v12 =	vmul.bf16 v40, v1;
	v47 =	vadd.bf16 v45, v44  }
0x250: {  	v4 =	vadd.bf16 v39, v4;
	v43 =	vunpack.i.u.bf16.f32 v5;
	v5 =	vunpack.i.l.bf16.f32 v5  }
0x251: {  	v9 =	vmul.bf16 v38, v18;
	v14 =	vadd.bf16 v50, v14;
	v7 =	vadd.bf16 v47, v7;
	[tilespmem:s11+$0xB780] =	vst v5  }
0x252: {  	v8 =	vmul.bf16 v41, v0;
	v46 =	vunpack.i.u.bf16.f32 v4;
	v4 =	vunpack.i.l.bf16.f32 v4;
	[tilespmem:s11+$0xBF80] =	vst v43  }
0x253: {  	v1 =	vmul.bf16 v3, v1;
	v9 =	vadd.bf16 v9, v51;
	v0 =	vmul.bf16 v2, v0;
	[tilespmem:s11+$0xC780] =	vst v4  }
0x254: {  	v53 =	vunpack.i.l.bf16.f32 v7;
	v54 =	vadd.bf16 v8, v12;
	[tilespmem:s11+$0xCF80] =	vst v46;
	v5 =	vadd.bf16 v14, v52  }
0x255: {  	v59 =	vadd.bf16 v6, v55;
	v56 =	vunpack.i.u.bf16.f32 v7;
	[tilespmem:s11+$0xD780] =	vst v53  }
0x256: {  	v0 =	vadd.bf16 v0, v1;
	[tilespmem:s11+$0xDF80] =	vst v56;
	v57 =	vadd.bf16 v54, v9;
	v58 =	vunpack.i.l.bf16.f32 v5  }
0x257: {  	p0 =	sne.s32 s9, $0x1F0;
	v60 =	vunpack.i.u.bf16.f32 v5;
	[tilespmem:s11+$0xE780] =	vst v58  }
.Ltmp7:
0x258: {  	v0 =	vadd.bf16 v0, v59;
	[tilespmem:s11+$0xEF80] =	vst v60;
	v61 =	vunpack.i.l.bf16.f32 v57;
	(pc) =	sbr.rel @p0 .LBB2_13-.Ltmp7, $4  }
0x259: {  	v62 =	vunpack.i.u.bf16.f32 v57;
	[tilespmem:s11+$0xF780] =	vst v61  }
0x25a: {  	v63 =	vunpack.i.l.bf16.f32 v0;
	[tilespmem:s11+$0xFF80] =	vst v62  }
0x25b: {  	v0 =	vunpack.i.u.bf16.f32 v0;
	[tilespmem:s11+$0x10780] =	vst v63  }
0x25c: {  	s7 =	sadd.s32 $0x40, s7;
	s9 =	sadd.s32 $0x10, s9;
	[tilespmem:s11+$0x10F80] =	vst v0  }
0x25d: {  	s5 =	sadd.s32 s8, s18;
	s7 =	simm.s32 $0xB600  }
0x25e: {  	[hbm4b:s5+s22] =	stream.strided.scatter [tilespmem:s7], [sflag:$0x2], $0x800, s29, s22, $0x38;
	[tilespmem:$0x11E00] =	vst v63  }
0x25f: {  	s11 =	simm.s32 $0xBE00;
	s9 =	sadd.s32 $0x8000, s5  }
0x260: {  	[hbm4b:s9+s22] =	stream.strided.scatter [tilespmem:s11], [sflag:$0x2], $0x800, s29, s22, $0x38;
	[tilespmem:$0x11E00] =	vst v63  }
0x261: {  	s14 =	simm.s32 $0xC600;
	s12 =	sadd.s32 $0x10000, s5  }
0x262: {  	[hbm4b:s12+s22] =	stream.strided.scatter [tilespmem:s14], [sflag:$0x2], $0x800, s29, s22, $0x38;
	[tilespmem:$0x11E00] =	vst v63  }
0x263: {  	s20 =	simm.s32 $0xCE00;
	s19 =	sadd.s32 $0x18000, s5  }
0x264: {  	[hbm4b:s19+s22] =	stream.strided.scatter [tilespmem:s20], [sflag:$0x2], $0x800, s29, s22, $0x38;
	[tilespmem:$0x11E00] =	vst v63  }
0x265: {  	s8 =	sadd.s32 $0x20000, s5  }
0x266: {  	[hbm4b:s8+s22] =	stream.strided.scatter [tilespmem:s4], [sflag:$0x2], $0x800, s29, s22, $0x38;
	[tilespmem:$0x11E00] =	vst v63  }
0x267: {  	s9 =	sadd.s32 $0x28000, s5  }
0x268: {  	[hbm4b:s9+s22] =	stream.strided.scatter [tilespmem:s23], [sflag:$0x2], $0x800, s29, s22, $0x38;
	[tilespmem:$0x11E00] =	vst v63  }
0x269: {  	s11 =	sadd.s32 $0x30000, s5  }
0x26a: {  	[hbm4b:s11+s22] =	stream.strided.scatter [tilespmem:s2], [sflag:$0x2], $0x800, s29, s22, $0x38;
	[tilespmem:$0x11E00] =	vst v63  }
0x26b: {  	s12 =	sadd.s32 $0x38000, s5  }
0x26c: {  	[hbm4b:s12+s22] =	stream.strided.scatter [tilespmem:s3], [sflag:$0x2], $0x800, s29, s22, $0x38;
	[tilespmem:$0x11E00] =	vst v63  }
0x26d: {  	s14 =	sadd.s32 $0x40000, s5  }
0x26e: {  	[hbm4b:s14+s22] =	stream.strided.scatter [tilespmem:s31], [sflag:$0x2], $0x800, s29, s22, $0x38;
	[tilespmem:$0x11E00] =	vst v63  }
0x26f: {  	s19 =	sadd.s32 $0x48000, s5  }
0x270: {  	[hbm4b:s19+s22] =	stream.strided.scatter [tilespmem:s21], [sflag:$0x2], $0x800, s29, s22, $0x38;
	[tilespmem:$0x11E00] =	vst v63  }
.Ltmp8:
0x271: {  	_ = 	snop;
	(pc) =	sbr.rel @p1 .LBB2_16-.Ltmp8, $4  }
0x272: {  	s20 =	sadd.s32 $0x50000, s5  }
0x273: {  	[hbm4b:s20+s22] =	stream.strided.scatter [tilespmem:s24], [sflag:$0x2], $0x800, s29, s22, $0x38;
	[tilespmem:$0x11E00] =	vst v63  }
0x274: {  	s5 =	sadd.s32 $0x58000, s5  }
0x275: {  	[hbm4b:s5+s22] =	stream.strided.scatter [tilespmem:s25], [sflag:$0x2], $0x800, s29, s22, $0x38;
	[tilespmem:$0x11E00] =	vst v63  }
.Ltmp9:
0x276: {  	(pc) =	sbr.rel .LBB2_2-.Ltmp9, $4  }
0x277: {  	s5 =	sadd.s32 s6, s17  }
0x278: {  	s20 =	simm.s32 $0x4E00;
	s30 =	sadd.s32 $0x1, s30;
	s5 =	sshrl.u32 s5, $0x3  }
0x279: {  	s28 =	sadd.s32 $0x78, s28;
	s26 =	sadd.s32 $0x78, s26;
	s5 =	sadd.s32 s5, s13  }
0x27a: {  	[tilespmem:s20], [sflag:$0x4] =	stream.strided.gather [hbm4b:s5+s22], $0x800, s29, s22, $0x38;
	[tilespmem:$0x11E00] =	vst v63  }
.LBB2_17:
0x27b: {  	_ =	sfence.sel $0x180000  }
0x27c: {  	[bflag:$0x0] =	sbarrier.arrive $0xFFFF  }
0x27d: {  	_ =	strace $0x90000047  }
0x27e: {  	s0 =	stileid.u32;
	[bflag:$0x2] =	sbarrier.arrive $0xFFFF  }
0x27f: {  	p0 =	sne.s32 s0, $0x0;
	s0 =	rddreg [dreg:$0x3]  }
0x280: {  	s0 =	sadd.s32 @!p0 $0x100000, s0  }
0x281: {  	[sflag:s0] =	ssyncadd.tile.s32 @!p0 $0x1;
	_ =	shalt  }
.Lfunc_end2:
_tile_overlayer_lowered:
.L_overlay_start_2:
0x282: {  	(tag) =	ssettag $0x2  }
0x283: {  	s0 =	rddreg [dreg:$0x0];
	s2 =	stileid.u32  }
0x284: {  	s1 =	rddreg [dreg:$0x1];
	p0 =	sne.s32 s2, $0x0  }
0x285: {  	s3 =	rddreg [dreg:$0x2];
	[bflag:$0x3] =	sbarrier.arrive $0xFFFF;
	s2 =	simm.s32 @!p0 $0x1C05  }
0x286: {  	[timem:s3], [sflag:s2] =	dma.local @!p0 [hbm:s0], s1  }
0x287: {  	s0 =	simm.s32 @!p0 $0x5  }
0x288: {  	_ =	swait.ge @!p0 [sflag:s0], s1  }
0x289: {  	s1 =	ssub.s32 @!p0 $0x0, s1;
	[sflag:s0] =	ssyncset.done @!p0 $0x0  }
0x28a: {  	[sflag:s0] =	ssyncadd.s32 @!p0 s1  }
0x28b: {  	[bflag:$0x3] =	sbarrier.arrive $0xFFFF  }
0x28c: {  	_ =	shalt  }

</sc_bundles>
